<compile_context>
chip_gen: v7x
topology: tpu7x:2x2x1
jax: 0.10.2.dev20260603
libtpu: 0.0.44.dev20260713+nightly
codegen_flags: <defaults>
</compile_context>

<pallas_src>
import functools

import jax
import jax.numpy as jnp
from jax import lax
from jax.experimental import pallas as pl
from jax.experimental.pallas import tpu as pltpu
from jax.experimental.pallas import tpu_sc as plsc



_NN = 2


def _argmax_body(x_ref, out_ref):
    blk = x_ref[...]
    v = blk.shape[1]
    m = jnp.max(blk, axis=1, keepdims=True)
    col = lax.broadcasted_iota(jnp.int32, blk.shape, 1).astype(jnp.float32)
    rev = jnp.float32(v - 1) - col
    cand = jnp.where(blk == m, rev, jnp.float32(-1))
    tok = (jnp.float32(v - 1) - jnp.max(cand, axis=1)).astype(jnp.int32)
    out_ref[...] = tok.reshape(tok.shape[0], 1, tok.shape[1])


def _tc_argmax(xt, interpret=False):
    n, v, b = xt.shape
    nb = n // _NN
    out3 = pl.pallas_call(
        _argmax_body,
        grid=(nb,),
        in_specs=[pl.BlockSpec((_NN, v, b), lambda i: (i, 0, 0))],
        out_specs=pl.BlockSpec((_NN, 1, b), lambda i: (i, 0, 0)),
        out_shape=jax.ShapeDtypeStruct((n, 1, b), jnp.int32),
        compiler_params=pltpu.CompilerParams(
            dimension_semantics=("arbitrary",),
            vmem_limit_bytes=56 * 1024 * 1024,
        ),
        interpret=interpret,
    )(xt)
    return out3.reshape(n, b)




def _sc_gather_t(tokens_t, table):
    info = plsc.get_sparse_core_info()
    nc, ns = info.num_cores, info.num_subcores
    nw = nc * ns
    n, b = tokens_t.shape
    d = table.shape[1]
    bpt = b // nw

    mesh = plsc.VectorSubcoreMesh(core_axis_name="c", subcore_axis_name="s")

    @functools.partial(
        pl.kernel,
        mesh=mesh,
        out_type=jax.ShapeDtypeStruct((n, b, d), jnp.float32),
        scratch_types=[
            pltpu.VMEM((n, 128), jnp.int32),
            pltpu.VMEM((bpt, d), jnp.float32),
            pltpu.VMEM((bpt, d), jnp.float32),
            pltpu.SemaphoreType.DMA,
            pltpu.SemaphoreType.DMA,
        ],
        compiler_params=pltpu.CompilerParams(use_tc_tiling_on_sc=True),
    )
    def gather_kernel(tok_hbm, tab_hbm, out_hbm, idx_v, rows0, rows1, s0, s1):
        wid = lax.axis_index("s") * nc + lax.axis_index("c")
        b0 = wid * bpt
        g0 = (b0 // 128) * 128
        off = b0 - g0
        pltpu.sync_copy(tok_hbm.at[:, pl.ds(g0, 128)], idx_v)
        bufs = (rows0, rows1)
        sems = (s0, s1)
        pending = pltpu.async_copy(
            tab_hbm.at[idx_v.at[0, pl.ds(off, bpt)]], bufs[0], sems[0]
        )
        for j in range(n):
            cur = bufs[j % 2]
            pending.wait()
            if j + 1 < n:
                pending = pltpu.async_copy(
                    tab_hbm.at[idx_v.at[j + 1, pl.ds(off, bpt)]],
                    bufs[(j + 1) % 2],
                    sems[(j + 1) % 2],
                )
            pltpu.sync_copy(cur, out_hbm.at[j, pl.ds(b0, bpt)])

    return gather_kernel(tokens_t, table)


def kernel(x, dictionary):
    xt = jnp.transpose(x, (1, 2, 0))
    tokens_t = _tc_argmax(xt)
    out_t = _sc_gather_t(tokens_t, dictionary)
    return jnp.transpose(out_t, (1, 0, 2))

# --- scband reference (transcript-rebuilt; emitter-appended) ---
"""Pipeline reference for scband-one-hot-dictionary-11003706212457 (READ-ONLY COPY).

The authoritative reference and input builder live on the scoring server;
editing this copy changes nothing except your own understanding.
"""

import jax, jax.numpy as jnp
import numpy as np

VOCAB = 1000
EMB = 128
B = 1024
N = 50

def setup_inputs(seed: int = 0) -> dict:
    key = jax.random.key(seed)
    k1, k2 = jax.random.split(key)
    x = jax.random.normal(k1, (B, N, VOCAB), dtype=jnp.float32)
    dictionary = jax.random.normal(k2, (VOCAB, EMB), dtype=jnp.float32) * 0.02
    return {"x": x, "dictionary": dictionary}

def reference(x, dictionary):
    # tokens = argmax over vocab dim
    tokens = jnp.argmax(x, axis=-1)  # [B, N] int
    # embedding lookup: gather rows of dictionary
    token_embs = jnp.take(dictionary, tokens, axis=0)  # [B, N, EMB]
    return token_embs

if __name__ == "__main__":
    import jax
    _d = setup_inputs()
    print(jax.jit(kernel)(*tuple(_d.values())))

</pallas_src>

<mosaic_0001>
#map = affine_map<(d0, d1) -> (0, 0)>
#map1 = affine_map<(d0, d1) -> (0, 0, 0)>
module attributes {stable_mosaic.version = 14 : i64} {
  func.func @gather_kernel(%arg0: i32, %arg1: i32, %arg2: memref<50x1024xi32, #tpu.memory_space<hbm>>, %arg3: memref<1000x128xf32, #tpu.memory_space<hbm>>, %arg4: memref<50x1024x128xf32, #tpu.memory_space<hbm>>, %arg5: memref<50x128xi32, #tpu.memory_space<vmem>>, %arg6: memref<32x128xf32, #tpu.memory_space<vmem>>, %arg7: memref<32x128xf32, #tpu.memory_space<vmem>>, %arg8: memref<!tpu.dma_semaphore, #tpu.memory_space<semaphore_mem>>, %arg9: memref<!tpu.dma_semaphore, #tpu.memory_space<semaphore_mem>>) attributes {dimension_semantics = [#tpu.dimension_semantics<core_parallel>, #tpu.dimension_semantics<subcore_parallel>], iteration_bounds = array<i64: 2, 16>, scalar_prefetch = 0 : i64, scratch_operands = 5 : i64, tpu.core_type = #tpu.core_type<sc_vector_subcore>, window_params = [{transform_indices = #map}, {transform_indices = #map}, {transform_indices = #map1}]} {
    %mul3A = arith.constant 2 : i32
    %mul3A_0 = arith.muli %arg1, %mul3A : i32
    %add3A = arith.addi %mul3A_0, %arg0 : i32
    %mul3A_1 = arith.constant 32 : i32
    %mul3A_2 = arith.muli %add3A, %mul3A_1 : i32
    %jit3A = arith.constant 128 : i32
    %div3A = arith.divsi %mul3A_2, %jit3A : i32
    %sign3A = arith.constant 0 : i32
    %sign3A_3 = arith.cmpi sgt, %mul3A_2, %sign3A : i32
    %sign3A_4 = arith.extui %sign3A_3 : i1 to i32
    %sign3A_5 = arith.constant 0 : i32
    %sign3A_6 = arith.cmpi slt, %mul3A_2, %sign3A_5 : i32
    %sign3A_7 = arith.extui %sign3A_6 : i1 to i32
    %sign3A_8 = arith.subi %sign3A_4, %sign3A_7 : i32
    %sign3A_9 = arith.constant 0 : i32
    %sign3A_10 = arith.cmpi sgt, %jit3A, %sign3A_9 : i32
    %sign3A_11 = arith.extui %sign3A_10 : i1 to i32
    %sign3A_12 = arith.constant 0 : i32
    %sign3A_13 = arith.cmpi slt, %jit3A, %sign3A_12 : i32
    %sign3A_14 = arith.extui %sign3A_13 : i1 to i32
    %sign3A_15 = arith.subi %sign3A_11, %sign3A_14 : i32
    %ne3A = arith.cmpi ne, %sign3A_8, %sign3A_15 : i32
    %rem3A = arith.remsi %mul3A_2, %jit3A : i32
    %ne3A_16 = arith.constant 0 : i32
    %ne3A_17 = arith.cmpi ne, %rem3A, %ne3A_16 : i32
    %and3A = arith.andi %ne3A, %ne3A_17 : i1
    %sub3A = arith.constant 1 : i32
    %sub3A_18 = arith.subi %div3A, %sub3A : i32
    %select_n3A = arith.select %and3A, %sub3A_18, %div3A : i32
    %mul3A_19 = arith.constant 128 : i32
    %mul3A_20 = arith.muli %select_n3A, %mul3A_19 : i32
    %sub3A_21 = arith.subi %mul3A_2, %mul3A_20 : i32
    "tpu.region"() ({
      %run_scoped3A_669 = tpu.sem_alloc : memref<!tpu.dma_semaphore, #tpu.memory_space<semaphore_mem>>
      %dma_start3A_670 = arith.constant 0 : i32
      %dma_start3A_671 = tpu.memref_slice %arg2[%dma_start3A_670, %mul3A_20] : memref<50x1024xi32, #tpu.memory_space<hbm>> -> memref<50x128xi32, #tpu.memory_space<hbm>>
      %dma_start3A_672 = arith.constant 0 : i32
      %dma_start3A_673 = tpu.memref_slice %arg2[%dma_start3A_672, %mul3A_20] : memref<50x1024xi32, #tpu.memory_space<hbm>> -> memref<50x128xi32, #tpu.memory_space<hbm>>
      tpu.enqueue_dma source(%dma_start3A_673 : memref<50x128xi32, #tpu.memory_space<hbm>>) target(%arg5 : memref<50x128xi32, #tpu.memory_space<vmem>>) target_semaphore(%run_scoped3A_669 : memref<!tpu.dma_semaphore, #tpu.memory_space<semaphore_mem>>)
      %dma_wait3A_674 = arith.constant 0 : i32
      %dma_wait3A_675 = tpu.memref_slice %arg2[%dma_wait3A_674, %mul3A_20] : memref<50x1024xi32, #tpu.memory_space<hbm>> -> memref<50x128xi32, #tpu.memory_space<hbm>>
      %dma_wait3A_676 = arith.constant 0 : i32
      %dma_wait3A_677 = tpu.memref_slice %arg2[%dma_wait3A_676, %mul3A_20] : memref<50x1024xi32, #tpu.memory_space<hbm>> -> memref<50x128xi32, #tpu.memory_space<hbm>>
      tpu.wait_dma2 semaphore(%run_scoped3A_669 : memref<!tpu.dma_semaphore, #tpu.memory_space<semaphore_mem>>) src(%dma_wait3A_677 : memref<50x128xi32, #tpu.memory_space<hbm>>) dst(%arg5 : memref<50x128xi32, #tpu.memory_space<vmem>>)
      tpu.yield
    }) : () -> ()
    %dma_start3A = arith.constant 0 : i32
    %dma_start3A_22 = tpu.memref_slice %arg5[%dma_start3A, %sub3A_21] : memref<50x128xi32, #tpu.memory_space<vmem>> -> memref<1x32xi32, #tpu.memory_space<vmem>>
    %dma_start3A_23 = tpu.memref_squeeze %dma_start3A_22 : memref<1x32xi32, #tpu.memory_space<vmem>> -> memref<32xi32, #tpu.memory_space<vmem>>
    %dma_start3A_24 = arith.constant 0 : i32
    %dma_start3A_25 = arith.constant 0 : i32
    %dma_start3A_26 = tpu.memref_slice %arg3[%dma_start3A_24, %dma_start3A_25] : memref<1000x128xf32, #tpu.memory_space<hbm>> -> memref<1000x128xf32, #tpu.memory_space<hbm>>
    tpu.enqueue_indirect_dma source(%dma_start3A_26 : memref<1000x128xf32, #tpu.memory_space<hbm>>) target(%arg6 : memref<32x128xf32, #tpu.memory_space<vmem>>) offsets(%dma_start3A_23 : memref<32xi32, #tpu.memory_space<vmem>>) semaphore(%arg8 : memref<!tpu.dma_semaphore, #tpu.memory_space<semaphore_mem>>)
    %dma_wait3A = arith.constant 0 : i32
    %dma_wait3A_27 = tpu.memref_slice %arg5[%dma_wait3A, %sub3A_21] : memref<50x128xi32, #tpu.memory_space<vmem>> -> memref<1x32xi32, #tpu.memory_space<vmem>>
    %dma_wait3A_28 = tpu.memref_squeeze %dma_wait3A_27 : memref<1x32xi32, #tpu.memory_space<vmem>> -> memref<32xi32, #tpu.memory_space<vmem>>
    %dma_wait3A_29 = arith.constant 0 : i32
    %dma_wait3A_30 = arith.constant 0 : i32
    %dma_wait3A_31 = tpu.memref_slice %arg3[%dma_wait3A_29, %dma_wait3A_30] : memref<1000x128xf32, #tpu.memory_space<hbm>> -> memref<1000x128xf32, #tpu.memory_space<hbm>>
    tpu.wait_indirect_dma semaphore(%arg8 : memref<!tpu.dma_semaphore, #tpu.memory_space<semaphore_mem>>) src(%dma_wait3A_31 : memref<1000x128xf32, #tpu.memory_space<hbm>>) dst(%arg6 : memref<32x128xf32, #tpu.memory_space<vmem>>)
    %dma_start3A_32 = arith.constant 1 : i32
    %dma_start3A_33 = tpu.memref_slice %arg5[%dma_start3A_32, %sub3A_21] : memref<50x128xi32, #tpu.memory_space<vmem>> -> memref<1x32xi32, #tpu.memory_space<vmem>>
    %dma_start3A_34 = tpu.memref_squeeze %dma_start3A_33 : memref<1x32xi32, #tpu.memory_space<vmem>> -> memref<32xi32, #tpu.memory_space<vmem>>
    %dma_start3A_35 = arith.constant 0 : i32
    %dma_start3A_36 = arith.constant 0 : i32
    %dma_start3A_37 = tpu.memref_slice %arg3[%dma_start3A_35, %dma_start3A_36] : memref<1000x128xf32, #tpu.memory_space<hbm>> -> memref<1000x128xf32, #tpu.memory_space<hbm>>
    tpu.enqueue_indirect_dma source(%dma_start3A_37 : memref<1000x128xf32, #tpu.memory_space<hbm>>) target(%arg7 : memref<32x128xf32, #tpu.memory_space<vmem>>) offsets(%dma_start3A_34 : memref<32xi32, #tpu.memory_space<vmem>>) semaphore(%arg9 : memref<!tpu.dma_semaphore, #tpu.memory_space<semaphore_mem>>)
    %run_scoped3A = arith.constant 0 : i32
    "tpu.region"() ({
      %run_scoped3A_669 = tpu.sem_alloc : memref<!tpu.dma_semaphore, #tpu.memory_space<semaphore_mem>>
      %dma_start3A_670 = arith.constant 0 : i32
      %dma_start3A_671 = tpu.memref_slice %arg4[%run_scoped3A, %mul3A_2, %dma_start3A_670] : memref<50x1024x128xf32, #tpu.memory_space<hbm>> -> memref<1x32x128xf32, #tpu.memory_space<hbm>>
      %dma_start3A_672 = tpu.memref_squeeze %dma_start3A_671 : memref<1x32x128xf32, #tpu.memory_space<hbm>> -> memref<32x128xf32, #tpu.memory_space<hbm>>
      %dma_start3A_673 = arith.constant 0 : i32
      %dma_start3A_674 = tpu.memref_slice %arg4[%run_scoped3A, %mul3A_2, %dma_start3A_673] : memref<50x1024x128xf32, #tpu.memory_space<hbm>> -> memref<1x32x128xf32, #tpu.memory_space<hbm>>
      %dma_start3A_675 = tpu.memref_squeeze %dma_start3A_674 : memref<1x32x128xf32, #tpu.memory_space<hbm>> -> memref<32x128xf32, #tpu.memory_space<hbm>>
      tpu.enqueue_dma source(%arg6 : memref<32x128xf32, #tpu.memory_space<vmem>>) target(%dma_start3A_675 : memref<32x128xf32, #tpu.memory_space<hbm>>) target_semaphore(%run_scoped3A_669 : memref<!tpu.dma_semaphore, #tpu.memory_space<semaphore_mem>>)
      %dma_wait3A_676 = arith.constant 0 : i32
      %dma_wait3A_677 = tpu.memref_slice %arg4[%run_scoped3A, %mul3A_2, %dma_wait3A_676] : memref<50x1024x128xf32, #tpu.memory_space<hbm>> -> memref<1x32x128xf32, #tpu.memory_space<hbm>>
      %dma_wait3A_678 = tpu.memref_squeeze %dma_wait3A_677 : memref<1x32x128xf32, #tpu.memory_space<hbm>> -> memref<32x128xf32, #tpu.memory_space<hbm>>
      %dma_wait3A_679 = arith.constant 0 : i32
      %dma_wait3A_680 = tpu.memref_slice %arg4[%run_scoped3A, %mul3A_2, %dma_wait3A_679] : memref<50x1024x128xf32, #tpu.memory_space<hbm>> -> memref<1x32x128xf32, #tpu.memory_space<hbm>>
      %dma_wait3A_681 = tpu.memref_squeeze %dma_wait3A_680 : memref<1x32x128xf32, #tpu.memory_space<hbm>> -> memref<32x128xf32, #tpu.memory_space<hbm>>
      tpu.wait_dma2 semaphore(%run_scoped3A_669 : memref<!tpu.dma_semaphore, #tpu.memory_space<semaphore_mem>>) src(%arg6 : memref<32x128xf32, #tpu.memory_space<vmem>>) dst(%dma_wait3A_681 : memref<32x128xf32, #tpu.memory_space<hbm>>)
      tpu.yield
    }) : () -> ()
    %dma_wait3A_38 = arith.constant 1 : i32
    %dma_wait3A_39 = tpu.memref_slice %arg5[%dma_wait3A_38, %sub3A_21] : memref<50x128xi32, #tpu.memory_space<vmem>> -> memref<1x32xi32, #tpu.memory_space<vmem>>
    %dma_wait3A_40 = tpu.memref_squeeze %dma_wait3A_39 : memref<1x32xi32, #tpu.memory_space<vmem>> -> memref<32xi32, #tpu.memory_space<vmem>>
    %dma_wait3A_41 = arith.constant 0 : i32
    %dma_wait3A_42 = arith.constant 0 : i32
    %dma_wait3A_43 = tpu.memref_slice %arg3[%dma_wait3A_41, %dma_wait3A_42] : memref<1000x128xf32, #tpu.memory_space<hbm>> -> memref<1000x128xf32, #tpu.memory_space<hbm>>
    tpu.wait_indirect_dma semaphore(%arg9 : memref<!tpu.dma_semaphore, #tpu.memory_space<semaphore_mem>>) src(%dma_wait3A_43 : memref<1000x128xf32, #tpu.memory_space<hbm>>) dst(%arg7 : memref<32x128xf32, #tpu.memory_space<vmem>>)
    %dma_start3A_44 = arith.constant 2 : i32
    %dma_start3A_45 = tpu.memref_slice %arg5[%dma_start3A_44, %sub3A_21] : memref<50x128xi32, #tpu.memory_space<vmem>> -> memref<1x32xi32, #tpu.memory_space<vmem>>
    %dma_start3A_46 = tpu.memref_squeeze %dma_start3A_45 : memref<1x32xi32, #tpu.memory_space<vmem>> -> memref<32xi32, #tpu.memory_space<vmem>>
    %dma_start3A_47 = arith.constant 0 : i32
    %dma_start3A_48 = arith.constant 0 : i32
    %dma_start3A_49 = tpu.memref_slice %arg3[%dma_start3A_47, %dma_start3A_48] : memref<1000x128xf32, #tpu.memory_space<hbm>> -> memref<1000x128xf32, #tpu.memory_space<hbm>>
    tpu.enqueue_indirect_dma source(%dma_start3A_49 : memref<1000x128xf32, #tpu.memory_space<hbm>>) target(%arg6 : memref<32x128xf32, #tpu.memory_space<vmem>>) offsets(%dma_start3A_46 : memref<32xi32, #tpu.memory_space<vmem>>) semaphore(%arg8 : memref<!tpu.dma_semaphore, #tpu.memory_space<semaphore_mem>>)
    %run_scoped3A_50 = arith.constant 1 : i32
    "tpu.region"() ({
      %run_scoped3A_669 = tpu.sem_alloc : memref<!tpu.dma_semaphore, #tpu.memory_space<semaphore_mem>>
      %dma_start3A_670 = arith.constant 0 : i32
      %dma_start3A_671 = tpu.memref_slice %arg4[%run_scoped3A_50, %mul3A_2, %dma_start3A_670] : memref<50x1024x128xf32, #tpu.memory_space<hbm>> -> memref<1x32x128xf32, #tpu.memory_space<hbm>>
      %dma_start3A_672 = tpu.memref_squeeze %dma_start3A_671 : memref<1x32x128xf32, #tpu.memory_space<hbm>> -> memref<32x128xf32, #tpu.memory_space<hbm>>
      %dma_start3A_673 = arith.constant 0 : i32
      %dma_start3A_674 = tpu.memref_slice %arg4[%run_scoped3A_50, %mul3A_2, %dma_start3A_673] : memref<50x1024x128xf32, #tpu.memory_space<hbm>> -> memref<1x32x128xf32, #tpu.memory_space<hbm>>
      %dma_start3A_675 = tpu.memref_squeeze %dma_start3A_674 : memref<1x32x128xf32, #tpu.memory_space<hbm>> -> memref<32x128xf32, #tpu.memory_space<hbm>>
      tpu.enqueue_dma source(%arg7 : memref<32x128xf32, #tpu.memory_space<vmem>>) target(%dma_start3A_675 : memref<32x128xf32, #tpu.memory_space<hbm>>) target_semaphore(%run_scoped3A_669 : memref<!tpu.dma_semaphore, #tpu.memory_space<semaphore_mem>>)
      %dma_wait3A_676 = arith.constant 0 : i32
      %dma_wait3A_677 = tpu.memref_slice %arg4[%run_scoped3A_50, %mul3A_2, %dma_wait3A_676] : memref<50x1024x128xf32, #tpu.memory_space<hbm>> -> memref<1x32x128xf32, #tpu.memory_space<hbm>>
      %dma_wait3A_678 = tpu.memref_squeeze %dma_wait3A_677 : memref<1x32x128xf32, #tpu.memory_space<hbm>> -> memref<32x128xf32, #tpu.memory_space<hbm>>
      %dma_wait3A_679 = arith.constant 0 : i32
      %dma_wait3A_680 = tpu.memref_slice %arg4[%run_scoped3A_50, %mul3A_2, %dma_wait3A_679] : memref<50x1024x128xf32, #tpu.memory_space<hbm>> -> memref<1x32x128xf32, #tpu.memory_space<hbm>>
      %dma_wait3A_681 = tpu.memref_squeeze %dma_wait3A_680 : memref<1x32x128xf32, #tpu.memory_space<hbm>> -> memref<32x128xf32, #tpu.memory_space<hbm>>
      tpu.wait_dma2 semaphore(%run_scoped3A_669 : memref<!tpu.dma_semaphore, #tpu.memory_space<semaphore_mem>>) src(%arg7 : memref<32x128xf32, #tpu.memory_space<vmem>>) dst(%dma_wait3A_681 : memref<32x128xf32, #tpu.memory_space<hbm>>)
      tpu.yield
    }) : () -> ()
    %dma_wait3A_51 = arith.constant 2 : i32
    %dma_wait3A_52 = tpu.memref_slice %arg5[%dma_wait3A_51, %sub3A_21] : memref<50x128xi32, #tpu.memory_space<vmem>> -> memref<1x32xi32, #tpu.memory_space<vmem>>
    %dma_wait3A_53 = tpu.memref_squeeze %dma_wait3A_52 : memref<1x32xi32, #tpu.memory_space<vmem>> -> memref<32xi32, #tpu.memory_space<vmem>>
    %dma_wait3A_54 = arith.constant 0 : i32
    %dma_wait3A_55 = arith.constant 0 : i32
    %dma_wait3A_56 = tpu.memref_slice %arg3[%dma_wait3A_54, %dma_wait3A_55] : memref<1000x128xf32, #tpu.memory_space<hbm>> -> memref<1000x128xf32, #tpu.memory_space<hbm>>
    tpu.wait_indirect_dma semaphore(%arg8 : memref<!tpu.dma_semaphore, #tpu.memory_space<semaphore_mem>>) src(%dma_wait3A_56 : memref<1000x128xf32, #tpu.memory_space<hbm>>) dst(%arg6 : memref<32x128xf32, #tpu.memory_space<vmem>>)
    %dma_start3A_57 = arith.constant 3 : i32
    %dma_start3A_58 = tpu.memref_slice %arg5[%dma_start3A_57, %sub3A_21] : memref<50x128xi32, #tpu.memory_space<vmem>> -> memref<1x32xi32, #tpu.memory_space<vmem>>
    %dma_start3A_59 = tpu.memref_squeeze %dma_start3A_58 : memref<1x32xi32, #tpu.memory_space<vmem>> -> memref<32xi32, #tpu.memory_space<vmem>>
    %dma_start3A_60 = arith.constant 0 : i32
    %dma_start3A_61 = arith.constant 0 : i32
    %dma_start3A_62 = tpu.memref_slice %arg3[%dma_start3A_60, %dma_start3A_61] : memref<1000x128xf32, #tpu.memory_space<hbm>> -> memref<1000x128xf32, #tpu.memory_space<hbm>>
    tpu.enqueue_indirect_dma source(%dma_start3A_62 : memref<1000x128xf32, #tpu.memory_space<hbm>>) target(%arg7 : memref<32x128xf32, #tpu.memory_space<vmem>>) offsets(%dma_start3A_59 : memref<32xi32, #tpu.memory_space<vmem>>) semaphore(%arg9 : memref<!tpu.dma_semaphore, #tpu.memory_space<semaphore_mem>>)
    %run_scoped3A_63 = arith.constant 2 : i32
    "tpu.region"() ({
      %run_scoped3A_669 = tpu.sem_alloc : memref<!tpu.dma_semaphore, #tpu.memory_space<semaphore_mem>>
      %dma_start3A_670 = arith.constant 0 : i32
      %dma_start3A_671 = tpu.memref_slice %arg4[%run_scoped3A_63, %mul3A_2, %dma_start3A_670] : memref<50x1024x128xf32, #tpu.memory_space<hbm>> -> memref<1x32x128xf32, #tpu.memory_space<hbm>>
      %dma_start3A_672 = tpu.memref_squeeze %dma_start3A_671 : memref<1x32x128xf32, #tpu.memory_space<hbm>> -> memref<32x128xf32, #tpu.memory_space<hbm>>
      %dma_start3A_673 = arith.constant 0 : i32
      %dma_start3A_674 = tpu.memref_slice %arg4[%run_scoped3A_63, %mul3A_2, %dma_start3A_673] : memref<50x1024x128xf32, #tpu.memory_space<hbm>> -> memref<1x32x128xf32, #tpu.memory_space<hbm>>
      %dma_start3A_675 = tpu.memref_squeeze %dma_start3A_674 : memref<1x32x128xf32, #tpu.memory_space<hbm>> -> memref<32x128xf32, #tpu.memory_space<hbm>>
      tpu.enqueue_dma source(%arg6 : memref<32x128xf32, #tpu.memory_space<vmem>>) target(%dma_start3A_675 : memref<32x128xf32, #tpu.memory_space<hbm>>) target_semaphore(%run_scoped3A_669 : memref<!tpu.dma_semaphore, #tpu.memory_space<semaphore_mem>>)
      %dma_wait3A_676 = arith.constant 0 : i32
      %dma_wait3A_677 = tpu.memref_slice %arg4[%run_scoped3A_63, %mul3A_2, %dma_wait3A_676] : memref<50x1024x128xf32, #tpu.memory_space<hbm>> -> memref<1x32x128xf32, #tpu.memory_space<hbm>>
      %dma_wait3A_678 = tpu.memref_squeeze %dma_wait3A_677 : memref<1x32x128xf32, #tpu.memory_space<hbm>> -> memref<32x128xf32, #tpu.memory_space<hbm>>
      %dma_wait3A_679 = arith.constant 0 : i32
      %dma_wait3A_680 = tpu.memref_slice %arg4[%run_scoped3A_63, %mul3A_2, %dma_wait3A_679] : memref<50x1024x128xf32, #tpu.memory_space<hbm>> -> memref<1x32x128xf32, #tpu.memory_space<hbm>>
      %dma_wait3A_681 = tpu.memref_squeeze %dma_wait3A_680 : memref<1x32x128xf32, #tpu.memory_space<hbm>> -> memref<32x128xf32, #tpu.memory_space<hbm>>
      tpu.wait_dma2 semaphore(%run_scoped3A_669 : memref<!tpu.dma_semaphore, #tpu.memory_space<semaphore_mem>>) src(%arg6 : memref<32x128xf32, #tpu.memory_space<vmem>>) dst(%dma_wait3A_681 : memref<32x128xf32, #tpu.memory_space<hbm>>)
      tpu.yield
    }) : () -> ()
    %dma_wait3A_64 = arith.constant 3 : i32
    %dma_wait3A_65 = tpu.memref_slice %arg5[%dma_wait3A_64, %sub3A_21] : memref<50x128xi32, #tpu.memory_space<vmem>> -> memref<1x32xi32, #tpu.memory_space<vmem>>
    %dma_wait3A_66 = tpu.memref_squeeze %dma_wait3A_65 : memref<1x32xi32, #tpu.memory_space<vmem>> -> memref<32xi32, #tpu.memory_space<vmem>>
    %dma_wait3A_67 = arith.constant 0 : i32
    %dma_wait3A_68 = arith.constant 0 : i32
    %dma_wait3A_69 = tpu.memref_slice %arg3[%dma_wait3A_67, %dma_wait3A_68] : memref<1000x128xf32, #tpu.memory_space<hbm>> -> memref<1000x128xf32, #tpu.memory_space<hbm>>
    tpu.wait_indirect_dma semaphore(%arg9 : memref<!tpu.dma_semaphore, #tpu.memory_space<semaphore_mem>>) src(%dma_wait3A_69 : memref<1000x128xf32, #tpu.memory_space<hbm>>) dst(%arg7 : memref<32x128xf32, #tpu.memory_space<vmem>>)
    %dma_start3A_70 = arith.constant 4 : i32
    %dma_start3A_71 = tpu.memref_slice %arg5[%dma_start3A_70, %sub3A_21] : memref<50x128xi32, #tpu.memory_space<vmem>> -> memref<1x32xi32, #tpu.memory_space<vmem>>
    %dma_start3A_72 = tpu.memref_squeeze %dma_start3A_71 : memref<1x32xi32, #tpu.memory_space<vmem>> -> memref<32xi32, #tpu.memory_space<vmem>>
    %dma_start3A_73 = arith.constant 0 : i32
    %dma_start3A_74 = arith.constant 0 : i32
    %dma_start3A_75 = tpu.memref_slice %arg3[%dma_start3A_73, %dma_start3A_74] : memref<1000x128xf32, #tpu.memory_space<hbm>> -> memref<1000x128xf32, #tpu.memory_space<hbm>>
    tpu.enqueue_indirect_dma source(%dma_start3A_75 : memref<1000x128xf32, #tpu.memory_space<hbm>>) target(%arg6 : memref<32x128xf32, #tpu.memory_space<vmem>>) offsets(%dma_start3A_72 : memref<32xi32, #tpu.memory_space<vmem>>) semaphore(%arg8 : memref<!tpu.dma_semaphore, #tpu.memory_space<semaphore_mem>>)
    %run_scoped3A_76 = arith.constant 3 : i32
    "tpu.region"() ({
      %run_scoped3A_669 = tpu.sem_alloc : memref<!tpu.dma_semaphore, #tpu.memory_space<semaphore_mem>>
      %dma_start3A_670 = arith.constant 0 : i32
      %dma_start3A_671 = tpu.memref_slice %arg4[%run_scoped3A_76, %mul3A_2, %dma_start3A_670] : memref<50x1024x128xf32, #tpu.memory_space<hbm>> -> memref<1x32x128xf32, #tpu.memory_space<hbm>>
      %dma_start3A_672 = tpu.memref_squeeze %dma_start3A_671 : memref<1x32x128xf32, #tpu.memory_space<hbm>> -> memref<32x128xf32, #tpu.memory_space<hbm>>
      %dma_start3A_673 = arith.constant 0 : i32
      %dma_start3A_674 = tpu.memref_slice %arg4[%run_scoped3A_76, %mul3A_2, %dma_start3A_673] : memref<50x1024x128xf32, #tpu.memory_space<hbm>> -> memref<1x32x128xf32, #tpu.memory_space<hbm>>
      %dma_start3A_675 = tpu.memref_squeeze %dma_start3A_674 : memref<1x32x128xf32, #tpu.memory_space<hbm>> -> memref<32x128xf32, #tpu.memory_space<hbm>>
      tpu.enqueue_dma source(%arg7 : memref<32x128xf32, #tpu.memory_space<vmem>>) target(%dma_start3A_675 : memref<32x128xf32, #tpu.memory_space<hbm>>) target_semaphore(%run_scoped3A_669 : memref<!tpu.dma_semaphore, #tpu.memory_space<semaphore_mem>>)
      %dma_wait3A_676 = arith.constant 0 : i32
      %dma_wait3A_677 = tpu.memref_slice %arg4[%run_scoped3A_76, %mul3A_2, %dma_wait3A_676] : memref<50x1024x128xf32, #tpu.memory_space<hbm>> -> memref<1x32x128xf32, #tpu.memory_space<hbm>>
      %dma_wait3A_678 = tpu.memref_squeeze %dma_wait3A_677 : memref<1x32x128xf32, #tpu.memory_space<hbm>> -> memref<32x128xf32, #tpu.memory_space<hbm>>
      %dma_wait3A_679 = arith.constant 0 : i32
      %dma_wait3A_680 = tpu.memref_slice %arg4[%run_scoped3A_76, %mul3A_2, %dma_wait3A_679] : memref<50x1024x128xf32, #tpu.memory_space<hbm>> -> memref<1x32x128xf32, #tpu.memory_space<hbm>>
      %dma_wait3A_681 = tpu.memref_squeeze %dma_wait3A_680 : memref<1x32x128xf32, #tpu.memory_space<hbm>> -> memref<32x128xf32, #tpu.memory_space<hbm>>
      tpu.wait_dma2 semaphore(%run_scoped3A_669 : memref<!tpu.dma_semaphore, #tpu.memory_space<semaphore_mem>>) src(%arg7 : memref<32x128xf32, #tpu.memory_space<vmem>>) dst(%dma_wait3A_681 : memref<32x128xf32, #tpu.memory_space<hbm>>)
      tpu.yield
    }) : () -> ()
    %dma_wait3A_77 = arith.constant 4 : i32
    %dma_wait3A_78 = tpu.memref_slice %arg5[%dma_wait3A_77, %sub3A_21] : memref<50x128xi32, #tpu.memory_space<vmem>> -> memref<1x32xi32, #tpu.memory_space<vmem>>
    %dma_wait3A_79 = tpu.memref_squeeze %dma_wait3A_78 : memref<1x32xi32, #tpu.memory_space<vmem>> -> memref<32xi32, #tpu.memory_space<vmem>>
    %dma_wait3A_80 = arith.constant 0 : i32
    %dma_wait3A_81 = arith.constant 0 : i32
    %dma_wait3A_82 = tpu.memref_slice %arg3[%dma_wait3A_80, %dma_wait3A_81] : memref<1000x128xf32, #tpu.memory_space<hbm>> -> memref<1000x128xf32, #tpu.memory_space<hbm>>
    tpu.wait_indirect_dma semaphore(%arg8 : memref<!tpu.dma_semaphore, #tpu.memory_space<semaphore_mem>>) src(%dma_wait3A_82 : memref<1000x128xf32, #tpu.memory_space<hbm>>) dst(%arg6 : memref<32x128xf32, #tpu.memory_space<vmem>>)
    %dma_start3A_83 = arith.constant 5 : i32
    %dma_start3A_84 = tpu.memref_slice %arg5[%dma_start3A_83, %sub3A_21] : memref<50x128xi32, #tpu.memory_space<vmem>> -> memref<1x32xi32, #tpu.memory_space<vmem>>
    %dma_start3A_85 = tpu.memref_squeeze %dma_start3A_84 : memref<1x32xi32, #tpu.memory_space<vmem>> -> memref<32xi32, #tpu.memory_space<vmem>>
    %dma_start3A_86 = arith.constant 0 : i32
    %dma_start3A_87 = arith.constant 0 : i32
    %dma_start3A_88 = tpu.memref_slice %arg3[%dma_start3A_86, %dma_start3A_87] : memref<1000x128xf32, #tpu.memory_space<hbm>> -> memref<1000x128xf32, #tpu.memory_space<hbm>>
    tpu.enqueue_indirect_dma source(%dma_start3A_88 : memref<1000x128xf32, #tpu.memory_space<hbm>>) target(%arg7 : memref<32x128xf32, #tpu.memory_space<vmem>>) offsets(%dma_start3A_85 : memref<32xi32, #tpu.memory_space<vmem>>) semaphore(%arg9 : memref<!tpu.dma_semaphore, #tpu.memory_space<semaphore_mem>>)
    %run_scoped3A_89 = arith.constant 4 : i32
    "tpu.region"() ({
      %run_scoped3A_669 = tpu.sem_alloc : memref<!tpu.dma_semaphore, #tpu.memory_space<semaphore_mem>>
      %dma_start3A_670 = arith.constant 0 : i32
      %dma_start3A_671 = tpu.memref_slice %arg4[%run_scoped3A_89, %mul3A_2, %dma_start3A_670] : memref<50x1024x128xf32, #tpu.memory_space<hbm>> -> memref<1x32x128xf32, #tpu.memory_space<hbm>>
      %dma_start3A_672 = tpu.memref_squeeze %dma_start3A_671 : memref<1x32x128xf32, #tpu.memory_space<hbm>> -> memref<32x128xf32, #tpu.memory_space<hbm>>
      %dma_start3A_673 = arith.constant 0 : i32
      %dma_start3A_674 = tpu.memref_slice %arg4[%run_scoped3A_89, %mul3A_2, %dma_start3A_673] : memref<50x1024x128xf32, #tpu.memory_space<hbm>> -> memref<1x32x128xf32, #tpu.memory_space<hbm>>
      %dma_start3A_675 = tpu.memref_squeeze %dma_start3A_674 : memref<1x32x128xf32, #tpu.memory_space<hbm>> -> memref<32x128xf32, #tpu.memory_space<hbm>>
      tpu.enqueue_dma source(%arg6 : memref<32x128xf32, #tpu.memory_space<vmem>>) target(%dma_start3A_675 : memref<32x128xf32, #tpu.memory_space<hbm>>) target_semaphore(%run_scoped3A_669 : memref<!tpu.dma_semaphore, #tpu.memory_space<semaphore_mem>>)
      %dma_wait3A_676 = arith.constant 0 : i32
      %dma_wait3A_677 = tpu.memref_slice %arg4[%run_scoped3A_89, %mul3A_2, %dma_wait3A_676] : memref<50x1024x128xf32, #tpu.memory_space<hbm>> -> memref<1x32x128xf32, #tpu.memory_space<hbm>>
      %dma_wait3A_678 = tpu.memref_squeeze %dma_wait3A_677 : memref<1x32x128xf32, #tpu.memory_space<hbm>> -> memref<32x128xf32, #tpu.memory_space<hbm>>
      %dma_wait3A_679 = arith.constant 0 : i32
      %dma_wait3A_680 = tpu.memref_slice %arg4[%run_scoped3A_89, %mul3A_2, %dma_wait3A_679] : memref<50x1024x128xf32, #tpu.memory_space<hbm>> -> memref<1x32x128xf32, #tpu.memory_space<hbm>>
      %dma_wait3A_681 = tpu.memref_squeeze %dma_wait3A_680 : memref<1x32x128xf32, #tpu.memory_space<hbm>> -> memref<32x128xf32, #tpu.memory_space<hbm>>
      tpu.wait_dma2 semaphore(%run_scoped3A_669 : memref<!tpu.dma_semaphore, #tpu.memory_space<semaphore_mem>>) src(%arg6 : memref<32x128xf32, #tpu.memory_space<vmem>>) dst(%dma_wait3A_681 : memref<32x128xf32, #tpu.memory_space<hbm>>)
      tpu.yield
    }) : () -> ()
    %dma_wait3A_90 = arith.constant 5 : i32
    %dma_wait3A_91 = tpu.memref_slice %arg5[%dma_wait3A_90, %sub3A_21] : memref<50x128xi32, #tpu.memory_space<vmem>> -> memref<1x32xi32, #tpu.memory_space<vmem>>
    %dma_wait3A_92 = tpu.memref_squeeze %dma_wait3A_91 : memref<1x32xi32, #tpu.memory_space<vmem>> -> memref<32xi32, #tpu.memory_space<vmem>>
    %dma_wait3A_93 = arith.constant 0 : i32
    %dma_wait3A_94 = arith.constant 0 : i32
    %dma_wait3A_95 = tpu.memref_slice %arg3[%dma_wait3A_93, %dma_wait3A_94] : memref<1000x128xf32, #tpu.memory_space<hbm>> -> memref<1000x128xf32, #tpu.memory_space<hbm>>
    tpu.wait_indirect_dma semaphore(%arg9 : memref<!tpu.dma_semaphore, #tpu.memory_space<semaphore_mem>>) src(%dma_wait3A_95 : memref<1000x128xf32, #tpu.memory_space<hbm>>) dst(%arg7 : memref<32x128xf32, #tpu.memory_space<vmem>>)
    %dma_start3A_96 = arith.constant 6 : i32
    %dma_start3A_97 = tpu.memref_slice %arg5[%dma_start3A_96, %sub3A_21] : memref<50x128xi32, #tpu.memory_space<vmem>> -> memref<1x32xi32, #tpu.memory_space<vmem>>
    %dma_start3A_98 = tpu.memref_squeeze %dma_start3A_97 : memref<1x32xi32, #tpu.memory_space<vmem>> -> memref<32xi32, #tpu.memory_space<vmem>>
    %dma_start3A_99 = arith.constant 0 : i32
    %dma_start3A_100 = arith.constant 0 : i32
    %dma_start3A_101 = tpu.memref_slice %arg3[%dma_start3A_99, %dma_start3A_100] : memref<1000x128xf32, #tpu.memory_space<hbm>> -> memref<1000x128xf32, #tpu.memory_space<hbm>>
    tpu.enqueue_indirect_dma source(%dma_start3A_101 : memref<1000x128xf32, #tpu.memory_space<hbm>>) target(%arg6 : memref<32x128xf32, #tpu.memory_space<vmem>>) offsets(%dma_start3A_98 : memref<32xi32, #tpu.memory_space<vmem>>) semaphore(%arg8 : memref<!tpu.dma_semaphore, #tpu.memory_space<semaphore_mem>>)
    %run_scoped3A_102 = arith.constant 5 : i32
    "tpu.region"() ({
      %run_scoped3A_669 = tpu.sem_alloc : memref<!tpu.dma_semaphore, #tpu.memory_space<semaphore_mem>>
      %dma_start3A_670 = arith.constant 0 : i32
      %dma_start3A_671 = tpu.memref_slice %arg4[%run_scoped3A_102, %mul3A_2, %dma_start3A_670] : memref<50x1024x128xf32, #tpu.memory_space<hbm>> -> memref<1x32x128xf32, #tpu.memory_space<hbm>>
      %dma_start3A_672 = tpu.memref_squeeze %dma_start3A_671 : memref<1x32x128xf32, #tpu.memory_space<hbm>> -> memref<32x128xf32, #tpu.memory_space<hbm>>
      %dma_start3A_673 = arith.constant 0 : i32
      %dma_start3A_674 = tpu.memref_slice %arg4[%run_scoped3A_102, %mul3A_2, %dma_start3A_673] : memref<50x1024x128xf32, #tpu.memory_space<hbm>> -> memref<1x32x128xf32, #tpu.memory_space<hbm>>
      %dma_start3A_675 = tpu.memref_squeeze %dma_start3A_674 : memref<1x32x128xf32, #tpu.memory_space<hbm>> -> memref<32x128xf32, #tpu.memory_space<hbm>>
      tpu.enqueue_dma source(%arg7 : memref<32x128xf32, #tpu.memory_space<vmem>>) target(%dma_start3A_675 : memref<32x128xf32, #tpu.memory_space<hbm>>) target_semaphore(%run_scoped3A_669 : memref<!tpu.dma_semaphore, #tpu.memory_space<semaphore_mem>>)
      %dma_wait3A_676 = arith.constant 0 : i32
      %dma_wait3A_677 = tpu.memref_slice %arg4[%run_scoped3A_102, %mul3A_2, %dma_wait3A_676] : memref<50x1024x128xf32, #tpu.memory_space<hbm>> -> memref<1x32x128xf32, #tpu.memory_space<hbm>>
      %dma_wait3A_678 = tpu.memref_squeeze %dma_wait3A_677 : memref<1x32x128xf32, #tpu.memory_space<hbm>> -> memref<32x128xf32, #tpu.memory_space<hbm>>
      %dma_wait3A_679 = arith.constant 0 : i32
      %dma_wait3A_680 = tpu.memref_slice %arg4[%run_scoped3A_102, %mul3A_2, %dma_wait3A_679] : memref<50x1024x128xf32, #tpu.memory_space<hbm>> -> memref<1x32x128xf32, #tpu.memory_space<hbm>>
      %dma_wait3A_681 = tpu.memref_squeeze %dma_wait3A_680 : memref<1x32x128xf32, #tpu.memory_space<hbm>> -> memref<32x128xf32, #tpu.memory_space<hbm>>
      tpu.wait_dma2 semaphore(%run_scoped3A_669 : memref<!tpu.dma_semaphore, #tpu.memory_space<semaphore_mem>>) src(%arg7 : memref<32x128xf32, #tpu.memory_space<vmem>>) dst(%dma_wait3A_681 : memref<32x128xf32, #tpu.memory_space<hbm>>)
      tpu.yield
    }) : () -> ()
    %dma_wait3A_103 = arith.constant 6 : i32
    %dma_wait3A_104 = tpu.memref_slice %arg5[%dma_wait3A_103, %sub3A_21] : memref<50x128xi32, #tpu.memory_space<vmem>> -> memref<1x32xi32, #tpu.memory_space<vmem>>
    %dma_wait3A_105 = tpu.memref_squeeze %dma_wait3A_104 : memref<1x32xi32, #tpu.memory_space<vmem>> -> memref<32xi32, #tpu.memory_space<vmem>>
    %dma_wait3A_106 = arith.constant 0 : i32
    %dma_wait3A_107 = arith.constant 0 : i32
    %dma_wait3A_108 = tpu.memref_slice %arg3[%dma_wait3A_106, %dma_wait3A_107] : memref<1000x128xf32, #tpu.memory_space<hbm>> -> memref<1000x128xf32, #tpu.memory_space<hbm>>
    tpu.wait_indirect_dma semaphore(%arg8 : memref<!tpu.dma_semaphore, #tpu.memory_space<semaphore_mem>>) src(%dma_wait3A_108 : memref<1000x128xf32, #tpu.memory_space<hbm>>) dst(%arg6 : memref<32x128xf32, #tpu.memory_space<vmem>>)
    %dma_start3A_109 = arith.constant 7 : i32
    %dma_start3A_110 = tpu.memref_slice %arg5[%dma_start3A_109, %sub3A_21] : memref<50x128xi32, #tpu.memory_space<vmem>> -> memref<1x32xi32, #tpu.memory_space<vmem>>
    %dma_start3A_111 = tpu.memref_squeeze %dma_start3A_110 : memref<1x32xi32, #tpu.memory_space<vmem>> -> memref<32xi32, #tpu.memory_space<vmem>>
    %dma_start3A_112 = arith.constant 0 : i32
    %dma_start3A_113 = arith.constant 0 : i32
    %dma_start3A_114 = tpu.memref_slice %arg3[%dma_start3A_112, %dma_start3A_113] : memref<1000x128xf32, #tpu.memory_space<hbm>> -> memref<1000x128xf32, #tpu.memory_space<hbm>>
    tpu.enqueue_indirect_dma source(%dma_start3A_114 : memref<1000x128xf32, #tpu.memory_space<hbm>>) target(%arg7 : memref<32x128xf32, #tpu.memory_space<vmem>>) offsets(%dma_start3A_111 : memref<32xi32, #tpu.memory_space<vmem>>) semaphore(%arg9 : memref<!tpu.dma_semaphore, #tpu.memory_space<semaphore_mem>>)
    %run_scoped3A_115 = arith.constant 6 : i32
    "tpu.region"() ({
      %run_scoped3A_669 = tpu.sem_alloc : memref<!tpu.dma_semaphore, #tpu.memory_space<semaphore_mem>>
      %dma_start3A_670 = arith.constant 0 : i32
      %dma_start3A_671 = tpu.memref_slice %arg4[%run_scoped3A_115, %mul3A_2, %dma_start3A_670] : memref<50x1024x128xf32, #tpu.memory_space<hbm>> -> memref<1x32x128xf32, #tpu.memory_space<hbm>>
      %dma_start3A_672 = tpu.memref_squeeze %dma_start3A_671 : memref<1x32x128xf32, #tpu.memory_space<hbm>> -> memref<32x128xf32, #tpu.memory_space<hbm>>
      %dma_start3A_673 = arith.constant 0 : i32
      %dma_start3A_674 = tpu.memref_slice %arg4[%run_scoped3A_115, %mul3A_2, %dma_start3A_673] : memref<50x1024x128xf32, #tpu.memory_space<hbm>> -> memref<1x32x128xf32, #tpu.memory_space<hbm>>
      %dma_start3A_675 = tpu.memref_squeeze %dma_start3A_674 : memref<1x32x128xf32, #tpu.memory_space<hbm>> -> memref<32x128xf32, #tpu.memory_space<hbm>>
      tpu.enqueue_dma source(%arg6 : memref<32x128xf32, #tpu.memory_space<vmem>>) target(%dma_start3A_675 : memref<32x128xf32, #tpu.memory_space<hbm>>) target_semaphore(%run_scoped3A_669 : memref<!tpu.dma_semaphore, #tpu.memory_space<semaphore_mem>>)
      %dma_wait3A_676 = arith.constant 0 : i32
      %dma_wait3A_677 = tpu.memref_slice %arg4[%run_scoped3A_115, %mul3A_2, %dma_wait3A_676] : memref<50x1024x128xf32, #tpu.memory_space<hbm>> -> memref<1x32x128xf32, #tpu.memory_space<hbm>>
      %dma_wait3A_678 = tpu.memref_squeeze %dma_wait3A_677 : memref<1x32x128xf32, #tpu.memory_space<hbm>> -> memref<32x128xf32, #tpu.memory_space<hbm>>
      %dma_wait3A_679 = arith.constant 0 : i32
      %dma_wait3A_680 = tpu.memref_slice %arg4[%run_scoped3A_115, %mul3A_2, %dma_wait3A_679] : memref<50x1024x128xf32, #tpu.memory_space<hbm>> -> memref<1x32x128xf32, #tpu.memory_space<hbm>>
      %dma_wait3A_681 = tpu.memref_squeeze %dma_wait3A_680 : memref<1x32x128xf32, #tpu.memory_space<hbm>> -> memref<32x128xf32, #tpu.memory_space<hbm>>
      tpu.wait_dma2 semaphore(%run_scoped3A_669 : memref<!tpu.dma_semaphore, #tpu.memory_space<semaphore_mem>>) src(%arg6 : memref<32x128xf32, #tpu.memory_space<vmem>>) dst(%dma_wait3A_681 : memref<32x128xf32, #tpu.memory_space<hbm>>)
      tpu.yield
    }) : () -> ()
    %dma_wait3A_116 = arith.constant 7 : i32
    %dma_wait3A_117 = tpu.memref_slice %arg5[%dma_wait3A_116, %sub3A_21] : memref<50x128xi32, #tpu.memory_space<vmem>> -> memref<1x32xi32, #tpu.memory_space<vmem>>
    %dma_wait3A_118 = tpu.memref_squeeze %dma_wait3A_117 : memref<1x32xi32, #tpu.memory_space<vmem>> -> memref<32xi32, #tpu.memory_space<vmem>>
    %dma_wait3A_119 = arith.constant 0 : i32
    %dma_wait3A_120 = arith.constant 0 : i32
    %dma_wait3A_121 = tpu.memref_slice %arg3[%dma_wait3A_119, %dma_wait3A_120] : memref<1000x128xf32, #tpu.memory_space<hbm>> -> memref<1000x128xf32, #tpu.memory_space<hbm>>
    tpu.wait_indirect_dma semaphore(%arg9 : memref<!tpu.dma_semaphore, #tpu.memory_space<semaphore_mem>>) src(%dma_wait3A_121 : memref<1000x128xf32, #tpu.memory_space<hbm>>) dst(%arg7 : memref<32x128xf32, #tpu.memory_space<vmem>>)
    %dma_start3A_122 = arith.constant 8 : i32
    %dma_start3A_123 = tpu.memref_slice %arg5[%dma_start3A_122, %sub3A_21] : memref<50x128xi32, #tpu.memory_space<vmem>> -> memref<1x32xi32, #tpu.memory_space<vmem>>
    %dma_start3A_124 = tpu.memref_squeeze %dma_start3A_123 : memref<1x32xi32, #tpu.memory_space<vmem>> -> memref<32xi32, #tpu.memory_space<vmem>>
    %dma_start3A_125 = arith.constant 0 : i32
    %dma_start3A_126 = arith.constant 0 : i32
    %dma_start3A_127 = tpu.memref_slice %arg3[%dma_start3A_125, %dma_start3A_126] : memref<1000x128xf32, #tpu.memory_space<hbm>> -> memref<1000x128xf32, #tpu.memory_space<hbm>>
    tpu.enqueue_indirect_dma source(%dma_start3A_127 : memref<1000x128xf32, #tpu.memory_space<hbm>>) target(%arg6 : memref<32x128xf32, #tpu.memory_space<vmem>>) offsets(%dma_start3A_124 : memref<32xi32, #tpu.memory_space<vmem>>) semaphore(%arg8 : memref<!tpu.dma_semaphore, #tpu.memory_space<semaphore_mem>>)
    %run_scoped3A_128 = arith.constant 7 : i32
    "tpu.region"() ({
      %run_scoped3A_669 = tpu.sem_alloc : memref<!tpu.dma_semaphore, #tpu.memory_space<semaphore_mem>>
      %dma_start3A_670 = arith.constant 0 : i32
      %dma_start3A_671 = tpu.memref_slice %arg4[%run_scoped3A_128, %mul3A_2, %dma_start3A_670] : memref<50x1024x128xf32, #tpu.memory_space<hbm>> -> memref<1x32x128xf32, #tpu.memory_space<hbm>>
      %dma_start3A_672 = tpu.memref_squeeze %dma_start3A_671 : memref<1x32x128xf32, #tpu.memory_space<hbm>> -> memref<32x128xf32, #tpu.memory_space<hbm>>
      %dma_start3A_673 = arith.constant 0 : i32
      %dma_start3A_674 = tpu.memref_slice %arg4[%run_scoped3A_128, %mul3A_2, %dma_start3A_673] : memref<50x1024x128xf32, #tpu.memory_space<hbm>> -> memref<1x32x128xf32, #tpu.memory_space<hbm>>
      %dma_start3A_675 = tpu.memref_squeeze %dma_start3A_674 : memref<1x32x128xf32, #tpu.memory_space<hbm>> -> memref<32x128xf32, #tpu.memory_space<hbm>>
      tpu.enqueue_dma source(%arg7 : memref<32x128xf32, #tpu.memory_space<vmem>>) target(%dma_start3A_675 : memref<32x128xf32, #tpu.memory_space<hbm>>) target_semaphore(%run_scoped3A_669 : memref<!tpu.dma_semaphore, #tpu.memory_space<semaphore_mem>>)
      %dma_wait3A_676 = arith.constant 0 : i32
      %dma_wait3A_677 = tpu.memref_slice %arg4[%run_scoped3A_128, %mul3A_2, %dma_wait3A_676] : memref<50x1024x128xf32, #tpu.memory_space<hbm>> -> memref<1x32x128xf32, #tpu.memory_space<hbm>>
      %dma_wait3A_678 = tpu.memref_squeeze %dma_wait3A_677 : memref<1x32x128xf32, #tpu.memory_space<hbm>> -> memref<32x128xf32, #tpu.memory_space<hbm>>
      %dma_wait3A_679 = arith.constant 0 : i32
      %dma_wait3A_680 = tpu.memref_slice %arg4[%run_scoped3A_128, %mul3A_2, %dma_wait3A_679] : memref<50x1024x128xf32, #tpu.memory_space<hbm>> -> memref<1x32x128xf32, #tpu.memory_space<hbm>>
      %dma_wait3A_681 = tpu.memref_squeeze %dma_wait3A_680 : memref<1x32x128xf32, #tpu.memory_space<hbm>> -> memref<32x128xf32, #tpu.memory_space<hbm>>
      tpu.wait_dma2 semaphore(%run_scoped3A_669 : memref<!tpu.dma_semaphore, #tpu.memory_space<semaphore_mem>>) src(%arg7 : memref<32x128xf32, #tpu.memory_space<vmem>>) dst(%dma_wait3A_681 : memref<32x128xf32, #tpu.memory_space<hbm>>)
      tpu.yield
    }) : () -> ()
    %dma_wait3A_129 = arith.constant 8 : i32
    %dma_wait3A_130 = tpu.memref_slice %arg5[%dma_wait3A_129, %sub3A_21] : memref<50x128xi32, #tpu.memory_space<vmem>> -> memref<1x32xi32, #tpu.memory_space<vmem>>
    %dma_wait3A_131 = tpu.memref_squeeze %dma_wait3A_130 : memref<1x32xi32, #tpu.memory_space<vmem>> -> memref<32xi32, #tpu.memory_space<vmem>>
    %dma_wait3A_132 = arith.constant 0 : i32
    %dma_wait3A_133 = arith.constant 0 : i32
    %dma_wait3A_134 = tpu.memref_slice %arg3[%dma_wait3A_132, %dma_wait3A_133] : memref<1000x128xf32, #tpu.memory_space<hbm>> -> memref<1000x128xf32, #tpu.memory_space<hbm>>
    tpu.wait_indirect_dma semaphore(%arg8 : memref<!tpu.dma_semaphore, #tpu.memory_space<semaphore_mem>>) src(%dma_wait3A_134 : memref<1000x128xf32, #tpu.memory_space<hbm>>) dst(%arg6 : memref<32x128xf32, #tpu.memory_space<vmem>>)
    %dma_start3A_135 = arith.constant 9 : i32
    %dma_start3A_136 = tpu.memref_slice %arg5[%dma_start3A_135, %sub3A_21] : memref<50x128xi32, #tpu.memory_space<vmem>> -> memref<1x32xi32, #tpu.memory_space<vmem>>
    %dma_start3A_137 = tpu.memref_squeeze %dma_start3A_136 : memref<1x32xi32, #tpu.memory_space<vmem>> -> memref<32xi32, #tpu.memory_space<vmem>>
    %dma_start3A_138 = arith.constant 0 : i32
    %dma_start3A_139 = arith.constant 0 : i32
    %dma_start3A_140 = tpu.memref_slice %arg3[%dma_start3A_138, %dma_start3A_139] : memref<1000x128xf32, #tpu.memory_space<hbm>> -> memref<1000x128xf32, #tpu.memory_space<hbm>>
    tpu.enqueue_indirect_dma source(%dma_start3A_140 : memref<1000x128xf32, #tpu.memory_space<hbm>>) target(%arg7 : memref<32x128xf32, #tpu.memory_space<vmem>>) offsets(%dma_start3A_137 : memref<32xi32, #tpu.memory_space<vmem>>) semaphore(%arg9 : memref<!tpu.dma_semaphore, #tpu.memory_space<semaphore_mem>>)
    %run_scoped3A_141 = arith.constant 8 : i32
    "tpu.region"() ({
      %run_scoped3A_669 = tpu.sem_alloc : memref<!tpu.dma_semaphore, #tpu.memory_space<semaphore_mem>>
      %dma_start3A_670 = arith.constant 0 : i32
      %dma_start3A_671 = tpu.memref_slice %arg4[%run_scoped3A_141, %mul3A_2, %dma_start3A_670] : memref<50x1024x128xf32, #tpu.memory_space<hbm>> -> memref<1x32x128xf32, #tpu.memory_space<hbm>>
      %dma_start3A_672 = tpu.memref_squeeze %dma_start3A_671 : memref<1x32x128xf32, #tpu.memory_space<hbm>> -> memref<32x128xf32, #tpu.memory_space<hbm>>
      %dma_start3A_673 = arith.constant 0 : i32
      %dma_start3A_674 = tpu.memref_slice %arg4[%run_scoped3A_141, %mul3A_2, %dma_start3A_673] : memref<50x1024x128xf32, #tpu.memory_space<hbm>> -> memref<1x32x128xf32, #tpu.memory_space<hbm>>
      %dma_start3A_675 = tpu.memref_squeeze %dma_start3A_674 : memref<1x32x128xf32, #tpu.memory_space<hbm>> -> memref<32x128xf32, #tpu.memory_space<hbm>>
      tpu.enqueue_dma source(%arg6 : memref<32x128xf32, #tpu.memory_space<vmem>>) target(%dma_start3A_675 : memref<32x128xf32, #tpu.memory_space<hbm>>) target_semaphore(%run_scoped3A_669 : memref<!tpu.dma_semaphore, #tpu.memory_space<semaphore_mem>>)
      %dma_wait3A_676 = arith.constant 0 : i32
      %dma_wait3A_677 = tpu.memref_slice %arg4[%run_scoped3A_141, %mul3A_2, %dma_wait3A_676] : memref<50x1024x128xf32, #tpu.memory_space<hbm>> -> memref<1x32x128xf32, #tpu.memory_space<hbm>>
      %dma_wait3A_678 = tpu.memref_squeeze %dma_wait3A_677 : memref<1x32x128xf32, #tpu.memory_space<hbm>> -> memref<32x128xf32, #tpu.memory_space<hbm>>
      %dma_wait3A_679 = arith.constant 0 : i32
      %dma_wait3A_680 = tpu.memref_slice %arg4[%run_scoped3A_141, %mul3A_2, %dma_wait3A_679] : memref<50x1024x128xf32, #tpu.memory_space<hbm>> -> memref<1x32x128xf32, #tpu.memory_space<hbm>>
      %dma_wait3A_681 = tpu.memref_squeeze %dma_wait3A_680 : memref<1x32x128xf32, #tpu.memory_space<hbm>> -> memref<32x128xf32, #tpu.memory_space<hbm>>
      tpu.wait_dma2 semaphore(%run_scoped3A_669 : memref<!tpu.dma_semaphore, #tpu.memory_space<semaphore_mem>>) src(%arg6 : memref<32x128xf32, #tpu.memory_space<vmem>>) dst(%dma_wait3A_681 : memref<32x128xf32, #tpu.memory_space<hbm>>)
      tpu.yield
    }) : () -> ()
    %dma_wait3A_142 = arith.constant 9 : i32
    %dma_wait3A_143 = tpu.memref_slice %arg5[%dma_wait3A_142, %sub3A_21] : memref<50x128xi32, #tpu.memory_space<vmem>> -> memref<1x32xi32, #tpu.memory_space<vmem>>
    %dma_wait3A_144 = tpu.memref_squeeze %dma_wait3A_143 : memref<1x32xi32, #tpu.memory_space<vmem>> -> memref<32xi32, #tpu.memory_space<vmem>>
    %dma_wait3A_145 = arith.constant 0 : i32
    %dma_wait3A_146 = arith.constant 0 : i32
    %dma_wait3A_147 = tpu.memref_slice %arg3[%dma_wait3A_145, %dma_wait3A_146] : memref<1000x128xf32, #tpu.memory_space<hbm>> -> memref<1000x128xf32, #tpu.memory_space<hbm>>
    tpu.wait_indirect_dma semaphore(%arg9 : memref<!tpu.dma_semaphore, #tpu.memory_space<semaphore_mem>>) src(%dma_wait3A_147 : memref<1000x128xf32, #tpu.memory_space<hbm>>) dst(%arg7 : memref<32x128xf32, #tpu.memory_space<vmem>>)
    %dma_start3A_148 = arith.constant 10 : i32
    %dma_start3A_149 = tpu.memref_slice %arg5[%dma_start3A_148, %sub3A_21] : memref<50x128xi32, #tpu.memory_space<vmem>> -> memref<1x32xi32, #tpu.memory_space<vmem>>
    %dma_start3A_150 = tpu.memref_squeeze %dma_start3A_149 : memref<1x32xi32, #tpu.memory_space<vmem>> -> memref<32xi32, #tpu.memory_space<vmem>>
    %dma_start3A_151 = arith.constant 0 : i32
    %dma_start3A_152 = arith.constant 0 : i32
    %dma_start3A_153 = tpu.memref_slice %arg3[%dma_start3A_151, %dma_start3A_152] : memref<1000x128xf32, #tpu.memory_space<hbm>> -> memref<1000x128xf32, #tpu.memory_space<hbm>>
    tpu.enqueue_indirect_dma source(%dma_start3A_153 : memref<1000x128xf32, #tpu.memory_space<hbm>>) target(%arg6 : memref<32x128xf32, #tpu.memory_space<vmem>>) offsets(%dma_start3A_150 : memref<32xi32, #tpu.memory_space<vmem>>) semaphore(%arg8 : memref<!tpu.dma_semaphore, #tpu.memory_space<semaphore_mem>>)
    %run_scoped3A_154 = arith.constant 9 : i32
    "tpu.region"() ({
      %run_scoped3A_669 = tpu.sem_alloc : memref<!tpu.dma_semaphore, #tpu.memory_space<semaphore_mem>>
      %dma_start3A_670 = arith.constant 0 : i32
      %dma_start3A_671 = tpu.memref_slice %arg4[%run_scoped3A_154, %mul3A_2, %dma_start3A_670] : memref<50x1024x128xf32, #tpu.memory_space<hbm>> -> memref<1x32x128xf32, #tpu.memory_space<hbm>>
      %dma_start3A_672 = tpu.memref_squeeze %dma_start3A_671 : memref<1x32x128xf32, #tpu.memory_space<hbm>> -> memref<32x128xf32, #tpu.memory_space<hbm>>
      %dma_start3A_673 = arith.constant 0 : i32
      %dma_start3A_674 = tpu.memref_slice %arg4[%run_scoped3A_154, %mul3A_2, %dma_start3A_673] : memref<50x1024x128xf32, #tpu.memory_space<hbm>> -> memref<1x32x128xf32, #tpu.memory_space<hbm>>
      %dma_start3A_675 = tpu.memref_squeeze %dma_start3A_674 : memref<1x32x128xf32, #tpu.memory_space<hbm>> -> memref<32x128xf32, #tpu.memory_space<hbm>>
      tpu.enqueue_dma source(%arg7 : memref<32x128xf32, #tpu.memory_space<vmem>>) target(%dma_start3A_675 : memref<32x128xf32, #tpu.memory_space<hbm>>) target_semaphore(%run_scoped3A_669 : memref<!tpu.dma_semaphore, #tpu.memory_space<semaphore_mem>>)
      %dma_wait3A_676 = arith.constant 0 : i32
      %dma_wait3A_677 = tpu.memref_slice %arg4[%run_scoped3A_154, %mul3A_2, %dma_wait3A_676] : memref<50x1024x128xf32, #tpu.memory_space<hbm>> -> memref<1x32x128xf32, #tpu.memory_space<hbm>>
      %dma_wait3A_678 = tpu.memref_squeeze %dma_wait3A_677 : memref<1x32x128xf32, #tpu.memory_space<hbm>> -> memref<32x128xf32, #tpu.memory_space<hbm>>
      %dma_wait3A_679 = arith.constant 0 : i32
      %dma_wait3A_680 = tpu.memref_slice %arg4[%run_scoped3A_154, %mul3A_2, %dma_wait3A_679] : memref<50x1024x128xf32, #tpu.memory_space<hbm>> -> memref<1x32x128xf32, #tpu.memory_space<hbm>>
      %dma_wait3A_681 = tpu.memref_squeeze %dma_wait3A_680 : memref<1x32x128xf32, #tpu.memory_space<hbm>> -> memref<32x128xf32, #tpu.memory_space<hbm>>
      tpu.wait_dma2 semaphore(%run_scoped3A_669 : memref<!tpu.dma_semaphore, #tpu.memory_space<semaphore_mem>>) src(%arg7 : memref<32x128xf32, #tpu.memory_space<vmem>>) dst(%dma_wait3A_681 : memref<32x128xf32, #tpu.memory_space<hbm>>)
      tpu.yield
    }) : () -> ()
    %dma_wait3A_155 = arith.constant 10 : i32
    %dma_wait3A_156 = tpu.memref_slice %arg5[%dma_wait3A_155, %sub3A_21] : memref<50x128xi32, #tpu.memory_space<vmem>> -> memref<1x32xi32, #tpu.memory_space<vmem>>
    %dma_wait3A_157 = tpu.memref_squeeze %dma_wait3A_156 : memref<1x32xi32, #tpu.memory_space<vmem>> -> memref<32xi32, #tpu.memory_space<vmem>>
    %dma_wait3A_158 = arith.constant 0 : i32
    %dma_wait3A_159 = arith.constant 0 : i32
    %dma_wait3A_160 = tpu.memref_slice %arg3[%dma_wait3A_158, %dma_wait3A_159] : memref<1000x128xf32, #tpu.memory_space<hbm>> -> memref<1000x128xf32, #tpu.memory_space<hbm>>
    tpu.wait_indirect_dma semaphore(%arg8 : memref<!tpu.dma_semaphore, #tpu.memory_space<semaphore_mem>>) src(%dma_wait3A_160 : memref<1000x128xf32, #tpu.memory_space<hbm>>) dst(%arg6 : memref<32x128xf32, #tpu.memory_space<vmem>>)
    %dma_start3A_161 = arith.constant 11 : i32
    %dma_start3A_162 = tpu.memref_slice %arg5[%dma_start3A_161, %sub3A_21] : memref<50x128xi32, #tpu.memory_space<vmem>> -> memref<1x32xi32, #tpu.memory_space<vmem>>
    %dma_start3A_163 = tpu.memref_squeeze %dma_start3A_162 : memref<1x32xi32, #tpu.memory_space<vmem>> -> memref<32xi32, #tpu.memory_space<vmem>>
    %dma_start3A_164 = arith.constant 0 : i32
    %dma_start3A_165 = arith.constant 0 : i32
    %dma_start3A_166 = tpu.memref_slice %arg3[%dma_start3A_164, %dma_start3A_165] : memref<1000x128xf32, #tpu.memory_space<hbm>> -> memref<1000x128xf32, #tpu.memory_space<hbm>>
    tpu.enqueue_indirect_dma source(%dma_start3A_166 : memref<1000x128xf32, #tpu.memory_space<hbm>>) target(%arg7 : memref<32x128xf32, #tpu.memory_space<vmem>>) offsets(%dma_start3A_163 : memref<32xi32, #tpu.memory_space<vmem>>) semaphore(%arg9 : memref<!tpu.dma_semaphore, #tpu.memory_space<semaphore_mem>>)
    %run_scoped3A_167 = arith.constant 10 : i32
    "tpu.region"() ({
      %run_scoped3A_669 = tpu.sem_alloc : memref<!tpu.dma_semaphore, #tpu.memory_space<semaphore_mem>>
      %dma_start3A_670 = arith.constant 0 : i32
      %dma_start3A_671 = tpu.memref_slice %arg4[%run_scoped3A_167, %mul3A_2, %dma_start3A_670] : memref<50x1024x128xf32, #tpu.memory_space<hbm>> -> memref<1x32x128xf32, #tpu.memory_space<hbm>>
      %dma_start3A_672 = tpu.memref_squeeze %dma_start3A_671 : memref<1x32x128xf32, #tpu.memory_space<hbm>> -> memref<32x128xf32, #tpu.memory_space<hbm>>
      %dma_start3A_673 = arith.constant 0 : i32
      %dma_start3A_674 = tpu.memref_slice %arg4[%run_scoped3A_167, %mul3A_2, %dma_start3A_673] : memref<50x1024x128xf32, #tpu.memory_space<hbm>> -> memref<1x32x128xf32, #tpu.memory_space<hbm>>
      %dma_start3A_675 = tpu.memref_squeeze %dma_start3A_674 : memref<1x32x128xf32, #tpu.memory_space<hbm>> -> memref<32x128xf32, #tpu.memory_space<hbm>>
      tpu.enqueue_dma source(%arg6 : memref<32x128xf32, #tpu.memory_space<vmem>>) target(%dma_start3A_675 : memref<32x128xf32, #tpu.memory_space<hbm>>) target_semaphore(%run_scoped3A_669 : memref<!tpu.dma_semaphore, #tpu.memory_space<semaphore_mem>>)
      %dma_wait3A_676 = arith.constant 0 : i32
      %dma_wait3A_677 = tpu.memref_slice %arg4[%run_scoped3A_167, %mul3A_2, %dma_wait3A_676] : memref<50x1024x128xf32, #tpu.memory_space<hbm>> -> memref<1x32x128xf32, #tpu.memory_space<hbm>>
      %dma_wait3A_678 = tpu.memref_squeeze %dma_wait3A_677 : memref<1x32x128xf32, #tpu.memory_space<hbm>> -> memref<32x128xf32, #tpu.memory_space<hbm>>
      %dma_wait3A_679 = arith.constant 0 : i32
      %dma_wait3A_680 = tpu.memref_slice %arg4[%run_scoped3A_167, %mul3A_2, %dma_wait3A_679] : memref<50x1024x128xf32, #tpu.memory_space<hbm>> -> memref<1x32x128xf32, #tpu.memory_space<hbm>>
      %dma_wait3A_681 = tpu.memref_squeeze %dma_wait3A_680 : memref<1x32x128xf32, #tpu.memory_space<hbm>> -> memref<32x128xf32, #tpu.memory_space<hbm>>
      tpu.wait_dma2 semaphore(%run_scoped3A_669 : memref<!tpu.dma_semaphore, #tpu.memory_space<semaphore_mem>>) src(%arg6 : memref<32x128xf32, #tpu.memory_space<vmem>>) dst(%dma_wait3A_681 : memref<32x128xf32, #tpu.memory_space<hbm>>)
      tpu.yield
    }) : () -> ()
    %dma_wait3A_168 = arith.constant 11 : i32
    %dma_wait3A_169 = tpu.memref_slice %arg5[%dma_wait3A_168, %sub3A_21] : memref<50x128xi32, #tpu.memory_space<vmem>> -> memref<1x32xi32, #tpu.memory_space<vmem>>
    %dma_wait3A_170 = tpu.memref_squeeze %dma_wait3A_169 : memref<1x32xi32, #tpu.memory_space<vmem>> -> memref<32xi32, #tpu.memory_space<vmem>>
    %dma_wait3A_171 = arith.constant 0 : i32
    %dma_wait3A_172 = arith.constant 0 : i32
    %dma_wait3A_173 = tpu.memref_slice %arg3[%dma_wait3A_171, %dma_wait3A_172] : memref<1000x128xf32, #tpu.memory_space<hbm>> -> memref<1000x128xf32, #tpu.memory_space<hbm>>
    tpu.wait_indirect_dma semaphore(%arg9 : memref<!tpu.dma_semaphore, #tpu.memory_space<semaphore_mem>>) src(%dma_wait3A_173 : memref<1000x128xf32, #tpu.memory_space<hbm>>) dst(%arg7 : memref<32x128xf32, #tpu.memory_space<vmem>>)
    %dma_start3A_174 = arith.constant 12 : i32
    %dma_start3A_175 = tpu.memref_slice %arg5[%dma_start3A_174, %sub3A_21] : memref<50x128xi32, #tpu.memory_space<vmem>> -> memref<1x32xi32, #tpu.memory_space<vmem>>
    %dma_start3A_176 = tpu.memref_squeeze %dma_start3A_175 : memref<1x32xi32, #tpu.memory_space<vmem>> -> memref<32xi32, #tpu.memory_space<vmem>>
    %dma_start3A_177 = arith.constant 0 : i32
    %dma_start3A_178 = arith.constant 0 : i32
    %dma_start3A_179 = tpu.memref_slice %arg3[%dma_start3A_177, %dma_start3A_178] : memref<1000x128xf32, #tpu.memory_space<hbm>> -> memref<1000x128xf32, #tpu.memory_space<hbm>>
    tpu.enqueue_indirect_dma source(%dma_start3A_179 : memref<1000x128xf32, #tpu.memory_space<hbm>>) target(%arg6 : memref<32x128xf32, #tpu.memory_space<vmem>>) offsets(%dma_start3A_176 : memref<32xi32, #tpu.memory_space<vmem>>) semaphore(%arg8 : memref<!tpu.dma_semaphore, #tpu.memory_space<semaphore_mem>>)
    %run_scoped3A_180 = arith.constant 11 : i32
    "tpu.region"() ({
      %run_scoped3A_669 = tpu.sem_alloc : memref<!tpu.dma_semaphore, #tpu.memory_space<semaphore_mem>>
      %dma_start3A_670 = arith.constant 0 : i32
      %dma_start3A_671 = tpu.memref_slice %arg4[%run_scoped3A_180, %mul3A_2, %dma_start3A_670] : memref<50x1024x128xf32, #tpu.memory_space<hbm>> -> memref<1x32x128xf32, #tpu.memory_space<hbm>>
      %dma_start3A_672 = tpu.memref_squeeze %dma_start3A_671 : memref<1x32x128xf32, #tpu.memory_space<hbm>> -> memref<32x128xf32, #tpu.memory_space<hbm>>
      %dma_start3A_673 = arith.constant 0 : i32
      %dma_start3A_674 = tpu.memref_slice %arg4[%run_scoped3A_180, %mul3A_2, %dma_start3A_673] : memref<50x1024x128xf32, #tpu.memory_space<hbm>> -> memref<1x32x128xf32, #tpu.memory_space<hbm>>
      %dma_start3A_675 = tpu.memref_squeeze %dma_start3A_674 : memref<1x32x128xf32, #tpu.memory_space<hbm>> -> memref<32x128xf32, #tpu.memory_space<hbm>>
      tpu.enqueue_dma source(%arg7 : memref<32x128xf32, #tpu.memory_space<vmem>>) target(%dma_start3A_675 : memref<32x128xf32, #tpu.memory_space<hbm>>) target_semaphore(%run_scoped3A_669 : memref<!tpu.dma_semaphore, #tpu.memory_space<semaphore_mem>>)
      %dma_wait3A_676 = arith.constant 0 : i32
      %dma_wait3A_677 = tpu.memref_slice %arg4[%run_scoped3A_180, %mul3A_2, %dma_wait3A_676] : memref<50x1024x128xf32, #tpu.memory_space<hbm>> -> memref<1x32x128xf32, #tpu.memory_space<hbm>>
      %dma_wait3A_678 = tpu.memref_squeeze %dma_wait3A_677 : memref<1x32x128xf32, #tpu.memory_space<hbm>> -> memref<32x128xf32, #tpu.memory_space<hbm>>
      %dma_wait3A_679 = arith.constant 0 : i32
      %dma_wait3A_680 = tpu.memref_slice %arg4[%run_scoped3A_180, %mul3A_2, %dma_wait3A_679] : memref<50x1024x128xf32, #tpu.memory_space<hbm>> -> memref<1x32x128xf32, #tpu.memory_space<hbm>>
      %dma_wait3A_681 = tpu.memref_squeeze %dma_wait3A_680 : memref<1x32x128xf32, #tpu.memory_space<hbm>> -> memref<32x128xf32, #tpu.memory_space<hbm>>
      tpu.wait_dma2 semaphore(%run_scoped3A_669 : memref<!tpu.dma_semaphore, #tpu.memory_space<semaphore_mem>>) src(%arg7 : memref<32x128xf32, #tpu.memory_space<vmem>>) dst(%dma_wait3A_681 : memref<32x128xf32, #tpu.memory_space<hbm>>)
      tpu.yield
    }) : () -> ()
    %dma_wait3A_181 = arith.constant 12 : i32
    %dma_wait3A_182 = tpu.memref_slice %arg5[%dma_wait3A_181, %sub3A_21] : memref<50x128xi32, #tpu.memory_space<vmem>> -> memref<1x32xi32, #tpu.memory_space<vmem>>
    %dma_wait3A_183 = tpu.memref_squeeze %dma_wait3A_182 : memref<1x32xi32, #tpu.memory_space<vmem>> -> memref<32xi32, #tpu.memory_space<vmem>>
    %dma_wait3A_184 = arith.constant 0 : i32
    %dma_wait3A_185 = arith.constant 0 : i32
    %dma_wait3A_186 = tpu.memref_slice %arg3[%dma_wait3A_184, %dma_wait3A_185] : memref<1000x128xf32, #tpu.memory_space<hbm>> -> memref<1000x128xf32, #tpu.memory_space<hbm>>
    tpu.wait_indirect_dma semaphore(%arg8 : memref<!tpu.dma_semaphore, #tpu.memory_space<semaphore_mem>>) src(%dma_wait3A_186 : memref<1000x128xf32, #tpu.memory_space<hbm>>) dst(%arg6 : memref<32x128xf32, #tpu.memory_space<vmem>>)
    %dma_start3A_187 = arith.constant 13 : i32
    %dma_start3A_188 = tpu.memref_slice %arg5[%dma_start3A_187, %sub3A_21] : memref<50x128xi32, #tpu.memory_space<vmem>> -> memref<1x32xi32, #tpu.memory_space<vmem>>
    %dma_start3A_189 = tpu.memref_squeeze %dma_start3A_188 : memref<1x32xi32, #tpu.memory_space<vmem>> -> memref<32xi32, #tpu.memory_space<vmem>>
    %dma_start3A_190 = arith.constant 0 : i32
    %dma_start3A_191 = arith.constant 0 : i32
    %dma_start3A_192 = tpu.memref_slice %arg3[%dma_start3A_190, %dma_start3A_191] : memref<1000x128xf32, #tpu.memory_space<hbm>> -> memref<1000x128xf32, #tpu.memory_space<hbm>>
    tpu.enqueue_indirect_dma source(%dma_start3A_192 : memref<1000x128xf32, #tpu.memory_space<hbm>>) target(%arg7 : memref<32x128xf32, #tpu.memory_space<vmem>>) offsets(%dma_start3A_189 : memref<32xi32, #tpu.memory_space<vmem>>) semaphore(%arg9 : memref<!tpu.dma_semaphore, #tpu.memory_space<semaphore_mem>>)
    %run_scoped3A_193 = arith.constant 12 : i32
    "tpu.region"() ({
      %run_scoped3A_669 = tpu.sem_alloc : memref<!tpu.dma_semaphore, #tpu.memory_space<semaphore_mem>>
      %dma_start3A_670 = arith.constant 0 : i32
      %dma_start3A_671 = tpu.memref_slice %arg4[%run_scoped3A_193, %mul3A_2, %dma_start3A_670] : memref<50x1024x128xf32, #tpu.memory_space<hbm>> -> memref<1x32x128xf32, #tpu.memory_space<hbm>>
      %dma_start3A_672 = tpu.memref_squeeze %dma_start3A_671 : memref<1x32x128xf32, #tpu.memory_space<hbm>> -> memref<32x128xf32, #tpu.memory_space<hbm>>
      %dma_start3A_673 = arith.constant 0 : i32
      %dma_start3A_674 = tpu.memref_slice %arg4[%run_scoped3A_193, %mul3A_2, %dma_start3A_673] : memref<50x1024x128xf32, #tpu.memory_space<hbm>> -> memref<1x32x128xf32, #tpu.memory_space<hbm>>
      %dma_start3A_675 = tpu.memref_squeeze %dma_start3A_674 : memref<1x32x128xf32, #tpu.memory_space<hbm>> -> memref<32x128xf32, #tpu.memory_space<hbm>>
      tpu.enqueue_dma source(%arg6 : memref<32x128xf32, #tpu.memory_space<vmem>>) target(%dma_start3A_675 : memref<32x128xf32, #tpu.memory_space<hbm>>) target_semaphore(%run_scoped3A_669 : memref<!tpu.dma_semaphore, #tpu.memory_space<semaphore_mem>>)
      %dma_wait3A_676 = arith.constant 0 : i32
      %dma_wait3A_677 = tpu.memref_slice %arg4[%run_scoped3A_193, %mul3A_2, %dma_wait3A_676] : memref<50x1024x128xf32, #tpu.memory_space<hbm>> -> memref<1x32x128xf32, #tpu.memory_space<hbm>>
      %dma_wait3A_678 = tpu.memref_squeeze %dma_wait3A_677 : memref<1x32x128xf32, #tpu.memory_space<hbm>> -> memref<32x128xf32, #tpu.memory_space<hbm>>
      %dma_wait3A_679 = arith.constant 0 : i32
      %dma_wait3A_680 = tpu.memref_slice %arg4[%run_scoped3A_193, %mul3A_2, %dma_wait3A_679] : memref<50x1024x128xf32, #tpu.memory_space<hbm>> -> memref<1x32x128xf32, #tpu.memory_space<hbm>>
      %dma_wait3A_681 = tpu.memref_squeeze %dma_wait3A_680 : memref<1x32x128xf32, #tpu.memory_space<hbm>> -> memref<32x128xf32, #tpu.memory_space<hbm>>
      tpu.wait_dma2 semaphore(%run_scoped3A_669 : memref<!tpu.dma_semaphore, #tpu.memory_space<semaphore_mem>>) src(%arg6 : memref<32x128xf32, #tpu.memory_space<vmem>>) dst(%dma_wait3A_681 : memref<32x128xf32, #tpu.memory_space<hbm>>)
      tpu.yield
    }) : () -> ()
    %dma_wait3A_194 = arith.constant 13 : i32
    %dma_wait3A_195 = tpu.memref_slice %arg5[%dma_wait3A_194, %sub3A_21] : memref<50x128xi32, #tpu.memory_space<vmem>> -> memref<1x32xi32, #tpu.memory_space<vmem>>
    %dma_wait3A_196 = tpu.memref_squeeze %dma_wait3A_195 : memref<1x32xi32, #tpu.memory_space<vmem>> -> memref<32xi32, #tpu.memory_space<vmem>>
    %dma_wait3A_197 = arith.constant 0 : i32
    %dma_wait3A_198 = arith.constant 0 : i32
    %dma_wait3A_199 = tpu.memref_slice %arg3[%dma_wait3A_197, %dma_wait3A_198] : memref<1000x128xf32, #tpu.memory_space<hbm>> -> memref<1000x128xf32, #tpu.memory_space<hbm>>
    tpu.wait_indirect_dma semaphore(%arg9 : memref<!tpu.dma_semaphore, #tpu.memory_space<semaphore_mem>>) src(%dma_wait3A_199 : memref<1000x128xf32, #tpu.memory_space<hbm>>) dst(%arg7 : memref<32x128xf32, #tpu.memory_space<vmem>>)
    %dma_start3A_200 = arith.constant 14 : i32
    %dma_start3A_201 = tpu.memref_slice %arg5[%dma_start3A_200, %sub3A_21] : memref<50x128xi32, #tpu.memory_space<vmem>> -> memref<1x32xi32, #tpu.memory_space<vmem>>
    %dma_start3A_202 = tpu.memref_squeeze %dma_start3A_201 : memref<1x32xi32, #tpu.memory_space<vmem>> -> memref<32xi32, #tpu.memory_space<vmem>>
    %dma_start3A_203 = arith.constant 0 : i32
    %dma_start3A_204 = arith.constant 0 : i32
    %dma_start3A_205 = tpu.memref_slice %arg3[%dma_start3A_203, %dma_start3A_204] : memref<1000x128xf32, #tpu.memory_space<hbm>> -> memref<1000x128xf32, #tpu.memory_space<hbm>>
    tpu.enqueue_indirect_dma source(%dma_start3A_205 : memref<1000x128xf32, #tpu.memory_space<hbm>>) target(%arg6 : memref<32x128xf32, #tpu.memory_space<vmem>>) offsets(%dma_start3A_202 : memref<32xi32, #tpu.memory_space<vmem>>) semaphore(%arg8 : memref<!tpu.dma_semaphore, #tpu.memory_space<semaphore_mem>>)
    %run_scoped3A_206 = arith.constant 13 : i32
    "tpu.region"() ({
      %run_scoped3A_669 = tpu.sem_alloc : memref<!tpu.dma_semaphore, #tpu.memory_space<semaphore_mem>>
      %dma_start3A_670 = arith.constant 0 : i32
      %dma_start3A_671 = tpu.memref_slice %arg4[%run_scoped3A_206, %mul3A_2, %dma_start3A_670] : memref<50x1024x128xf32, #tpu.memory_space<hbm>> -> memref<1x32x128xf32, #tpu.memory_space<hbm>>
      %dma_start3A_672 = tpu.memref_squeeze %dma_start3A_671 : memref<1x32x128xf32, #tpu.memory_space<hbm>> -> memref<32x128xf32, #tpu.memory_space<hbm>>
      %dma_start3A_673 = arith.constant 0 : i32
      %dma_start3A_674 = tpu.memref_slice %arg4[%run_scoped3A_206, %mul3A_2, %dma_start3A_673] : memref<50x1024x128xf32, #tpu.memory_space<hbm>> -> memref<1x32x128xf32, #tpu.memory_space<hbm>>
      %dma_start3A_675 = tpu.memref_squeeze %dma_start3A_674 : memref<1x32x128xf32, #tpu.memory_space<hbm>> -> memref<32x128xf32, #tpu.memory_space<hbm>>
      tpu.enqueue_dma source(%arg7 : memref<32x128xf32, #tpu.memory_space<vmem>>) target(%dma_start3A_675 : memref<32x128xf32, #tpu.memory_space<hbm>>) target_semaphore(%run_scoped3A_669 : memref<!tpu.dma_semaphore, #tpu.memory_space<semaphore_mem>>)
      %dma_wait3A_676 = arith.constant 0 : i32
      %dma_wait3A_677 = tpu.memref_slice %arg4[%run_scoped3A_206, %mul3A_2, %dma_wait3A_676] : memref<50x1024x128xf32, #tpu.memory_space<hbm>> -> memref<1x32x128xf32, #tpu.memory_space<hbm>>
      %dma_wait3A_678 = tpu.memref_squeeze %dma_wait3A_677 : memref<1x32x128xf32, #tpu.memory_space<hbm>> -> memref<32x128xf32, #tpu.memory_space<hbm>>
      %dma_wait3A_679 = arith.constant 0 : i32
      %dma_wait3A_680 = tpu.memref_slice %arg4[%run_scoped3A_206, %mul3A_2, %dma_wait3A_679] : memref<50x1024x128xf32, #tpu.memory_space<hbm>> -> memref<1x32x128xf32, #tpu.memory_space<hbm>>
      %dma_wait3A_681 = tpu.memref_squeeze %dma_wait3A_680 : memref<1x32x128xf32, #tpu.memory_space<hbm>> -> memref<32x128xf32, #tpu.memory_space<hbm>>
      tpu.wait_dma2 semaphore(%run_scoped3A_669 : memref<!tpu.dma_semaphore, #tpu.memory_space<semaphore_mem>>) src(%arg7 : memref<32x128xf32, #tpu.memory_space<vmem>>) dst(%dma_wait3A_681 : memref<32x128xf32, #tpu.memory_space<hbm>>)
      tpu.yield
    }) : () -> ()
    %dma_wait3A_207 = arith.constant 14 : i32
    %dma_wait3A_208 = tpu.memref_slice %arg5[%dma_wait3A_207, %sub3A_21] : memref<50x128xi32, #tpu.memory_space<vmem>> -> memref<1x32xi32, #tpu.memory_space<vmem>>
    %dma_wait3A_209 = tpu.memref_squeeze %dma_wait3A_208 : memref<1x32xi32, #tpu.memory_space<vmem>> -> memref<32xi32, #tpu.memory_space<vmem>>
    %dma_wait3A_210 = arith.constant 0 : i32
    %dma_wait3A_211 = arith.constant 0 : i32
    %dma_wait3A_212 = tpu.memref_slice %arg3[%dma_wait3A_210, %dma_wait3A_211] : memref<1000x128xf32, #tpu.memory_space<hbm>> -> memref<1000x128xf32, #tpu.memory_space<hbm>>
    tpu.wait_indirect_dma semaphore(%arg8 : memref<!tpu.dma_semaphore, #tpu.memory_space<semaphore_mem>>) src(%dma_wait3A_212 : memref<1000x128xf32, #tpu.memory_space<hbm>>) dst(%arg6 : memref<32x128xf32, #tpu.memory_space<vmem>>)
    %dma_start3A_213 = arith.constant 15 : i32
    %dma_start3A_214 = tpu.memref_slice %arg5[%dma_start3A_213, %sub3A_21] : memref<50x128xi32, #tpu.memory_space<vmem>> -> memref<1x32xi32, #tpu.memory_space<vmem>>
    %dma_start3A_215 = tpu.memref_squeeze %dma_start3A_214 : memref<1x32xi32, #tpu.memory_space<vmem>> -> memref<32xi32, #tpu.memory_space<vmem>>
    %dma_start3A_216 = arith.constant 0 : i32
    %dma_start3A_217 = arith.constant 0 : i32
    %dma_start3A_218 = tpu.memref_slice %arg3[%dma_start3A_216, %dma_start3A_217] : memref<1000x128xf32, #tpu.memory_space<hbm>> -> memref<1000x128xf32, #tpu.memory_space<hbm>>
    tpu.enqueue_indirect_dma source(%dma_start3A_218 : memref<1000x128xf32, #tpu.memory_space<hbm>>) target(%arg7 : memref<32x128xf32, #tpu.memory_space<vmem>>) offsets(%dma_start3A_215 : memref<32xi32, #tpu.memory_space<vmem>>) semaphore(%arg9 : memref<!tpu.dma_semaphore, #tpu.memory_space<semaphore_mem>>)
    %run_scoped3A_219 = arith.constant 14 : i32
    "tpu.region"() ({
      %run_scoped3A_669 = tpu.sem_alloc : memref<!tpu.dma_semaphore, #tpu.memory_space<semaphore_mem>>
      %dma_start3A_670 = arith.constant 0 : i32
      %dma_start3A_671 = tpu.memref_slice %arg4[%run_scoped3A_219, %mul3A_2, %dma_start3A_670] : memref<50x1024x128xf32, #tpu.memory_space<hbm>> -> memref<1x32x128xf32, #tpu.memory_space<hbm>>
      %dma_start3A_672 = tpu.memref_squeeze %dma_start3A_671 : memref<1x32x128xf32, #tpu.memory_space<hbm>> -> memref<32x128xf32, #tpu.memory_space<hbm>>
      %dma_start3A_673 = arith.constant 0 : i32
      %dma_start3A_674 = tpu.memref_slice %arg4[%run_scoped3A_219, %mul3A_2, %dma_start3A_673] : memref<50x1024x128xf32, #tpu.memory_space<hbm>> -> memref<1x32x128xf32, #tpu.memory_space<hbm>>
      %dma_start3A_675 = tpu.memref_squeeze %dma_start3A_674 : memref<1x32x128xf32, #tpu.memory_space<hbm>> -> memref<32x128xf32, #tpu.memory_space<hbm>>
      tpu.enqueue_dma source(%arg6 : memref<32x128xf32, #tpu.memory_space<vmem>>) target(%dma_start3A_675 : memref<32x128xf32, #tpu.memory_space<hbm>>) target_semaphore(%run_scoped3A_669 : memref<!tpu.dma_semaphore, #tpu.memory_space<semaphore_mem>>)
      %dma_wait3A_676 = arith.constant 0 : i32
      %dma_wait3A_677 = tpu.memref_slice %arg4[%run_scoped3A_219, %mul3A_2, %dma_wait3A_676] : memref<50x1024x128xf32, #tpu.memory_space<hbm>> -> memref<1x32x128xf32, #tpu.memory_space<hbm>>
      %dma_wait3A_678 = tpu.memref_squeeze %dma_wait3A_677 : memref<1x32x128xf32, #tpu.memory_space<hbm>> -> memref<32x128xf32, #tpu.memory_space<hbm>>
      %dma_wait3A_679 = arith.constant 0 : i32
      %dma_wait3A_680 = tpu.memref_slice %arg4[%run_scoped3A_219, %mul3A_2, %dma_wait3A_679] : memref<50x1024x128xf32, #tpu.memory_space<hbm>> -> memref<1x32x128xf32, #tpu.memory_space<hbm>>
      %dma_wait3A_681 = tpu.memref_squeeze %dma_wait3A_680 : memref<1x32x128xf32, #tpu.memory_space<hbm>> -> memref<32x128xf32, #tpu.memory_space<hbm>>
      tpu.wait_dma2 semaphore(%run_scoped3A_669 : memref<!tpu.dma_semaphore, #tpu.memory_space<semaphore_mem>>) src(%arg6 : memref<32x128xf32, #tpu.memory_space<vmem>>) dst(%dma_wait3A_681 : memref<32x128xf32, #tpu.memory_space<hbm>>)
      tpu.yield
    }) : () -> ()
    %dma_wait3A_220 = arith.constant 15 : i32
    %dma_wait3A_221 = tpu.memref_slice %arg5[%dma_wait3A_220, %sub3A_21] : memref<50x128xi32, #tpu.memory_space<vmem>> -> memref<1x32xi32, #tpu.memory_space<vmem>>
    %dma_wait3A_222 = tpu.memref_squeeze %dma_wait3A_221 : memref<1x32xi32, #tpu.memory_space<vmem>> -> memref<32xi32, #tpu.memory_space<vmem>>
    %dma_wait3A_223 = arith.constant 0 : i32
    %dma_wait3A_224 = arith.constant 0 : i32
    %dma_wait3A_225 = tpu.memref_slice %arg3[%dma_wait3A_223, %dma_wait3A_224] : memref<1000x128xf32, #tpu.memory_space<hbm>> -> memref<1000x128xf32, #tpu.memory_space<hbm>>
    tpu.wait_indirect_dma semaphore(%arg9 : memref<!tpu.dma_semaphore, #tpu.memory_space<semaphore_mem>>) src(%dma_wait3A_225 : memref<1000x128xf32, #tpu.memory_space<hbm>>) dst(%arg7 : memref<32x128xf32, #tpu.memory_space<vmem>>)
    %dma_start3A_226 = arith.constant 16 : i32
    %dma_start3A_227 = tpu.memref_slice %arg5[%dma_start3A_226, %sub3A_21] : memref<50x128xi32, #tpu.memory_space<vmem>> -> memref<1x32xi32, #tpu.memory_space<vmem>>
    %dma_start3A_228 = tpu.memref_squeeze %dma_start3A_227 : memref<1x32xi32, #tpu.memory_space<vmem>> -> memref<32xi32, #tpu.memory_space<vmem>>
    %dma_start3A_229 = arith.constant 0 : i32
    %dma_start3A_230 = arith.constant 0 : i32
    %dma_start3A_231 = tpu.memref_slice %arg3[%dma_start3A_229, %dma_start3A_230] : memref<1000x128xf32, #tpu.memory_space<hbm>> -> memref<1000x128xf32, #tpu.memory_space<hbm>>
    tpu.enqueue_indirect_dma source(%dma_start3A_231 : memref<1000x128xf32, #tpu.memory_space<hbm>>) target(%arg6 : memref<32x128xf32, #tpu.memory_space<vmem>>) offsets(%dma_start3A_228 : memref<32xi32, #tpu.memory_space<vmem>>) semaphore(%arg8 : memref<!tpu.dma_semaphore, #tpu.memory_space<semaphore_mem>>)
    %run_scoped3A_232 = arith.constant 15 : i32
    "tpu.region"() ({
      %run_scoped3A_669 = tpu.sem_alloc : memref<!tpu.dma_semaphore, #tpu.memory_space<semaphore_mem>>
      %dma_start3A_670 = arith.constant 0 : i32
      %dma_start3A_671 = tpu.memref_slice %arg4[%run_scoped3A_232, %mul3A_2, %dma_start3A_670] : memref<50x1024x128xf32, #tpu.memory_space<hbm>> -> memref<1x32x128xf32, #tpu.memory_space<hbm>>
      %dma_start3A_672 = tpu.memref_squeeze %dma_start3A_671 : memref<1x32x128xf32, #tpu.memory_space<hbm>> -> memref<32x128xf32, #tpu.memory_space<hbm>>
      %dma_start3A_673 = arith.constant 0 : i32
      %dma_start3A_674 = tpu.memref_slice %arg4[%run_scoped3A_232, %mul3A_2, %dma_start3A_673] : memref<50x1024x128xf32, #tpu.memory_space<hbm>> -> memref<1x32x128xf32, #tpu.memory_space<hbm>>
      %dma_start3A_675 = tpu.memref_squeeze %dma_start3A_674 : memref<1x32x128xf32, #tpu.memory_space<hbm>> -> memref<32x128xf32, #tpu.memory_space<hbm>>
      tpu.enqueue_dma source(%arg7 : memref<32x128xf32, #tpu.memory_space<vmem>>) target(%dma_start3A_675 : memref<32x128xf32, #tpu.memory_space<hbm>>) target_semaphore(%run_scoped3A_669 : memref<!tpu.dma_semaphore, #tpu.memory_space<semaphore_mem>>)
      %dma_wait3A_676 = arith.constant 0 : i32
      %dma_wait3A_677 = tpu.memref_slice %arg4[%run_scoped3A_232, %mul3A_2, %dma_wait3A_676] : memref<50x1024x128xf32, #tpu.memory_space<hbm>> -> memref<1x32x128xf32, #tpu.memory_space<hbm>>
      %dma_wait3A_678 = tpu.memref_squeeze %dma_wait3A_677 : memref<1x32x128xf32, #tpu.memory_space<hbm>> -> memref<32x128xf32, #tpu.memory_space<hbm>>
      %dma_wait3A_679 = arith.constant 0 : i32
      %dma_wait3A_680 = tpu.memref_slice %arg4[%run_scoped3A_232, %mul3A_2, %dma_wait3A_679] : memref<50x1024x128xf32, #tpu.memory_space<hbm>> -> memref<1x32x128xf32, #tpu.memory_space<hbm>>
      %dma_wait3A_681 = tpu.memref_squeeze %dma_wait3A_680 : memref<1x32x128xf32, #tpu.memory_space<hbm>> -> memref<32x128xf32, #tpu.memory_space<hbm>>
      tpu.wait_dma2 semaphore(%run_scoped3A_669 : memref<!tpu.dma_semaphore, #tpu.memory_space<semaphore_mem>>) src(%arg7 : memref<32x128xf32, #tpu.memory_space<vmem>>) dst(%dma_wait3A_681 : memref<32x128xf32, #tpu.memory_space<hbm>>)
      tpu.yield
    }) : () -> ()
    %dma_wait3A_233 = arith.constant 16 : i32
    %dma_wait3A_234 = tpu.memref_slice %arg5[%dma_wait3A_233, %sub3A_21] : memref<50x128xi32, #tpu.memory_space<vmem>> -> memref<1x32xi32, #tpu.memory_space<vmem>>
    %dma_wait3A_235 = tpu.memref_squeeze %dma_wait3A_234 : memref<1x32xi32, #tpu.memory_space<vmem>> -> memref<32xi32, #tpu.memory_space<vmem>>
    %dma_wait3A_236 = arith.constant 0 : i32
    %dma_wait3A_237 = arith.constant 0 : i32
    %dma_wait3A_238 = tpu.memref_slice %arg3[%dma_wait3A_236, %dma_wait3A_237] : memref<1000x128xf32, #tpu.memory_space<hbm>> -> memref<1000x128xf32, #tpu.memory_space<hbm>>
    tpu.wait_indirect_dma semaphore(%arg8 : memref<!tpu.dma_semaphore, #tpu.memory_space<semaphore_mem>>) src(%dma_wait3A_238 : memref<1000x128xf32, #tpu.memory_space<hbm>>) dst(%arg6 : memref<32x128xf32, #tpu.memory_space<vmem>>)
    %dma_start3A_239 = arith.constant 17 : i32
    %dma_start3A_240 = tpu.memref_slice %arg5[%dma_start3A_239, %sub3A_21] : memref<50x128xi32, #tpu.memory_space<vmem>> -> memref<1x32xi32, #tpu.memory_space<vmem>>
    %dma_start3A_241 = tpu.memref_squeeze %dma_start3A_240 : memref<1x32xi32, #tpu.memory_space<vmem>> -> memref<32xi32, #tpu.memory_space<vmem>>
    %dma_start3A_242 = arith.constant 0 : i32
    %dma_start3A_243 = arith.constant 0 : i32
    %dma_start3A_244 = tpu.memref_slice %arg3[%dma_start3A_242, %dma_start3A_243] : memref<1000x128xf32, #tpu.memory_space<hbm>> -> memref<1000x128xf32, #tpu.memory_space<hbm>>
    tpu.enqueue_indirect_dma source(%dma_start3A_244 : memref<1000x128xf32, #tpu.memory_space<hbm>>) target(%arg7 : memref<32x128xf32, #tpu.memory_space<vmem>>) offsets(%dma_start3A_241 : memref<32xi32, #tpu.memory_space<vmem>>) semaphore(%arg9 : memref<!tpu.dma_semaphore, #tpu.memory_space<semaphore_mem>>)
    %run_scoped3A_245 = arith.constant 16 : i32
    "tpu.region"() ({
      %run_scoped3A_669 = tpu.sem_alloc : memref<!tpu.dma_semaphore, #tpu.memory_space<semaphore_mem>>
      %dma_start3A_670 = arith.constant 0 : i32
      %dma_start3A_671 = tpu.memref_slice %arg4[%run_scoped3A_245, %mul3A_2, %dma_start3A_670] : memref<50x1024x128xf32, #tpu.memory_space<hbm>> -> memref<1x32x128xf32, #tpu.memory_space<hbm>>
      %dma_start3A_672 = tpu.memref_squeeze %dma_start3A_671 : memref<1x32x128xf32, #tpu.memory_space<hbm>> -> memref<32x128xf32, #tpu.memory_space<hbm>>
      %dma_start3A_673 = arith.constant 0 : i32
      %dma_start3A_674 = tpu.memref_slice %arg4[%run_scoped3A_245, %mul3A_2, %dma_start3A_673] : memref<50x1024x128xf32, #tpu.memory_space<hbm>> -> memref<1x32x128xf32, #tpu.memory_space<hbm>>
      %dma_start3A_675 = tpu.memref_squeeze %dma_start3A_674 : memref<1x32x128xf32, #tpu.memory_space<hbm>> -> memref<32x128xf32, #tpu.memory_space<hbm>>
      tpu.enqueue_dma source(%arg6 : memref<32x128xf32, #tpu.memory_space<vmem>>) target(%dma_start3A_675 : memref<32x128xf32, #tpu.memory_space<hbm>>) target_semaphore(%run_scoped3A_669 : memref<!tpu.dma_semaphore, #tpu.memory_space<semaphore_mem>>)
      %dma_wait3A_676 = arith.constant 0 : i32
      %dma_wait3A_677 = tpu.memref_slice %arg4[%run_scoped3A_245, %mul3A_2, %dma_wait3A_676] : memref<50x1024x128xf32, #tpu.memory_space<hbm>> -> memref<1x32x128xf32, #tpu.memory_space<hbm>>
      %dma_wait3A_678 = tpu.memref_squeeze %dma_wait3A_677 : memref<1x32x128xf32, #tpu.memory_space<hbm>> -> memref<32x128xf32, #tpu.memory_space<hbm>>
      %dma_wait3A_679 = arith.constant 0 : i32
      %dma_wait3A_680 = tpu.memref_slice %arg4[%run_scoped3A_245, %mul3A_2, %dma_wait3A_679] : memref<50x1024x128xf32, #tpu.memory_space<hbm>> -> memref<1x32x128xf32, #tpu.memory_space<hbm>>
      %dma_wait3A_681 = tpu.memref_squeeze %dma_wait3A_680 : memref<1x32x128xf32, #tpu.memory_space<hbm>> -> memref<32x128xf32, #tpu.memory_space<hbm>>
      tpu.wait_dma2 semaphore(%run_scoped3A_669 : memref<!tpu.dma_semaphore, #tpu.memory_space<semaphore_mem>>) src(%arg6 : memref<32x128xf32, #tpu.memory_space<vmem>>) dst(%dma_wait3A_681 : memref<32x128xf32, #tpu.memory_space<hbm>>)
      tpu.yield
    }) : () -> ()
    %dma_wait3A_246 = arith.constant 17 : i32
    %dma_wait3A_247 = tpu.memref_slice %arg5[%dma_wait3A_246, %sub3A_21] : memref<50x128xi32, #tpu.memory_space<vmem>> -> memref<1x32xi32, #tpu.memory_space<vmem>>
    %dma_wait3A_248 = tpu.memref_squeeze %dma_wait3A_247 : memref<1x32xi32, #tpu.memory_space<vmem>> -> memref<32xi32, #tpu.memory_space<vmem>>
    %dma_wait3A_249 = arith.constant 0 : i32
    %dma_wait3A_250 = arith.constant 0 : i32
    %dma_wait3A_251 = tpu.memref_slice %arg3[%dma_wait3A_249, %dma_wait3A_250] : memref<1000x128xf32, #tpu.memory_space<hbm>> -> memref<1000x128xf32, #tpu.memory_space<hbm>>
    tpu.wait_indirect_dma semaphore(%arg9 : memref<!tpu.dma_semaphore, #tpu.memory_space<semaphore_mem>>) src(%dma_wait3A_251 : memref<1000x128xf32, #tpu.memory_space<hbm>>) dst(%arg7 : memref<32x128xf32, #tpu.memory_space<vmem>>)
    %dma_start3A_252 = arith.constant 18 : i32
    %dma_start3A_253 = tpu.memref_slice %arg5[%dma_start3A_252, %sub3A_21] : memref<50x128xi32, #tpu.memory_space<vmem>> -> memref<1x32xi32, #tpu.memory_space<vmem>>
    %dma_start3A_254 = tpu.memref_squeeze %dma_start3A_253 : memref<1x32xi32, #tpu.memory_space<vmem>> -> memref<32xi32, #tpu.memory_space<vmem>>
    %dma_start3A_255 = arith.constant 0 : i32
    %dma_start3A_256 = arith.constant 0 : i32
    %dma_start3A_257 = tpu.memref_slice %arg3[%dma_start3A_255, %dma_start3A_256] : memref<1000x128xf32, #tpu.memory_space<hbm>> -> memref<1000x128xf32, #tpu.memory_space<hbm>>
    tpu.enqueue_indirect_dma source(%dma_start3A_257 : memref<1000x128xf32, #tpu.memory_space<hbm>>) target(%arg6 : memref<32x128xf32, #tpu.memory_space<vmem>>) offsets(%dma_start3A_254 : memref<32xi32, #tpu.memory_space<vmem>>) semaphore(%arg8 : memref<!tpu.dma_semaphore, #tpu.memory_space<semaphore_mem>>)
    %run_scoped3A_258 = arith.constant 17 : i32
    "tpu.region"() ({
      %run_scoped3A_669 = tpu.sem_alloc : memref<!tpu.dma_semaphore, #tpu.memory_space<semaphore_mem>>
      %dma_start3A_670 = arith.constant 0 : i32
      %dma_start3A_671 = tpu.memref_slice %arg4[%run_scoped3A_258, %mul3A_2, %dma_start3A_670] : memref<50x1024x128xf32, #tpu.memory_space<hbm>> -> memref<1x32x128xf32, #tpu.memory_space<hbm>>
      %dma_start3A_672 = tpu.memref_squeeze %dma_start3A_671 : memref<1x32x128xf32, #tpu.memory_space<hbm>> -> memref<32x128xf32, #tpu.memory_space<hbm>>
      %dma_start3A_673 = arith.constant 0 : i32
      %dma_start3A_674 = tpu.memref_slice %arg4[%run_scoped3A_258, %mul3A_2, %dma_start3A_673] : memref<50x1024x128xf32, #tpu.memory_space<hbm>> -> memref<1x32x128xf32, #tpu.memory_space<hbm>>
      %dma_start3A_675 = tpu.memref_squeeze %dma_start3A_674 : memref<1x32x128xf32, #tpu.memory_space<hbm>> -> memref<32x128xf32, #tpu.memory_space<hbm>>
      tpu.enqueue_dma source(%arg7 : memref<32x128xf32, #tpu.memory_space<vmem>>) target(%dma_start3A_675 : memref<32x128xf32, #tpu.memory_space<hbm>>) target_semaphore(%run_scoped3A_669 : memref<!tpu.dma_semaphore, #tpu.memory_space<semaphore_mem>>)
      %dma_wait3A_676 = arith.constant 0 : i32
      %dma_wait3A_677 = tpu.memref_slice %arg4[%run_scoped3A_258, %mul3A_2, %dma_wait3A_676] : memref<50x1024x128xf32, #tpu.memory_space<hbm>> -> memref<1x32x128xf32, #tpu.memory_space<hbm>>
      %dma_wait3A_678 = tpu.memref_squeeze %dma_wait3A_677 : memref<1x32x128xf32, #tpu.memory_space<hbm>> -> memref<32x128xf32, #tpu.memory_space<hbm>>
      %dma_wait3A_679 = arith.constant 0 : i32
      %dma_wait3A_680 = tpu.memref_slice %arg4[%run_scoped3A_258, %mul3A_2, %dma_wait3A_679] : memref<50x1024x128xf32, #tpu.memory_space<hbm>> -> memref<1x32x128xf32, #tpu.memory_space<hbm>>
      %dma_wait3A_681 = tpu.memref_squeeze %dma_wait3A_680 : memref<1x32x128xf32, #tpu.memory_space<hbm>> -> memref<32x128xf32, #tpu.memory_space<hbm>>
      tpu.wait_dma2 semaphore(%run_scoped3A_669 : memref<!tpu.dma_semaphore, #tpu.memory_space<semaphore_mem>>) src(%arg7 : memref<32x128xf32, #tpu.memory_space<vmem>>) dst(%dma_wait3A_681 : memref<32x128xf32, #tpu.memory_space<hbm>>)
      tpu.yield
    }) : () -> ()
    %dma_wait3A_259 = arith.constant 18 : i32
    %dma_wait3A_260 = tpu.memref_slice %arg5[%dma_wait3A_259, %sub3A_21] : memref<50x128xi32, #tpu.memory_space<vmem>> -> memref<1x32xi32, #tpu.memory_space<vmem>>
    %dma_wait3A_261 = tpu.memref_squeeze %dma_wait3A_260 : memref<1x32xi32, #tpu.memory_space<vmem>> -> memref<32xi32, #tpu.memory_space<vmem>>
    %dma_wait3A_262 = arith.constant 0 : i32
    %dma_wait3A_263 = arith.constant 0 : i32
    %dma_wait3A_264 = tpu.memref_slice %arg3[%dma_wait3A_262, %dma_wait3A_263] : memref<1000x128xf32, #tpu.memory_space<hbm>> -> memref<1000x128xf32, #tpu.memory_space<hbm>>
    tpu.wait_indirect_dma semaphore(%arg8 : memref<!tpu.dma_semaphore, #tpu.memory_space<semaphore_mem>>) src(%dma_wait3A_264 : memref<1000x128xf32, #tpu.memory_space<hbm>>) dst(%arg6 : memref<32x128xf32, #tpu.memory_space<vmem>>)
    %dma_start3A_265 = arith.constant 19 : i32
    %dma_start3A_266 = tpu.memref_slice %arg5[%dma_start3A_265, %sub3A_21] : memref<50x128xi32, #tpu.memory_space<vmem>> -> memref<1x32xi32, #tpu.memory_space<vmem>>
    %dma_start3A_267 = tpu.memref_squeeze %dma_start3A_266 : memref<1x32xi32, #tpu.memory_space<vmem>> -> memref<32xi32, #tpu.memory_space<vmem>>
    %dma_start3A_268 = arith.constant 0 : i32
    %dma_start3A_269 = arith.constant 0 : i32
    %dma_start3A_270 = tpu.memref_slice %arg3[%dma_start3A_268, %dma_start3A_269] : memref<1000x128xf32, #tpu.memory_space<hbm>> -> memref<1000x128xf32, #tpu.memory_space<hbm>>
    tpu.enqueue_indirect_dma source(%dma_start3A_270 : memref<1000x128xf32, #tpu.memory_space<hbm>>) target(%arg7 : memref<32x128xf32, #tpu.memory_space<vmem>>) offsets(%dma_start3A_267 : memref<32xi32, #tpu.memory_space<vmem>>) semaphore(%arg9 : memref<!tpu.dma_semaphore, #tpu.memory_space<semaphore_mem>>)
    %run_scoped3A_271 = arith.constant 18 : i32
    "tpu.region"() ({
      %run_scoped3A_669 = tpu.sem_alloc : memref<!tpu.dma_semaphore, #tpu.memory_space<semaphore_mem>>
      %dma_start3A_670 = arith.constant 0 : i32
      %dma_start3A_671 = tpu.memref_slice %arg4[%run_scoped3A_271, %mul3A_2, %dma_start3A_670] : memref<50x1024x128xf32, #tpu.memory_space<hbm>> -> memref<1x32x128xf32, #tpu.memory_space<hbm>>
      %dma_start3A_672 = tpu.memref_squeeze %dma_start3A_671 : memref<1x32x128xf32, #tpu.memory_space<hbm>> -> memref<32x128xf32, #tpu.memory_space<hbm>>
      %dma_start3A_673 = arith.constant 0 : i32
      %dma_start3A_674 = tpu.memref_slice %arg4[%run_scoped3A_271, %mul3A_2, %dma_start3A_673] : memref<50x1024x128xf32, #tpu.memory_space<hbm>> -> memref<1x32x128xf32, #tpu.memory_space<hbm>>
      %dma_start3A_675 = tpu.memref_squeeze %dma_start3A_674 : memref<1x32x128xf32, #tpu.memory_space<hbm>> -> memref<32x128xf32, #tpu.memory_space<hbm>>
      tpu.enqueue_dma source(%arg6 : memref<32x128xf32, #tpu.memory_space<vmem>>) target(%dma_start3A_675 : memref<32x128xf32, #tpu.memory_space<hbm>>) target_semaphore(%run_scoped3A_669 : memref<!tpu.dma_semaphore, #tpu.memory_space<semaphore_mem>>)
      %dma_wait3A_676 = arith.constant 0 : i32
      %dma_wait3A_677 = tpu.memref_slice %arg4[%run_scoped3A_271, %mul3A_2, %dma_wait3A_676] : memref<50x1024x128xf32, #tpu.memory_space<hbm>> -> memref<1x32x128xf32, #tpu.memory_space<hbm>>
      %dma_wait3A_678 = tpu.memref_squeeze %dma_wait3A_677 : memref<1x32x128xf32, #tpu.memory_space<hbm>> -> memref<32x128xf32, #tpu.memory_space<hbm>>
      %dma_wait3A_679 = arith.constant 0 : i32
      %dma_wait3A_680 = tpu.memref_slice %arg4[%run_scoped3A_271, %mul3A_2, %dma_wait3A_679] : memref<50x1024x128xf32, #tpu.memory_space<hbm>> -> memref<1x32x128xf32, #tpu.memory_space<hbm>>
      %dma_wait3A_681 = tpu.memref_squeeze %dma_wait3A_680 : memref<1x32x128xf32, #tpu.memory_space<hbm>> -> memref<32x128xf32, #tpu.memory_space<hbm>>
      tpu.wait_dma2 semaphore(%run_scoped3A_669 : memref<!tpu.dma_semaphore, #tpu.memory_space<semaphore_mem>>) src(%arg6 : memref<32x128xf32, #tpu.memory_space<vmem>>) dst(%dma_wait3A_681 : memref<32x128xf32, #tpu.memory_space<hbm>>)
      tpu.yield
    }) : () -> ()
    %dma_wait3A_272 = arith.constant 19 : i32
    %dma_wait3A_273 = tpu.memref_slice %arg5[%dma_wait3A_272, %sub3A_21] : memref<50x128xi32, #tpu.memory_space<vmem>> -> memref<1x32xi32, #tpu.memory_space<vmem>>
    %dma_wait3A_274 = tpu.memref_squeeze %dma_wait3A_273 : memref<1x32xi32, #tpu.memory_space<vmem>> -> memref<32xi32, #tpu.memory_space<vmem>>
    %dma_wait3A_275 = arith.constant 0 : i32
    %dma_wait3A_276 = arith.constant 0 : i32
    %dma_wait3A_277 = tpu.memref_slice %arg3[%dma_wait3A_275, %dma_wait3A_276] : memref<1000x128xf32, #tpu.memory_space<hbm>> -> memref<1000x128xf32, #tpu.memory_space<hbm>>
    tpu.wait_indirect_dma semaphore(%arg9 : memref<!tpu.dma_semaphore, #tpu.memory_space<semaphore_mem>>) src(%dma_wait3A_277 : memref<1000x128xf32, #tpu.memory_space<hbm>>) dst(%arg7 : memref<32x128xf32, #tpu.memory_space<vmem>>)
    %dma_start3A_278 = arith.constant 20 : i32
    %dma_start3A_279 = tpu.memref_slice %arg5[%dma_start3A_278, %sub3A_21] : memref<50x128xi32, #tpu.memory_space<vmem>> -> memref<1x32xi32, #tpu.memory_space<vmem>>
    %dma_start3A_280 = tpu.memref_squeeze %dma_start3A_279 : memref<1x32xi32, #tpu.memory_space<vmem>> -> memref<32xi32, #tpu.memory_space<vmem>>
    %dma_start3A_281 = arith.constant 0 : i32
    %dma_start3A_282 = arith.constant 0 : i32
    %dma_start3A_283 = tpu.memref_slice %arg3[%dma_start3A_281, %dma_start3A_282] : memref<1000x128xf32, #tpu.memory_space<hbm>> -> memref<1000x128xf32, #tpu.memory_space<hbm>>
    tpu.enqueue_indirect_dma source(%dma_start3A_283 : memref<1000x128xf32, #tpu.memory_space<hbm>>) target(%arg6 : memref<32x128xf32, #tpu.memory_space<vmem>>) offsets(%dma_start3A_280 : memref<32xi32, #tpu.memory_space<vmem>>) semaphore(%arg8 : memref<!tpu.dma_semaphore, #tpu.memory_space<semaphore_mem>>)
    %run_scoped3A_284 = arith.constant 19 : i32
    "tpu.region"() ({
      %run_scoped3A_669 = tpu.sem_alloc : memref<!tpu.dma_semaphore, #tpu.memory_space<semaphore_mem>>
      %dma_start3A_670 = arith.constant 0 : i32
      %dma_start3A_671 = tpu.memref_slice %arg4[%run_scoped3A_284, %mul3A_2, %dma_start3A_670] : memref<50x1024x128xf32, #tpu.memory_space<hbm>> -> memref<1x32x128xf32, #tpu.memory_space<hbm>>
      %dma_start3A_672 = tpu.memref_squeeze %dma_start3A_671 : memref<1x32x128xf32, #tpu.memory_space<hbm>> -> memref<32x128xf32, #tpu.memory_space<hbm>>
      %dma_start3A_673 = arith.constant 0 : i32
      %dma_start3A_674 = tpu.memref_slice %arg4[%run_scoped3A_284, %mul3A_2, %dma_start3A_673] : memref<50x1024x128xf32, #tpu.memory_space<hbm>> -> memref<1x32x128xf32, #tpu.memory_space<hbm>>
      %dma_start3A_675 = tpu.memref_squeeze %dma_start3A_674 : memref<1x32x128xf32, #tpu.memory_space<hbm>> -> memref<32x128xf32, #tpu.memory_space<hbm>>
      tpu.enqueue_dma source(%arg7 : memref<32x128xf32, #tpu.memory_space<vmem>>) target(%dma_start3A_675 : memref<32x128xf32, #tpu.memory_space<hbm>>) target_semaphore(%run_scoped3A_669 : memref<!tpu.dma_semaphore, #tpu.memory_space<semaphore_mem>>)
      %dma_wait3A_676 = arith.constant 0 : i32
      %dma_wait3A_677 = tpu.memref_slice %arg4[%run_scoped3A_284, %mul3A_2, %dma_wait3A_676] : memref<50x1024x128xf32, #tpu.memory_space<hbm>> -> memref<1x32x128xf32, #tpu.memory_space<hbm>>
      %dma_wait3A_678 = tpu.memref_squeeze %dma_wait3A_677 : memref<1x32x128xf32, #tpu.memory_space<hbm>> -> memref<32x128xf32, #tpu.memory_space<hbm>>
      %dma_wait3A_679 = arith.constant 0 : i32
      %dma_wait3A_680 = tpu.memref_slice %arg4[%run_scoped3A_284, %mul3A_2, %dma_wait3A_679] : memref<50x1024x128xf32, #tpu.memory_space<hbm>> -> memref<1x32x128xf32, #tpu.memory_space<hbm>>
      %dma_wait3A_681 = tpu.memref_squeeze %dma_wait3A_680 : memref<1x32x128xf32, #tpu.memory_space<hbm>> -> memref<32x128xf32, #tpu.memory_space<hbm>>
      tpu.wait_dma2 semaphore(%run_scoped3A_669 : memref<!tpu.dma_semaphore, #tpu.memory_space<semaphore_mem>>) src(%arg7 : memref<32x128xf32, #tpu.memory_space<vmem>>) dst(%dma_wait3A_681 : memref<32x128xf32, #tpu.memory_space<hbm>>)
      tpu.yield
    }) : () -> ()
    %dma_wait3A_285 = arith.constant 20 : i32
    %dma_wait3A_286 = tpu.memref_slice %arg5[%dma_wait3A_285, %sub3A_21] : memref<50x128xi32, #tpu.memory_space<vmem>> -> memref<1x32xi32, #tpu.memory_space<vmem>>
    %dma_wait3A_287 = tpu.memref_squeeze %dma_wait3A_286 : memref<1x32xi32, #tpu.memory_space<vmem>> -> memref<32xi32, #tpu.memory_space<vmem>>
    %dma_wait3A_288 = arith.constant 0 : i32
    %dma_wait3A_289 = arith.constant 0 : i32
    %dma_wait3A_290 = tpu.memref_slice %arg3[%dma_wait3A_288, %dma_wait3A_289] : memref<1000x128xf32, #tpu.memory_space<hbm>> -> memref<1000x128xf32, #tpu.memory_space<hbm>>
    tpu.wait_indirect_dma semaphore(%arg8 : memref<!tpu.dma_semaphore, #tpu.memory_space<semaphore_mem>>) src(%dma_wait3A_290 : memref<1000x128xf32, #tpu.memory_space<hbm>>) dst(%arg6 : memref<32x128xf32, #tpu.memory_space<vmem>>)
    %dma_start3A_291 = arith.constant 21 : i32
    %dma_start3A_292 = tpu.memref_slice %arg5[%dma_start3A_291, %sub3A_21] : memref<50x128xi32, #tpu.memory_space<vmem>> -> memref<1x32xi32, #tpu.memory_space<vmem>>
    %dma_start3A_293 = tpu.memref_squeeze %dma_start3A_292 : memref<1x32xi32, #tpu.memory_space<vmem>> -> memref<32xi32, #tpu.memory_space<vmem>>
    %dma_start3A_294 = arith.constant 0 : i32
    %dma_start3A_295 = arith.constant 0 : i32
    %dma_start3A_296 = tpu.memref_slice %arg3[%dma_start3A_294, %dma_start3A_295] : memref<1000x128xf32, #tpu.memory_space<hbm>> -> memref<1000x128xf32, #tpu.memory_space<hbm>>
    tpu.enqueue_indirect_dma source(%dma_start3A_296 : memref<1000x128xf32, #tpu.memory_space<hbm>>) target(%arg7 : memref<32x128xf32, #tpu.memory_space<vmem>>) offsets(%dma_start3A_293 : memref<32xi32, #tpu.memory_space<vmem>>) semaphore(%arg9 : memref<!tpu.dma_semaphore, #tpu.memory_space<semaphore_mem>>)
    %run_scoped3A_297 = arith.constant 20 : i32
    "tpu.region"() ({
      %run_scoped3A_669 = tpu.sem_alloc : memref<!tpu.dma_semaphore, #tpu.memory_space<semaphore_mem>>
      %dma_start3A_670 = arith.constant 0 : i32
      %dma_start3A_671 = tpu.memref_slice %arg4[%run_scoped3A_297, %mul3A_2, %dma_start3A_670] : memref<50x1024x128xf32, #tpu.memory_space<hbm>> -> memref<1x32x128xf32, #tpu.memory_space<hbm>>
      %dma_start3A_672 = tpu.memref_squeeze %dma_start3A_671 : memref<1x32x128xf32, #tpu.memory_space<hbm>> -> memref<32x128xf32, #tpu.memory_space<hbm>>
      %dma_start3A_673 = arith.constant 0 : i32
      %dma_start3A_674 = tpu.memref_slice %arg4[%run_scoped3A_297, %mul3A_2, %dma_start3A_673] : memref<50x1024x128xf32, #tpu.memory_space<hbm>> -> memref<1x32x128xf32, #tpu.memory_space<hbm>>
      %dma_start3A_675 = tpu.memref_squeeze %dma_start3A_674 : memref<1x32x128xf32, #tpu.memory_space<hbm>> -> memref<32x128xf32, #tpu.memory_space<hbm>>
      tpu.enqueue_dma source(%arg6 : memref<32x128xf32, #tpu.memory_space<vmem>>) target(%dma_start3A_675 : memref<32x128xf32, #tpu.memory_space<hbm>>) target_semaphore(%run_scoped3A_669 : memref<!tpu.dma_semaphore, #tpu.memory_space<semaphore_mem>>)
      %dma_wait3A_676 = arith.constant 0 : i32
      %dma_wait3A_677 = tpu.memref_slice %arg4[%run_scoped3A_297, %mul3A_2, %dma_wait3A_676] : memref<50x1024x128xf32, #tpu.memory_space<hbm>> -> memref<1x32x128xf32, #tpu.memory_space<hbm>>
      %dma_wait3A_678 = tpu.memref_squeeze %dma_wait3A_677 : memref<1x32x128xf32, #tpu.memory_space<hbm>> -> memref<32x128xf32, #tpu.memory_space<hbm>>
      %dma_wait3A_679 = arith.constant 0 : i32
      %dma_wait3A_680 = tpu.memref_slice %arg4[%run_scoped3A_297, %mul3A_2, %dma_wait3A_679] : memref<50x1024x128xf32, #tpu.memory_space<hbm>> -> memref<1x32x128xf32, #tpu.memory_space<hbm>>
      %dma_wait3A_681 = tpu.memref_squeeze %dma_wait3A_680 : memref<1x32x128xf32, #tpu.memory_space<hbm>> -> memref<32x128xf32, #tpu.memory_space<hbm>>
      tpu.wait_dma2 semaphore(%run_scoped3A_669 : memref<!tpu.dma_semaphore, #tpu.memory_space<semaphore_mem>>) src(%arg6 : memref<32x128xf32, #tpu.memory_space<vmem>>) dst(%dma_wait3A_681 : memref<32x128xf32, #tpu.memory_space<hbm>>)
      tpu.yield
    }) : () -> ()
    %dma_wait3A_298 = arith.constant 21 : i32
    %dma_wait3A_299 = tpu.memref_slice %arg5[%dma_wait3A_298, %sub3A_21] : memref<50x128xi32, #tpu.memory_space<vmem>> -> memref<1x32xi32, #tpu.memory_space<vmem>>
    %dma_wait3A_300 = tpu.memref_squeeze %dma_wait3A_299 : memref<1x32xi32, #tpu.memory_space<vmem>> -> memref<32xi32, #tpu.memory_space<vmem>>
    %dma_wait3A_301 = arith.constant 0 : i32
    %dma_wait3A_302 = arith.constant 0 : i32
    %dma_wait3A_303 = tpu.memref_slice %arg3[%dma_wait3A_301, %dma_wait3A_302] : memref<1000x128xf32, #tpu.memory_space<hbm>> -> memref<1000x128xf32, #tpu.memory_space<hbm>>
    tpu.wait_indirect_dma semaphore(%arg9 : memref<!tpu.dma_semaphore, #tpu.memory_space<semaphore_mem>>) src(%dma_wait3A_303 : memref<1000x128xf32, #tpu.memory_space<hbm>>) dst(%arg7 : memref<32x128xf32, #tpu.memory_space<vmem>>)
    %dma_start3A_304 = arith.constant 22 : i32
    %dma_start3A_305 = tpu.memref_slice %arg5[%dma_start3A_304, %sub3A_21] : memref<50x128xi32, #tpu.memory_space<vmem>> -> memref<1x32xi32, #tpu.memory_space<vmem>>
    %dma_start3A_306 = tpu.memref_squeeze %dma_start3A_305 : memref<1x32xi32, #tpu.memory_space<vmem>> -> memref<32xi32, #tpu.memory_space<vmem>>
    %dma_start3A_307 = arith.constant 0 : i32
    %dma_start3A_308 = arith.constant 0 : i32
    %dma_start3A_309 = tpu.memref_slice %arg3[%dma_start3A_307, %dma_start3A_308] : memref<1000x128xf32, #tpu.memory_space<hbm>> -> memref<1000x128xf32, #tpu.memory_space<hbm>>
    tpu.enqueue_indirect_dma source(%dma_start3A_309 : memref<1000x128xf32, #tpu.memory_space<hbm>>) target(%arg6 : memref<32x128xf32, #tpu.memory_space<vmem>>) offsets(%dma_start3A_306 : memref<32xi32, #tpu.memory_space<vmem>>) semaphore(%arg8 : memref<!tpu.dma_semaphore, #tpu.memory_space<semaphore_mem>>)
    %run_scoped3A_310 = arith.constant 21 : i32
    "tpu.region"() ({
      %run_scoped3A_669 = tpu.sem_alloc : memref<!tpu.dma_semaphore, #tpu.memory_space<semaphore_mem>>
      %dma_start3A_670 = arith.constant 0 : i32
      %dma_start3A_671 = tpu.memref_slice %arg4[%run_scoped3A_310, %mul3A_2, %dma_start3A_670] : memref<50x1024x128xf32, #tpu.memory_space<hbm>> -> memref<1x32x128xf32, #tpu.memory_space<hbm>>
      %dma_start3A_672 = tpu.memref_squeeze %dma_start3A_671 : memref<1x32x128xf32, #tpu.memory_space<hbm>> -> memref<32x128xf32, #tpu.memory_space<hbm>>
      %dma_start3A_673 = arith.constant 0 : i32
      %dma_start3A_674 = tpu.memref_slice %arg4[%run_scoped3A_310, %mul3A_2, %dma_start3A_673] : memref<50x1024x128xf32, #tpu.memory_space<hbm>> -> memref<1x32x128xf32, #tpu.memory_space<hbm>>
      %dma_start3A_675 = tpu.memref_squeeze %dma_start3A_674 : memref<1x32x128xf32, #tpu.memory_space<hbm>> -> memref<32x128xf32, #tpu.memory_space<hbm>>
      tpu.enqueue_dma source(%arg7 : memref<32x128xf32, #tpu.memory_space<vmem>>) target(%dma_start3A_675 : memref<32x128xf32, #tpu.memory_space<hbm>>) target_semaphore(%run_scoped3A_669 : memref<!tpu.dma_semaphore, #tpu.memory_space<semaphore_mem>>)
      %dma_wait3A_676 = arith.constant 0 : i32
      %dma_wait3A_677 = tpu.memref_slice %arg4[%run_scoped3A_310, %mul3A_2, %dma_wait3A_676] : memref<50x1024x128xf32, #tpu.memory_space<hbm>> -> memref<1x32x128xf32, #tpu.memory_space<hbm>>
      %dma_wait3A_678 = tpu.memref_squeeze %dma_wait3A_677 : memref<1x32x128xf32, #tpu.memory_space<hbm>> -> memref<32x128xf32, #tpu.memory_space<hbm>>
      %dma_wait3A_679 = arith.constant 0 : i32
      %dma_wait3A_680 = tpu.memref_slice %arg4[%run_scoped3A_310, %mul3A_2, %dma_wait3A_679] : memref<50x1024x128xf32, #tpu.memory_space<hbm>> -> memref<1x32x128xf32, #tpu.memory_space<hbm>>
      %dma_wait3A_681 = tpu.memref_squeeze %dma_wait3A_680 : memref<1x32x128xf32, #tpu.memory_space<hbm>> -> memref<32x128xf32, #tpu.memory_space<hbm>>
      tpu.wait_dma2 semaphore(%run_scoped3A_669 : memref<!tpu.dma_semaphore, #tpu.memory_space<semaphore_mem>>) src(%arg7 : memref<32x128xf32, #tpu.memory_space<vmem>>) dst(%dma_wait3A_681 : memref<32x128xf32, #tpu.memory_space<hbm>>)
      tpu.yield
    }) : () -> ()
    %dma_wait3A_311 = arith.constant 22 : i32
    %dma_wait3A_312 = tpu.memref_slice %arg5[%dma_wait3A_311, %sub3A_21] : memref<50x128xi32, #tpu.memory_space<vmem>> -> memref<1x32xi32, #tpu.memory_space<vmem>>
    %dma_wait3A_313 = tpu.memref_squeeze %dma_wait3A_312 : memref<1x32xi32, #tpu.memory_space<vmem>> -> memref<32xi32, #tpu.memory_space<vmem>>
    %dma_wait3A_314 = arith.constant 0 : i32
    %dma_wait3A_315 = arith.constant 0 : i32
    %dma_wait3A_316 = tpu.memref_slice %arg3[%dma_wait3A_314, %dma_wait3A_315] : memref<1000x128xf32, #tpu.memory_space<hbm>> -> memref<1000x128xf32, #tpu.memory_space<hbm>>
    tpu.wait_indirect_dma semaphore(%arg8 : memref<!tpu.dma_semaphore, #tpu.memory_space<semaphore_mem>>) src(%dma_wait3A_316 : memref<1000x128xf32, #tpu.memory_space<hbm>>) dst(%arg6 : memref<32x128xf32, #tpu.memory_space<vmem>>)
    %dma_start3A_317 = arith.constant 23 : i32
    %dma_start3A_318 = tpu.memref_slice %arg5[%dma_start3A_317, %sub3A_21] : memref<50x128xi32, #tpu.memory_space<vmem>> -> memref<1x32xi32, #tpu.memory_space<vmem>>
    %dma_start3A_319 = tpu.memref_squeeze %dma_start3A_318 : memref<1x32xi32, #tpu.memory_space<vmem>> -> memref<32xi32, #tpu.memory_space<vmem>>
    %dma_start3A_320 = arith.constant 0 : i32
    %dma_start3A_321 = arith.constant 0 : i32
    %dma_start3A_322 = tpu.memref_slice %arg3[%dma_start3A_320, %dma_start3A_321] : memref<1000x128xf32, #tpu.memory_space<hbm>> -> memref<1000x128xf32, #tpu.memory_space<hbm>>
    tpu.enqueue_indirect_dma source(%dma_start3A_322 : memref<1000x128xf32, #tpu.memory_space<hbm>>) target(%arg7 : memref<32x128xf32, #tpu.memory_space<vmem>>) offsets(%dma_start3A_319 : memref<32xi32, #tpu.memory_space<vmem>>) semaphore(%arg9 : memref<!tpu.dma_semaphore, #tpu.memory_space<semaphore_mem>>)
    %run_scoped3A_323 = arith.constant 22 : i32
    "tpu.region"() ({
      %run_scoped3A_669 = tpu.sem_alloc : memref<!tpu.dma_semaphore, #tpu.memory_space<semaphore_mem>>
      %dma_start3A_670 = arith.constant 0 : i32
      %dma_start3A_671 = tpu.memref_slice %arg4[%run_scoped3A_323, %mul3A_2, %dma_start3A_670] : memref<50x1024x128xf32, #tpu.memory_space<hbm>> -> memref<1x32x128xf32, #tpu.memory_space<hbm>>
      %dma_start3A_672 = tpu.memref_squeeze %dma_start3A_671 : memref<1x32x128xf32, #tpu.memory_space<hbm>> -> memref<32x128xf32, #tpu.memory_space<hbm>>
      %dma_start3A_673 = arith.constant 0 : i32
      %dma_start3A_674 = tpu.memref_slice %arg4[%run_scoped3A_323, %mul3A_2, %dma_start3A_673] : memref<50x1024x128xf32, #tpu.memory_space<hbm>> -> memref<1x32x128xf32, #tpu.memory_space<hbm>>
      %dma_start3A_675 = tpu.memref_squeeze %dma_start3A_674 : memref<1x32x128xf32, #tpu.memory_space<hbm>> -> memref<32x128xf32, #tpu.memory_space<hbm>>
      tpu.enqueue_dma source(%arg6 : memref<32x128xf32, #tpu.memory_space<vmem>>) target(%dma_start3A_675 : memref<32x128xf32, #tpu.memory_space<hbm>>) target_semaphore(%run_scoped3A_669 : memref<!tpu.dma_semaphore, #tpu.memory_space<semaphore_mem>>)
      %dma_wait3A_676 = arith.constant 0 : i32
      %dma_wait3A_677 = tpu.memref_slice %arg4[%run_scoped3A_323, %mul3A_2, %dma_wait3A_676] : memref<50x1024x128xf32, #tpu.memory_space<hbm>> -> memref<1x32x128xf32, #tpu.memory_space<hbm>>
      %dma_wait3A_678 = tpu.memref_squeeze %dma_wait3A_677 : memref<1x32x128xf32, #tpu.memory_space<hbm>> -> memref<32x128xf32, #tpu.memory_space<hbm>>
      %dma_wait3A_679 = arith.constant 0 : i32
      %dma_wait3A_680 = tpu.memref_slice %arg4[%run_scoped3A_323, %mul3A_2, %dma_wait3A_679] : memref<50x1024x128xf32, #tpu.memory_space<hbm>> -> memref<1x32x128xf32, #tpu.memory_space<hbm>>
      %dma_wait3A_681 = tpu.memref_squeeze %dma_wait3A_680 : memref<1x32x128xf32, #tpu.memory_space<hbm>> -> memref<32x128xf32, #tpu.memory_space<hbm>>
      tpu.wait_dma2 semaphore(%run_scoped3A_669 : memref<!tpu.dma_semaphore, #tpu.memory_space<semaphore_mem>>) src(%arg6 : memref<32x128xf32, #tpu.memory_space<vmem>>) dst(%dma_wait3A_681 : memref<32x128xf32, #tpu.memory_space<hbm>>)
      tpu.yield
    }) : () -> ()
    %dma_wait3A_324 = arith.constant 23 : i32
    %dma_wait3A_325 = tpu.memref_slice %arg5[%dma_wait3A_324, %sub3A_21] : memref<50x128xi32, #tpu.memory_space<vmem>> -> memref<1x32xi32, #tpu.memory_space<vmem>>
    %dma_wait3A_326 = tpu.memref_squeeze %dma_wait3A_325 : memref<1x32xi32, #tpu.memory_space<vmem>> -> memref<32xi32, #tpu.memory_space<vmem>>
    %dma_wait3A_327 = arith.constant 0 : i32
    %dma_wait3A_328 = arith.constant 0 : i32
    %dma_wait3A_329 = tpu.memref_slice %arg3[%dma_wait3A_327, %dma_wait3A_328] : memref<1000x128xf32, #tpu.memory_space<hbm>> -> memref<1000x128xf32, #tpu.memory_space<hbm>>
    tpu.wait_indirect_dma semaphore(%arg9 : memref<!tpu.dma_semaphore, #tpu.memory_space<semaphore_mem>>) src(%dma_wait3A_329 : memref<1000x128xf32, #tpu.memory_space<hbm>>) dst(%arg7 : memref<32x128xf32, #tpu.memory_space<vmem>>)
    %dma_start3A_330 = arith.constant 24 : i32
    %dma_start3A_331 = tpu.memref_slice %arg5[%dma_start3A_330, %sub3A_21] : memref<50x128xi32, #tpu.memory_space<vmem>> -> memref<1x32xi32, #tpu.memory_space<vmem>>
    %dma_start3A_332 = tpu.memref_squeeze %dma_start3A_331 : memref<1x32xi32, #tpu.memory_space<vmem>> -> memref<32xi32, #tpu.memory_space<vmem>>
    %dma_start3A_333 = arith.constant 0 : i32
    %dma_start3A_334 = arith.constant 0 : i32
    %dma_start3A_335 = tpu.memref_slice %arg3[%dma_start3A_333, %dma_start3A_334] : memref<1000x128xf32, #tpu.memory_space<hbm>> -> memref<1000x128xf32, #tpu.memory_space<hbm>>
    tpu.enqueue_indirect_dma source(%dma_start3A_335 : memref<1000x128xf32, #tpu.memory_space<hbm>>) target(%arg6 : memref<32x128xf32, #tpu.memory_space<vmem>>) offsets(%dma_start3A_332 : memref<32xi32, #tpu.memory_space<vmem>>) semaphore(%arg8 : memref<!tpu.dma_semaphore, #tpu.memory_space<semaphore_mem>>)
    %run_scoped3A_336 = arith.constant 23 : i32
    "tpu.region"() ({
      %run_scoped3A_669 = tpu.sem_alloc : memref<!tpu.dma_semaphore, #tpu.memory_space<semaphore_mem>>
      %dma_start3A_670 = arith.constant 0 : i32
      %dma_start3A_671 = tpu.memref_slice %arg4[%run_scoped3A_336, %mul3A_2, %dma_start3A_670] : memref<50x1024x128xf32, #tpu.memory_space<hbm>> -> memref<1x32x128xf32, #tpu.memory_space<hbm>>
      %dma_start3A_672 = tpu.memref_squeeze %dma_start3A_671 : memref<1x32x128xf32, #tpu.memory_space<hbm>> -> memref<32x128xf32, #tpu.memory_space<hbm>>
      %dma_start3A_673 = arith.constant 0 : i32
      %dma_start3A_674 = tpu.memref_slice %arg4[%run_scoped3A_336, %mul3A_2, %dma_start3A_673] : memref<50x1024x128xf32, #tpu.memory_space<hbm>> -> memref<1x32x128xf32, #tpu.memory_space<hbm>>
      %dma_start3A_675 = tpu.memref_squeeze %dma_start3A_674 : memref<1x32x128xf32, #tpu.memory_space<hbm>> -> memref<32x128xf32, #tpu.memory_space<hbm>>
      tpu.enqueue_dma source(%arg7 : memref<32x128xf32, #tpu.memory_space<vmem>>) target(%dma_start3A_675 : memref<32x128xf32, #tpu.memory_space<hbm>>) target_semaphore(%run_scoped3A_669 : memref<!tpu.dma_semaphore, #tpu.memory_space<semaphore_mem>>)
      %dma_wait3A_676 = arith.constant 0 : i32
      %dma_wait3A_677 = tpu.memref_slice %arg4[%run_scoped3A_336, %mul3A_2, %dma_wait3A_676] : memref<50x1024x128xf32, #tpu.memory_space<hbm>> -> memref<1x32x128xf32, #tpu.memory_space<hbm>>
      %dma_wait3A_678 = tpu.memref_squeeze %dma_wait3A_677 : memref<1x32x128xf32, #tpu.memory_space<hbm>> -> memref<32x128xf32, #tpu.memory_space<hbm>>
      %dma_wait3A_679 = arith.constant 0 : i32
      %dma_wait3A_680 = tpu.memref_slice %arg4[%run_scoped3A_336, %mul3A_2, %dma_wait3A_679] : memref<50x1024x128xf32, #tpu.memory_space<hbm>> -> memref<1x32x128xf32, #tpu.memory_space<hbm>>
      %dma_wait3A_681 = tpu.memref_squeeze %dma_wait3A_680 : memref<1x32x128xf32, #tpu.memory_space<hbm>> -> memref<32x128xf32, #tpu.memory_space<hbm>>
      tpu.wait_dma2 semaphore(%run_scoped3A_669 : memref<!tpu.dma_semaphore, #tpu.memory_space<semaphore_mem>>) src(%arg7 : memref<32x128xf32, #tpu.memory_space<vmem>>) dst(%dma_wait3A_681 : memref<32x128xf32, #tpu.memory_space<hbm>>)
      tpu.yield
    }) : () -> ()
    %dma_wait3A_337 = arith.constant 24 : i32
    %dma_wait3A_338 = tpu.memref_slice %arg5[%dma_wait3A_337, %sub3A_21] : memref<50x128xi32, #tpu.memory_space<vmem>> -> memref<1x32xi32, #tpu.memory_space<vmem>>
    %dma_wait3A_339 = tpu.memref_squeeze %dma_wait3A_338 : memref<1x32xi32, #tpu.memory_space<vmem>> -> memref<32xi32, #tpu.memory_space<vmem>>
    %dma_wait3A_340 = arith.constant 0 : i32
    %dma_wait3A_341 = arith.constant 0 : i32
    %dma_wait3A_342 = tpu.memref_slice %arg3[%dma_wait3A_340, %dma_wait3A_341] : memref<1000x128xf32, #tpu.memory_space<hbm>> -> memref<1000x128xf32, #tpu.memory_space<hbm>>
    tpu.wait_indirect_dma semaphore(%arg8 : memref<!tpu.dma_semaphore, #tpu.memory_space<semaphore_mem>>) src(%dma_wait3A_342 : memref<1000x128xf32, #tpu.memory_space<hbm>>) dst(%arg6 : memref<32x128xf32, #tpu.memory_space<vmem>>)
    %dma_start3A_343 = arith.constant 25 : i32
    %dma_start3A_344 = tpu.memref_slice %arg5[%dma_start3A_343, %sub3A_21] : memref<50x128xi32, #tpu.memory_space<vmem>> -> memref<1x32xi32, #tpu.memory_space<vmem>>
    %dma_start3A_345 = tpu.memref_squeeze %dma_start3A_344 : memref<1x32xi32, #tpu.memory_space<vmem>> -> memref<32xi32, #tpu.memory_space<vmem>>
    %dma_start3A_346 = arith.constant 0 : i32
    %dma_start3A_347 = arith.constant 0 : i32
    %dma_start3A_348 = tpu.memref_slice %arg3[%dma_start3A_346, %dma_start3A_347] : memref<1000x128xf32, #tpu.memory_space<hbm>> -> memref<1000x128xf32, #tpu.memory_space<hbm>>
    tpu.enqueue_indirect_dma source(%dma_start3A_348 : memref<1000x128xf32, #tpu.memory_space<hbm>>) target(%arg7 : memref<32x128xf32, #tpu.memory_space<vmem>>) offsets(%dma_start3A_345 : memref<32xi32, #tpu.memory_space<vmem>>) semaphore(%arg9 : memref<!tpu.dma_semaphore, #tpu.memory_space<semaphore_mem>>)
    %run_scoped3A_349 = arith.constant 24 : i32
    "tpu.region"() ({
      %run_scoped3A_669 = tpu.sem_alloc : memref<!tpu.dma_semaphore, #tpu.memory_space<semaphore_mem>>
      %dma_start3A_670 = arith.constant 0 : i32
      %dma_start3A_671 = tpu.memref_slice %arg4[%run_scoped3A_349, %mul3A_2, %dma_start3A_670] : memref<50x1024x128xf32, #tpu.memory_space<hbm>> -> memref<1x32x128xf32, #tpu.memory_space<hbm>>
      %dma_start3A_672 = tpu.memref_squeeze %dma_start3A_671 : memref<1x32x128xf32, #tpu.memory_space<hbm>> -> memref<32x128xf32, #tpu.memory_space<hbm>>
      %dma_start3A_673 = arith.constant 0 : i32
      %dma_start3A_674 = tpu.memref_slice %arg4[%run_scoped3A_349, %mul3A_2, %dma_start3A_673] : memref<50x1024x128xf32, #tpu.memory_space<hbm>> -> memref<1x32x128xf32, #tpu.memory_space<hbm>>
      %dma_start3A_675 = tpu.memref_squeeze %dma_start3A_674 : memref<1x32x128xf32, #tpu.memory_space<hbm>> -> memref<32x128xf32, #tpu.memory_space<hbm>>
      tpu.enqueue_dma source(%arg6 : memref<32x128xf32, #tpu.memory_space<vmem>>) target(%dma_start3A_675 : memref<32x128xf32, #tpu.memory_space<hbm>>) target_semaphore(%run_scoped3A_669 : memref<!tpu.dma_semaphore, #tpu.memory_space<semaphore_mem>>)
      %dma_wait3A_676 = arith.constant 0 : i32
      %dma_wait3A_677 = tpu.memref_slice %arg4[%run_scoped3A_349, %mul3A_2, %dma_wait3A_676] : memref<50x1024x128xf32, #tpu.memory_space<hbm>> -> memref<1x32x128xf32, #tpu.memory_space<hbm>>
      %dma_wait3A_678 = tpu.memref_squeeze %dma_wait3A_677 : memref<1x32x128xf32, #tpu.memory_space<hbm>> -> memref<32x128xf32, #tpu.memory_space<hbm>>
      %dma_wait3A_679 = arith.constant 0 : i32
      %dma_wait3A_680 = tpu.memref_slice %arg4[%run_scoped3A_349, %mul3A_2, %dma_wait3A_679] : memref<50x1024x128xf32, #tpu.memory_space<hbm>> -> memref<1x32x128xf32, #tpu.memory_space<hbm>>
      %dma_wait3A_681 = tpu.memref_squeeze %dma_wait3A_680 : memref<1x32x128xf32, #tpu.memory_space<hbm>> -> memref<32x128xf32, #tpu.memory_space<hbm>>
      tpu.wait_dma2 semaphore(%run_scoped3A_669 : memref<!tpu.dma_semaphore, #tpu.memory_space<semaphore_mem>>) src(%arg6 : memref<32x128xf32, #tpu.memory_space<vmem>>) dst(%dma_wait3A_681 : memref<32x128xf32, #tpu.memory_space<hbm>>)
      tpu.yield
    }) : () -> ()
    %dma_wait3A_350 = arith.constant 25 : i32
    %dma_wait3A_351 = tpu.memref_slice %arg5[%dma_wait3A_350, %sub3A_21] : memref<50x128xi32, #tpu.memory_space<vmem>> -> memref<1x32xi32, #tpu.memory_space<vmem>>
    %dma_wait3A_352 = tpu.memref_squeeze %dma_wait3A_351 : memref<1x32xi32, #tpu.memory_space<vmem>> -> memref<32xi32, #tpu.memory_space<vmem>>
    %dma_wait3A_353 = arith.constant 0 : i32
    %dma_wait3A_354 = arith.constant 0 : i32
    %dma_wait3A_355 = tpu.memref_slice %arg3[%dma_wait3A_353, %dma_wait3A_354] : memref<1000x128xf32, #tpu.memory_space<hbm>> -> memref<1000x128xf32, #tpu.memory_space<hbm>>
    tpu.wait_indirect_dma semaphore(%arg9 : memref<!tpu.dma_semaphore, #tpu.memory_space<semaphore_mem>>) src(%dma_wait3A_355 : memref<1000x128xf32, #tpu.memory_space<hbm>>) dst(%arg7 : memref<32x128xf32, #tpu.memory_space<vmem>>)
    %dma_start3A_356 = arith.constant 26 : i32
    %dma_start3A_357 = tpu.memref_slice %arg5[%dma_start3A_356, %sub3A_21] : memref<50x128xi32, #tpu.memory_space<vmem>> -> memref<1x32xi32, #tpu.memory_space<vmem>>
    %dma_start3A_358 = tpu.memref_squeeze %dma_start3A_357 : memref<1x32xi32, #tpu.memory_space<vmem>> -> memref<32xi32, #tpu.memory_space<vmem>>
    %dma_start3A_359 = arith.constant 0 : i32
    %dma_start3A_360 = arith.constant 0 : i32
    %dma_start3A_361 = tpu.memref_slice %arg3[%dma_start3A_359, %dma_start3A_360] : memref<1000x128xf32, #tpu.memory_space<hbm>> -> memref<1000x128xf32, #tpu.memory_space<hbm>>
    tpu.enqueue_indirect_dma source(%dma_start3A_361 : memref<1000x128xf32, #tpu.memory_space<hbm>>) target(%arg6 : memref<32x128xf32, #tpu.memory_space<vmem>>) offsets(%dma_start3A_358 : memref<32xi32, #tpu.memory_space<vmem>>) semaphore(%arg8 : memref<!tpu.dma_semaphore, #tpu.memory_space<semaphore_mem>>)
    %run_scoped3A_362 = arith.constant 25 : i32
    "tpu.region"() ({
      %run_scoped3A_669 = tpu.sem_alloc : memref<!tpu.dma_semaphore, #tpu.memory_space<semaphore_mem>>
      %dma_start3A_670 = arith.constant 0 : i32
      %dma_start3A_671 = tpu.memref_slice %arg4[%run_scoped3A_362, %mul3A_2, %dma_start3A_670] : memref<50x1024x128xf32, #tpu.memory_space<hbm>> -> memref<1x32x128xf32, #tpu.memory_space<hbm>>
      %dma_start3A_672 = tpu.memref_squeeze %dma_start3A_671 : memref<1x32x128xf32, #tpu.memory_space<hbm>> -> memref<32x128xf32, #tpu.memory_space<hbm>>
      %dma_start3A_673 = arith.constant 0 : i32
      %dma_start3A_674 = tpu.memref_slice %arg4[%run_scoped3A_362, %mul3A_2, %dma_start3A_673] : memref<50x1024x128xf32, #tpu.memory_space<hbm>> -> memref<1x32x128xf32, #tpu.memory_space<hbm>>
      %dma_start3A_675 = tpu.memref_squeeze %dma_start3A_674 : memref<1x32x128xf32, #tpu.memory_space<hbm>> -> memref<32x128xf32, #tpu.memory_space<hbm>>
      tpu.enqueue_dma source(%arg7 : memref<32x128xf32, #tpu.memory_space<vmem>>) target(%dma_start3A_675 : memref<32x128xf32, #tpu.memory_space<hbm>>) target_semaphore(%run_scoped3A_669 : memref<!tpu.dma_semaphore, #tpu.memory_space<semaphore_mem>>)
      %dma_wait3A_676 = arith.constant 0 : i32
      %dma_wait3A_677 = tpu.memref_slice %arg4[%run_scoped3A_362, %mul3A_2, %dma_wait3A_676] : memref<50x1024x128xf32, #tpu.memory_space<hbm>> -> memref<1x32x128xf32, #tpu.memory_space<hbm>>
      %dma_wait3A_678 = tpu.memref_squeeze %dma_wait3A_677 : memref<1x32x128xf32, #tpu.memory_space<hbm>> -> memref<32x128xf32, #tpu.memory_space<hbm>>
      %dma_wait3A_679 = arith.constant 0 : i32
      %dma_wait3A_680 = tpu.memref_slice %arg4[%run_scoped3A_362, %mul3A_2, %dma_wait3A_679] : memref<50x1024x128xf32, #tpu.memory_space<hbm>> -> memref<1x32x128xf32, #tpu.memory_space<hbm>>
      %dma_wait3A_681 = tpu.memref_squeeze %dma_wait3A_680 : memref<1x32x128xf32, #tpu.memory_space<hbm>> -> memref<32x128xf32, #tpu.memory_space<hbm>>
      tpu.wait_dma2 semaphore(%run_scoped3A_669 : memref<!tpu.dma_semaphore, #tpu.memory_space<semaphore_mem>>) src(%arg7 : memref<32x128xf32, #tpu.memory_space<vmem>>) dst(%dma_wait3A_681 : memref<32x128xf32, #tpu.memory_space<hbm>>)
      tpu.yield
    }) : () -> ()
    %dma_wait3A_363 = arith.constant 26 : i32
    %dma_wait3A_364 = tpu.memref_slice %arg5[%dma_wait3A_363, %sub3A_21] : memref<50x128xi32, #tpu.memory_space<vmem>> -> memref<1x32xi32, #tpu.memory_space<vmem>>
    %dma_wait3A_365 = tpu.memref_squeeze %dma_wait3A_364 : memref<1x32xi32, #tpu.memory_space<vmem>> -> memref<32xi32, #tpu.memory_space<vmem>>
    %dma_wait3A_366 = arith.constant 0 : i32
    %dma_wait3A_367 = arith.constant 0 : i32
    %dma_wait3A_368 = tpu.memref_slice %arg3[%dma_wait3A_366, %dma_wait3A_367] : memref<1000x128xf32, #tpu.memory_space<hbm>> -> memref<1000x128xf32, #tpu.memory_space<hbm>>
    tpu.wait_indirect_dma semaphore(%arg8 : memref<!tpu.dma_semaphore, #tpu.memory_space<semaphore_mem>>) src(%dma_wait3A_368 : memref<1000x128xf32, #tpu.memory_space<hbm>>) dst(%arg6 : memref<32x128xf32, #tpu.memory_space<vmem>>)
    %dma_start3A_369 = arith.constant 27 : i32
    %dma_start3A_370 = tpu.memref_slice %arg5[%dma_start3A_369, %sub3A_21] : memref<50x128xi32, #tpu.memory_space<vmem>> -> memref<1x32xi32, #tpu.memory_space<vmem>>
    %dma_start3A_371 = tpu.memref_squeeze %dma_start3A_370 : memref<1x32xi32, #tpu.memory_space<vmem>> -> memref<32xi32, #tpu.memory_space<vmem>>
    %dma_start3A_372 = arith.constant 0 : i32
    %dma_start3A_373 = arith.constant 0 : i32
    %dma_start3A_374 = tpu.memref_slice %arg3[%dma_start3A_372, %dma_start3A_373] : memref<1000x128xf32, #tpu.memory_space<hbm>> -> memref<1000x128xf32, #tpu.memory_space<hbm>>
    tpu.enqueue_indirect_dma source(%dma_start3A_374 : memref<1000x128xf32, #tpu.memory_space<hbm>>) target(%arg7 : memref<32x128xf32, #tpu.memory_space<vmem>>) offsets(%dma_start3A_371 : memref<32xi32, #tpu.memory_space<vmem>>) semaphore(%arg9 : memref<!tpu.dma_semaphore, #tpu.memory_space<semaphore_mem>>)
    %run_scoped3A_375 = arith.constant 26 : i32
    "tpu.region"() ({
      %run_scoped3A_669 = tpu.sem_alloc : memref<!tpu.dma_semaphore, #tpu.memory_space<semaphore_mem>>
      %dma_start3A_670 = arith.constant 0 : i32
      %dma_start3A_671 = tpu.memref_slice %arg4[%run_scoped3A_375, %mul3A_2, %dma_start3A_670] : memref<50x1024x128xf32, #tpu.memory_space<hbm>> -> memref<1x32x128xf32, #tpu.memory_space<hbm>>
      %dma_start3A_672 = tpu.memref_squeeze %dma_start3A_671 : memref<1x32x128xf32, #tpu.memory_space<hbm>> -> memref<32x128xf32, #tpu.memory_space<hbm>>
      %dma_start3A_673 = arith.constant 0 : i32
      %dma_start3A_674 = tpu.memref_slice %arg4[%run_scoped3A_375, %mul3A_2, %dma_start3A_673] : memref<50x1024x128xf32, #tpu.memory_space<hbm>> -> memref<1x32x128xf32, #tpu.memory_space<hbm>>
      %dma_start3A_675 = tpu.memref_squeeze %dma_start3A_674 : memref<1x32x128xf32, #tpu.memory_space<hbm>> -> memref<32x128xf32, #tpu.memory_space<hbm>>
      tpu.enqueue_dma source(%arg6 : memref<32x128xf32, #tpu.memory_space<vmem>>) target(%dma_start3A_675 : memref<32x128xf32, #tpu.memory_space<hbm>>) target_semaphore(%run_scoped3A_669 : memref<!tpu.dma_semaphore, #tpu.memory_space<semaphore_mem>>)
      %dma_wait3A_676 = arith.constant 0 : i32
      %dma_wait3A_677 = tpu.memref_slice %arg4[%run_scoped3A_375, %mul3A_2, %dma_wait3A_676] : memref<50x1024x128xf32, #tpu.memory_space<hbm>> -> memref<1x32x128xf32, #tpu.memory_space<hbm>>
      %dma_wait3A_678 = tpu.memref_squeeze %dma_wait3A_677 : memref<1x32x128xf32, #tpu.memory_space<hbm>> -> memref<32x128xf32, #tpu.memory_space<hbm>>
      %dma_wait3A_679 = arith.constant 0 : i32
      %dma_wait3A_680 = tpu.memref_slice %arg4[%run_scoped3A_375, %mul3A_2, %dma_wait3A_679] : memref<50x1024x128xf32, #tpu.memory_space<hbm>> -> memref<1x32x128xf32, #tpu.memory_space<hbm>>
      %dma_wait3A_681 = tpu.memref_squeeze %dma_wait3A_680 : memref<1x32x128xf32, #tpu.memory_space<hbm>> -> memref<32x128xf32, #tpu.memory_space<hbm>>
      tpu.wait_dma2 semaphore(%run_scoped3A_669 : memref<!tpu.dma_semaphore, #tpu.memory_space<semaphore_mem>>) src(%arg6 : memref<32x128xf32, #tpu.memory_space<vmem>>) dst(%dma_wait3A_681 : memref<32x128xf32, #tpu.memory_space<hbm>>)
      tpu.yield
    }) : () -> ()
    %dma_wait3A_376 = arith.constant 27 : i32
    %dma_wait3A_377 = tpu.memref_slice %arg5[%dma_wait3A_376, %sub3A_21] : memref<50x128xi32, #tpu.memory_space<vmem>> -> memref<1x32xi32, #tpu.memory_space<vmem>>
    %dma_wait3A_378 = tpu.memref_squeeze %dma_wait3A_377 : memref<1x32xi32, #tpu.memory_space<vmem>> -> memref<32xi32, #tpu.memory_space<vmem>>
    %dma_wait3A_379 = arith.constant 0 : i32
    %dma_wait3A_380 = arith.constant 0 : i32
    %dma_wait3A_381 = tpu.memref_slice %arg3[%dma_wait3A_379, %dma_wait3A_380] : memref<1000x128xf32, #tpu.memory_space<hbm>> -> memref<1000x128xf32, #tpu.memory_space<hbm>>
    tpu.wait_indirect_dma semaphore(%arg9 : memref<!tpu.dma_semaphore, #tpu.memory_space<semaphore_mem>>) src(%dma_wait3A_381 : memref<1000x128xf32, #tpu.memory_space<hbm>>) dst(%arg7 : memref<32x128xf32, #tpu.memory_space<vmem>>)
    %dma_start3A_382 = arith.constant 28 : i32
    %dma_start3A_383 = tpu.memref_slice %arg5[%dma_start3A_382, %sub3A_21] : memref<50x128xi32, #tpu.memory_space<vmem>> -> memref<1x32xi32, #tpu.memory_space<vmem>>
    %dma_start3A_384 = tpu.memref_squeeze %dma_start3A_383 : memref<1x32xi32, #tpu.memory_space<vmem>> -> memref<32xi32, #tpu.memory_space<vmem>>
    %dma_start3A_385 = arith.constant 0 : i32
    %dma_start3A_386 = arith.constant 0 : i32
    %dma_start3A_387 = tpu.memref_slice %arg3[%dma_start3A_385, %dma_start3A_386] : memref<1000x128xf32, #tpu.memory_space<hbm>> -> memref<1000x128xf32, #tpu.memory_space<hbm>>
    tpu.enqueue_indirect_dma source(%dma_start3A_387 : memref<1000x128xf32, #tpu.memory_space<hbm>>) target(%arg6 : memref<32x128xf32, #tpu.memory_space<vmem>>) offsets(%dma_start3A_384 : memref<32xi32, #tpu.memory_space<vmem>>) semaphore(%arg8 : memref<!tpu.dma_semaphore, #tpu.memory_space<semaphore_mem>>)
    %run_scoped3A_388 = arith.constant 27 : i32
    "tpu.region"() ({
      %run_scoped3A_669 = tpu.sem_alloc : memref<!tpu.dma_semaphore, #tpu.memory_space<semaphore_mem>>
      %dma_start3A_670 = arith.constant 0 : i32
      %dma_start3A_671 = tpu.memref_slice %arg4[%run_scoped3A_388, %mul3A_2, %dma_start3A_670] : memref<50x1024x128xf32, #tpu.memory_space<hbm>> -> memref<1x32x128xf32, #tpu.memory_space<hbm>>
      %dma_start3A_672 = tpu.memref_squeeze %dma_start3A_671 : memref<1x32x128xf32, #tpu.memory_space<hbm>> -> memref<32x128xf32, #tpu.memory_space<hbm>>
      %dma_start3A_673 = arith.constant 0 : i32
      %dma_start3A_674 = tpu.memref_slice %arg4[%run_scoped3A_388, %mul3A_2, %dma_start3A_673] : memref<50x1024x128xf32, #tpu.memory_space<hbm>> -> memref<1x32x128xf32, #tpu.memory_space<hbm>>
      %dma_start3A_675 = tpu.memref_squeeze %dma_start3A_674 : memref<1x32x128xf32, #tpu.memory_space<hbm>> -> memref<32x128xf32, #tpu.memory_space<hbm>>
      tpu.enqueue_dma source(%arg7 : memref<32x128xf32, #tpu.memory_space<vmem>>) target(%dma_start3A_675 : memref<32x128xf32, #tpu.memory_space<hbm>>) target_semaphore(%run_scoped3A_669 : memref<!tpu.dma_semaphore, #tpu.memory_space<semaphore_mem>>)
      %dma_wait3A_676 = arith.constant 0 : i32
      %dma_wait3A_677 = tpu.memref_slice %arg4[%run_scoped3A_388, %mul3A_2, %dma_wait3A_676] : memref<50x1024x128xf32, #tpu.memory_space<hbm>> -> memref<1x32x128xf32, #tpu.memory_space<hbm>>
      %dma_wait3A_678 = tpu.memref_squeeze %dma_wait3A_677 : memref<1x32x128xf32, #tpu.memory_space<hbm>> -> memref<32x128xf32, #tpu.memory_space<hbm>>
      %dma_wait3A_679 = arith.constant 0 : i32
      %dma_wait3A_680 = tpu.memref_slice %arg4[%run_scoped3A_388, %mul3A_2, %dma_wait3A_679] : memref<50x1024x128xf32, #tpu.memory_space<hbm>> -> memref<1x32x128xf32, #tpu.memory_space<hbm>>
      %dma_wait3A_681 = tpu.memref_squeeze %dma_wait3A_680 : memref<1x32x128xf32, #tpu.memory_space<hbm>> -> memref<32x128xf32, #tpu.memory_space<hbm>>
      tpu.wait_dma2 semaphore(%run_scoped3A_669 : memref<!tpu.dma_semaphore, #tpu.memory_space<semaphore_mem>>) src(%arg7 : memref<32x128xf32, #tpu.memory_space<vmem>>) dst(%dma_wait3A_681 : memref<32x128xf32, #tpu.memory_space<hbm>>)
      tpu.yield
    }) : () -> ()
    %dma_wait3A_389 = arith.constant 28 : i32
    %dma_wait3A_390 = tpu.memref_slice %arg5[%dma_wait3A_389, %sub3A_21] : memref<50x128xi32, #tpu.memory_space<vmem>> -> memref<1x32xi32, #tpu.memory_space<vmem>>
    %dma_wait3A_391 = tpu.memref_squeeze %dma_wait3A_390 : memref<1x32xi32, #tpu.memory_space<vmem>> -> memref<32xi32, #tpu.memory_space<vmem>>
    %dma_wait3A_392 = arith.constant 0 : i32
    %dma_wait3A_393 = arith.constant 0 : i32
    %dma_wait3A_394 = tpu.memref_slice %arg3[%dma_wait3A_392, %dma_wait3A_393] : memref<1000x128xf32, #tpu.memory_space<hbm>> -> memref<1000x128xf32, #tpu.memory_space<hbm>>
    tpu.wait_indirect_dma semaphore(%arg8 : memref<!tpu.dma_semaphore, #tpu.memory_space<semaphore_mem>>) src(%dma_wait3A_394 : memref<1000x128xf32, #tpu.memory_space<hbm>>) dst(%arg6 : memref<32x128xf32, #tpu.memory_space<vmem>>)
    %dma_start3A_395 = arith.constant 29 : i32
    %dma_start3A_396 = tpu.memref_slice %arg5[%dma_start3A_395, %sub3A_21] : memref<50x128xi32, #tpu.memory_space<vmem>> -> memref<1x32xi32, #tpu.memory_space<vmem>>
    %dma_start3A_397 = tpu.memref_squeeze %dma_start3A_396 : memref<1x32xi32, #tpu.memory_space<vmem>> -> memref<32xi32, #tpu.memory_space<vmem>>
    %dma_start3A_398 = arith.constant 0 : i32
    %dma_start3A_399 = arith.constant 0 : i32
    %dma_start3A_400 = tpu.memref_slice %arg3[%dma_start3A_398, %dma_start3A_399] : memref<1000x128xf32, #tpu.memory_space<hbm>> -> memref<1000x128xf32, #tpu.memory_space<hbm>>
    tpu.enqueue_indirect_dma source(%dma_start3A_400 : memref<1000x128xf32, #tpu.memory_space<hbm>>) target(%arg7 : memref<32x128xf32, #tpu.memory_space<vmem>>) offsets(%dma_start3A_397 : memref<32xi32, #tpu.memory_space<vmem>>) semaphore(%arg9 : memref<!tpu.dma_semaphore, #tpu.memory_space<semaphore_mem>>)
    %run_scoped3A_401 = arith.constant 28 : i32
    "tpu.region"() ({
      %run_scoped3A_669 = tpu.sem_alloc : memref<!tpu.dma_semaphore, #tpu.memory_space<semaphore_mem>>
      %dma_start3A_670 = arith.constant 0 : i32
      %dma_start3A_671 = tpu.memref_slice %arg4[%run_scoped3A_401, %mul3A_2, %dma_start3A_670] : memref<50x1024x128xf32, #tpu.memory_space<hbm>> -> memref<1x32x128xf32, #tpu.memory_space<hbm>>
      %dma_start3A_672 = tpu.memref_squeeze %dma_start3A_671 : memref<1x32x128xf32, #tpu.memory_space<hbm>> -> memref<32x128xf32, #tpu.memory_space<hbm>>
      %dma_start3A_673 = arith.constant 0 : i32
      %dma_start3A_674 = tpu.memref_slice %arg4[%run_scoped3A_401, %mul3A_2, %dma_start3A_673] : memref<50x1024x128xf32, #tpu.memory_space<hbm>> -> memref<1x32x128xf32, #tpu.memory_space<hbm>>
      %dma_start3A_675 = tpu.memref_squeeze %dma_start3A_674 : memref<1x32x128xf32, #tpu.memory_space<hbm>> -> memref<32x128xf32, #tpu.memory_space<hbm>>
      tpu.enqueue_dma source(%arg6 : memref<32x128xf32, #tpu.memory_space<vmem>>) target(%dma_start3A_675 : memref<32x128xf32, #tpu.memory_space<hbm>>) target_semaphore(%run_scoped3A_669 : memref<!tpu.dma_semaphore, #tpu.memory_space<semaphore_mem>>)
      %dma_wait3A_676 = arith.constant 0 : i32
      %dma_wait3A_677 = tpu.memref_slice %arg4[%run_scoped3A_401, %mul3A_2, %dma_wait3A_676] : memref<50x1024x128xf32, #tpu.memory_space<hbm>> -> memref<1x32x128xf32, #tpu.memory_space<hbm>>
      %dma_wait3A_678 = tpu.memref_squeeze %dma_wait3A_677 : memref<1x32x128xf32, #tpu.memory_space<hbm>> -> memref<32x128xf32, #tpu.memory_space<hbm>>
      %dma_wait3A_679 = arith.constant 0 : i32
      %dma_wait3A_680 = tpu.memref_slice %arg4[%run_scoped3A_401, %mul3A_2, %dma_wait3A_679] : memref<50x1024x128xf32, #tpu.memory_space<hbm>> -> memref<1x32x128xf32, #tpu.memory_space<hbm>>
      %dma_wait3A_681 = tpu.memref_squeeze %dma_wait3A_680 : memref<1x32x128xf32, #tpu.memory_space<hbm>> -> memref<32x128xf32, #tpu.memory_space<hbm>>
      tpu.wait_dma2 semaphore(%run_scoped3A_669 : memref<!tpu.dma_semaphore, #tpu.memory_space<semaphore_mem>>) src(%arg6 : memref<32x128xf32, #tpu.memory_space<vmem>>) dst(%dma_wait3A_681 : memref<32x128xf32, #tpu.memory_space<hbm>>)
      tpu.yield
    }) : () -> ()
    %dma_wait3A_402 = arith.constant 29 : i32
    %dma_wait3A_403 = tpu.memref_slice %arg5[%dma_wait3A_402, %sub3A_21] : memref<50x128xi32, #tpu.memory_space<vmem>> -> memref<1x32xi32, #tpu.memory_space<vmem>>
    %dma_wait3A_404 = tpu.memref_squeeze %dma_wait3A_403 : memref<1x32xi32, #tpu.memory_space<vmem>> -> memref<32xi32, #tpu.memory_space<vmem>>
    %dma_wait3A_405 = arith.constant 0 : i32
    %dma_wait3A_406 = arith.constant 0 : i32
    %dma_wait3A_407 = tpu.memref_slice %arg3[%dma_wait3A_405, %dma_wait3A_406] : memref<1000x128xf32, #tpu.memory_space<hbm>> -> memref<1000x128xf32, #tpu.memory_space<hbm>>
    tpu.wait_indirect_dma semaphore(%arg9 : memref<!tpu.dma_semaphore, #tpu.memory_space<semaphore_mem>>) src(%dma_wait3A_407 : memref<1000x128xf32, #tpu.memory_space<hbm>>) dst(%arg7 : memref<32x128xf32, #tpu.memory_space<vmem>>)
    %dma_start3A_408 = arith.constant 30 : i32
    %dma_start3A_409 = tpu.memref_slice %arg5[%dma_start3A_408, %sub3A_21] : memref<50x128xi32, #tpu.memory_space<vmem>> -> memref<1x32xi32, #tpu.memory_space<vmem>>
    %dma_start3A_410 = tpu.memref_squeeze %dma_start3A_409 : memref<1x32xi32, #tpu.memory_space<vmem>> -> memref<32xi32, #tpu.memory_space<vmem>>
    %dma_start3A_411 = arith.constant 0 : i32
    %dma_start3A_412 = arith.constant 0 : i32
    %dma_start3A_413 = tpu.memref_slice %arg3[%dma_start3A_411, %dma_start3A_412] : memref<1000x128xf32, #tpu.memory_space<hbm>> -> memref<1000x128xf32, #tpu.memory_space<hbm>>
    tpu.enqueue_indirect_dma source(%dma_start3A_413 : memref<1000x128xf32, #tpu.memory_space<hbm>>) target(%arg6 : memref<32x128xf32, #tpu.memory_space<vmem>>) offsets(%dma_start3A_410 : memref<32xi32, #tpu.memory_space<vmem>>) semaphore(%arg8 : memref<!tpu.dma_semaphore, #tpu.memory_space<semaphore_mem>>)
    %run_scoped3A_414 = arith.constant 29 : i32
    "tpu.region"() ({
      %run_scoped3A_669 = tpu.sem_alloc : memref<!tpu.dma_semaphore, #tpu.memory_space<semaphore_mem>>
      %dma_start3A_670 = arith.constant 0 : i32
      %dma_start3A_671 = tpu.memref_slice %arg4[%run_scoped3A_414, %mul3A_2, %dma_start3A_670] : memref<50x1024x128xf32, #tpu.memory_space<hbm>> -> memref<1x32x128xf32, #tpu.memory_space<hbm>>
      %dma_start3A_672 = tpu.memref_squeeze %dma_start3A_671 : memref<1x32x128xf32, #tpu.memory_space<hbm>> -> memref<32x128xf32, #tpu.memory_space<hbm>>
      %dma_start3A_673 = arith.constant 0 : i32
      %dma_start3A_674 = tpu.memref_slice %arg4[%run_scoped3A_414, %mul3A_2, %dma_start3A_673] : memref<50x1024x128xf32, #tpu.memory_space<hbm>> -> memref<1x32x128xf32, #tpu.memory_space<hbm>>
      %dma_start3A_675 = tpu.memref_squeeze %dma_start3A_674 : memref<1x32x128xf32, #tpu.memory_space<hbm>> -> memref<32x128xf32, #tpu.memory_space<hbm>>
      tpu.enqueue_dma source(%arg7 : memref<32x128xf32, #tpu.memory_space<vmem>>) target(%dma_start3A_675 : memref<32x128xf32, #tpu.memory_space<hbm>>) target_semaphore(%run_scoped3A_669 : memref<!tpu.dma_semaphore, #tpu.memory_space<semaphore_mem>>)
      %dma_wait3A_676 = arith.constant 0 : i32
      %dma_wait3A_677 = tpu.memref_slice %arg4[%run_scoped3A_414, %mul3A_2, %dma_wait3A_676] : memref<50x1024x128xf32, #tpu.memory_space<hbm>> -> memref<1x32x128xf32, #tpu.memory_space<hbm>>
      %dma_wait3A_678 = tpu.memref_squeeze %dma_wait3A_677 : memref<1x32x128xf32, #tpu.memory_space<hbm>> -> memref<32x128xf32, #tpu.memory_space<hbm>>
      %dma_wait3A_679 = arith.constant 0 : i32
      %dma_wait3A_680 = tpu.memref_slice %arg4[%run_scoped3A_414, %mul3A_2, %dma_wait3A_679] : memref<50x1024x128xf32, #tpu.memory_space<hbm>> -> memref<1x32x128xf32, #tpu.memory_space<hbm>>
      %dma_wait3A_681 = tpu.memref_squeeze %dma_wait3A_680 : memref<1x32x128xf32, #tpu.memory_space<hbm>> -> memref<32x128xf32, #tpu.memory_space<hbm>>
      tpu.wait_dma2 semaphore(%run_scoped3A_669 : memref<!tpu.dma_semaphore, #tpu.memory_space<semaphore_mem>>) src(%arg7 : memref<32x128xf32, #tpu.memory_space<vmem>>) dst(%dma_wait3A_681 : memref<32x128xf32, #tpu.memory_space<hbm>>)
      tpu.yield
    }) : () -> ()
    %dma_wait3A_415 = arith.constant 30 : i32
    %dma_wait3A_416 = tpu.memref_slice %arg5[%dma_wait3A_415, %sub3A_21] : memref<50x128xi32, #tpu.memory_space<vmem>> -> memref<1x32xi32, #tpu.memory_space<vmem>>
    %dma_wait3A_417 = tpu.memref_squeeze %dma_wait3A_416 : memref<1x32xi32, #tpu.memory_space<vmem>> -> memref<32xi32, #tpu.memory_space<vmem>>
    %dma_wait3A_418 = arith.constant 0 : i32
    %dma_wait3A_419 = arith.constant 0 : i32
    %dma_wait3A_420 = tpu.memref_slice %arg3[%dma_wait3A_418, %dma_wait3A_419] : memref<1000x128xf32, #tpu.memory_space<hbm>> -> memref<1000x128xf32, #tpu.memory_space<hbm>>
    tpu.wait_indirect_dma semaphore(%arg8 : memref<!tpu.dma_semaphore, #tpu.memory_space<semaphore_mem>>) src(%dma_wait3A_420 : memref<1000x128xf32, #tpu.memory_space<hbm>>) dst(%arg6 : memref<32x128xf32, #tpu.memory_space<vmem>>)
    %dma_start3A_421 = arith.constant 31 : i32
    %dma_start3A_422 = tpu.memref_slice %arg5[%dma_start3A_421, %sub3A_21] : memref<50x128xi32, #tpu.memory_space<vmem>> -> memref<1x32xi32, #tpu.memory_space<vmem>>
    %dma_start3A_423 = tpu.memref_squeeze %dma_start3A_422 : memref<1x32xi32, #tpu.memory_space<vmem>> -> memref<32xi32, #tpu.memory_space<vmem>>
    %dma_start3A_424 = arith.constant 0 : i32
    %dma_start3A_425 = arith.constant 0 : i32
    %dma_start3A_426 = tpu.memref_slice %arg3[%dma_start3A_424, %dma_start3A_425] : memref<1000x128xf32, #tpu.memory_space<hbm>> -> memref<1000x128xf32, #tpu.memory_space<hbm>>
    tpu.enqueue_indirect_dma source(%dma_start3A_426 : memref<1000x128xf32, #tpu.memory_space<hbm>>) target(%arg7 : memref<32x128xf32, #tpu.memory_space<vmem>>) offsets(%dma_start3A_423 : memref<32xi32, #tpu.memory_space<vmem>>) semaphore(%arg9 : memref<!tpu.dma_semaphore, #tpu.memory_space<semaphore_mem>>)
    %run_scoped3A_427 = arith.constant 30 : i32
    "tpu.region"() ({
      %run_scoped3A_669 = tpu.sem_alloc : memref<!tpu.dma_semaphore, #tpu.memory_space<semaphore_mem>>
      %dma_start3A_670 = arith.constant 0 : i32
      %dma_start3A_671 = tpu.memref_slice %arg4[%run_scoped3A_427, %mul3A_2, %dma_start3A_670] : memref<50x1024x128xf32, #tpu.memory_space<hbm>> -> memref<1x32x128xf32, #tpu.memory_space<hbm>>
      %dma_start3A_672 = tpu.memref_squeeze %dma_start3A_671 : memref<1x32x128xf32, #tpu.memory_space<hbm>> -> memref<32x128xf32, #tpu.memory_space<hbm>>
      %dma_start3A_673 = arith.constant 0 : i32
      %dma_start3A_674 = tpu.memref_slice %arg4[%run_scoped3A_427, %mul3A_2, %dma_start3A_673] : memref<50x1024x128xf32, #tpu.memory_space<hbm>> -> memref<1x32x128xf32, #tpu.memory_space<hbm>>
      %dma_start3A_675 = tpu.memref_squeeze %dma_start3A_674 : memref<1x32x128xf32, #tpu.memory_space<hbm>> -> memref<32x128xf32, #tpu.memory_space<hbm>>
      tpu.enqueue_dma source(%arg6 : memref<32x128xf32, #tpu.memory_space<vmem>>) target(%dma_start3A_675 : memref<32x128xf32, #tpu.memory_space<hbm>>) target_semaphore(%run_scoped3A_669 : memref<!tpu.dma_semaphore, #tpu.memory_space<semaphore_mem>>)
      %dma_wait3A_676 = arith.constant 0 : i32
      %dma_wait3A_677 = tpu.memref_slice %arg4[%run_scoped3A_427, %mul3A_2, %dma_wait3A_676] : memref<50x1024x128xf32, #tpu.memory_space<hbm>> -> memref<1x32x128xf32, #tpu.memory_space<hbm>>
      %dma_wait3A_678 = tpu.memref_squeeze %dma_wait3A_677 : memref<1x32x128xf32, #tpu.memory_space<hbm>> -> memref<32x128xf32, #tpu.memory_space<hbm>>
      %dma_wait3A_679 = arith.constant 0 : i32
      %dma_wait3A_680 = tpu.memref_slice %arg4[%run_scoped3A_427, %mul3A_2, %dma_wait3A_679] : memref<50x1024x128xf32, #tpu.memory_space<hbm>> -> memref<1x32x128xf32, #tpu.memory_space<hbm>>
      %dma_wait3A_681 = tpu.memref_squeeze %dma_wait3A_680 : memref<1x32x128xf32, #tpu.memory_space<hbm>> -> memref<32x128xf32, #tpu.memory_space<hbm>>
      tpu.wait_dma2 semaphore(%run_scoped3A_669 : memref<!tpu.dma_semaphore, #tpu.memory_space<semaphore_mem>>) src(%arg6 : memref<32x128xf32, #tpu.memory_space<vmem>>) dst(%dma_wait3A_681 : memref<32x128xf32, #tpu.memory_space<hbm>>)
      tpu.yield
    }) : () -> ()
    %dma_wait3A_428 = arith.constant 31 : i32
    %dma_wait3A_429 = tpu.memref_slice %arg5[%dma_wait3A_428, %sub3A_21] : memref<50x128xi32, #tpu.memory_space<vmem>> -> memref<1x32xi32, #tpu.memory_space<vmem>>
    %dma_wait3A_430 = tpu.memref_squeeze %dma_wait3A_429 : memref<1x32xi32, #tpu.memory_space<vmem>> -> memref<32xi32, #tpu.memory_space<vmem>>
    %dma_wait3A_431 = arith.constant 0 : i32
    %dma_wait3A_432 = arith.constant 0 : i32
    %dma_wait3A_433 = tpu.memref_slice %arg3[%dma_wait3A_431, %dma_wait3A_432] : memref<1000x128xf32, #tpu.memory_space<hbm>> -> memref<1000x128xf32, #tpu.memory_space<hbm>>
    tpu.wait_indirect_dma semaphore(%arg9 : memref<!tpu.dma_semaphore, #tpu.memory_space<semaphore_mem>>) src(%dma_wait3A_433 : memref<1000x128xf32, #tpu.memory_space<hbm>>) dst(%arg7 : memref<32x128xf32, #tpu.memory_space<vmem>>)
    %dma_start3A_434 = arith.constant 32 : i32
    %dma_start3A_435 = tpu.memref_slice %arg5[%dma_start3A_434, %sub3A_21] : memref<50x128xi32, #tpu.memory_space<vmem>> -> memref<1x32xi32, #tpu.memory_space<vmem>>
    %dma_start3A_436 = tpu.memref_squeeze %dma_start3A_435 : memref<1x32xi32, #tpu.memory_space<vmem>> -> memref<32xi32, #tpu.memory_space<vmem>>
    %dma_start3A_437 = arith.constant 0 : i32
    %dma_start3A_438 = arith.constant 0 : i32
    %dma_start3A_439 = tpu.memref_slice %arg3[%dma_start3A_437, %dma_start3A_438] : memref<1000x128xf32, #tpu.memory_space<hbm>> -> memref<1000x128xf32, #tpu.memory_space<hbm>>
    tpu.enqueue_indirect_dma source(%dma_start3A_439 : memref<1000x128xf32, #tpu.memory_space<hbm>>) target(%arg6 : memref<32x128xf32, #tpu.memory_space<vmem>>) offsets(%dma_start3A_436 : memref<32xi32, #tpu.memory_space<vmem>>) semaphore(%arg8 : memref<!tpu.dma_semaphore, #tpu.memory_space<semaphore_mem>>)
    %run_scoped3A_440 = arith.constant 31 : i32
    "tpu.region"() ({
      %run_scoped3A_669 = tpu.sem_alloc : memref<!tpu.dma_semaphore, #tpu.memory_space<semaphore_mem>>
      %dma_start3A_670 = arith.constant 0 : i32
      %dma_start3A_671 = tpu.memref_slice %arg4[%run_scoped3A_440, %mul3A_2, %dma_start3A_670] : memref<50x1024x128xf32, #tpu.memory_space<hbm>> -> memref<1x32x128xf32, #tpu.memory_space<hbm>>
      %dma_start3A_672 = tpu.memref_squeeze %dma_start3A_671 : memref<1x32x128xf32, #tpu.memory_space<hbm>> -> memref<32x128xf32, #tpu.memory_space<hbm>>
      %dma_start3A_673 = arith.constant 0 : i32
      %dma_start3A_674 = tpu.memref_slice %arg4[%run_scoped3A_440, %mul3A_2, %dma_start3A_673] : memref<50x1024x128xf32, #tpu.memory_space<hbm>> -> memref<1x32x128xf32, #tpu.memory_space<hbm>>
      %dma_start3A_675 = tpu.memref_squeeze %dma_start3A_674 : memref<1x32x128xf32, #tpu.memory_space<hbm>> -> memref<32x128xf32, #tpu.memory_space<hbm>>
      tpu.enqueue_dma source(%arg7 : memref<32x128xf32, #tpu.memory_space<vmem>>) target(%dma_start3A_675 : memref<32x128xf32, #tpu.memory_space<hbm>>) target_semaphore(%run_scoped3A_669 : memref<!tpu.dma_semaphore, #tpu.memory_space<semaphore_mem>>)
      %dma_wait3A_676 = arith.constant 0 : i32
      %dma_wait3A_677 = tpu.memref_slice %arg4[%run_scoped3A_440, %mul3A_2, %dma_wait3A_676] : memref<50x1024x128xf32, #tpu.memory_space<hbm>> -> memref<1x32x128xf32, #tpu.memory_space<hbm>>
      %dma_wait3A_678 = tpu.memref_squeeze %dma_wait3A_677 : memref<1x32x128xf32, #tpu.memory_space<hbm>> -> memref<32x128xf32, #tpu.memory_space<hbm>>
      %dma_wait3A_679 = arith.constant 0 : i32
      %dma_wait3A_680 = tpu.memref_slice %arg4[%run_scoped3A_440, %mul3A_2, %dma_wait3A_679] : memref<50x1024x128xf32, #tpu.memory_space<hbm>> -> memref<1x32x128xf32, #tpu.memory_space<hbm>>
      %dma_wait3A_681 = tpu.memref_squeeze %dma_wait3A_680 : memref<1x32x128xf32, #tpu.memory_space<hbm>> -> memref<32x128xf32, #tpu.memory_space<hbm>>
      tpu.wait_dma2 semaphore(%run_scoped3A_669 : memref<!tpu.dma_semaphore, #tpu.memory_space<semaphore_mem>>) src(%arg7 : memref<32x128xf32, #tpu.memory_space<vmem>>) dst(%dma_wait3A_681 : memref<32x128xf32, #tpu.memory_space<hbm>>)
      tpu.yield
    }) : () -> ()
    %dma_wait3A_441 = arith.constant 32 : i32
    %dma_wait3A_442 = tpu.memref_slice %arg5[%dma_wait3A_441, %sub3A_21] : memref<50x128xi32, #tpu.memory_space<vmem>> -> memref<1x32xi32, #tpu.memory_space<vmem>>
    %dma_wait3A_443 = tpu.memref_squeeze %dma_wait3A_442 : memref<1x32xi32, #tpu.memory_space<vmem>> -> memref<32xi32, #tpu.memory_space<vmem>>
    %dma_wait3A_444 = arith.constant 0 : i32
    %dma_wait3A_445 = arith.constant 0 : i32
    %dma_wait3A_446 = tpu.memref_slice %arg3[%dma_wait3A_444, %dma_wait3A_445] : memref<1000x128xf32, #tpu.memory_space<hbm>> -> memref<1000x128xf32, #tpu.memory_space<hbm>>
    tpu.wait_indirect_dma semaphore(%arg8 : memref<!tpu.dma_semaphore, #tpu.memory_space<semaphore_mem>>) src(%dma_wait3A_446 : memref<1000x128xf32, #tpu.memory_space<hbm>>) dst(%arg6 : memref<32x128xf32, #tpu.memory_space<vmem>>)
    %dma_start3A_447 = arith.constant 33 : i32
    %dma_start3A_448 = tpu.memref_slice %arg5[%dma_start3A_447, %sub3A_21] : memref<50x128xi32, #tpu.memory_space<vmem>> -> memref<1x32xi32, #tpu.memory_space<vmem>>
    %dma_start3A_449 = tpu.memref_squeeze %dma_start3A_448 : memref<1x32xi32, #tpu.memory_space<vmem>> -> memref<32xi32, #tpu.memory_space<vmem>>
    %dma_start3A_450 = arith.constant 0 : i32
    %dma_start3A_451 = arith.constant 0 : i32
    %dma_start3A_452 = tpu.memref_slice %arg3[%dma_start3A_450, %dma_start3A_451] : memref<1000x128xf32, #tpu.memory_space<hbm>> -> memref<1000x128xf32, #tpu.memory_space<hbm>>
    tpu.enqueue_indirect_dma source(%dma_start3A_452 : memref<1000x128xf32, #tpu.memory_space<hbm>>) target(%arg7 : memref<32x128xf32, #tpu.memory_space<vmem>>) offsets(%dma_start3A_449 : memref<32xi32, #tpu.memory_space<vmem>>) semaphore(%arg9 : memref<!tpu.dma_semaphore, #tpu.memory_space<semaphore_mem>>)
    %run_scoped3A_453 = arith.constant 32 : i32
    "tpu.region"() ({
      %run_scoped3A_669 = tpu.sem_alloc : memref<!tpu.dma_semaphore, #tpu.memory_space<semaphore_mem>>
      %dma_start3A_670 = arith.constant 0 : i32
      %dma_start3A_671 = tpu.memref_slice %arg4[%run_scoped3A_453, %mul3A_2, %dma_start3A_670] : memref<50x1024x128xf32, #tpu.memory_space<hbm>> -> memref<1x32x128xf32, #tpu.memory_space<hbm>>
      %dma_start3A_672 = tpu.memref_squeeze %dma_start3A_671 : memref<1x32x128xf32, #tpu.memory_space<hbm>> -> memref<32x128xf32, #tpu.memory_space<hbm>>
      %dma_start3A_673 = arith.constant 0 : i32
      %dma_start3A_674 = tpu.memref_slice %arg4[%run_scoped3A_453, %mul3A_2, %dma_start3A_673] : memref<50x1024x128xf32, #tpu.memory_space<hbm>> -> memref<1x32x128xf32, #tpu.memory_space<hbm>>
      %dma_start3A_675 = tpu.memref_squeeze %dma_start3A_674 : memref<1x32x128xf32, #tpu.memory_space<hbm>> -> memref<32x128xf32, #tpu.memory_space<hbm>>
      tpu.enqueue_dma source(%arg6 : memref<32x128xf32, #tpu.memory_space<vmem>>) target(%dma_start3A_675 : memref<32x128xf32, #tpu.memory_space<hbm>>) target_semaphore(%run_scoped3A_669 : memref<!tpu.dma_semaphore, #tpu.memory_space<semaphore_mem>>)
      %dma_wait3A_676 = arith.constant 0 : i32
      %dma_wait3A_677 = tpu.memref_slice %arg4[%run_scoped3A_453, %mul3A_2, %dma_wait3A_676] : memref<50x1024x128xf32, #tpu.memory_space<hbm>> -> memref<1x32x128xf32, #tpu.memory_space<hbm>>
      %dma_wait3A_678 = tpu.memref_squeeze %dma_wait3A_677 : memref<1x32x128xf32, #tpu.memory_space<hbm>> -> memref<32x128xf32, #tpu.memory_space<hbm>>
      %dma_wait3A_679 = arith.constant 0 : i32
      %dma_wait3A_680 = tpu.memref_slice %arg4[%run_scoped3A_453, %mul3A_2, %dma_wait3A_679] : memref<50x1024x128xf32, #tpu.memory_space<hbm>> -> memref<1x32x128xf32, #tpu.memory_space<hbm>>
      %dma_wait3A_681 = tpu.memref_squeeze %dma_wait3A_680 : memref<1x32x128xf32, #tpu.memory_space<hbm>> -> memref<32x128xf32, #tpu.memory_space<hbm>>
      tpu.wait_dma2 semaphore(%run_scoped3A_669 : memref<!tpu.dma_semaphore, #tpu.memory_space<semaphore_mem>>) src(%arg6 : memref<32x128xf32, #tpu.memory_space<vmem>>) dst(%dma_wait3A_681 : memref<32x128xf32, #tpu.memory_space<hbm>>)
      tpu.yield
    }) : () -> ()
    %dma_wait3A_454 = arith.constant 33 : i32
    %dma_wait3A_455 = tpu.memref_slice %arg5[%dma_wait3A_454, %sub3A_21] : memref<50x128xi32, #tpu.memory_space<vmem>> -> memref<1x32xi32, #tpu.memory_space<vmem>>
    %dma_wait3A_456 = tpu.memref_squeeze %dma_wait3A_455 : memref<1x32xi32, #tpu.memory_space<vmem>> -> memref<32xi32, #tpu.memory_space<vmem>>
    %dma_wait3A_457 = arith.constant 0 : i32
    %dma_wait3A_458 = arith.constant 0 : i32
    %dma_wait3A_459 = tpu.memref_slice %arg3[%dma_wait3A_457, %dma_wait3A_458] : memref<1000x128xf32, #tpu.memory_space<hbm>> -> memref<1000x128xf32, #tpu.memory_space<hbm>>
    tpu.wait_indirect_dma semaphore(%arg9 : memref<!tpu.dma_semaphore, #tpu.memory_space<semaphore_mem>>) src(%dma_wait3A_459 : memref<1000x128xf32, #tpu.memory_space<hbm>>) dst(%arg7 : memref<32x128xf32, #tpu.memory_space<vmem>>)
    %dma_start3A_460 = arith.constant 34 : i32
    %dma_start3A_461 = tpu.memref_slice %arg5[%dma_start3A_460, %sub3A_21] : memref<50x128xi32, #tpu.memory_space<vmem>> -> memref<1x32xi32, #tpu.memory_space<vmem>>
    %dma_start3A_462 = tpu.memref_squeeze %dma_start3A_461 : memref<1x32xi32, #tpu.memory_space<vmem>> -> memref<32xi32, #tpu.memory_space<vmem>>
    %dma_start3A_463 = arith.constant 0 : i32
    %dma_start3A_464 = arith.constant 0 : i32
    %dma_start3A_465 = tpu.memref_slice %arg3[%dma_start3A_463, %dma_start3A_464] : memref<1000x128xf32, #tpu.memory_space<hbm>> -> memref<1000x128xf32, #tpu.memory_space<hbm>>
    tpu.enqueue_indirect_dma source(%dma_start3A_465 : memref<1000x128xf32, #tpu.memory_space<hbm>>) target(%arg6 : memref<32x128xf32, #tpu.memory_space<vmem>>) offsets(%dma_start3A_462 : memref<32xi32, #tpu.memory_space<vmem>>) semaphore(%arg8 : memref<!tpu.dma_semaphore, #tpu.memory_space<semaphore_mem>>)
    %run_scoped3A_466 = arith.constant 33 : i32
    "tpu.region"() ({
      %run_scoped3A_669 = tpu.sem_alloc : memref<!tpu.dma_semaphore, #tpu.memory_space<semaphore_mem>>
      %dma_start3A_670 = arith.constant 0 : i32
      %dma_start3A_671 = tpu.memref_slice %arg4[%run_scoped3A_466, %mul3A_2, %dma_start3A_670] : memref<50x1024x128xf32, #tpu.memory_space<hbm>> -> memref<1x32x128xf32, #tpu.memory_space<hbm>>
      %dma_start3A_672 = tpu.memref_squeeze %dma_start3A_671 : memref<1x32x128xf32, #tpu.memory_space<hbm>> -> memref<32x128xf32, #tpu.memory_space<hbm>>
      %dma_start3A_673 = arith.constant 0 : i32
      %dma_start3A_674 = tpu.memref_slice %arg4[%run_scoped3A_466, %mul3A_2, %dma_start3A_673] : memref<50x1024x128xf32, #tpu.memory_space<hbm>> -> memref<1x32x128xf32, #tpu.memory_space<hbm>>
      %dma_start3A_675 = tpu.memref_squeeze %dma_start3A_674 : memref<1x32x128xf32, #tpu.memory_space<hbm>> -> memref<32x128xf32, #tpu.memory_space<hbm>>
      tpu.enqueue_dma source(%arg7 : memref<32x128xf32, #tpu.memory_space<vmem>>) target(%dma_start3A_675 : memref<32x128xf32, #tpu.memory_space<hbm>>) target_semaphore(%run_scoped3A_669 : memref<!tpu.dma_semaphore, #tpu.memory_space<semaphore_mem>>)
      %dma_wait3A_676 = arith.constant 0 : i32
      %dma_wait3A_677 = tpu.memref_slice %arg4[%run_scoped3A_466, %mul3A_2, %dma_wait3A_676] : memref<50x1024x128xf32, #tpu.memory_space<hbm>> -> memref<1x32x128xf32, #tpu.memory_space<hbm>>
      %dma_wait3A_678 = tpu.memref_squeeze %dma_wait3A_677 : memref<1x32x128xf32, #tpu.memory_space<hbm>> -> memref<32x128xf32, #tpu.memory_space<hbm>>
      %dma_wait3A_679 = arith.constant 0 : i32
      %dma_wait3A_680 = tpu.memref_slice %arg4[%run_scoped3A_466, %mul3A_2, %dma_wait3A_679] : memref<50x1024x128xf32, #tpu.memory_space<hbm>> -> memref<1x32x128xf32, #tpu.memory_space<hbm>>
      %dma_wait3A_681 = tpu.memref_squeeze %dma_wait3A_680 : memref<1x32x128xf32, #tpu.memory_space<hbm>> -> memref<32x128xf32, #tpu.memory_space<hbm>>
      tpu.wait_dma2 semaphore(%run_scoped3A_669 : memref<!tpu.dma_semaphore, #tpu.memory_space<semaphore_mem>>) src(%arg7 : memref<32x128xf32, #tpu.memory_space<vmem>>) dst(%dma_wait3A_681 : memref<32x128xf32, #tpu.memory_space<hbm>>)
      tpu.yield
    }) : () -> ()
    %dma_wait3A_467 = arith.constant 34 : i32
    %dma_wait3A_468 = tpu.memref_slice %arg5[%dma_wait3A_467, %sub3A_21] : memref<50x128xi32, #tpu.memory_space<vmem>> -> memref<1x32xi32, #tpu.memory_space<vmem>>
    %dma_wait3A_469 = tpu.memref_squeeze %dma_wait3A_468 : memref<1x32xi32, #tpu.memory_space<vmem>> -> memref<32xi32, #tpu.memory_space<vmem>>
    %dma_wait3A_470 = arith.constant 0 : i32
    %dma_wait3A_471 = arith.constant 0 : i32
    %dma_wait3A_472 = tpu.memref_slice %arg3[%dma_wait3A_470, %dma_wait3A_471] : memref<1000x128xf32, #tpu.memory_space<hbm>> -> memref<1000x128xf32, #tpu.memory_space<hbm>>
    tpu.wait_indirect_dma semaphore(%arg8 : memref<!tpu.dma_semaphore, #tpu.memory_space<semaphore_mem>>) src(%dma_wait3A_472 : memref<1000x128xf32, #tpu.memory_space<hbm>>) dst(%arg6 : memref<32x128xf32, #tpu.memory_space<vmem>>)
    %dma_start3A_473 = arith.constant 35 : i32
    %dma_start3A_474 = tpu.memref_slice %arg5[%dma_start3A_473, %sub3A_21] : memref<50x128xi32, #tpu.memory_space<vmem>> -> memref<1x32xi32, #tpu.memory_space<vmem>>
    %dma_start3A_475 = tpu.memref_squeeze %dma_start3A_474 : memref<1x32xi32, #tpu.memory_space<vmem>> -> memref<32xi32, #tpu.memory_space<vmem>>
    %dma_start3A_476 = arith.constant 0 : i32
    %dma_start3A_477 = arith.constant 0 : i32
    %dma_start3A_478 = tpu.memref_slice %arg3[%dma_start3A_476, %dma_start3A_477] : memref<1000x128xf32, #tpu.memory_space<hbm>> -> memref<1000x128xf32, #tpu.memory_space<hbm>>
    tpu.enqueue_indirect_dma source(%dma_start3A_478 : memref<1000x128xf32, #tpu.memory_space<hbm>>) target(%arg7 : memref<32x128xf32, #tpu.memory_space<vmem>>) offsets(%dma_start3A_475 : memref<32xi32, #tpu.memory_space<vmem>>) semaphore(%arg9 : memref<!tpu.dma_semaphore, #tpu.memory_space<semaphore_mem>>)
    %run_scoped3A_479 = arith.constant 34 : i32
    "tpu.region"() ({
      %run_scoped3A_669 = tpu.sem_alloc : memref<!tpu.dma_semaphore, #tpu.memory_space<semaphore_mem>>
      %dma_start3A_670 = arith.constant 0 : i32
      %dma_start3A_671 = tpu.memref_slice %arg4[%run_scoped3A_479, %mul3A_2, %dma_start3A_670] : memref<50x1024x128xf32, #tpu.memory_space<hbm>> -> memref<1x32x128xf32, #tpu.memory_space<hbm>>
      %dma_start3A_672 = tpu.memref_squeeze %dma_start3A_671 : memref<1x32x128xf32, #tpu.memory_space<hbm>> -> memref<32x128xf32, #tpu.memory_space<hbm>>
      %dma_start3A_673 = arith.constant 0 : i32
      %dma_start3A_674 = tpu.memref_slice %arg4[%run_scoped3A_479, %mul3A_2, %dma_start3A_673] : memref<50x1024x128xf32, #tpu.memory_space<hbm>> -> memref<1x32x128xf32, #tpu.memory_space<hbm>>
      %dma_start3A_675 = tpu.memref_squeeze %dma_start3A_674 : memref<1x32x128xf32, #tpu.memory_space<hbm>> -> memref<32x128xf32, #tpu.memory_space<hbm>>
      tpu.enqueue_dma source(%arg6 : memref<32x128xf32, #tpu.memory_space<vmem>>) target(%dma_start3A_675 : memref<32x128xf32, #tpu.memory_space<hbm>>) target_semaphore(%run_scoped3A_669 : memref<!tpu.dma_semaphore, #tpu.memory_space<semaphore_mem>>)
      %dma_wait3A_676 = arith.constant 0 : i32
      %dma_wait3A_677 = tpu.memref_slice %arg4[%run_scoped3A_479, %mul3A_2, %dma_wait3A_676] : memref<50x1024x128xf32, #tpu.memory_space<hbm>> -> memref<1x32x128xf32, #tpu.memory_space<hbm>>
      %dma_wait3A_678 = tpu.memref_squeeze %dma_wait3A_677 : memref<1x32x128xf32, #tpu.memory_space<hbm>> -> memref<32x128xf32, #tpu.memory_space<hbm>>
      %dma_wait3A_679 = arith.constant 0 : i32
      %dma_wait3A_680 = tpu.memref_slice %arg4[%run_scoped3A_479, %mul3A_2, %dma_wait3A_679] : memref<50x1024x128xf32, #tpu.memory_space<hbm>> -> memref<1x32x128xf32, #tpu.memory_space<hbm>>
      %dma_wait3A_681 = tpu.memref_squeeze %dma_wait3A_680 : memref<1x32x128xf32, #tpu.memory_space<hbm>> -> memref<32x128xf32, #tpu.memory_space<hbm>>
      tpu.wait_dma2 semaphore(%run_scoped3A_669 : memref<!tpu.dma_semaphore, #tpu.memory_space<semaphore_mem>>) src(%arg6 : memref<32x128xf32, #tpu.memory_space<vmem>>) dst(%dma_wait3A_681 : memref<32x128xf32, #tpu.memory_space<hbm>>)
      tpu.yield
    }) : () -> ()
    %dma_wait3A_480 = arith.constant 35 : i32
    %dma_wait3A_481 = tpu.memref_slice %arg5[%dma_wait3A_480, %sub3A_21] : memref<50x128xi32, #tpu.memory_space<vmem>> -> memref<1x32xi32, #tpu.memory_space<vmem>>
    %dma_wait3A_482 = tpu.memref_squeeze %dma_wait3A_481 : memref<1x32xi32, #tpu.memory_space<vmem>> -> memref<32xi32, #tpu.memory_space<vmem>>
    %dma_wait3A_483 = arith.constant 0 : i32
    %dma_wait3A_484 = arith.constant 0 : i32
    %dma_wait3A_485 = tpu.memref_slice %arg3[%dma_wait3A_483, %dma_wait3A_484] : memref<1000x128xf32, #tpu.memory_space<hbm>> -> memref<1000x128xf32, #tpu.memory_space<hbm>>
    tpu.wait_indirect_dma semaphore(%arg9 : memref<!tpu.dma_semaphore, #tpu.memory_space<semaphore_mem>>) src(%dma_wait3A_485 : memref<1000x128xf32, #tpu.memory_space<hbm>>) dst(%arg7 : memref<32x128xf32, #tpu.memory_space<vmem>>)
    %dma_start3A_486 = arith.constant 36 : i32
    %dma_start3A_487 = tpu.memref_slice %arg5[%dma_start3A_486, %sub3A_21] : memref<50x128xi32, #tpu.memory_space<vmem>> -> memref<1x32xi32, #tpu.memory_space<vmem>>
    %dma_start3A_488 = tpu.memref_squeeze %dma_start3A_487 : memref<1x32xi32, #tpu.memory_space<vmem>> -> memref<32xi32, #tpu.memory_space<vmem>>
    %dma_start3A_489 = arith.constant 0 : i32
    %dma_start3A_490 = arith.constant 0 : i32
    %dma_start3A_491 = tpu.memref_slice %arg3[%dma_start3A_489, %dma_start3A_490] : memref<1000x128xf32, #tpu.memory_space<hbm>> -> memref<1000x128xf32, #tpu.memory_space<hbm>>
    tpu.enqueue_indirect_dma source(%dma_start3A_491 : memref<1000x128xf32, #tpu.memory_space<hbm>>) target(%arg6 : memref<32x128xf32, #tpu.memory_space<vmem>>) offsets(%dma_start3A_488 : memref<32xi32, #tpu.memory_space<vmem>>) semaphore(%arg8 : memref<!tpu.dma_semaphore, #tpu.memory_space<semaphore_mem>>)
    %run_scoped3A_492 = arith.constant 35 : i32
    "tpu.region"() ({
      %run_scoped3A_669 = tpu.sem_alloc : memref<!tpu.dma_semaphore, #tpu.memory_space<semaphore_mem>>
      %dma_start3A_670 = arith.constant 0 : i32
      %dma_start3A_671 = tpu.memref_slice %arg4[%run_scoped3A_492, %mul3A_2, %dma_start3A_670] : memref<50x1024x128xf32, #tpu.memory_space<hbm>> -> memref<1x32x128xf32, #tpu.memory_space<hbm>>
      %dma_start3A_672 = tpu.memref_squeeze %dma_start3A_671 : memref<1x32x128xf32, #tpu.memory_space<hbm>> -> memref<32x128xf32, #tpu.memory_space<hbm>>
      %dma_start3A_673 = arith.constant 0 : i32
      %dma_start3A_674 = tpu.memref_slice %arg4[%run_scoped3A_492, %mul3A_2, %dma_start3A_673] : memref<50x1024x128xf32, #tpu.memory_space<hbm>> -> memref<1x32x128xf32, #tpu.memory_space<hbm>>
      %dma_start3A_675 = tpu.memref_squeeze %dma_start3A_674 : memref<1x32x128xf32, #tpu.memory_space<hbm>> -> memref<32x128xf32, #tpu.memory_space<hbm>>
      tpu.enqueue_dma source(%arg7 : memref<32x128xf32, #tpu.memory_space<vmem>>) target(%dma_start3A_675 : memref<32x128xf32, #tpu.memory_space<hbm>>) target_semaphore(%run_scoped3A_669 : memref<!tpu.dma_semaphore, #tpu.memory_space<semaphore_mem>>)
      %dma_wait3A_676 = arith.constant 0 : i32
      %dma_wait3A_677 = tpu.memref_slice %arg4[%run_scoped3A_492, %mul3A_2, %dma_wait3A_676] : memref<50x1024x128xf32, #tpu.memory_space<hbm>> -> memref<1x32x128xf32, #tpu.memory_space<hbm>>
      %dma_wait3A_678 = tpu.memref_squeeze %dma_wait3A_677 : memref<1x32x128xf32, #tpu.memory_space<hbm>> -> memref<32x128xf32, #tpu.memory_space<hbm>>
      %dma_wait3A_679 = arith.constant 0 : i32
      %dma_wait3A_680 = tpu.memref_slice %arg4[%run_scoped3A_492, %mul3A_2, %dma_wait3A_679] : memref<50x1024x128xf32, #tpu.memory_space<hbm>> -> memref<1x32x128xf32, #tpu.memory_space<hbm>>
      %dma_wait3A_681 = tpu.memref_squeeze %dma_wait3A_680 : memref<1x32x128xf32, #tpu.memory_space<hbm>> -> memref<32x128xf32, #tpu.memory_space<hbm>>
      tpu.wait_dma2 semaphore(%run_scoped3A_669 : memref<!tpu.dma_semaphore, #tpu.memory_space<semaphore_mem>>) src(%arg7 : memref<32x128xf32, #tpu.memory_space<vmem>>) dst(%dma_wait3A_681 : memref<32x128xf32, #tpu.memory_space<hbm>>)
      tpu.yield
    }) : () -> ()
    %dma_wait3A_493 = arith.constant 36 : i32
    %dma_wait3A_494 = tpu.memref_slice %arg5[%dma_wait3A_493, %sub3A_21] : memref<50x128xi32, #tpu.memory_space<vmem>> -> memref<1x32xi32, #tpu.memory_space<vmem>>
    %dma_wait3A_495 = tpu.memref_squeeze %dma_wait3A_494 : memref<1x32xi32, #tpu.memory_space<vmem>> -> memref<32xi32, #tpu.memory_space<vmem>>
    %dma_wait3A_496 = arith.constant 0 : i32
    %dma_wait3A_497 = arith.constant 0 : i32
    %dma_wait3A_498 = tpu.memref_slice %arg3[%dma_wait3A_496, %dma_wait3A_497] : memref<1000x128xf32, #tpu.memory_space<hbm>> -> memref<1000x128xf32, #tpu.memory_space<hbm>>
    tpu.wait_indirect_dma semaphore(%arg8 : memref<!tpu.dma_semaphore, #tpu.memory_space<semaphore_mem>>) src(%dma_wait3A_498 : memref<1000x128xf32, #tpu.memory_space<hbm>>) dst(%arg6 : memref<32x128xf32, #tpu.memory_space<vmem>>)
    %dma_start3A_499 = arith.constant 37 : i32
    %dma_start3A_500 = tpu.memref_slice %arg5[%dma_start3A_499, %sub3A_21] : memref<50x128xi32, #tpu.memory_space<vmem>> -> memref<1x32xi32, #tpu.memory_space<vmem>>
    %dma_start3A_501 = tpu.memref_squeeze %dma_start3A_500 : memref<1x32xi32, #tpu.memory_space<vmem>> -> memref<32xi32, #tpu.memory_space<vmem>>
    %dma_start3A_502 = arith.constant 0 : i32
    %dma_start3A_503 = arith.constant 0 : i32
    %dma_start3A_504 = tpu.memref_slice %arg3[%dma_start3A_502, %dma_start3A_503] : memref<1000x128xf32, #tpu.memory_space<hbm>> -> memref<1000x128xf32, #tpu.memory_space<hbm>>
    tpu.enqueue_indirect_dma source(%dma_start3A_504 : memref<1000x128xf32, #tpu.memory_space<hbm>>) target(%arg7 : memref<32x128xf32, #tpu.memory_space<vmem>>) offsets(%dma_start3A_501 : memref<32xi32, #tpu.memory_space<vmem>>) semaphore(%arg9 : memref<!tpu.dma_semaphore, #tpu.memory_space<semaphore_mem>>)
    %run_scoped3A_505 = arith.constant 36 : i32
    "tpu.region"() ({
      %run_scoped3A_669 = tpu.sem_alloc : memref<!tpu.dma_semaphore, #tpu.memory_space<semaphore_mem>>
      %dma_start3A_670 = arith.constant 0 : i32
      %dma_start3A_671 = tpu.memref_slice %arg4[%run_scoped3A_505, %mul3A_2, %dma_start3A_670] : memref<50x1024x128xf32, #tpu.memory_space<hbm>> -> memref<1x32x128xf32, #tpu.memory_space<hbm>>
      %dma_start3A_672 = tpu.memref_squeeze %dma_start3A_671 : memref<1x32x128xf32, #tpu.memory_space<hbm>> -> memref<32x128xf32, #tpu.memory_space<hbm>>
      %dma_start3A_673 = arith.constant 0 : i32
      %dma_start3A_674 = tpu.memref_slice %arg4[%run_scoped3A_505, %mul3A_2, %dma_start3A_673] : memref<50x1024x128xf32, #tpu.memory_space<hbm>> -> memref<1x32x128xf32, #tpu.memory_space<hbm>>
      %dma_start3A_675 = tpu.memref_squeeze %dma_start3A_674 : memref<1x32x128xf32, #tpu.memory_space<hbm>> -> memref<32x128xf32, #tpu.memory_space<hbm>>
      tpu.enqueue_dma source(%arg6 : memref<32x128xf32, #tpu.memory_space<vmem>>) target(%dma_start3A_675 : memref<32x128xf32, #tpu.memory_space<hbm>>) target_semaphore(%run_scoped3A_669 : memref<!tpu.dma_semaphore, #tpu.memory_space<semaphore_mem>>)
      %dma_wait3A_676 = arith.constant 0 : i32
      %dma_wait3A_677 = tpu.memref_slice %arg4[%run_scoped3A_505, %mul3A_2, %dma_wait3A_676] : memref<50x1024x128xf32, #tpu.memory_space<hbm>> -> memref<1x32x128xf32, #tpu.memory_space<hbm>>
      %dma_wait3A_678 = tpu.memref_squeeze %dma_wait3A_677 : memref<1x32x128xf32, #tpu.memory_space<hbm>> -> memref<32x128xf32, #tpu.memory_space<hbm>>
      %dma_wait3A_679 = arith.constant 0 : i32
      %dma_wait3A_680 = tpu.memref_slice %arg4[%run_scoped3A_505, %mul3A_2, %dma_wait3A_679] : memref<50x1024x128xf32, #tpu.memory_space<hbm>> -> memref<1x32x128xf32, #tpu.memory_space<hbm>>
      %dma_wait3A_681 = tpu.memref_squeeze %dma_wait3A_680 : memref<1x32x128xf32, #tpu.memory_space<hbm>> -> memref<32x128xf32, #tpu.memory_space<hbm>>
      tpu.wait_dma2 semaphore(%run_scoped3A_669 : memref<!tpu.dma_semaphore, #tpu.memory_space<semaphore_mem>>) src(%arg6 : memref<32x128xf32, #tpu.memory_space<vmem>>) dst(%dma_wait3A_681 : memref<32x128xf32, #tpu.memory_space<hbm>>)
      tpu.yield
    }) : () -> ()
    %dma_wait3A_506 = arith.constant 37 : i32
    %dma_wait3A_507 = tpu.memref_slice %arg5[%dma_wait3A_506, %sub3A_21] : memref<50x128xi32, #tpu.memory_space<vmem>> -> memref<1x32xi32, #tpu.memory_space<vmem>>
    %dma_wait3A_508 = tpu.memref_squeeze %dma_wait3A_507 : memref<1x32xi32, #tpu.memory_space<vmem>> -> memref<32xi32, #tpu.memory_space<vmem>>
    %dma_wait3A_509 = arith.constant 0 : i32
    %dma_wait3A_510 = arith.constant 0 : i32
    %dma_wait3A_511 = tpu.memref_slice %arg3[%dma_wait3A_509, %dma_wait3A_510] : memref<1000x128xf32, #tpu.memory_space<hbm>> -> memref<1000x128xf32, #tpu.memory_space<hbm>>
    tpu.wait_indirect_dma semaphore(%arg9 : memref<!tpu.dma_semaphore, #tpu.memory_space<semaphore_mem>>) src(%dma_wait3A_511 : memref<1000x128xf32, #tpu.memory_space<hbm>>) dst(%arg7 : memref<32x128xf32, #tpu.memory_space<vmem>>)
    %dma_start3A_512 = arith.constant 38 : i32
    %dma_start3A_513 = tpu.memref_slice %arg5[%dma_start3A_512, %sub3A_21] : memref<50x128xi32, #tpu.memory_space<vmem>> -> memref<1x32xi32, #tpu.memory_space<vmem>>
    %dma_start3A_514 = tpu.memref_squeeze %dma_start3A_513 : memref<1x32xi32, #tpu.memory_space<vmem>> -> memref<32xi32, #tpu.memory_space<vmem>>
    %dma_start3A_515 = arith.constant 0 : i32
    %dma_start3A_516 = arith.constant 0 : i32
    %dma_start3A_517 = tpu.memref_slice %arg3[%dma_start3A_515, %dma_start3A_516] : memref<1000x128xf32, #tpu.memory_space<hbm>> -> memref<1000x128xf32, #tpu.memory_space<hbm>>
    tpu.enqueue_indirect_dma source(%dma_start3A_517 : memref<1000x128xf32, #tpu.memory_space<hbm>>) target(%arg6 : memref<32x128xf32, #tpu.memory_space<vmem>>) offsets(%dma_start3A_514 : memref<32xi32, #tpu.memory_space<vmem>>) semaphore(%arg8 : memref<!tpu.dma_semaphore, #tpu.memory_space<semaphore_mem>>)
    %run_scoped3A_518 = arith.constant 37 : i32
    "tpu.region"() ({
      %run_scoped3A_669 = tpu.sem_alloc : memref<!tpu.dma_semaphore, #tpu.memory_space<semaphore_mem>>
      %dma_start3A_670 = arith.constant 0 : i32
      %dma_start3A_671 = tpu.memref_slice %arg4[%run_scoped3A_518, %mul3A_2, %dma_start3A_670] : memref<50x1024x128xf32, #tpu.memory_space<hbm>> -> memref<1x32x128xf32, #tpu.memory_space<hbm>>
      %dma_start3A_672 = tpu.memref_squeeze %dma_start3A_671 : memref<1x32x128xf32, #tpu.memory_space<hbm>> -> memref<32x128xf32, #tpu.memory_space<hbm>>
      %dma_start3A_673 = arith.constant 0 : i32
      %dma_start3A_674 = tpu.memref_slice %arg4[%run_scoped3A_518, %mul3A_2, %dma_start3A_673] : memref<50x1024x128xf32, #tpu.memory_space<hbm>> -> memref<1x32x128xf32, #tpu.memory_space<hbm>>
      %dma_start3A_675 = tpu.memref_squeeze %dma_start3A_674 : memref<1x32x128xf32, #tpu.memory_space<hbm>> -> memref<32x128xf32, #tpu.memory_space<hbm>>
      tpu.enqueue_dma source(%arg7 : memref<32x128xf32, #tpu.memory_space<vmem>>) target(%dma_start3A_675 : memref<32x128xf32, #tpu.memory_space<hbm>>) target_semaphore(%run_scoped3A_669 : memref<!tpu.dma_semaphore, #tpu.memory_space<semaphore_mem>>)
      %dma_wait3A_676 = arith.constant 0 : i32
      %dma_wait3A_677 = tpu.memref_slice %arg4[%run_scoped3A_518, %mul3A_2, %dma_wait3A_676] : memref<50x1024x128xf32, #tpu.memory_space<hbm>> -> memref<1x32x128xf32, #tpu.memory_space<hbm>>
      %dma_wait3A_678 = tpu.memref_squeeze %dma_wait3A_677 : memref<1x32x128xf32, #tpu.memory_space<hbm>> -> memref<32x128xf32, #tpu.memory_space<hbm>>
      %dma_wait3A_679 = arith.constant 0 : i32
      %dma_wait3A_680 = tpu.memref_slice %arg4[%run_scoped3A_518, %mul3A_2, %dma_wait3A_679] : memref<50x1024x128xf32, #tpu.memory_space<hbm>> -> memref<1x32x128xf32, #tpu.memory_space<hbm>>
      %dma_wait3A_681 = tpu.memref_squeeze %dma_wait3A_680 : memref<1x32x128xf32, #tpu.memory_space<hbm>> -> memref<32x128xf32, #tpu.memory_space<hbm>>
      tpu.wait_dma2 semaphore(%run_scoped3A_669 : memref<!tpu.dma_semaphore, #tpu.memory_space<semaphore_mem>>) src(%arg7 : memref<32x128xf32, #tpu.memory_space<vmem>>) dst(%dma_wait3A_681 : memref<32x128xf32, #tpu.memory_space<hbm>>)
      tpu.yield
    }) : () -> ()
    %dma_wait3A_519 = arith.constant 38 : i32
    %dma_wait3A_520 = tpu.memref_slice %arg5[%dma_wait3A_519, %sub3A_21] : memref<50x128xi32, #tpu.memory_space<vmem>> -> memref<1x32xi32, #tpu.memory_space<vmem>>
    %dma_wait3A_521 = tpu.memref_squeeze %dma_wait3A_520 : memref<1x32xi32, #tpu.memory_space<vmem>> -> memref<32xi32, #tpu.memory_space<vmem>>
    %dma_wait3A_522 = arith.constant 0 : i32
    %dma_wait3A_523 = arith.constant 0 : i32
    %dma_wait3A_524 = tpu.memref_slice %arg3[%dma_wait3A_522, %dma_wait3A_523] : memref<1000x128xf32, #tpu.memory_space<hbm>> -> memref<1000x128xf32, #tpu.memory_space<hbm>>
    tpu.wait_indirect_dma semaphore(%arg8 : memref<!tpu.dma_semaphore, #tpu.memory_space<semaphore_mem>>) src(%dma_wait3A_524 : memref<1000x128xf32, #tpu.memory_space<hbm>>) dst(%arg6 : memref<32x128xf32, #tpu.memory_space<vmem>>)
    %dma_start3A_525 = arith.constant 39 : i32
    %dma_start3A_526 = tpu.memref_slice %arg5[%dma_start3A_525, %sub3A_21] : memref<50x128xi32, #tpu.memory_space<vmem>> -> memref<1x32xi32, #tpu.memory_space<vmem>>
    %dma_start3A_527 = tpu.memref_squeeze %dma_start3A_526 : memref<1x32xi32, #tpu.memory_space<vmem>> -> memref<32xi32, #tpu.memory_space<vmem>>
    %dma_start3A_528 = arith.constant 0 : i32
    %dma_start3A_529 = arith.constant 0 : i32
    %dma_start3A_530 = tpu.memref_slice %arg3[%dma_start3A_528, %dma_start3A_529] : memref<1000x128xf32, #tpu.memory_space<hbm>> -> memref<1000x128xf32, #tpu.memory_space<hbm>>
    tpu.enqueue_indirect_dma source(%dma_start3A_530 : memref<1000x128xf32, #tpu.memory_space<hbm>>) target(%arg7 : memref<32x128xf32, #tpu.memory_space<vmem>>) offsets(%dma_start3A_527 : memref<32xi32, #tpu.memory_space<vmem>>) semaphore(%arg9 : memref<!tpu.dma_semaphore, #tpu.memory_space<semaphore_mem>>)
    %run_scoped3A_531 = arith.constant 38 : i32
    "tpu.region"() ({
      %run_scoped3A_669 = tpu.sem_alloc : memref<!tpu.dma_semaphore, #tpu.memory_space<semaphore_mem>>
      %dma_start3A_670 = arith.constant 0 : i32
      %dma_start3A_671 = tpu.memref_slice %arg4[%run_scoped3A_531, %mul3A_2, %dma_start3A_670] : memref<50x1024x128xf32, #tpu.memory_space<hbm>> -> memref<1x32x128xf32, #tpu.memory_space<hbm>>
      %dma_start3A_672 = tpu.memref_squeeze %dma_start3A_671 : memref<1x32x128xf32, #tpu.memory_space<hbm>> -> memref<32x128xf32, #tpu.memory_space<hbm>>
      %dma_start3A_673 = arith.constant 0 : i32
      %dma_start3A_674 = tpu.memref_slice %arg4[%run_scoped3A_531, %mul3A_2, %dma_start3A_673] : memref<50x1024x128xf32, #tpu.memory_space<hbm>> -> memref<1x32x128xf32, #tpu.memory_space<hbm>>
      %dma_start3A_675 = tpu.memref_squeeze %dma_start3A_674 : memref<1x32x128xf32, #tpu.memory_space<hbm>> -> memref<32x128xf32, #tpu.memory_space<hbm>>
      tpu.enqueue_dma source(%arg6 : memref<32x128xf32, #tpu.memory_space<vmem>>) target(%dma_start3A_675 : memref<32x128xf32, #tpu.memory_space<hbm>>) target_semaphore(%run_scoped3A_669 : memref<!tpu.dma_semaphore, #tpu.memory_space<semaphore_mem>>)
      %dma_wait3A_676 = arith.constant 0 : i32
      %dma_wait3A_677 = tpu.memref_slice %arg4[%run_scoped3A_531, %mul3A_2, %dma_wait3A_676] : memref<50x1024x128xf32, #tpu.memory_space<hbm>> -> memref<1x32x128xf32, #tpu.memory_space<hbm>>
      %dma_wait3A_678 = tpu.memref_squeeze %dma_wait3A_677 : memref<1x32x128xf32, #tpu.memory_space<hbm>> -> memref<32x128xf32, #tpu.memory_space<hbm>>
      %dma_wait3A_679 = arith.constant 0 : i32
      %dma_wait3A_680 = tpu.memref_slice %arg4[%run_scoped3A_531, %mul3A_2, %dma_wait3A_679] : memref<50x1024x128xf32, #tpu.memory_space<hbm>> -> memref<1x32x128xf32, #tpu.memory_space<hbm>>
      %dma_wait3A_681 = tpu.memref_squeeze %dma_wait3A_680 : memref<1x32x128xf32, #tpu.memory_space<hbm>> -> memref<32x128xf32, #tpu.memory_space<hbm>>
      tpu.wait_dma2 semaphore(%run_scoped3A_669 : memref<!tpu.dma_semaphore, #tpu.memory_space<semaphore_mem>>) src(%arg6 : memref<32x128xf32, #tpu.memory_space<vmem>>) dst(%dma_wait3A_681 : memref<32x128xf32, #tpu.memory_space<hbm>>)
      tpu.yield
    }) : () -> ()
    %dma_wait3A_532 = arith.constant 39 : i32
    %dma_wait3A_533 = tpu.memref_slice %arg5[%dma_wait3A_532, %sub3A_21] : memref<50x128xi32, #tpu.memory_space<vmem>> -> memref<1x32xi32, #tpu.memory_space<vmem>>
    %dma_wait3A_534 = tpu.memref_squeeze %dma_wait3A_533 : memref<1x32xi32, #tpu.memory_space<vmem>> -> memref<32xi32, #tpu.memory_space<vmem>>
    %dma_wait3A_535 = arith.constant 0 : i32
    %dma_wait3A_536 = arith.constant 0 : i32
    %dma_wait3A_537 = tpu.memref_slice %arg3[%dma_wait3A_535, %dma_wait3A_536] : memref<1000x128xf32, #tpu.memory_space<hbm>> -> memref<1000x128xf32, #tpu.memory_space<hbm>>
    tpu.wait_indirect_dma semaphore(%arg9 : memref<!tpu.dma_semaphore, #tpu.memory_space<semaphore_mem>>) src(%dma_wait3A_537 : memref<1000x128xf32, #tpu.memory_space<hbm>>) dst(%arg7 : memref<32x128xf32, #tpu.memory_space<vmem>>)
    %dma_start3A_538 = arith.constant 40 : i32
    %dma_start3A_539 = tpu.memref_slice %arg5[%dma_start3A_538, %sub3A_21] : memref<50x128xi32, #tpu.memory_space<vmem>> -> memref<1x32xi32, #tpu.memory_space<vmem>>
    %dma_start3A_540 = tpu.memref_squeeze %dma_start3A_539 : memref<1x32xi32, #tpu.memory_space<vmem>> -> memref<32xi32, #tpu.memory_space<vmem>>
    %dma_start3A_541 = arith.constant 0 : i32
    %dma_start3A_542 = arith.constant 0 : i32
    %dma_start3A_543 = tpu.memref_slice %arg3[%dma_start3A_541, %dma_start3A_542] : memref<1000x128xf32, #tpu.memory_space<hbm>> -> memref<1000x128xf32, #tpu.memory_space<hbm>>
    tpu.enqueue_indirect_dma source(%dma_start3A_543 : memref<1000x128xf32, #tpu.memory_space<hbm>>) target(%arg6 : memref<32x128xf32, #tpu.memory_space<vmem>>) offsets(%dma_start3A_540 : memref<32xi32, #tpu.memory_space<vmem>>) semaphore(%arg8 : memref<!tpu.dma_semaphore, #tpu.memory_space<semaphore_mem>>)
    %run_scoped3A_544 = arith.constant 39 : i32
    "tpu.region"() ({
      %run_scoped3A_669 = tpu.sem_alloc : memref<!tpu.dma_semaphore, #tpu.memory_space<semaphore_mem>>
      %dma_start3A_670 = arith.constant 0 : i32
      %dma_start3A_671 = tpu.memref_slice %arg4[%run_scoped3A_544, %mul3A_2, %dma_start3A_670] : memref<50x1024x128xf32, #tpu.memory_space<hbm>> -> memref<1x32x128xf32, #tpu.memory_space<hbm>>
      %dma_start3A_672 = tpu.memref_squeeze %dma_start3A_671 : memref<1x32x128xf32, #tpu.memory_space<hbm>> -> memref<32x128xf32, #tpu.memory_space<hbm>>
      %dma_start3A_673 = arith.constant 0 : i32
      %dma_start3A_674 = tpu.memref_slice %arg4[%run_scoped3A_544, %mul3A_2, %dma_start3A_673] : memref<50x1024x128xf32, #tpu.memory_space<hbm>> -> memref<1x32x128xf32, #tpu.memory_space<hbm>>
      %dma_start3A_675 = tpu.memref_squeeze %dma_start3A_674 : memref<1x32x128xf32, #tpu.memory_space<hbm>> -> memref<32x128xf32, #tpu.memory_space<hbm>>
      tpu.enqueue_dma source(%arg7 : memref<32x128xf32, #tpu.memory_space<vmem>>) target(%dma_start3A_675 : memref<32x128xf32, #tpu.memory_space<hbm>>) target_semaphore(%run_scoped3A_669 : memref<!tpu.dma_semaphore, #tpu.memory_space<semaphore_mem>>)
      %dma_wait3A_676 = arith.constant 0 : i32
      %dma_wait3A_677 = tpu.memref_slice %arg4[%run_scoped3A_544, %mul3A_2, %dma_wait3A_676] : memref<50x1024x128xf32, #tpu.memory_space<hbm>> -> memref<1x32x128xf32, #tpu.memory_space<hbm>>
      %dma_wait3A_678 = tpu.memref_squeeze %dma_wait3A_677 : memref<1x32x128xf32, #tpu.memory_space<hbm>> -> memref<32x128xf32, #tpu.memory_space<hbm>>
      %dma_wait3A_679 = arith.constant 0 : i32
      %dma_wait3A_680 = tpu.memref_slice %arg4[%run_scoped3A_544, %mul3A_2, %dma_wait3A_679] : memref<50x1024x128xf32, #tpu.memory_space<hbm>> -> memref<1x32x128xf32, #tpu.memory_space<hbm>>
      %dma_wait3A_681 = tpu.memref_squeeze %dma_wait3A_680 : memref<1x32x128xf32, #tpu.memory_space<hbm>> -> memref<32x128xf32, #tpu.memory_space<hbm>>
      tpu.wait_dma2 semaphore(%run_scoped3A_669 : memref<!tpu.dma_semaphore, #tpu.memory_space<semaphore_mem>>) src(%arg7 : memref<32x128xf32, #tpu.memory_space<vmem>>) dst(%dma_wait3A_681 : memref<32x128xf32, #tpu.memory_space<hbm>>)
      tpu.yield
    }) : () -> ()
    %dma_wait3A_545 = arith.constant 40 : i32
    %dma_wait3A_546 = tpu.memref_slice %arg5[%dma_wait3A_545, %sub3A_21] : memref<50x128xi32, #tpu.memory_space<vmem>> -> memref<1x32xi32, #tpu.memory_space<vmem>>
    %dma_wait3A_547 = tpu.memref_squeeze %dma_wait3A_546 : memref<1x32xi32, #tpu.memory_space<vmem>> -> memref<32xi32, #tpu.memory_space<vmem>>
    %dma_wait3A_548 = arith.constant 0 : i32
    %dma_wait3A_549 = arith.constant 0 : i32
    %dma_wait3A_550 = tpu.memref_slice %arg3[%dma_wait3A_548, %dma_wait3A_549] : memref<1000x128xf32, #tpu.memory_space<hbm>> -> memref<1000x128xf32, #tpu.memory_space<hbm>>
    tpu.wait_indirect_dma semaphore(%arg8 : memref<!tpu.dma_semaphore, #tpu.memory_space<semaphore_mem>>) src(%dma_wait3A_550 : memref<1000x128xf32, #tpu.memory_space<hbm>>) dst(%arg6 : memref<32x128xf32, #tpu.memory_space<vmem>>)
    %dma_start3A_551 = arith.constant 41 : i32
    %dma_start3A_552 = tpu.memref_slice %arg5[%dma_start3A_551, %sub3A_21] : memref<50x128xi32, #tpu.memory_space<vmem>> -> memref<1x32xi32, #tpu.memory_space<vmem>>
    %dma_start3A_553 = tpu.memref_squeeze %dma_start3A_552 : memref<1x32xi32, #tpu.memory_space<vmem>> -> memref<32xi32, #tpu.memory_space<vmem>>
    %dma_start3A_554 = arith.constant 0 : i32
    %dma_start3A_555 = arith.constant 0 : i32
    %dma_start3A_556 = tpu.memref_slice %arg3[%dma_start3A_554, %dma_start3A_555] : memref<1000x128xf32, #tpu.memory_space<hbm>> -> memref<1000x128xf32, #tpu.memory_space<hbm>>
    tpu.enqueue_indirect_dma source(%dma_start3A_556 : memref<1000x128xf32, #tpu.memory_space<hbm>>) target(%arg7 : memref<32x128xf32, #tpu.memory_space<vmem>>) offsets(%dma_start3A_553 : memref<32xi32, #tpu.memory_space<vmem>>) semaphore(%arg9 : memref<!tpu.dma_semaphore, #tpu.memory_space<semaphore_mem>>)
    %run_scoped3A_557 = arith.constant 40 : i32
    "tpu.region"() ({
      %run_scoped3A_669 = tpu.sem_alloc : memref<!tpu.dma_semaphore, #tpu.memory_space<semaphore_mem>>
      %dma_start3A_670 = arith.constant 0 : i32
      %dma_start3A_671 = tpu.memref_slice %arg4[%run_scoped3A_557, %mul3A_2, %dma_start3A_670] : memref<50x1024x128xf32, #tpu.memory_space<hbm>> -> memref<1x32x128xf32, #tpu.memory_space<hbm>>
      %dma_start3A_672 = tpu.memref_squeeze %dma_start3A_671 : memref<1x32x128xf32, #tpu.memory_space<hbm>> -> memref<32x128xf32, #tpu.memory_space<hbm>>
      %dma_start3A_673 = arith.constant 0 : i32
      %dma_start3A_674 = tpu.memref_slice %arg4[%run_scoped3A_557, %mul3A_2, %dma_start3A_673] : memref<50x1024x128xf32, #tpu.memory_space<hbm>> -> memref<1x32x128xf32, #tpu.memory_space<hbm>>
      %dma_start3A_675 = tpu.memref_squeeze %dma_start3A_674 : memref<1x32x128xf32, #tpu.memory_space<hbm>> -> memref<32x128xf32, #tpu.memory_space<hbm>>
      tpu.enqueue_dma source(%arg6 : memref<32x128xf32, #tpu.memory_space<vmem>>) target(%dma_start3A_675 : memref<32x128xf32, #tpu.memory_space<hbm>>) target_semaphore(%run_scoped3A_669 : memref<!tpu.dma_semaphore, #tpu.memory_space<semaphore_mem>>)
      %dma_wait3A_676 = arith.constant 0 : i32
      %dma_wait3A_677 = tpu.memref_slice %arg4[%run_scoped3A_557, %mul3A_2, %dma_wait3A_676] : memref<50x1024x128xf32, #tpu.memory_space<hbm>> -> memref<1x32x128xf32, #tpu.memory_space<hbm>>
      %dma_wait3A_678 = tpu.memref_squeeze %dma_wait3A_677 : memref<1x32x128xf32, #tpu.memory_space<hbm>> -> memref<32x128xf32, #tpu.memory_space<hbm>>
      %dma_wait3A_679 = arith.constant 0 : i32
      %dma_wait3A_680 = tpu.memref_slice %arg4[%run_scoped3A_557, %mul3A_2, %dma_wait3A_679] : memref<50x1024x128xf32, #tpu.memory_space<hbm>> -> memref<1x32x128xf32, #tpu.memory_space<hbm>>
      %dma_wait3A_681 = tpu.memref_squeeze %dma_wait3A_680 : memref<1x32x128xf32, #tpu.memory_space<hbm>> -> memref<32x128xf32, #tpu.memory_space<hbm>>
      tpu.wait_dma2 semaphore(%run_scoped3A_669 : memref<!tpu.dma_semaphore, #tpu.memory_space<semaphore_mem>>) src(%arg6 : memref<32x128xf32, #tpu.memory_space<vmem>>) dst(%dma_wait3A_681 : memref<32x128xf32, #tpu.memory_space<hbm>>)
      tpu.yield
    }) : () -> ()
    %dma_wait3A_558 = arith.constant 41 : i32
    %dma_wait3A_559 = tpu.memref_slice %arg5[%dma_wait3A_558, %sub3A_21] : memref<50x128xi32, #tpu.memory_space<vmem>> -> memref<1x32xi32, #tpu.memory_space<vmem>>
    %dma_wait3A_560 = tpu.memref_squeeze %dma_wait3A_559 : memref<1x32xi32, #tpu.memory_space<vmem>> -> memref<32xi32, #tpu.memory_space<vmem>>
    %dma_wait3A_561 = arith.constant 0 : i32
    %dma_wait3A_562 = arith.constant 0 : i32
    %dma_wait3A_563 = tpu.memref_slice %arg3[%dma_wait3A_561, %dma_wait3A_562] : memref<1000x128xf32, #tpu.memory_space<hbm>> -> memref<1000x128xf32, #tpu.memory_space<hbm>>
    tpu.wait_indirect_dma semaphore(%arg9 : memref<!tpu.dma_semaphore, #tpu.memory_space<semaphore_mem>>) src(%dma_wait3A_563 : memref<1000x128xf32, #tpu.memory_space<hbm>>) dst(%arg7 : memref<32x128xf32, #tpu.memory_space<vmem>>)
    %dma_start3A_564 = arith.constant 42 : i32
    %dma_start3A_565 = tpu.memref_slice %arg5[%dma_start3A_564, %sub3A_21] : memref<50x128xi32, #tpu.memory_space<vmem>> -> memref<1x32xi32, #tpu.memory_space<vmem>>
    %dma_start3A_566 = tpu.memref_squeeze %dma_start3A_565 : memref<1x32xi32, #tpu.memory_space<vmem>> -> memref<32xi32, #tpu.memory_space<vmem>>
    %dma_start3A_567 = arith.constant 0 : i32
    %dma_start3A_568 = arith.constant 0 : i32
    %dma_start3A_569 = tpu.memref_slice %arg3[%dma_start3A_567, %dma_start3A_568] : memref<1000x128xf32, #tpu.memory_space<hbm>> -> memref<1000x128xf32, #tpu.memory_space<hbm>>
    tpu.enqueue_indirect_dma source(%dma_start3A_569 : memref<1000x128xf32, #tpu.memory_space<hbm>>) target(%arg6 : memref<32x128xf32, #tpu.memory_space<vmem>>) offsets(%dma_start3A_566 : memref<32xi32, #tpu.memory_space<vmem>>) semaphore(%arg8 : memref<!tpu.dma_semaphore, #tpu.memory_space<semaphore_mem>>)
    %run_scoped3A_570 = arith.constant 41 : i32
    "tpu.region"() ({
      %run_scoped3A_669 = tpu.sem_alloc : memref<!tpu.dma_semaphore, #tpu.memory_space<semaphore_mem>>
      %dma_start3A_670 = arith.constant 0 : i32
      %dma_start3A_671 = tpu.memref_slice %arg4[%run_scoped3A_570, %mul3A_2, %dma_start3A_670] : memref<50x1024x128xf32, #tpu.memory_space<hbm>> -> memref<1x32x128xf32, #tpu.memory_space<hbm>>
      %dma_start3A_672 = tpu.memref_squeeze %dma_start3A_671 : memref<1x32x128xf32, #tpu.memory_space<hbm>> -> memref<32x128xf32, #tpu.memory_space<hbm>>
      %dma_start3A_673 = arith.constant 0 : i32
      %dma_start3A_674 = tpu.memref_slice %arg4[%run_scoped3A_570, %mul3A_2, %dma_start3A_673] : memref<50x1024x128xf32, #tpu.memory_space<hbm>> -> memref<1x32x128xf32, #tpu.memory_space<hbm>>
      %dma_start3A_675 = tpu.memref_squeeze %dma_start3A_674 : memref<1x32x128xf32, #tpu.memory_space<hbm>> -> memref<32x128xf32, #tpu.memory_space<hbm>>
      tpu.enqueue_dma source(%arg7 : memref<32x128xf32, #tpu.memory_space<vmem>>) target(%dma_start3A_675 : memref<32x128xf32, #tpu.memory_space<hbm>>) target_semaphore(%run_scoped3A_669 : memref<!tpu.dma_semaphore, #tpu.memory_space<semaphore_mem>>)
      %dma_wait3A_676 = arith.constant 0 : i32
      %dma_wait3A_677 = tpu.memref_slice %arg4[%run_scoped3A_570, %mul3A_2, %dma_wait3A_676] : memref<50x1024x128xf32, #tpu.memory_space<hbm>> -> memref<1x32x128xf32, #tpu.memory_space<hbm>>
      %dma_wait3A_678 = tpu.memref_squeeze %dma_wait3A_677 : memref<1x32x128xf32, #tpu.memory_space<hbm>> -> memref<32x128xf32, #tpu.memory_space<hbm>>
      %dma_wait3A_679 = arith.constant 0 : i32
      %dma_wait3A_680 = tpu.memref_slice %arg4[%run_scoped3A_570, %mul3A_2, %dma_wait3A_679] : memref<50x1024x128xf32, #tpu.memory_space<hbm>> -> memref<1x32x128xf32, #tpu.memory_space<hbm>>
      %dma_wait3A_681 = tpu.memref_squeeze %dma_wait3A_680 : memref<1x32x128xf32, #tpu.memory_space<hbm>> -> memref<32x128xf32, #tpu.memory_space<hbm>>
      tpu.wait_dma2 semaphore(%run_scoped3A_669 : memref<!tpu.dma_semaphore, #tpu.memory_space<semaphore_mem>>) src(%arg7 : memref<32x128xf32, #tpu.memory_space<vmem>>) dst(%dma_wait3A_681 : memref<32x128xf32, #tpu.memory_space<hbm>>)
      tpu.yield
    }) : () -> ()
    %dma_wait3A_571 = arith.constant 42 : i32
    %dma_wait3A_572 = tpu.memref_slice %arg5[%dma_wait3A_571, %sub3A_21] : memref<50x128xi32, #tpu.memory_space<vmem>> -> memref<1x32xi32, #tpu.memory_space<vmem>>
    %dma_wait3A_573 = tpu.memref_squeeze %dma_wait3A_572 : memref<1x32xi32, #tpu.memory_space<vmem>> -> memref<32xi32, #tpu.memory_space<vmem>>
    %dma_wait3A_574 = arith.constant 0 : i32
    %dma_wait3A_575 = arith.constant 0 : i32
    %dma_wait3A_576 = tpu.memref_slice %arg3[%dma_wait3A_574, %dma_wait3A_575] : memref<1000x128xf32, #tpu.memory_space<hbm>> -> memref<1000x128xf32, #tpu.memory_space<hbm>>
    tpu.wait_indirect_dma semaphore(%arg8 : memref<!tpu.dma_semaphore, #tpu.memory_space<semaphore_mem>>) src(%dma_wait3A_576 : memref<1000x128xf32, #tpu.memory_space<hbm>>) dst(%arg6 : memref<32x128xf32, #tpu.memory_space<vmem>>)
    %dma_start3A_577 = arith.constant 43 : i32
    %dma_start3A_578 = tpu.memref_slice %arg5[%dma_start3A_577, %sub3A_21] : memref<50x128xi32, #tpu.memory_space<vmem>> -> memref<1x32xi32, #tpu.memory_space<vmem>>
    %dma_start3A_579 = tpu.memref_squeeze %dma_start3A_578 : memref<1x32xi32, #tpu.memory_space<vmem>> -> memref<32xi32, #tpu.memory_space<vmem>>
    %dma_start3A_580 = arith.constant 0 : i32
    %dma_start3A_581 = arith.constant 0 : i32
    %dma_start3A_582 = tpu.memref_slice %arg3[%dma_start3A_580, %dma_start3A_581] : memref<1000x128xf32, #tpu.memory_space<hbm>> -> memref<1000x128xf32, #tpu.memory_space<hbm>>
    tpu.enqueue_indirect_dma source(%dma_start3A_582 : memref<1000x128xf32, #tpu.memory_space<hbm>>) target(%arg7 : memref<32x128xf32, #tpu.memory_space<vmem>>) offsets(%dma_start3A_579 : memref<32xi32, #tpu.memory_space<vmem>>) semaphore(%arg9 : memref<!tpu.dma_semaphore, #tpu.memory_space<semaphore_mem>>)
    %run_scoped3A_583 = arith.constant 42 : i32
    "tpu.region"() ({
      %run_scoped3A_669 = tpu.sem_alloc : memref<!tpu.dma_semaphore, #tpu.memory_space<semaphore_mem>>
      %dma_start3A_670 = arith.constant 0 : i32
      %dma_start3A_671 = tpu.memref_slice %arg4[%run_scoped3A_583, %mul3A_2, %dma_start3A_670] : memref<50x1024x128xf32, #tpu.memory_space<hbm>> -> memref<1x32x128xf32, #tpu.memory_space<hbm>>
      %dma_start3A_672 = tpu.memref_squeeze %dma_start3A_671 : memref<1x32x128xf32, #tpu.memory_space<hbm>> -> memref<32x128xf32, #tpu.memory_space<hbm>>
      %dma_start3A_673 = arith.constant 0 : i32
      %dma_start3A_674 = tpu.memref_slice %arg4[%run_scoped3A_583, %mul3A_2, %dma_start3A_673] : memref<50x1024x128xf32, #tpu.memory_space<hbm>> -> memref<1x32x128xf32, #tpu.memory_space<hbm>>
      %dma_start3A_675 = tpu.memref_squeeze %dma_start3A_674 : memref<1x32x128xf32, #tpu.memory_space<hbm>> -> memref<32x128xf32, #tpu.memory_space<hbm>>
      tpu.enqueue_dma source(%arg6 : memref<32x128xf32, #tpu.memory_space<vmem>>) target(%dma_start3A_675 : memref<32x128xf32, #tpu.memory_space<hbm>>) target_semaphore(%run_scoped3A_669 : memref<!tpu.dma_semaphore, #tpu.memory_space<semaphore_mem>>)
      %dma_wait3A_676 = arith.constant 0 : i32
      %dma_wait3A_677 = tpu.memref_slice %arg4[%run_scoped3A_583, %mul3A_2, %dma_wait3A_676] : memref<50x1024x128xf32, #tpu.memory_space<hbm>> -> memref<1x32x128xf32, #tpu.memory_space<hbm>>
      %dma_wait3A_678 = tpu.memref_squeeze %dma_wait3A_677 : memref<1x32x128xf32, #tpu.memory_space<hbm>> -> memref<32x128xf32, #tpu.memory_space<hbm>>
      %dma_wait3A_679 = arith.constant 0 : i32
      %dma_wait3A_680 = tpu.memref_slice %arg4[%run_scoped3A_583, %mul3A_2, %dma_wait3A_679] : memref<50x1024x128xf32, #tpu.memory_space<hbm>> -> memref<1x32x128xf32, #tpu.memory_space<hbm>>
      %dma_wait3A_681 = tpu.memref_squeeze %dma_wait3A_680 : memref<1x32x128xf32, #tpu.memory_space<hbm>> -> memref<32x128xf32, #tpu.memory_space<hbm>>
      tpu.wait_dma2 semaphore(%run_scoped3A_669 : memref<!tpu.dma_semaphore, #tpu.memory_space<semaphore_mem>>) src(%arg6 : memref<32x128xf32, #tpu.memory_space<vmem>>) dst(%dma_wait3A_681 : memref<32x128xf32, #tpu.memory_space<hbm>>)
      tpu.yield
    }) : () -> ()
    %dma_wait3A_584 = arith.constant 43 : i32
    %dma_wait3A_585 = tpu.memref_slice %arg5[%dma_wait3A_584, %sub3A_21] : memref<50x128xi32, #tpu.memory_space<vmem>> -> memref<1x32xi32, #tpu.memory_space<vmem>>
    %dma_wait3A_586 = tpu.memref_squeeze %dma_wait3A_585 : memref<1x32xi32, #tpu.memory_space<vmem>> -> memref<32xi32, #tpu.memory_space<vmem>>
    %dma_wait3A_587 = arith.constant 0 : i32
    %dma_wait3A_588 = arith.constant 0 : i32
    %dma_wait3A_589 = tpu.memref_slice %arg3[%dma_wait3A_587, %dma_wait3A_588] : memref<1000x128xf32, #tpu.memory_space<hbm>> -> memref<1000x128xf32, #tpu.memory_space<hbm>>
    tpu.wait_indirect_dma semaphore(%arg9 : memref<!tpu.dma_semaphore, #tpu.memory_space<semaphore_mem>>) src(%dma_wait3A_589 : memref<1000x128xf32, #tpu.memory_space<hbm>>) dst(%arg7 : memref<32x128xf32, #tpu.memory_space<vmem>>)
    %dma_start3A_590 = arith.constant 44 : i32
    %dma_start3A_591 = tpu.memref_slice %arg5[%dma_start3A_590, %sub3A_21] : memref<50x128xi32, #tpu.memory_space<vmem>> -> memref<1x32xi32, #tpu.memory_space<vmem>>
    %dma_start3A_592 = tpu.memref_squeeze %dma_start3A_591 : memref<1x32xi32, #tpu.memory_space<vmem>> -> memref<32xi32, #tpu.memory_space<vmem>>
    %dma_start3A_593 = arith.constant 0 : i32
    %dma_start3A_594 = arith.constant 0 : i32
    %dma_start3A_595 = tpu.memref_slice %arg3[%dma_start3A_593, %dma_start3A_594] : memref<1000x128xf32, #tpu.memory_space<hbm>> -> memref<1000x128xf32, #tpu.memory_space<hbm>>
    tpu.enqueue_indirect_dma source(%dma_start3A_595 : memref<1000x128xf32, #tpu.memory_space<hbm>>) target(%arg6 : memref<32x128xf32, #tpu.memory_space<vmem>>) offsets(%dma_start3A_592 : memref<32xi32, #tpu.memory_space<vmem>>) semaphore(%arg8 : memref<!tpu.dma_semaphore, #tpu.memory_space<semaphore_mem>>)
    %run_scoped3A_596 = arith.constant 43 : i32
    "tpu.region"() ({
      %run_scoped3A_669 = tpu.sem_alloc : memref<!tpu.dma_semaphore, #tpu.memory_space<semaphore_mem>>
      %dma_start3A_670 = arith.constant 0 : i32
      %dma_start3A_671 = tpu.memref_slice %arg4[%run_scoped3A_596, %mul3A_2, %dma_start3A_670] : memref<50x1024x128xf32, #tpu.memory_space<hbm>> -> memref<1x32x128xf32, #tpu.memory_space<hbm>>
      %dma_start3A_672 = tpu.memref_squeeze %dma_start3A_671 : memref<1x32x128xf32, #tpu.memory_space<hbm>> -> memref<32x128xf32, #tpu.memory_space<hbm>>
      %dma_start3A_673 = arith.constant 0 : i32
      %dma_start3A_674 = tpu.memref_slice %arg4[%run_scoped3A_596, %mul3A_2, %dma_start3A_673] : memref<50x1024x128xf32, #tpu.memory_space<hbm>> -> memref<1x32x128xf32, #tpu.memory_space<hbm>>
      %dma_start3A_675 = tpu.memref_squeeze %dma_start3A_674 : memref<1x32x128xf32, #tpu.memory_space<hbm>> -> memref<32x128xf32, #tpu.memory_space<hbm>>
      tpu.enqueue_dma source(%arg7 : memref<32x128xf32, #tpu.memory_space<vmem>>) target(%dma_start3A_675 : memref<32x128xf32, #tpu.memory_space<hbm>>) target_semaphore(%run_scoped3A_669 : memref<!tpu.dma_semaphore, #tpu.memory_space<semaphore_mem>>)
      %dma_wait3A_676 = arith.constant 0 : i32
      %dma_wait3A_677 = tpu.memref_slice %arg4[%run_scoped3A_596, %mul3A_2, %dma_wait3A_676] : memref<50x1024x128xf32, #tpu.memory_space<hbm>> -> memref<1x32x128xf32, #tpu.memory_space<hbm>>
      %dma_wait3A_678 = tpu.memref_squeeze %dma_wait3A_677 : memref<1x32x128xf32, #tpu.memory_space<hbm>> -> memref<32x128xf32, #tpu.memory_space<hbm>>
      %dma_wait3A_679 = arith.constant 0 : i32
      %dma_wait3A_680 = tpu.memref_slice %arg4[%run_scoped3A_596, %mul3A_2, %dma_wait3A_679] : memref<50x1024x128xf32, #tpu.memory_space<hbm>> -> memref<1x32x128xf32, #tpu.memory_space<hbm>>
      %dma_wait3A_681 = tpu.memref_squeeze %dma_wait3A_680 : memref<1x32x128xf32, #tpu.memory_space<hbm>> -> memref<32x128xf32, #tpu.memory_space<hbm>>
      tpu.wait_dma2 semaphore(%run_scoped3A_669 : memref<!tpu.dma_semaphore, #tpu.memory_space<semaphore_mem>>) src(%arg7 : memref<32x128xf32, #tpu.memory_space<vmem>>) dst(%dma_wait3A_681 : memref<32x128xf32, #tpu.memory_space<hbm>>)
      tpu.yield
    }) : () -> ()
    %dma_wait3A_597 = arith.constant 44 : i32
    %dma_wait3A_598 = tpu.memref_slice %arg5[%dma_wait3A_597, %sub3A_21] : memref<50x128xi32, #tpu.memory_space<vmem>> -> memref<1x32xi32, #tpu.memory_space<vmem>>
    %dma_wait3A_599 = tpu.memref_squeeze %dma_wait3A_598 : memref<1x32xi32, #tpu.memory_space<vmem>> -> memref<32xi32, #tpu.memory_space<vmem>>
    %dma_wait3A_600 = arith.constant 0 : i32
    %dma_wait3A_601 = arith.constant 0 : i32
    %dma_wait3A_602 = tpu.memref_slice %arg3[%dma_wait3A_600, %dma_wait3A_601] : memref<1000x128xf32, #tpu.memory_space<hbm>> -> memref<1000x128xf32, #tpu.memory_space<hbm>>
    tpu.wait_indirect_dma semaphore(%arg8 : memref<!tpu.dma_semaphore, #tpu.memory_space<semaphore_mem>>) src(%dma_wait3A_602 : memref<1000x128xf32, #tpu.memory_space<hbm>>) dst(%arg6 : memref<32x128xf32, #tpu.memory_space<vmem>>)
    %dma_start3A_603 = arith.constant 45 : i32
    %dma_start3A_604 = tpu.memref_slice %arg5[%dma_start3A_603, %sub3A_21] : memref<50x128xi32, #tpu.memory_space<vmem>> -> memref<1x32xi32, #tpu.memory_space<vmem>>
    %dma_start3A_605 = tpu.memref_squeeze %dma_start3A_604 : memref<1x32xi32, #tpu.memory_space<vmem>> -> memref<32xi32, #tpu.memory_space<vmem>>
    %dma_start3A_606 = arith.constant 0 : i32
    %dma_start3A_607 = arith.constant 0 : i32
    %dma_start3A_608 = tpu.memref_slice %arg3[%dma_start3A_606, %dma_start3A_607] : memref<1000x128xf32, #tpu.memory_space<hbm>> -> memref<1000x128xf32, #tpu.memory_space<hbm>>
    tpu.enqueue_indirect_dma source(%dma_start3A_608 : memref<1000x128xf32, #tpu.memory_space<hbm>>) target(%arg7 : memref<32x128xf32, #tpu.memory_space<vmem>>) offsets(%dma_start3A_605 : memref<32xi32, #tpu.memory_space<vmem>>) semaphore(%arg9 : memref<!tpu.dma_semaphore, #tpu.memory_space<semaphore_mem>>)
    %run_scoped3A_609 = arith.constant 44 : i32
    "tpu.region"() ({
      %run_scoped3A_669 = tpu.sem_alloc : memref<!tpu.dma_semaphore, #tpu.memory_space<semaphore_mem>>
      %dma_start3A_670 = arith.constant 0 : i32
      %dma_start3A_671 = tpu.memref_slice %arg4[%run_scoped3A_609, %mul3A_2, %dma_start3A_670] : memref<50x1024x128xf32, #tpu.memory_space<hbm>> -> memref<1x32x128xf32, #tpu.memory_space<hbm>>
      %dma_start3A_672 = tpu.memref_squeeze %dma_start3A_671 : memref<1x32x128xf32, #tpu.memory_space<hbm>> -> memref<32x128xf32, #tpu.memory_space<hbm>>
      %dma_start3A_673 = arith.constant 0 : i32
      %dma_start3A_674 = tpu.memref_slice %arg4[%run_scoped3A_609, %mul3A_2, %dma_start3A_673] : memref<50x1024x128xf32, #tpu.memory_space<hbm>> -> memref<1x32x128xf32, #tpu.memory_space<hbm>>
      %dma_start3A_675 = tpu.memref_squeeze %dma_start3A_674 : memref<1x32x128xf32, #tpu.memory_space<hbm>> -> memref<32x128xf32, #tpu.memory_space<hbm>>
      tpu.enqueue_dma source(%arg6 : memref<32x128xf32, #tpu.memory_space<vmem>>) target(%dma_start3A_675 : memref<32x128xf32, #tpu.memory_space<hbm>>) target_semaphore(%run_scoped3A_669 : memref<!tpu.dma_semaphore, #tpu.memory_space<semaphore_mem>>)
      %dma_wait3A_676 = arith.constant 0 : i32
      %dma_wait3A_677 = tpu.memref_slice %arg4[%run_scoped3A_609, %mul3A_2, %dma_wait3A_676] : memref<50x1024x128xf32, #tpu.memory_space<hbm>> -> memref<1x32x128xf32, #tpu.memory_space<hbm>>
      %dma_wait3A_678 = tpu.memref_squeeze %dma_wait3A_677 : memref<1x32x128xf32, #tpu.memory_space<hbm>> -> memref<32x128xf32, #tpu.memory_space<hbm>>
      %dma_wait3A_679 = arith.constant 0 : i32
      %dma_wait3A_680 = tpu.memref_slice %arg4[%run_scoped3A_609, %mul3A_2, %dma_wait3A_679] : memref<50x1024x128xf32, #tpu.memory_space<hbm>> -> memref<1x32x128xf32, #tpu.memory_space<hbm>>
      %dma_wait3A_681 = tpu.memref_squeeze %dma_wait3A_680 : memref<1x32x128xf32, #tpu.memory_space<hbm>> -> memref<32x128xf32, #tpu.memory_space<hbm>>
      tpu.wait_dma2 semaphore(%run_scoped3A_669 : memref<!tpu.dma_semaphore, #tpu.memory_space<semaphore_mem>>) src(%arg6 : memref<32x128xf32, #tpu.memory_space<vmem>>) dst(%dma_wait3A_681 : memref<32x128xf32, #tpu.memory_space<hbm>>)
      tpu.yield
    }) : () -> ()
    %dma_wait3A_610 = arith.constant 45 : i32
    %dma_wait3A_611 = tpu.memref_slice %arg5[%dma_wait3A_610, %sub3A_21] : memref<50x128xi32, #tpu.memory_space<vmem>> -> memref<1x32xi32, #tpu.memory_space<vmem>>
    %dma_wait3A_612 = tpu.memref_squeeze %dma_wait3A_611 : memref<1x32xi32, #tpu.memory_space<vmem>> -> memref<32xi32, #tpu.memory_space<vmem>>
    %dma_wait3A_613 = arith.constant 0 : i32
    %dma_wait3A_614 = arith.constant 0 : i32
    %dma_wait3A_615 = tpu.memref_slice %arg3[%dma_wait3A_613, %dma_wait3A_614] : memref<1000x128xf32, #tpu.memory_space<hbm>> -> memref<1000x128xf32, #tpu.memory_space<hbm>>
    tpu.wait_indirect_dma semaphore(%arg9 : memref<!tpu.dma_semaphore, #tpu.memory_space<semaphore_mem>>) src(%dma_wait3A_615 : memref<1000x128xf32, #tpu.memory_space<hbm>>) dst(%arg7 : memref<32x128xf32, #tpu.memory_space<vmem>>)
    %dma_start3A_616 = arith.constant 46 : i32
    %dma_start3A_617 = tpu.memref_slice %arg5[%dma_start3A_616, %sub3A_21] : memref<50x128xi32, #tpu.memory_space<vmem>> -> memref<1x32xi32, #tpu.memory_space<vmem>>
    %dma_start3A_618 = tpu.memref_squeeze %dma_start3A_617 : memref<1x32xi32, #tpu.memory_space<vmem>> -> memref<32xi32, #tpu.memory_space<vmem>>
    %dma_start3A_619 = arith.constant 0 : i32
    %dma_start3A_620 = arith.constant 0 : i32
    %dma_start3A_621 = tpu.memref_slice %arg3[%dma_start3A_619, %dma_start3A_620] : memref<1000x128xf32, #tpu.memory_space<hbm>> -> memref<1000x128xf32, #tpu.memory_space<hbm>>
    tpu.enqueue_indirect_dma source(%dma_start3A_621 : memref<1000x128xf32, #tpu.memory_space<hbm>>) target(%arg6 : memref<32x128xf32, #tpu.memory_space<vmem>>) offsets(%dma_start3A_618 : memref<32xi32, #tpu.memory_space<vmem>>) semaphore(%arg8 : memref<!tpu.dma_semaphore, #tpu.memory_space<semaphore_mem>>)
    %run_scoped3A_622 = arith.constant 45 : i32
    "tpu.region"() ({
      %run_scoped3A_669 = tpu.sem_alloc : memref<!tpu.dma_semaphore, #tpu.memory_space<semaphore_mem>>
      %dma_start3A_670 = arith.constant 0 : i32
      %dma_start3A_671 = tpu.memref_slice %arg4[%run_scoped3A_622, %mul3A_2, %dma_start3A_670] : memref<50x1024x128xf32, #tpu.memory_space<hbm>> -> memref<1x32x128xf32, #tpu.memory_space<hbm>>
      %dma_start3A_672 = tpu.memref_squeeze %dma_start3A_671 : memref<1x32x128xf32, #tpu.memory_space<hbm>> -> memref<32x128xf32, #tpu.memory_space<hbm>>
      %dma_start3A_673 = arith.constant 0 : i32
      %dma_start3A_674 = tpu.memref_slice %arg4[%run_scoped3A_622, %mul3A_2, %dma_start3A_673] : memref<50x1024x128xf32, #tpu.memory_space<hbm>> -> memref<1x32x128xf32, #tpu.memory_space<hbm>>
      %dma_start3A_675 = tpu.memref_squeeze %dma_start3A_674 : memref<1x32x128xf32, #tpu.memory_space<hbm>> -> memref<32x128xf32, #tpu.memory_space<hbm>>
      tpu.enqueue_dma source(%arg7 : memref<32x128xf32, #tpu.memory_space<vmem>>) target(%dma_start3A_675 : memref<32x128xf32, #tpu.memory_space<hbm>>) target_semaphore(%run_scoped3A_669 : memref<!tpu.dma_semaphore, #tpu.memory_space<semaphore_mem>>)
      %dma_wait3A_676 = arith.constant 0 : i32
      %dma_wait3A_677 = tpu.memref_slice %arg4[%run_scoped3A_622, %mul3A_2, %dma_wait3A_676] : memref<50x1024x128xf32, #tpu.memory_space<hbm>> -> memref<1x32x128xf32, #tpu.memory_space<hbm>>
      %dma_wait3A_678 = tpu.memref_squeeze %dma_wait3A_677 : memref<1x32x128xf32, #tpu.memory_space<hbm>> -> memref<32x128xf32, #tpu.memory_space<hbm>>
      %dma_wait3A_679 = arith.constant 0 : i32
      %dma_wait3A_680 = tpu.memref_slice %arg4[%run_scoped3A_622, %mul3A_2, %dma_wait3A_679] : memref<50x1024x128xf32, #tpu.memory_space<hbm>> -> memref<1x32x128xf32, #tpu.memory_space<hbm>>
      %dma_wait3A_681 = tpu.memref_squeeze %dma_wait3A_680 : memref<1x32x128xf32, #tpu.memory_space<hbm>> -> memref<32x128xf32, #tpu.memory_space<hbm>>
      tpu.wait_dma2 semaphore(%run_scoped3A_669 : memref<!tpu.dma_semaphore, #tpu.memory_space<semaphore_mem>>) src(%arg7 : memref<32x128xf32, #tpu.memory_space<vmem>>) dst(%dma_wait3A_681 : memref<32x128xf32, #tpu.memory_space<hbm>>)
      tpu.yield
    }) : () -> ()
    %dma_wait3A_623 = arith.constant 46 : i32
    %dma_wait3A_624 = tpu.memref_slice %arg5[%dma_wait3A_623, %sub3A_21] : memref<50x128xi32, #tpu.memory_space<vmem>> -> memref<1x32xi32, #tpu.memory_space<vmem>>
    %dma_wait3A_625 = tpu.memref_squeeze %dma_wait3A_624 : memref<1x32xi32, #tpu.memory_space<vmem>> -> memref<32xi32, #tpu.memory_space<vmem>>
    %dma_wait3A_626 = arith.constant 0 : i32
    %dma_wait3A_627 = arith.constant 0 : i32
    %dma_wait3A_628 = tpu.memref_slice %arg3[%dma_wait3A_626, %dma_wait3A_627] : memref<1000x128xf32, #tpu.memory_space<hbm>> -> memref<1000x128xf32, #tpu.memory_space<hbm>>
    tpu.wait_indirect_dma semaphore(%arg8 : memref<!tpu.dma_semaphore, #tpu.memory_space<semaphore_mem>>) src(%dma_wait3A_628 : memref<1000x128xf32, #tpu.memory_space<hbm>>) dst(%arg6 : memref<32x128xf32, #tpu.memory_space<vmem>>)
    %dma_start3A_629 = arith.constant 47 : i32
    %dma_start3A_630 = tpu.memref_slice %arg5[%dma_start3A_629, %sub3A_21] : memref<50x128xi32, #tpu.memory_space<vmem>> -> memref<1x32xi32, #tpu.memory_space<vmem>>
    %dma_start3A_631 = tpu.memref_squeeze %dma_start3A_630 : memref<1x32xi32, #tpu.memory_space<vmem>> -> memref<32xi32, #tpu.memory_space<vmem>>
    %dma_start3A_632 = arith.constant 0 : i32
    %dma_start3A_633 = arith.constant 0 : i32
    %dma_start3A_634 = tpu.memref_slice %arg3[%dma_start3A_632, %dma_start3A_633] : memref<1000x128xf32, #tpu.memory_space<hbm>> -> memref<1000x128xf32, #tpu.memory_space<hbm>>
    tpu.enqueue_indirect_dma source(%dma_start3A_634 : memref<1000x128xf32, #tpu.memory_space<hbm>>) target(%arg7 : memref<32x128xf32, #tpu.memory_space<vmem>>) offsets(%dma_start3A_631 : memref<32xi32, #tpu.memory_space<vmem>>) semaphore(%arg9 : memref<!tpu.dma_semaphore, #tpu.memory_space<semaphore_mem>>)
    %run_scoped3A_635 = arith.constant 46 : i32
    "tpu.region"() ({
      %run_scoped3A_669 = tpu.sem_alloc : memref<!tpu.dma_semaphore, #tpu.memory_space<semaphore_mem>>
      %dma_start3A_670 = arith.constant 0 : i32
      %dma_start3A_671 = tpu.memref_slice %arg4[%run_scoped3A_635, %mul3A_2, %dma_start3A_670] : memref<50x1024x128xf32, #tpu.memory_space<hbm>> -> memref<1x32x128xf32, #tpu.memory_space<hbm>>
      %dma_start3A_672 = tpu.memref_squeeze %dma_start3A_671 : memref<1x32x128xf32, #tpu.memory_space<hbm>> -> memref<32x128xf32, #tpu.memory_space<hbm>>
      %dma_start3A_673 = arith.constant 0 : i32
      %dma_start3A_674 = tpu.memref_slice %arg4[%run_scoped3A_635, %mul3A_2, %dma_start3A_673] : memref<50x1024x128xf32, #tpu.memory_space<hbm>> -> memref<1x32x128xf32, #tpu.memory_space<hbm>>
      %dma_start3A_675 = tpu.memref_squeeze %dma_start3A_674 : memref<1x32x128xf32, #tpu.memory_space<hbm>> -> memref<32x128xf32, #tpu.memory_space<hbm>>
      tpu.enqueue_dma source(%arg6 : memref<32x128xf32, #tpu.memory_space<vmem>>) target(%dma_start3A_675 : memref<32x128xf32, #tpu.memory_space<hbm>>) target_semaphore(%run_scoped3A_669 : memref<!tpu.dma_semaphore, #tpu.memory_space<semaphore_mem>>)
      %dma_wait3A_676 = arith.constant 0 : i32
      %dma_wait3A_677 = tpu.memref_slice %arg4[%run_scoped3A_635, %mul3A_2, %dma_wait3A_676] : memref<50x1024x128xf32, #tpu.memory_space<hbm>> -> memref<1x32x128xf32, #tpu.memory_space<hbm>>
      %dma_wait3A_678 = tpu.memref_squeeze %dma_wait3A_677 : memref<1x32x128xf32, #tpu.memory_space<hbm>> -> memref<32x128xf32, #tpu.memory_space<hbm>>
      %dma_wait3A_679 = arith.constant 0 : i32
      %dma_wait3A_680 = tpu.memref_slice %arg4[%run_scoped3A_635, %mul3A_2, %dma_wait3A_679] : memref<50x1024x128xf32, #tpu.memory_space<hbm>> -> memref<1x32x128xf32, #tpu.memory_space<hbm>>
      %dma_wait3A_681 = tpu.memref_squeeze %dma_wait3A_680 : memref<1x32x128xf32, #tpu.memory_space<hbm>> -> memref<32x128xf32, #tpu.memory_space<hbm>>
      tpu.wait_dma2 semaphore(%run_scoped3A_669 : memref<!tpu.dma_semaphore, #tpu.memory_space<semaphore_mem>>) src(%arg6 : memref<32x128xf32, #tpu.memory_space<vmem>>) dst(%dma_wait3A_681 : memref<32x128xf32, #tpu.memory_space<hbm>>)
      tpu.yield
    }) : () -> ()
    %dma_wait3A_636 = arith.constant 47 : i32
    %dma_wait3A_637 = tpu.memref_slice %arg5[%dma_wait3A_636, %sub3A_21] : memref<50x128xi32, #tpu.memory_space<vmem>> -> memref<1x32xi32, #tpu.memory_space<vmem>>
    %dma_wait3A_638 = tpu.memref_squeeze %dma_wait3A_637 : memref<1x32xi32, #tpu.memory_space<vmem>> -> memref<32xi32, #tpu.memory_space<vmem>>
    %dma_wait3A_639 = arith.constant 0 : i32
    %dma_wait3A_640 = arith.constant 0 : i32
    %dma_wait3A_641 = tpu.memref_slice %arg3[%dma_wait3A_639, %dma_wait3A_640] : memref<1000x128xf32, #tpu.memory_space<hbm>> -> memref<1000x128xf32, #tpu.memory_space<hbm>>
    tpu.wait_indirect_dma semaphore(%arg9 : memref<!tpu.dma_semaphore, #tpu.memory_space<semaphore_mem>>) src(%dma_wait3A_641 : memref<1000x128xf32, #tpu.memory_space<hbm>>) dst(%arg7 : memref<32x128xf32, #tpu.memory_space<vmem>>)
    %dma_start3A_642 = arith.constant 48 : i32
    %dma_start3A_643 = tpu.memref_slice %arg5[%dma_start3A_642, %sub3A_21] : memref<50x128xi32, #tpu.memory_space<vmem>> -> memref<1x32xi32, #tpu.memory_space<vmem>>
    %dma_start3A_644 = tpu.memref_squeeze %dma_start3A_643 : memref<1x32xi32, #tpu.memory_space<vmem>> -> memref<32xi32, #tpu.memory_space<vmem>>
    %dma_start3A_645 = arith.constant 0 : i32
    %dma_start3A_646 = arith.constant 0 : i32
    %dma_start3A_647 = tpu.memref_slice %arg3[%dma_start3A_645, %dma_start3A_646] : memref<1000x128xf32, #tpu.memory_space<hbm>> -> memref<1000x128xf32, #tpu.memory_space<hbm>>
    tpu.enqueue_indirect_dma source(%dma_start3A_647 : memref<1000x128xf32, #tpu.memory_space<hbm>>) target(%arg6 : memref<32x128xf32, #tpu.memory_space<vmem>>) offsets(%dma_start3A_644 : memref<32xi32, #tpu.memory_space<vmem>>) semaphore(%arg8 : memref<!tpu.dma_semaphore, #tpu.memory_space<semaphore_mem>>)
    %run_scoped3A_648 = arith.constant 47 : i32
    "tpu.region"() ({
      %run_scoped3A_669 = tpu.sem_alloc : memref<!tpu.dma_semaphore, #tpu.memory_space<semaphore_mem>>
      %dma_start3A_670 = arith.constant 0 : i32
      %dma_start3A_671 = tpu.memref_slice %arg4[%run_scoped3A_648, %mul3A_2, %dma_start3A_670] : memref<50x1024x128xf32, #tpu.memory_space<hbm>> -> memref<1x32x128xf32, #tpu.memory_space<hbm>>
      %dma_start3A_672 = tpu.memref_squeeze %dma_start3A_671 : memref<1x32x128xf32, #tpu.memory_space<hbm>> -> memref<32x128xf32, #tpu.memory_space<hbm>>
      %dma_start3A_673 = arith.constant 0 : i32
      %dma_start3A_674 = tpu.memref_slice %arg4[%run_scoped3A_648, %mul3A_2, %dma_start3A_673] : memref<50x1024x128xf32, #tpu.memory_space<hbm>> -> memref<1x32x128xf32, #tpu.memory_space<hbm>>
      %dma_start3A_675 = tpu.memref_squeeze %dma_start3A_674 : memref<1x32x128xf32, #tpu.memory_space<hbm>> -> memref<32x128xf32, #tpu.memory_space<hbm>>
      tpu.enqueue_dma source(%arg7 : memref<32x128xf32, #tpu.memory_space<vmem>>) target(%dma_start3A_675 : memref<32x128xf32, #tpu.memory_space<hbm>>) target_semaphore(%run_scoped3A_669 : memref<!tpu.dma_semaphore, #tpu.memory_space<semaphore_mem>>)
      %dma_wait3A_676 = arith.constant 0 : i32
      %dma_wait3A_677 = tpu.memref_slice %arg4[%run_scoped3A_648, %mul3A_2, %dma_wait3A_676] : memref<50x1024x128xf32, #tpu.memory_space<hbm>> -> memref<1x32x128xf32, #tpu.memory_space<hbm>>
      %dma_wait3A_678 = tpu.memref_squeeze %dma_wait3A_677 : memref<1x32x128xf32, #tpu.memory_space<hbm>> -> memref<32x128xf32, #tpu.memory_space<hbm>>
      %dma_wait3A_679 = arith.constant 0 : i32
      %dma_wait3A_680 = tpu.memref_slice %arg4[%run_scoped3A_648, %mul3A_2, %dma_wait3A_679] : memref<50x1024x128xf32, #tpu.memory_space<hbm>> -> memref<1x32x128xf32, #tpu.memory_space<hbm>>
      %dma_wait3A_681 = tpu.memref_squeeze %dma_wait3A_680 : memref<1x32x128xf32, #tpu.memory_space<hbm>> -> memref<32x128xf32, #tpu.memory_space<hbm>>
      tpu.wait_dma2 semaphore(%run_scoped3A_669 : memref<!tpu.dma_semaphore, #tpu.memory_space<semaphore_mem>>) src(%arg7 : memref<32x128xf32, #tpu.memory_space<vmem>>) dst(%dma_wait3A_681 : memref<32x128xf32, #tpu.memory_space<hbm>>)
      tpu.yield
    }) : () -> ()
    %dma_wait3A_649 = arith.constant 48 : i32
    %dma_wait3A_650 = tpu.memref_slice %arg5[%dma_wait3A_649, %sub3A_21] : memref<50x128xi32, #tpu.memory_space<vmem>> -> memref<1x32xi32, #tpu.memory_space<vmem>>
    %dma_wait3A_651 = tpu.memref_squeeze %dma_wait3A_650 : memref<1x32xi32, #tpu.memory_space<vmem>> -> memref<32xi32, #tpu.memory_space<vmem>>
    %dma_wait3A_652 = arith.constant 0 : i32
    %dma_wait3A_653 = arith.constant 0 : i32
    %dma_wait3A_654 = tpu.memref_slice %arg3[%dma_wait3A_652, %dma_wait3A_653] : memref<1000x128xf32, #tpu.memory_space<hbm>> -> memref<1000x128xf32, #tpu.memory_space<hbm>>
    tpu.wait_indirect_dma semaphore(%arg8 : memref<!tpu.dma_semaphore, #tpu.memory_space<semaphore_mem>>) src(%dma_wait3A_654 : memref<1000x128xf32, #tpu.memory_space<hbm>>) dst(%arg6 : memref<32x128xf32, #tpu.memory_space<vmem>>)
    %dma_start3A_655 = arith.constant 49 : i32
    %dma_start3A_656 = tpu.memref_slice %arg5[%dma_start3A_655, %sub3A_21] : memref<50x128xi32, #tpu.memory_space<vmem>> -> memref<1x32xi32, #tpu.memory_space<vmem>>
    %dma_start3A_657 = tpu.memref_squeeze %dma_start3A_656 : memref<1x32xi32, #tpu.memory_space<vmem>> -> memref<32xi32, #tpu.memory_space<vmem>>
    %dma_start3A_658 = arith.constant 0 : i32
    %dma_start3A_659 = arith.constant 0 : i32
    %dma_start3A_660 = tpu.memref_slice %arg3[%dma_start3A_658, %dma_start3A_659] : memref<1000x128xf32, #tpu.memory_space<hbm>> -> memref<1000x128xf32, #tpu.memory_space<hbm>>
    tpu.enqueue_indirect_dma source(%dma_start3A_660 : memref<1000x128xf32, #tpu.memory_space<hbm>>) target(%arg7 : memref<32x128xf32, #tpu.memory_space<vmem>>) offsets(%dma_start3A_657 : memref<32xi32, #tpu.memory_space<vmem>>) semaphore(%arg9 : memref<!tpu.dma_semaphore, #tpu.memory_space<semaphore_mem>>)
    %run_scoped3A_661 = arith.constant 48 : i32
    "tpu.region"() ({
      %run_scoped3A_669 = tpu.sem_alloc : memref<!tpu.dma_semaphore, #tpu.memory_space<semaphore_mem>>
      %dma_start3A_670 = arith.constant 0 : i32
      %dma_start3A_671 = tpu.memref_slice %arg4[%run_scoped3A_661, %mul3A_2, %dma_start3A_670] : memref<50x1024x128xf32, #tpu.memory_space<hbm>> -> memref<1x32x128xf32, #tpu.memory_space<hbm>>
      %dma_start3A_672 = tpu.memref_squeeze %dma_start3A_671 : memref<1x32x128xf32, #tpu.memory_space<hbm>> -> memref<32x128xf32, #tpu.memory_space<hbm>>
      %dma_start3A_673 = arith.constant 0 : i32
      %dma_start3A_674 = tpu.memref_slice %arg4[%run_scoped3A_661, %mul3A_2, %dma_start3A_673] : memref<50x1024x128xf32, #tpu.memory_space<hbm>> -> memref<1x32x128xf32, #tpu.memory_space<hbm>>
      %dma_start3A_675 = tpu.memref_squeeze %dma_start3A_674 : memref<1x32x128xf32, #tpu.memory_space<hbm>> -> memref<32x128xf32, #tpu.memory_space<hbm>>
      tpu.enqueue_dma source(%arg6 : memref<32x128xf32, #tpu.memory_space<vmem>>) target(%dma_start3A_675 : memref<32x128xf32, #tpu.memory_space<hbm>>) target_semaphore(%run_scoped3A_669 : memref<!tpu.dma_semaphore, #tpu.memory_space<semaphore_mem>>)
      %dma_wait3A_676 = arith.constant 0 : i32
      %dma_wait3A_677 = tpu.memref_slice %arg4[%run_scoped3A_661, %mul3A_2, %dma_wait3A_676] : memref<50x1024x128xf32, #tpu.memory_space<hbm>> -> memref<1x32x128xf32, #tpu.memory_space<hbm>>
      %dma_wait3A_678 = tpu.memref_squeeze %dma_wait3A_677 : memref<1x32x128xf32, #tpu.memory_space<hbm>> -> memref<32x128xf32, #tpu.memory_space<hbm>>
      %dma_wait3A_679 = arith.constant 0 : i32
      %dma_wait3A_680 = tpu.memref_slice %arg4[%run_scoped3A_661, %mul3A_2, %dma_wait3A_679] : memref<50x1024x128xf32, #tpu.memory_space<hbm>> -> memref<1x32x128xf32, #tpu.memory_space<hbm>>
      %dma_wait3A_681 = tpu.memref_squeeze %dma_wait3A_680 : memref<1x32x128xf32, #tpu.memory_space<hbm>> -> memref<32x128xf32, #tpu.memory_space<hbm>>
      tpu.wait_dma2 semaphore(%run_scoped3A_669 : memref<!tpu.dma_semaphore, #tpu.memory_space<semaphore_mem>>) src(%arg6 : memref<32x128xf32, #tpu.memory_space<vmem>>) dst(%dma_wait3A_681 : memref<32x128xf32, #tpu.memory_space<hbm>>)
      tpu.yield
    }) : () -> ()
    %dma_wait3A_662 = arith.constant 49 : i32
    %dma_wait3A_663 = tpu.memref_slice %arg5[%dma_wait3A_662, %sub3A_21] : memref<50x128xi32, #tpu.memory_space<vmem>> -> memref<1x32xi32, #tpu.memory_space<vmem>>
    %dma_wait3A_664 = tpu.memref_squeeze %dma_wait3A_663 : memref<1x32xi32, #tpu.memory_space<vmem>> -> memref<32xi32, #tpu.memory_space<vmem>>
    %dma_wait3A_665 = arith.constant 0 : i32
    %dma_wait3A_666 = arith.constant 0 : i32
    %dma_wait3A_667 = tpu.memref_slice %arg3[%dma_wait3A_665, %dma_wait3A_666] : memref<1000x128xf32, #tpu.memory_space<hbm>> -> memref<1000x128xf32, #tpu.memory_space<hbm>>
    tpu.wait_indirect_dma semaphore(%arg9 : memref<!tpu.dma_semaphore, #tpu.memory_space<semaphore_mem>>) src(%dma_wait3A_667 : memref<1000x128xf32, #tpu.memory_space<hbm>>) dst(%arg7 : memref<32x128xf32, #tpu.memory_space<vmem>>)
    %run_scoped3A_668 = arith.constant 49 : i32
    "tpu.region"() ({
      %run_scoped3A_669 = tpu.sem_alloc : memref<!tpu.dma_semaphore, #tpu.memory_space<semaphore_mem>>
      %dma_start3A_670 = arith.constant 0 : i32
      %dma_start3A_671 = tpu.memref_slice %arg4[%run_scoped3A_668, %mul3A_2, %dma_start3A_670] : memref<50x1024x128xf32, #tpu.memory_space<hbm>> -> memref<1x32x128xf32, #tpu.memory_space<hbm>>
      %dma_start3A_672 = tpu.memref_squeeze %dma_start3A_671 : memref<1x32x128xf32, #tpu.memory_space<hbm>> -> memref<32x128xf32, #tpu.memory_space<hbm>>
      %dma_start3A_673 = arith.constant 0 : i32
      %dma_start3A_674 = tpu.memref_slice %arg4[%run_scoped3A_668, %mul3A_2, %dma_start3A_673] : memref<50x1024x128xf32, #tpu.memory_space<hbm>> -> memref<1x32x128xf32, #tpu.memory_space<hbm>>
      %dma_start3A_675 = tpu.memref_squeeze %dma_start3A_674 : memref<1x32x128xf32, #tpu.memory_space<hbm>> -> memref<32x128xf32, #tpu.memory_space<hbm>>
      tpu.enqueue_dma source(%arg7 : memref<32x128xf32, #tpu.memory_space<vmem>>) target(%dma_start3A_675 : memref<32x128xf32, #tpu.memory_space<hbm>>) target_semaphore(%run_scoped3A_669 : memref<!tpu.dma_semaphore, #tpu.memory_space<semaphore_mem>>)
      %dma_wait3A_676 = arith.constant 0 : i32
      %dma_wait3A_677 = tpu.memref_slice %arg4[%run_scoped3A_668, %mul3A_2, %dma_wait3A_676] : memref<50x1024x128xf32, #tpu.memory_space<hbm>> -> memref<1x32x128xf32, #tpu.memory_space<hbm>>
      %dma_wait3A_678 = tpu.memref_squeeze %dma_wait3A_677 : memref<1x32x128xf32, #tpu.memory_space<hbm>> -> memref<32x128xf32, #tpu.memory_space<hbm>>
      %dma_wait3A_679 = arith.constant 0 : i32
      %dma_wait3A_680 = tpu.memref_slice %arg4[%run_scoped3A_668, %mul3A_2, %dma_wait3A_679] : memref<50x1024x128xf32, #tpu.memory_space<hbm>> -> memref<1x32x128xf32, #tpu.memory_space<hbm>>
      %dma_wait3A_681 = tpu.memref_squeeze %dma_wait3A_680 : memref<1x32x128xf32, #tpu.memory_space<hbm>> -> memref<32x128xf32, #tpu.memory_space<hbm>>
      tpu.wait_dma2 semaphore(%run_scoped3A_669 : memref<!tpu.dma_semaphore, #tpu.memory_space<semaphore_mem>>) src(%arg7 : memref<32x128xf32, #tpu.memory_space<vmem>>) dst(%dma_wait3A_681 : memref<32x128xf32, #tpu.memory_space<hbm>>)
      tpu.yield
    }) : () -> ()
    return
  }
}

module attributes {stable_mosaic.version = 14 : i64} {
  func.func @_argmax_body(%arg0: i32, %arg1: memref<2x1000x1024xf32, #tpu.memory_space<vmem>>, %arg2: memref<2x1x1024xi32, #tpu.memory_space<vmem>>) attributes {dimension_semantics = [#tpu.dimension_semantics<arbitrary>], iteration_bounds = array<i64: 25>, scalar_prefetch = 0 : i64, scratch_operands = 0 : i64, tpu.core_type = #tpu.core_type<tc>, window_params = [{transform_indices = @transform_0, window_bounds = array<i64: 2, 1000, 1024>}, {transform_indices = @transform_1, window_bounds = array<i64: 2, 1, 1024>}]} {
    %get3A = arith.constant 0 : index
    %get3A_0 = arith.constant 0 : index
    %get3A_1 = arith.constant 0 : index
    %get3A_2 = vector.load %arg1[%get3A, %get3A_0, %get3A_1] : memref<2x1000x1024xf32, #tpu.memory_space<vmem>>, vector<2x1000x1024xf32>
    %reduce_max3A = arith.constant dense<0xFF800000> : vector<2x1024xf32>
    %reduce_max3A_3 = vector.multi_reduction <maximumf>, %get3A_2, %reduce_max3A [1] : vector<2x1000x1024xf32> to vector<2x1024xf32>
    %broadcast_in_dim3A = vector.shape_cast %reduce_max3A_3 : vector<2x1024xf32> to vector<2x1x1024xf32>
    %iota3A = tpu.iota {dimensions = array<i32: 1>} : vector<2x1000x1024xi32>
    %convert_element_type3A = arith.sitofp %iota3A : vector<2x1000x1024xi32> to vector<2x1000x1024xf32>
    %sub3A = arith.constant 9.990000e+02 : f32
    %sub3A_4 = vector.broadcast %sub3A : f32 to vector<2x1000x1024xf32>
    %sub3A_5 = arith.subf %sub3A_4, %convert_element_type3A : vector<2x1000x1024xf32>
    %eq3A = vector.broadcast %broadcast_in_dim3A : vector<2x1x1024xf32> to vector<2x1000x1024xf32>
    %eq3A_6 = arith.cmpf oeq, %get3A_2, %eq3A : vector<2x1000x1024xf32>
    %jit3A = arith.constant -1.000000e+00 : f32
    %broadcast_in_dim3A_7 = vector.broadcast %jit3A : f32 to vector<2x1000x1024xf32>
    %select_n3A = arith.select %eq3A_6, %sub3A_5, %broadcast_in_dim3A_7 : vector<2x1000x1024xi1>, vector<2x1000x1024xf32>
    %reduce_max3A_8 = arith.constant dense<0xFF800000> : vector<2x1024xf32>
    %reduce_max3A_9 = vector.multi_reduction <maximumf>, %select_n3A, %reduce_max3A_8 [1] : vector<2x1000x1024xf32> to vector<2x1024xf32>
    %sub3A_10 = arith.constant 9.990000e+02 : f32
    %sub3A_11 = vector.broadcast %sub3A_10 : f32 to vector<2x1024xf32>
    %sub3A_12 = arith.subf %sub3A_11, %reduce_max3A_9 : vector<2x1024xf32>
    %convert_element_type3A_13 = arith.fptosi %sub3A_12 : vector<2x1024xf32> to vector<2x1024xi32>
    %reshape3A = vector.shape_cast %convert_element_type3A_13 : vector<2x1024xi32> to vector<2x1x1024xi32>
    %swap3A = arith.constant 0 : index
    %swap3A_14 = arith.constant 0 : index
    %swap3A_15 = arith.constant 0 : index
    %swap3A_16 = vector.load %arg2[%swap3A, %swap3A_14, %swap3A_15] : memref<2x1x1024xi32, #tpu.memory_space<vmem>>, vector<2x1x1024xi32>
    tpu.vector_store %arg2[%swap3A, %swap3A_14, %swap3A_15], %reshape3A {strides = array<i32>} : memref<2x1x1024xi32, #tpu.memory_space<vmem>>, vector<2x1x1024xi32>,
    return
  }
  func.func @transform_0(%arg0: i32) -> (i32, i32, i32) {
    %c0_i32 = arith.constant 0 : i32
    %c0_i32_0 = arith.constant 0 : i32
    %c0_i32_1 = arith.constant 0 : i32
    return %arg0, %c0_i32, %c0_i32_0 : i32, i32, i32
  }
  func.func @transform_1(%arg0: i32) -> (i32, i32, i32) {
    %c0_i32 = arith.constant 0 : i32
    %c0_i32_0 = arith.constant 0 : i32
    %c0_i32_1 = arith.constant 0 : i32
    return %arg0, %c0_i32, %c0_i32_0 : i32, i32, i32
  }
}

</mosaic_0001>

<sc_bundles>
// kernel: kernel.4.cloned.1.call-start
scs
__scs_entry_jumppad:
0x0: {  	(pc) =	sbr.rel $0x88, $3  }
0x1: {  	(tag) =	ssettag $0x0;
	lr =	simm.s32 $0x1  }
0x2: {  	[smem:$0x3F9F] =	sst lr;
	_ =	strace $0xD0000000  }
0x3: {  	_ = 	snop  }
0x4: {  	_ = 	snop  }
0x5: {  	_ = 	snop  }
0x6: {  	_ = 	snop  }
0x7: {  	_ = 	snop  }
__scs_overlays_trampoline_lowered:
0x8: {  	[smem:$0x3FAE] =	sst s0  }
0x9: {  	[smem:$0x3FAF] =	sst s1  }
0xa: {  	[smem:$0x3FB0] =	sst s2  }
0xb: {  	[smem:$0x3FB1] =	sst s3  }
0xc: {  	[smem:$0x3FB2] =	sst s4  }
0xd: {  	[smem:$0x3FB3] =	sst s5  }
0xe: {  	[smem:$0x3FB4] =	sst s6  }
0xf: {  	[smem:$0x3FB5] =	sst s7  }
0x10: {  	[smem:$0x3FB6] =	sst s8  }
0x11: {  	[smem:$0x3FB7] =	sst s9;
	s0 =	simm.s32 @!p0 $0x0  }
0x12: {  	s1 =	sld [smem:$0x3F9D];
	s0 =	simm.s32 @p0 $0x1  }
0x13: {  	[smem:$0x3FB8] =	sst s0;
	s0 =	simm.s32 @!p1 $0x0  }
0x14: {  	s2 =	sld [smem:$0x3F9C];
	s0 =	simm.s32 @p1 $0x1  }
0x15: {  	[smem:$0x3FB9] =	sst s0;
	s0 =	simm.s32 @!p2 $0x0  }
0x16: {  	s3 =	sld [smem:$0x3FDB];
	s0 =	simm.s32 @p2 $0x1  }
0x17: {  	s4 =	simm.s32 $0x1BF5;
	[smem:$0x3FBB] =	sst s0  }
0x18: {  	s0 =	sld [smem:$0x3F9E];
	_ =	swait.ge [sflag:s4], $0x0  }
0x19: {  	s7 =	sld [smem:$0x3F9F]  }
0x1a: {  	s8 =	sadd.s32 $0xFFFFE003, lr  }
0x1b: {  	s9 =	sadd.s32 $0xFFFFFEF7, lr;
	s5 =	simm.s32 $0xFFFFFFFF;
	p2 =	slt.u32 s8, $0xFFFFF086  }
0x1c: {  	p1 =	slt.u32 s9, $0xF7A;
	s5 =	simm.s32 @!p2 $0x0  }
0x1d: {  	s5 =	simm.s32 @p1 $0x1;
	p0 =	seq.s32 s7, s2  }
0x1e: {  	s7 =	smul.u32 @!p0 $0xF7A, s2;
	p2 =	seq.s32 @!p0 s5, $0x0  }
0x1f: {  	s9 =	smul.u32 $0xF7A, s1;
	s8 =	simm.s32 @!p0 $0x1BF5;
	p2 =	por !p2, p0  }
0x20: {  	[sflag:s8] =	ssyncset.s32 @!p0 $0xFFFFF086;
	s6 =	sadd.s32 @!p0 s3, s7;
	s7 =	simm.s32 @!p0 $0x108  }
0x21: {  	s3 =	sadd.s32 s3, s9;
	s6 =	sadd.s32 @!p0 $0x88, s6;
	s7 =	simm.s32 @p2 $0x1082  }
0x22: {  	[simem:s7], [sflag:s8] =	dma.local @!p0 [hbm:s6], $0xF7A  }
0x23: {  	s9 =	sor.u32 $0xD0000000, s2;
	s6 =	simm.s32 $0x108;
	_ =	swait.ge @!p0 [sflag:s8], $0x0  }
0x24: {  	s3 =	sadd.s32 $0x88, s3;
	s6 =	simm.s32 @!p1 $0x1082;
	[sflag:s4] =	ssyncset.s32 $0xFFFFF086  }
0x25: {  	[simem:s6], [sflag:s4] =	dma.local [hbm:s3], $0xF7A  }
0x26: {  	[smem:$0x3F9F] =	sst s1;
	(tag) =	ssettag s2;
	_ =	strace s9  }
0x27: {  	s1 =	sld [smem:$0x3FAF]  }
0x28: {  	s2 =	sld [smem:$0x3FB0]  }
0x29: {  	s4 =	sld [smem:$0x3FB2]  }
0x2a: {  	p0 =	seq.s32 s5, $0x0;
	s5 =	sld [smem:$0x3FB3]  }
0x2b: {  	s6 =	sld [smem:$0x3FB4]  }
0x2c: {  	s7 =	sld [smem:$0x3FB5]  }
0x2d: {  	s3 =	simm.s32 $0x108;
	s8 =	sld [smem:$0x3FB6]  }
0x2e: {  	s3 =	simm.s32 @!p0 $0x1082;
	s9 =	sld [smem:$0x3FB7]  }
0x2f: {  	lr =	sadd.s32 s0, s3;
	s0 =	sld [smem:$0x3FAE]  }
0x30: {  	s3 =	sld [smem:$0x3FB1]  }
0x31: {  	[smem:$0x3FBA] =	sst s10  }
0x32: {  	s10 =	sld [smem:$0x3FB8];
	_ =	sdelay $0x3  }
0x33: {  	p0 =	seq.s32 s10, $0x1;
	s10 =	sld [smem:$0x3FBA];
	_ =	sdelay $0x3  }
0x34: {  	[smem:$0x3FBA] =	sst s10  }
0x35: {  	s10 =	sld [smem:$0x3FB9];
	_ =	sdelay $0x3  }
0x36: {  	p1 =	seq.s32 s10, $0x1;
	s10 =	sld [smem:$0x3FBA];
	_ =	sdelay $0x3  }
0x37: {  	[smem:$0x3FBA] =	sst s10  }
0x38: {  	s10 =	sld [smem:$0x3FBB]  }
0x39: {  	_ = 	snop;
	(pc) =	sbr.ind lr, $3  }
0x3a: {  	_ = 	snop  }
0x3b: {  	_ = 	snop  }
0x3c: {  	p2 =	seq.s32 s10, $0x1;
	s10 =	sld [smem:$0x3FBA]  }
0x3d: {  	_ =	shalt  }
0x3e: {  	_ =	shalt  }
0x3f: {  	_ =	shalt  }
0x40: {  	_ =	shalt  }
0x41: {  	_ =	shalt  }
0x42: {  	_ =	shalt  }
0x43: {  	_ =	shalt  }
0x44: {  	_ =	shalt  }
0x45: {  	_ =	shalt  }
0x46: {  	_ =	shalt  }
0x47: {  	_ =	shalt  }
0x48: {  	_ =	shalt  }
0x49: {  	_ =	shalt  }
0x4a: {  	_ =	shalt  }
0x4b: {  	_ =	shalt  }
0x4c: {  	_ =	shalt  }
0x4d: {  	_ =	shalt  }
0x4e: {  	_ =	shalt  }
0x4f: {  	_ =	shalt  }
0x50: {  	_ =	shalt  }
0x51: {  	_ =	shalt  }
0x52: {  	_ =	shalt  }
0x53: {  	_ =	shalt  }
0x54: {  	_ =	shalt  }
0x55: {  	_ =	shalt  }
0x56: {  	_ =	shalt  }
0x57: {  	_ =	shalt  }
0x58: {  	_ =	shalt  }
0x59: {  	_ =	shalt  }
0x5a: {  	_ =	shalt  }
0x5b: {  	_ =	shalt  }
0x5c: {  	_ =	shalt  }
0x5d: {  	_ =	shalt  }
0x5e: {  	_ =	shalt  }
0x5f: {  	_ =	shalt  }
0x60: {  	_ =	shalt  }
0x61: {  	_ =	shalt  }
0x62: {  	_ =	shalt  }
0x63: {  	_ =	shalt  }
0x64: {  	_ =	shalt  }
0x65: {  	_ =	shalt  }
0x66: {  	_ =	shalt  }
0x67: {  	_ =	shalt  }
0x68: {  	_ =	shalt  }
0x69: {  	_ =	shalt  }
0x6a: {  	_ =	shalt  }
0x6b: {  	_ =	shalt  }
0x6c: {  	_ =	shalt  }
0x6d: {  	_ =	shalt  }
0x6e: {  	_ =	shalt  }
0x6f: {  	_ =	shalt  }
0x70: {  	_ =	shalt  }
0x71: {  	_ =	shalt  }
0x72: {  	_ =	shalt  }
0x73: {  	_ =	shalt  }
0x74: {  	_ =	shalt  }
0x75: {  	_ =	shalt  }
0x76: {  	_ =	shalt  }
0x77: {  	_ =	shalt  }
0x78: {  	_ =	shalt  }
0x79: {  	_ =	shalt  }
0x7a: {  	_ =	shalt  }
0x7b: {  	_ =	shalt  }
0x7c: {  	_ =	shalt  }
0x7d: {  	_ =	shalt  }
0x7e: {  	_ =	shalt  }
0x7f: {  	_ =	shalt  }
0x80: {  	_ =	shalt  }
0x81: {  	_ =	shalt  }
0x82: {  	_ =	shalt  }
0x83: {  	_ =	shalt  }
0x84: {  	_ =	shalt  }
0x85: {  	_ =	shalt  }
0x86: {  	_ =	shalt  }
0x87: {  	_ =	shalt  }
.Lfunc_end0:
.L_simem_size_0:
called_computation_lowered:
.L_overlay_start_0:
0x88: {  	s2 =	sld [smem:$0x3FD9]  }
0x89: {  	s3 =	sld [smem:$0x3FFE];
	_ =	sdelay $0x1  }
0x8a: {  	s1 =	srdreg.scid  }
0x8b: {  	s0 =	sand.u32 $0x1, s1  }
0x8c: {  	s17 =	sshll.u32 s0, $0xA;
	s2 =	sadd.s32 s3, s2  }
0x8d: {  	s2 =	sadd.s32 s2, s17  }
0x8e: {  	[smem:$0x3FC6] =	sst s2  }
0x8f: {  	_ = 	snop  }
0x90: {  	s2 =	sld [smem:$0x3FC8]  }
0x91: {  	s18 =	sld [smem:$0x3FD0];
	(tm) =	ssettm $0x1  }
0x92: {  	s4 =	sld [smem:$0x3FFB];
	_ =	sdelay $0x3  }
0x93: {  	_ =	strace s4  }
0x94: {  	s4 =	sld [smem:$0x3FFC];
	_ =	sdelay $0x3  }
0x95: {  	_ =	strace s4  }
0x96: {  	s4 =	sld [smem:$0x3FFD];
	_ =	sdelay $0x3  }
0x97: {  	_ =	strace s4  }
0x98: {  	_ =	strace $0x8FFFFFFF  }
0x99: {  	s19 =	sld [smem:$0x3FDB];
	_ =	sdelay $0x1  }
0x9a: {  	s5 =	simm.s32 $_scs_section_size  }
0x9b: {  	s6 =	simm.s32 $_size__tile_overlayer_lowered;
	s7 =	simm.s32 $_tile_overlayer_lowered  }
0x9c: {  	s22 =	simm.s32 $0x1BFF;
	s21 =	sshll.u32 s7, $0x1;
	s4 =	sadd.s32 s5, s19  }
0x9d: {  	s8 =	simm.s32 $0x0;
	s20 =	sshll.u32 s6, $0x1;
	s6 =	sadd.s32 s21, s4  }
0x9e: {  	[timem:s8], [sflag:s22] =	dma.local [hbm:s6], s20  }
0x9f: {  	_ =	swait.ge [sflag:s22], s20  }
0xa0: {  	s5 =	ssub.s32 $0x0, s20;
	[sflag:s22] =	ssyncset.done $0x0  }
0xa1: {  	[sflag:s22] =	ssyncadd.s32 s5;
	_ =	sdelay $0x1  }
0xa2: {  	s23 =	simm.s32 $0x1B8B  }
0xa3: {  	_ =	swait.ge [sflag:s23], $0x1  }
0xa4: {  	[sflag:s23] =	ssyncset.done $0x0  }
0xa5: {  	s25 =	simm.s32 $0x1B8E;
	s24 =	sld [smem:$0x3FFE];
	[sflag:s23] =	ssyncadd.s32 $0xFFFFFFFF  }
0xa6: {  	s26 =	simm.s32 $execute0_lowered;
	[smem:$0x3FD2] =	sst s25  }
0xa7: {  	s6 =	sshll.u32 s26, $0x1;
	_ =	strace $0x80000046;
	[dreg:$0x1] =	wrdreg $0xFFFFFFFF  }
0xa8: {  	s28 =	simm.s32 $_size_execute0_lowered;
	s4 =	sadd.s32 s4, s6;
	[dreg:$0x0] =	wrdreg $0x0  }
0xa9: {  	s6 =	sshll.u32 s28, $0x1;
	[dreg:$0x2] =	wrdreg s4  }
0xaa: {  	[dreg:$0x3] =	wrdreg s6  }
0xab: {  	[dreg:$0x4] =	wrdreg $0xC0  }
0xac: {  	_ =	task [dreg:s8], $0x5FFFF  }
0xad: {  	[dreg:$0x1] =	wrdreg $0xFFFFFFFF  }
0xae: {  	[dreg:$0x0] =	wrdreg $0x60  }
0xaf: {  	[dreg:$0x2] =	wrdreg s24  }
0xb0: {  	[dreg:$0x3] =	wrdreg s2  }
0xb1: {  	[dreg:$0x4] =	wrdreg s18  }
0xb2: {  	[dreg:$0x5] =	wrdreg $0x9  }
0xb3: {  	_ =	task.clear_ibuf [dreg:s8], $0x6FFFF;
	_ =	strace $0x90000046  }
0xb4: {  	s29 =	simm.s32 $0x9;
	_ =	strace $0x80000048  }
0xb5: {  	_ =	swait.ge [sflag:s29], $0x1  }
0xb6: {  	[sflag:s29] =	ssyncadd.s32 $0xFFFFFFFF  }
0xb7: {  	_ =	strace $0x90000048  }
0xb8: {  	_ =	sfence  }
0xb9: {  	s30 =	sld [smem:$0x0];
	_ =	sdelay $0x2  }
0xba: {  	s31 =	sshll.u32 s1, $0xD;
	s1 =	sshrl.u32 s1, $0x2  }
0xbb: {  	s3 =	sand.u32 $0x4000, s31;
	s1 =	sadd.s32 s1, s30  }
0xbc: {  	s0 =	sor.u32 s3, s0;
	s1 =	sshll.u32 s1, $0x11  }
0xbd: {  	s0 =	sor.u32 s1, s0  }
0xbe: {  	s0 =	sadd.s32 $0x8F2B, s0  }
0xbf: {  	[sflag:s0] =	ssyncadd.remote.s32 $0x1  }
0xc0: {  	_ =	sfence.sel $0xFFFF  }
0xc1: {  	[dreg:$0x0] =	wrdreg $0xFFFFFFFF;
	(pc) =	sbr.abs _section_cstart, $3  }
0xc2: {  	[dreg:$0x1] =	wrdreg $0xFFFFFFFF  }
0xc3: {  	_ =	task.clear_ibuf [dreg:s8], $0x2FFFF;
	_ =	strace $0x9FFFFFFF  }
0xc4: {  	(tm) =	ssettm $0x7FFFFFFF  }
0xc5: {  	_ =	shalt  }
tec
execute0_lowered:
.L_overlay_start_1:
0x0: {  	(tag) =	ssettag $0x1  }
0x1: {  	s1 =	rddreg [dreg:$0x0]  }
0x2: {  	s3 =	rddreg [dreg:$0x1]  }
0x3: {  	s4 =	rddreg [dreg:$0x2];
	s0 =	stileid.u32  }
0x4: {  	s29 =	rddreg [dreg:$0x3];
	s10 =	srdreg.scid;
	s5 =	sshll.u32 s0, $0x6  }
0x5: {  	s2 =	simm.s32 $0x0;
	s0 =	sand.u32 $0x1, s10;
	s6 =	sand.u32 $0x380, s5  }
0x6: {  	[smem:$0x7FF] =	sst s2;
	s11 =	sshll.u32 s0, $0x5;
	s1 =	sadd.s32 s6, s1  }
0x7: {  	_ =	strace $0x80000047;
	s5 =	sor.u32 s11, s5;
	s12 =	sadd.s32 $0x400, s1  }
0x8: {  	s1 =	sadd.s32 $0x1C00, s1;
	s28 =	sand.u32 $0x60, s5;
	[dreg:$0x4] =	wrdreg s12  }
0x9: {  	[dreg:$0x5] =	wrdreg s1;
	s13 =	sor.u32 $0x80, s28  }
0xa: {  	s14 =	sor.u32 $0x100, s28;
	[dreg:$0x6] =	wrdreg s13  }
0xb: {  	s16 =	sor.u32 $0x180, s28;
	[dreg:$0x7] =	wrdreg s14  }
0xc: {  	s18 =	sor.u32 $0x200, s28;
	[dreg:$0x9] =	wrdreg s16  }
0xd: {  	s20 =	sor.u32 $0x280, s28;
	[dreg:$0xb] =	wrdreg s18  }
0xe: {  	s22 =	sor.u32 $0x300, s28;
	[dreg:$0xd] =	wrdreg s20  }
0xf: {  	s24 =	sor.u32 $0x380, s28;
	[dreg:$0xf] =	wrdreg s22  }
0x10: {  	s5 =	sshll.u32 s5, $0x4;
	s31 =	sor.u32 $0x400, s28;
	[dreg:$0x11] =	wrdreg s24  }
0x11: {  	s26 =	sadd.s32 s4, s5;
	s5 =	sor.u32 $0x480, s28;
	[dreg:$0x13] =	wrdreg s31  }
0x12: {  	s7 =	sor.u32 $0x500, s28;
	[dreg:$0x15] =	wrdreg s5  }
0x13: {  	s9 =	sor.u32 $0x580, s28;
	[dreg:$0x17] =	wrdreg s7  }
0x14: {  	s11 =	sor.u32 $0x600, s28;
	[dreg:$0x19] =	wrdreg s9  }
0x15: {  	[dreg:$0x1b] =	wrdreg s11  }
0x16: {  	s15 =	sadd.s32 $0x4000, s26;
	s1 =	rddreg [dreg:$0x4]  }
0x17: {  	s17 =	sadd.s32 $0x8000, s26;
	[dreg:$0x8] =	wrdreg s15  }
0x18: {  	s19 =	sadd.s32 $0xC000, s26;
	[dreg:$0xa] =	wrdreg s17  }
0x19: {  	s21 =	sadd.s32 $0x10000, s26;
	[dreg:$0xc] =	wrdreg s19  }
0x1a: {  	s23 =	sadd.s32 $0x14000, s26;
	[dreg:$0xe] =	wrdreg s21  }
0x1b: {  	s25 =	sadd.s32 $0x18000, s26;
	[dreg:$0x10] =	wrdreg s23  }
0x1c: {  	s4 =	sadd.s32 $0x1C000, s26;
	[dreg:$0x12] =	wrdreg s25  }
0x1d: {  	s6 =	sadd.s32 $0x20000, s26;
	[dreg:$0x14] =	wrdreg s4  }
0x1e: {  	s8 =	sadd.s32 $0x24000, s26;
	[dreg:$0x16] =	wrdreg s6  }
0x1f: {  	s10 =	sadd.s32 $0x28000, s26;
	[dreg:$0x18] =	wrdreg s8  }
0x20: {  	s12 =	sadd.s32 $0x2C000, s26;
	[dreg:$0x1a] =	wrdreg s10  }
0x21: {  	s13 =	sor.u32 $0x680, s28;
	[dreg:$0x1c] =	wrdreg s12  }
0x22: {  	s14 =	sadd.s32 $0x30000, s26;
	[dreg:$0x1d] =	wrdreg s13  }
0x23: {  	s16 =	sadd.s32 $0x34000, s26;
	[dreg:$0x1e] =	wrdreg s14  }
0x24: {  	s18 =	sadd.s32 $0x38000, s26;
	[smem:$0x7C6] =	sst s16  }
0x25: {  	s20 =	sadd.s32 $0x3C000, s26;
	[smem:$0x7C8] =	sst s18  }
0x26: {  	s22 =	sadd.s32 $0x40000, s26;
	[smem:$0x7CA] =	sst s20  }
0x27: {  	s24 =	sadd.s32 $0x44000, s26;
	[smem:$0x7CC] =	sst s22  }
0x28: {  	s31 =	sadd.s32 $0x48000, s26;
	[smem:$0x7CE] =	sst s24  }
0x29: {  	s5 =	sadd.s32 $0x4C000, s26;
	[smem:$0x7D0] =	sst s31  }
0x2a: {  	s7 =	sadd.s32 $0x50000, s26;
	[smem:$0x7D2] =	sst s5  }
0x2b: {  	s9 =	sadd.s32 $0x54000, s26;
	[smem:$0x7D4] =	sst s7  }
0x2c: {  	s11 =	sadd.s32 $0x58000, s26;
	[smem:$0x7D6] =	sst s9  }
0x2d: {  	s15 =	sor.u32 $0x700, s28;
	[smem:$0x7D8] =	sst s11  }
0x2e: {  	s17 =	sor.u32 $0x780, s28;
	[dreg:$0x1f] =	wrdreg s15  }
0x2f: {  	s19 =	sor.u32 $0x800, s28;
	[smem:$0x7C7] =	sst s17  }
0x30: {  	s21 =	sor.u32 $0x880, s28;
	[smem:$0x7C9] =	sst s19  }
0x31: {  	s23 =	sor.u32 $0x900, s28;
	[smem:$0x7CB] =	sst s21  }
0x32: {  	s25 =	sor.u32 $0x980, s28;
	[smem:$0x7CD] =	sst s23  }
0x33: {  	s4 =	sor.u32 $0xA00, s28;
	[smem:$0x7CF] =	sst s25  }
0x34: {  	s6 =	sor.u32 $0xA80, s28;
	[smem:$0x7D1] =	sst s4  }
0x35: {  	s8 =	sor.u32 $0xB00, s28;
	[smem:$0x7D3] =	sst s6  }
0x36: {  	s10 =	sor.u32 $0xB80, s28;
	[smem:$0x7D5] =	sst s8  }
0x37: {  	s12 =	sor.u32 $0xC00, s28;
	[smem:$0x7D7] =	sst s10  }
0x38: {  	s13 =	sadd.s32 $0x5C000, s26;
	[smem:$0x7D9] =	sst s12  }
0x39: {  	s14 =	sor.u32 $0xC80, s28;
	[smem:$0x7DA] =	sst s13  }
0x3a: {  	s16 =	sor.u32 $0xD00, s28;
	[smem:$0x7DB] =	sst s14  }
0x3b: {  	s18 =	sor.u32 $0xD80, s28;
	[smem:$0x7DD] =	sst s16  }
0x3c: {  	s20 =	sor.u32 $0xE00, s28;
	[smem:$0x7DF] =	sst s18  }
0x3d: {  	s22 =	sor.u32 $0xE80, s28;
	[smem:$0x7E1] =	sst s20  }
0x3e: {  	s24 =	sor.u32 $0xF00, s28;
	[smem:$0x7E3] =	sst s22  }
0x3f: {  	s31 =	sor.u32 $0xF80, s28;
	[smem:$0x7E5] =	sst s24  }
0x40: {  	s5 =	sor.u32 $0x1000, s28;
	[smem:$0x7E7] =	sst s31  }
0x41: {  	s7 =	sor.u32 $0x1080, s28;
	[smem:$0x7E9] =	sst s5  }
0x42: {  	s9 =	sor.u32 $0x1100, s28;
	[smem:$0x7EB] =	sst s7  }
0x43: {  	s11 =	sor.u32 $0x1180, s28;
	[smem:$0x7ED] =	sst s9  }
0x44: {  	s15 =	sadd.s32 $0x60000, s26;
	[smem:$0x7EF] =	sst s11  }
0x45: {  	s17 =	sadd.s32 $0x64000, s26;
	[smem:$0x7DC] =	sst s15  }
0x46: {  	s19 =	sadd.s32 $0x68000, s26;
	[smem:$0x7DE] =	sst s17  }
0x47: {  	s21 =	sadd.s32 $0x6C000, s26;
	[smem:$0x7E0] =	sst s19  }
0x48: {  	s23 =	sadd.s32 $0x70000, s26;
	[smem:$0x7E2] =	sst s21  }
0x49: {  	s25 =	sadd.s32 $0x74000, s26;
	[smem:$0x7E4] =	sst s23  }
0x4a: {  	s4 =	sadd.s32 $0x78000, s26;
	[smem:$0x7E6] =	sst s25  }
0x4b: {  	s6 =	sadd.s32 $0x7C000, s26;
	[smem:$0x7E8] =	sst s4  }
0x4c: {  	p0 =	por $0x0, $0x0;
	s8 =	sadd.s32 $0x80000, s26;
	[smem:$0x7EA] =	sst s6  }
0x4d: {  	s0 =	ssub.s32 $0x2, s0;
	s10 =	sadd.s32 $0x84000, s26;
	[smem:$0x7EC] =	sst s8  }
0x4e: {  	s12 =	sadd.s32 $0x88000, s26;
	s13 =	sor.u32 $0x1200, s28;
	[smem:$0x7EE] =	sst s10  }
0x4f: {  	s14 =	sadd.s32 $0x8C000, s26;
	s16 =	sadd.s32 $0x90000, s26;
	[smem:$0x7F0] =	sst s12  }
0x50: {  	s18 =	sadd.s32 $0x94000, s26;
	s20 =	sadd.s32 $0x98000, s26;
	[smem:$0x7F1] =	sst s13  }
0x51: {  	s22 =	sadd.s32 $0x9C000, s26;
	s24 =	sadd.s32 $0xA0000, s26;
	[smem:$0x7F2] =	sst s14  }
0x52: {  	s31 =	sor.u32 $0x1500, s28;
	s9 =	sadd.s32 $0xBC000, s26;
	[smem:$0x7F4] =	sst s16  }
0x53: {  	s7 =	sadd.s32 $0xC0000, s26;
	s5 =	simm.s32 $0x3;
	[smem:$0x7F6] =	sst s18  }
0x54: {  	s11 =	simm.s32 $0x2;
	s15 =	sor.u32 $0x1280, s28;
	[smem:$0x7F8] =	sst s20  }
0x55: {  	s17 =	sor.u32 $0x1300, s28;
	s19 =	sor.u32 $0x1380, s28;
	[smem:$0x7FA] =	sst s22  }
0x56: {  	s21 =	sor.u32 $0x1400, s28;
	s23 =	sor.u32 $0x1480, s28;
	[smem:$0x7FC] =	sst s24  }
0x57: {  	s25 =	sshrl.u32 s0, $0x1;
	[smem:$0x7FD] =	sst s31;
	s24 =	sadd.s32 $0xA8000, s26  }
0x58: {  	s22 =	sadd.s32 $0xAC000, s26;
	s20 =	sadd.s32 $0xB0000, s26;
	s18 =	sadd.s32 $0xB4000, s26  }
0x59: {  	s14 =	sor.u32 $0x1780, s28;
	s8 =	sor.u32 $0x1800, s28;
	s0 =	ssub.s32 s0, s25  }
0x5a: {  	s6 =	sor.u32 $0x1880, s28;
	[smem:$0x7F3] =	sst s15;
	s0 =	smax.u32 s0, $0x1  }
0x5b: {  	s4 =	sadd.s32 $0xC4000, s26;
	[smem:$0x7F5] =	sst s17;
	p1 =	sne.s32 s0, $0x1  }
.Ltmp0:
0x5c: {  	s12 =	simm.s32 $0x20;
	[smem:$0x7F7] =	sst s19;
	(pc) =	sbr.rel @!p1 .LBB2_1-.Ltmp0, $4  }
0x5d: {  	s13 =	simm.s32 $0x1C00;
	s16 =	simm.s32 $0x1;
	[smem:$0x7F9] =	sst s21  }
0x5e: {  	s10 =	simm.s32 $0x2C00;
	[smem:$0x7FB] =	sst s23;
	s25 =	sadd.s32 $0xA4000, s26  }
0x5f: {  	s23 =	sor.u32 $0x1580, s28;
	s21 =	sor.u32 $0x1600, s28;
	s19 =	sor.u32 $0x1680, s28  }
0x60: {  	s17 =	sor.u32 $0x1700, s28;
	s15 =	sadd.s32 $0xB8000, s26;
	s30 =	sadd.s32 $0xFFFFFFFF, s0  }
0x61: {  	s29 =	simm.s32 $0x400;
	s31 =	simm.s32 $0x2000  }
0x62: {  	[tilespmem:s2], [sflag:$0x3] =	stream.strided.gather [hbm4b:s1+s29], $0x1800, s31, s29, $0x38;
	[tilespmem:$0x3C00] =	vst v63  }
0x63: {  	s0 =	rddreg [dreg:$0x5];
	s31 =	simm.s32 $0x1800  }
0x64: {  	[tilespmem:s31], [sflag:$0x3] =	stream.linear.gather [hbm4b:s0+s2], $0x100, $0x38;
	[tilespmem:$0x3C00] =	vst v63  }
0x65: {  	_ =	swait.ge [sflag:s5], $0x1900  }
0x66: {  	[sflag:s5] =	ssyncset.done $0x0  }
0x67: {  	[sflag:s5] =	ssyncadd.s32 $0xFFFFE700  }
0x68: {  	[tilespmem:s13], [sflag:$0x1] =	stream.indirect.gather [hbm4b:s3+s12], $0x80, s28, s12, $0xb8;
	[tilespmem:$0x3C00] =	vst v63  }
0x69: {  	_ =	swait.ge [sflag:s16], $0x1000  }
0x6a: {  	[sflag:s16] =	ssyncset.done $0x0  }
0x6b: {  	s1 =	rddreg [dreg:$0x6];
	[sflag:s16] =	ssyncadd.s32 $0xFFFFF000  }
0x6c: {  	[tilespmem:s10], [sflag:$0x2] =	stream.indirect.gather [hbm4b:s3+s12], $0x80, s1, s12, $0xb8;
	[tilespmem:$0x3C00] =	vst v63  }
0x6d: {  	_ = 	snop  }
0x6e: {  	[hbm4b:s26+s2] =	stream.linear.scatter [tilespmem:s13], [sflag:$0x3], $0x1000, $0x38;
	[tilespmem:$0x3C00] =	vst v63  }
0x6f: {  	_ =	swait.ge [sflag:s5], $0x1000  }
0x70: {  	[sflag:s5] =	ssyncset.done $0x0  }
0x71: {  	[sflag:s5] =	ssyncadd.s32 $0xFFFFF000  }
0x72: {  	_ =	swait.ge [sflag:s11], $0x1000  }
0x73: {  	[sflag:s11] =	ssyncset.done $0x0  }
0x74: {  	s29 =	rddreg [dreg:$0x7];
	[sflag:s11] =	ssyncadd.s32 $0xFFFFF000  }
0x75: {  	[tilespmem:s13], [sflag:$0x1] =	stream.indirect.gather [hbm4b:s3+s12], $0x80, s29, s12, $0xb8;
	[tilespmem:$0x3C00] =	vst v63  }
0x76: {  	s31 =	rddreg [dreg:$0x8]  }
0x77: {  	[hbm4b:s31+s2] =	stream.linear.scatter [tilespmem:s10], [sflag:$0x3], $0x1000, $0x38;
	[tilespmem:$0x3C00] =	vst v63  }
0x78: {  	_ =	swait.ge [sflag:s5], $0x1000  }
0x79: {  	[sflag:s5] =	ssyncset.done $0x0  }
0x7a: {  	[sflag:s5] =	ssyncadd.s32 $0xFFFFF000  }
0x7b: {  	_ =	swait.ge [sflag:s16], $0x1000  }
0x7c: {  	[sflag:s16] =	ssyncset.done $0x0  }
0x7d: {  	s29 =	rddreg [dreg:$0x9];
	[sflag:s16] =	ssyncadd.s32 $0xFFFFF000  }
0x7e: {  	[tilespmem:s10], [sflag:$0x2] =	stream.indirect.gather [hbm4b:s3+s12], $0x80, s29, s12, $0xb8;
	[tilespmem:$0x3C00] =	vst v63  }
0x7f: {  	s31 =	rddreg [dreg:$0xa]  }
0x80: {  	[hbm4b:s31+s2] =	stream.linear.scatter [tilespmem:s13], [sflag:$0x3], $0x1000, $0x38;
	[tilespmem:$0x3C00] =	vst v63  }
0x81: {  	_ =	swait.ge [sflag:s5], $0x1000  }
0x82: {  	[sflag:s5] =	ssyncset.done $0x0  }
0x83: {  	[sflag:s5] =	ssyncadd.s32 $0xFFFFF000  }
0x84: {  	_ =	swait.ge [sflag:s11], $0x1000  }
0x85: {  	[sflag:s11] =	ssyncset.done $0x0  }
0x86: {  	s29 =	rddreg [dreg:$0xb];
	[sflag:s11] =	ssyncadd.s32 $0xFFFFF000  }
0x87: {  	[tilespmem:s13], [sflag:$0x1] =	stream.indirect.gather [hbm4b:s3+s12], $0x80, s29, s12, $0xb8;
	[tilespmem:$0x3C00] =	vst v63  }
0x88: {  	s31 =	rddreg [dreg:$0xc]  }
0x89: {  	[hbm4b:s31+s2] =	stream.linear.scatter [tilespmem:s10], [sflag:$0x3], $0x1000, $0x38;
	[tilespmem:$0x3C00] =	vst v63  }
0x8a: {  	_ =	swait.ge [sflag:s5], $0x1000  }
0x8b: {  	[sflag:s5] =	ssyncset.done $0x0  }
0x8c: {  	[sflag:s5] =	ssyncadd.s32 $0xFFFFF000  }
0x8d: {  	_ =	swait.ge [sflag:s16], $0x1000  }
0x8e: {  	[sflag:s16] =	ssyncset.done $0x0  }
0x8f: {  	s29 =	rddreg [dreg:$0xd];
	[sflag:s16] =	ssyncadd.s32 $0xFFFFF000  }
0x90: {  	[tilespmem:s10], [sflag:$0x2] =	stream.indirect.gather [hbm4b:s3+s12], $0x80, s29, s12, $0xb8;
	[tilespmem:$0x3C00] =	vst v63  }
0x91: {  	s31 =	rddreg [dreg:$0xe]  }
0x92: {  	[hbm4b:s31+s2] =	stream.linear.scatter [tilespmem:s13], [sflag:$0x3], $0x1000, $0x38;
	[tilespmem:$0x3C00] =	vst v63  }
0x93: {  	_ =	swait.ge [sflag:s5], $0x1000  }
0x94: {  	[sflag:s5] =	ssyncset.done $0x0  }
0x95: {  	[sflag:s5] =	ssyncadd.s32 $0xFFFFF000  }
0x96: {  	_ =	swait.ge [sflag:s11], $0x1000  }
0x97: {  	[sflag:s11] =	ssyncset.done $0x0  }
0x98: {  	s29 =	rddreg [dreg:$0xf];
	[sflag:s11] =	ssyncadd.s32 $0xFFFFF000  }
0x99: {  	[tilespmem:s13], [sflag:$0x1] =	stream.indirect.gather [hbm4b:s3+s12], $0x80, s29, s12, $0xb8;
	[tilespmem:$0x3C00] =	vst v63  }
0x9a: {  	s31 =	rddreg [dreg:$0x10]  }
0x9b: {  	[hbm4b:s31+s2] =	stream.linear.scatter [tilespmem:s10], [sflag:$0x3], $0x1000, $0x38;
	[tilespmem:$0x3C00] =	vst v63  }
0x9c: {  	_ =	swait.ge [sflag:s5], $0x1000  }
0x9d: {  	[sflag:s5] =	ssyncset.done $0x0  }
0x9e: {  	[sflag:s5] =	ssyncadd.s32 $0xFFFFF000  }
0x9f: {  	_ =	swait.ge [sflag:s16], $0x1000  }
0xa0: {  	[sflag:s16] =	ssyncset.done $0x0  }
0xa1: {  	s29 =	rddreg [dreg:$0x11];
	[sflag:s16] =	ssyncadd.s32 $0xFFFFF000  }
0xa2: {  	[tilespmem:s10], [sflag:$0x2] =	stream.indirect.gather [hbm4b:s3+s12], $0x80, s29, s12, $0xb8;
	[tilespmem:$0x3C00] =	vst v63  }
0xa3: {  	s31 =	rddreg [dreg:$0x12]  }
0xa4: {  	[hbm4b:s31+s2] =	stream.linear.scatter [tilespmem:s13], [sflag:$0x3], $0x1000, $0x38;
	[tilespmem:$0x3C00] =	vst v63  }
0xa5: {  	_ =	swait.ge [sflag:s5], $0x1000  }
0xa6: {  	[sflag:s5] =	ssyncset.done $0x0  }
0xa7: {  	[sflag:s5] =	ssyncadd.s32 $0xFFFFF000  }
0xa8: {  	_ =	swait.ge [sflag:s11], $0x1000  }
0xa9: {  	[sflag:s11] =	ssyncset.done $0x0  }
0xaa: {  	s29 =	rddreg [dreg:$0x13];
	[sflag:s11] =	ssyncadd.s32 $0xFFFFF000  }
0xab: {  	[tilespmem:s13], [sflag:$0x1] =	stream.indirect.gather [hbm4b:s3+s12], $0x80, s29, s12, $0xb8;
	[tilespmem:$0x3C00] =	vst v63  }
0xac: {  	s31 =	rddreg [dreg:$0x14]  }
0xad: {  	[hbm4b:s31+s2] =	stream.linear.scatter [tilespmem:s10], [sflag:$0x3], $0x1000, $0x38;
	[tilespmem:$0x3C00] =	vst v63  }
0xae: {  	_ =	swait.ge [sflag:s5], $0x1000  }
0xaf: {  	[sflag:s5] =	ssyncset.done $0x0  }
0xb0: {  	[sflag:s5] =	ssyncadd.s32 $0xFFFFF000  }
0xb1: {  	_ =	swait.ge [sflag:s16], $0x1000  }
0xb2: {  	[sflag:s16] =	ssyncset.done $0x0  }
0xb3: {  	s29 =	rddreg [dreg:$0x15];
	[sflag:s16] =	ssyncadd.s32 $0xFFFFF000  }
0xb4: {  	[tilespmem:s10], [sflag:$0x2] =	stream.indirect.gather [hbm4b:s3+s12], $0x80, s29, s12, $0xb8;
	[tilespmem:$0x3C00] =	vst v63  }
0xb5: {  	s31 =	rddreg [dreg:$0x16]  }
0xb6: {  	[hbm4b:s31+s2] =	stream.linear.scatter [tilespmem:s13], [sflag:$0x3], $0x1000, $0x38;
	[tilespmem:$0x3C00] =	vst v63  }
0xb7: {  	_ =	swait.ge [sflag:s5], $0x1000  }
0xb8: {  	[sflag:s5] =	ssyncset.done $0x0  }
0xb9: {  	[sflag:s5] =	ssyncadd.s32 $0xFFFFF000  }
0xba: {  	_ =	swait.ge [sflag:s11], $0x1000  }
0xbb: {  	[sflag:s11] =	ssyncset.done $0x0  }
0xbc: {  	s29 =	rddreg [dreg:$0x17];
	[sflag:s11] =	ssyncadd.s32 $0xFFFFF000  }
0xbd: {  	[tilespmem:s13], [sflag:$0x1] =	stream.indirect.gather [hbm4b:s3+s12], $0x80, s29, s12, $0xb8;
	[tilespmem:$0x3C00] =	vst v63  }
0xbe: {  	s31 =	rddreg [dreg:$0x18]  }
0xbf: {  	[hbm4b:s31+s2] =	stream.linear.scatter [tilespmem:s10], [sflag:$0x3], $0x1000, $0x38;
	[tilespmem:$0x3C00] =	vst v63  }
0xc0: {  	_ =	swait.ge [sflag:s5], $0x1000  }
0xc1: {  	[sflag:s5] =	ssyncset.done $0x0  }
0xc2: {  	[sflag:s5] =	ssyncadd.s32 $0xFFFFF000  }
0xc3: {  	_ =	swait.ge [sflag:s16], $0x1000  }
0xc4: {  	[sflag:s16] =	ssyncset.done $0x0  }
0xc5: {  	s29 =	rddreg [dreg:$0x19];
	[sflag:s16] =	ssyncadd.s32 $0xFFFFF000  }
0xc6: {  	[tilespmem:s10], [sflag:$0x2] =	stream.indirect.gather [hbm4b:s3+s12], $0x80, s29, s12, $0xb8;
	[tilespmem:$0x3C00] =	vst v63  }
0xc7: {  	s31 =	rddreg [dreg:$0x1a]  }
0xc8: {  	[hbm4b:s31+s2] =	stream.linear.scatter [tilespmem:s13], [sflag:$0x3], $0x1000, $0x38;
	[tilespmem:$0x3C00] =	vst v63  }
0xc9: {  	_ =	swait.ge [sflag:s5], $0x1000  }
0xca: {  	[sflag:s5] =	ssyncset.done $0x0  }
0xcb: {  	[sflag:s5] =	ssyncadd.s32 $0xFFFFF000  }
0xcc: {  	_ =	swait.ge [sflag:s11], $0x1000  }
0xcd: {  	[sflag:s11] =	ssyncset.done $0x0  }
0xce: {  	s29 =	rddreg [dreg:$0x1b];
	[sflag:s11] =	ssyncadd.s32 $0xFFFFF000  }
0xcf: {  	[tilespmem:s13], [sflag:$0x1] =	stream.indirect.gather [hbm4b:s3+s12], $0x80, s29, s12, $0xb8;
	[tilespmem:$0x3C00] =	vst v63  }
0xd0: {  	s31 =	rddreg [dreg:$0x1c]  }
0xd1: {  	[hbm4b:s31+s2] =	stream.linear.scatter [tilespmem:s10], [sflag:$0x3], $0x1000, $0x38;
	[tilespmem:$0x3C00] =	vst v63  }
0xd2: {  	_ =	swait.ge [sflag:s5], $0x1000  }
0xd3: {  	[sflag:s5] =	ssyncset.done $0x0  }
0xd4: {  	[sflag:s5] =	ssyncadd.s32 $0xFFFFF000  }
0xd5: {  	_ =	swait.ge [sflag:s16], $0x1000  }
0xd6: {  	[sflag:s16] =	ssyncset.done $0x0  }
0xd7: {  	s29 =	rddreg [dreg:$0x1d];
	[sflag:s16] =	ssyncadd.s32 $0xFFFFF000  }
0xd8: {  	[tilespmem:s10], [sflag:$0x2] =	stream.indirect.gather [hbm4b:s3+s12], $0x80, s29, s12, $0xb8;
	[tilespmem:$0x3C00] =	vst v63  }
0xd9: {  	s31 =	rddreg [dreg:$0x1e]  }
0xda: {  	[hbm4b:s31+s2] =	stream.linear.scatter [tilespmem:s13], [sflag:$0x3], $0x1000, $0x38;
	[tilespmem:$0x3C00] =	vst v63  }
0xdb: {  	_ =	swait.ge [sflag:s5], $0x1000  }
0xdc: {  	[sflag:s5] =	ssyncset.done $0x0  }
0xdd: {  	[sflag:s5] =	ssyncadd.s32 $0xFFFFF000  }
0xde: {  	_ =	swait.ge [sflag:s11], $0x1000  }
0xdf: {  	s29 =	rddreg [dreg:$0x1f];
	[sflag:s11] =	ssyncset.done $0x0  }
0xe0: {  	s31 =	sld [smem:$0x7C6];
	[sflag:s11] =	ssyncadd.s32 $0xFFFFF000  }
0xe1: {  	[tilespmem:s13], [sflag:$0x1] =	stream.indirect.gather [hbm4b:s3+s12], $0x80, s29, s12, $0xb8;
	[tilespmem:$0x3C00] =	vst v63  }
0xe2: {  	_ = 	snop  }
0xe3: {  	[hbm4b:s31+s2] =	stream.linear.scatter [tilespmem:s10], [sflag:$0x3], $0x1000, $0x38;
	[tilespmem:$0x3C00] =	vst v63  }
0xe4: {  	_ =	swait.ge [sflag:s5], $0x1000  }
0xe5: {  	[sflag:s5] =	ssyncset.done $0x0  }
0xe6: {  	[sflag:s5] =	ssyncadd.s32 $0xFFFFF000  }
0xe7: {  	_ =	swait.ge [sflag:s16], $0x1000  }
0xe8: {  	s29 =	sld [smem:$0x7C7]  }
0xe9: {  	[sflag:s16] =	ssyncset.done $0x0  }
0xea: {  	s31 =	sld [smem:$0x7C8];
	[sflag:s16] =	ssyncadd.s32 $0xFFFFF000  }
0xeb: {  	[tilespmem:s10], [sflag:$0x2] =	stream.indirect.gather [hbm4b:s3+s12], $0x80, s29, s12, $0xb8;
	[tilespmem:$0x3C00] =	vst v63  }
0xec: {  	_ = 	snop  }
0xed: {  	[hbm4b:s31+s2] =	stream.linear.scatter [tilespmem:s13], [sflag:$0x3], $0x1000, $0x38;
	[tilespmem:$0x3C00] =	vst v63  }
0xee: {  	_ =	swait.ge [sflag:s5], $0x1000  }
0xef: {  	[sflag:s5] =	ssyncset.done $0x0  }
0xf0: {  	[sflag:s5] =	ssyncadd.s32 $0xFFFFF000  }
0xf1: {  	_ =	swait.ge [sflag:s11], $0x1000  }
0xf2: {  	s29 =	sld [smem:$0x7C9]  }
0xf3: {  	[sflag:s11] =	ssyncset.done $0x0  }
0xf4: {  	s31 =	sld [smem:$0x7CA];
	[sflag:s11] =	ssyncadd.s32 $0xFFFFF000  }
0xf5: {  	[tilespmem:s13], [sflag:$0x1] =	stream.indirect.gather [hbm4b:s3+s12], $0x80, s29, s12, $0xb8;
	[tilespmem:$0x3C00] =	vst v63  }
0xf6: {  	_ = 	snop  }
0xf7: {  	[hbm4b:s31+s2] =	stream.linear.scatter [tilespmem:s10], [sflag:$0x3], $0x1000, $0x38;
	[tilespmem:$0x3C00] =	vst v63  }
0xf8: {  	_ =	swait.ge [sflag:s5], $0x1000  }
0xf9: {  	[sflag:s5] =	ssyncset.done $0x0  }
0xfa: {  	[sflag:s5] =	ssyncadd.s32 $0xFFFFF000  }
0xfb: {  	_ =	swait.ge [sflag:s16], $0x1000  }
0xfc: {  	s29 =	sld [smem:$0x7CB]  }
0xfd: {  	[sflag:s16] =	ssyncset.done $0x0  }
0xfe: {  	s31 =	sld [smem:$0x7CC];
	[sflag:s16] =	ssyncadd.s32 $0xFFFFF000  }
0xff: {  	[tilespmem:s10], [sflag:$0x2] =	stream.indirect.gather [hbm4b:s3+s12], $0x80, s29, s12, $0xb8;
	[tilespmem:$0x3C00] =	vst v63  }
0x100: {  	_ = 	snop  }
0x101: {  	[hbm4b:s31+s2] =	stream.linear.scatter [tilespmem:s13], [sflag:$0x3], $0x1000, $0x38;
	[tilespmem:$0x3C00] =	vst v63  }
0x102: {  	_ =	swait.ge [sflag:s5], $0x1000  }
0x103: {  	[sflag:s5] =	ssyncset.done $0x0  }
0x104: {  	[sflag:s5] =	ssyncadd.s32 $0xFFFFF000  }
0x105: {  	_ =	swait.ge [sflag:s11], $0x1000  }
0x106: {  	s29 =	sld [smem:$0x7CD]  }
0x107: {  	[sflag:s11] =	ssyncset.done $0x0  }
0x108: {  	s31 =	sld [smem:$0x7CE];
	[sflag:s11] =	ssyncadd.s32 $0xFFFFF000  }
0x109: {  	[tilespmem:s13], [sflag:$0x1] =	stream.indirect.gather [hbm4b:s3+s12], $0x80, s29, s12, $0xb8;
	[tilespmem:$0x3C00] =	vst v63  }
0x10a: {  	_ = 	snop  }
0x10b: {  	[hbm4b:s31+s2] =	stream.linear.scatter [tilespmem:s10], [sflag:$0x3], $0x1000, $0x38;
	[tilespmem:$0x3C00] =	vst v63  }
0x10c: {  	_ =	swait.ge [sflag:s5], $0x1000  }
0x10d: {  	[sflag:s5] =	ssyncset.done $0x0  }
0x10e: {  	[sflag:s5] =	ssyncadd.s32 $0xFFFFF000  }
0x10f: {  	_ =	swait.ge [sflag:s16], $0x1000  }
0x110: {  	s29 =	sld [smem:$0x7CF]  }
0x111: {  	[sflag:s16] =	ssyncset.done $0x0  }
0x112: {  	s31 =	sld [smem:$0x7D0];
	[sflag:s16] =	ssyncadd.s32 $0xFFFFF000  }
0x113: {  	[tilespmem:s10], [sflag:$0x2] =	stream.indirect.gather [hbm4b:s3+s12], $0x80, s29, s12, $0xb8;
	[tilespmem:$0x3C00] =	vst v63  }
0x114: {  	_ = 	snop  }
0x115: {  	[hbm4b:s31+s2] =	stream.linear.scatter [tilespmem:s13], [sflag:$0x3], $0x1000, $0x38;
	[tilespmem:$0x3C00] =	vst v63  }
0x116: {  	_ =	swait.ge [sflag:s5], $0x1000  }
0x117: {  	[sflag:s5] =	ssyncset.done $0x0  }
0x118: {  	[sflag:s5] =	ssyncadd.s32 $0xFFFFF000  }
0x119: {  	_ =	swait.ge [sflag:s11], $0x1000  }
0x11a: {  	s29 =	sld [smem:$0x7D1]  }
0x11b: {  	[sflag:s11] =	ssyncset.done $0x0  }
0x11c: {  	s31 =	sld [smem:$0x7D2];
	[sflag:s11] =	ssyncadd.s32 $0xFFFFF000  }
0x11d: {  	[tilespmem:s13], [sflag:$0x1] =	stream.indirect.gather [hbm4b:s3+s12], $0x80, s29, s12, $0xb8;
	[tilespmem:$0x3C00] =	vst v63  }
0x11e: {  	_ = 	snop  }
0x11f: {  	[hbm4b:s31+s2] =	stream.linear.scatter [tilespmem:s10], [sflag:$0x3], $0x1000, $0x38;
	[tilespmem:$0x3C00] =	vst v63  }
0x120: {  	_ =	swait.ge [sflag:s5], $0x1000  }
0x121: {  	[sflag:s5] =	ssyncset.done $0x0  }
0x122: {  	[sflag:s5] =	ssyncadd.s32 $0xFFFFF000  }
0x123: {  	_ =	swait.ge [sflag:s16], $0x1000  }
0x124: {  	s29 =	sld [smem:$0x7D3]  }
0x125: {  	[sflag:s16] =	ssyncset.done $0x0  }
0x126: {  	s31 =	sld [smem:$0x7D4];
	[sflag:s16] =	ssyncadd.s32 $0xFFFFF000  }
0x127: {  	[tilespmem:s10], [sflag:$0x2] =	stream.indirect.gather [hbm4b:s3+s12], $0x80, s29, s12, $0xb8;
	[tilespmem:$0x3C00] =	vst v63  }
0x128: {  	_ = 	snop  }
0x129: {  	[hbm4b:s31+s2] =	stream.linear.scatter [tilespmem:s13], [sflag:$0x3], $0x1000, $0x38;
	[tilespmem:$0x3C00] =	vst v63  }
0x12a: {  	_ =	swait.ge [sflag:s5], $0x1000  }
0x12b: {  	[sflag:s5] =	ssyncset.done $0x0  }
0x12c: {  	[sflag:s5] =	ssyncadd.s32 $0xFFFFF000  }
0x12d: {  	_ =	swait.ge [sflag:s11], $0x1000  }
0x12e: {  	s29 =	sld [smem:$0x7D5]  }
0x12f: {  	[sflag:s11] =	ssyncset.done $0x0  }
0x130: {  	s31 =	sld [smem:$0x7D6];
	[sflag:s11] =	ssyncadd.s32 $0xFFFFF000  }
0x131: {  	[tilespmem:s13], [sflag:$0x1] =	stream.indirect.gather [hbm4b:s3+s12], $0x80, s29, s12, $0xb8;
	[tilespmem:$0x3C00] =	vst v63  }
0x132: {  	_ = 	snop  }
0x133: {  	[hbm4b:s31+s2] =	stream.linear.scatter [tilespmem:s10], [sflag:$0x3], $0x1000, $0x38;
	[tilespmem:$0x3C00] =	vst v63  }
0x134: {  	_ =	swait.ge [sflag:s5], $0x1000  }
0x135: {  	[sflag:s5] =	ssyncset.done $0x0  }
0x136: {  	[sflag:s5] =	ssyncadd.s32 $0xFFFFF000  }
0x137: {  	_ =	swait.ge [sflag:s16], $0x1000  }
0x138: {  	s29 =	sld [smem:$0x7D7]  }
0x139: {  	[sflag:s16] =	ssyncset.done $0x0  }
0x13a: {  	s31 =	sld [smem:$0x7D8];
	[sflag:s16] =	ssyncadd.s32 $0xFFFFF000  }
0x13b: {  	[tilespmem:s10], [sflag:$0x2] =	stream.indirect.gather [hbm4b:s3+s12], $0x80, s29, s12, $0xb8;
	[tilespmem:$0x3C00] =	vst v63  }
0x13c: {  	_ = 	snop  }
0x13d: {  	[hbm4b:s31+s2] =	stream.linear.scatter [tilespmem:s13], [sflag:$0x3], $0x1000, $0x38;
	[tilespmem:$0x3C00] =	vst v63  }
0x13e: {  	_ =	swait.ge [sflag:s5], $0x1000  }
0x13f: {  	[sflag:s5] =	ssyncset.done $0x0  }
0x140: {  	[sflag:s5] =	ssyncadd.s32 $0xFFFFF000  }
0x141: {  	_ =	swait.ge [sflag:s11], $0x1000  }
0x142: {  	s29 =	sld [smem:$0x7D9]  }
0x143: {  	[sflag:s11] =	ssyncset.done $0x0  }
0x144: {  	s31 =	sld [smem:$0x7DA];
	[sflag:s11] =	ssyncadd.s32 $0xFFFFF000  }
0x145: {  	[tilespmem:s13], [sflag:$0x1] =	stream.indirect.gather [hbm4b:s3+s12], $0x80, s29, s12, $0xb8;
	[tilespmem:$0x3C00] =	vst v63  }
0x146: {  	_ = 	snop  }
0x147: {  	[hbm4b:s31+s2] =	stream.linear.scatter [tilespmem:s10], [sflag:$0x3], $0x1000, $0x38;
	[tilespmem:$0x3C00] =	vst v63  }
0x148: {  	_ =	swait.ge [sflag:s5], $0x1000  }
0x149: {  	[sflag:s5] =	ssyncset.done $0x0  }
0x14a: {  	[sflag:s5] =	ssyncadd.s32 $0xFFFFF000  }
0x14b: {  	_ =	swait.ge [sflag:s16], $0x1000  }
0x14c: {  	s29 =	sld [smem:$0x7DB]  }
0x14d: {  	[sflag:s16] =	ssyncset.done $0x0  }
0x14e: {  	s31 =	sld [smem:$0x7DC];
	[sflag:s16] =	ssyncadd.s32 $0xFFFFF000  }
0x14f: {  	[tilespmem:s10], [sflag:$0x2] =	stream.indirect.gather [hbm4b:s3+s12], $0x80, s29, s12, $0xb8;
	[tilespmem:$0x3C00] =	vst v63  }
0x150: {  	_ = 	snop  }
0x151: {  	[hbm4b:s31+s2] =	stream.linear.scatter [tilespmem:s13], [sflag:$0x3], $0x1000, $0x38;
	[tilespmem:$0x3C00] =	vst v63  }
0x152: {  	_ =	swait.ge [sflag:s5], $0x1000  }
0x153: {  	[sflag:s5] =	ssyncset.done $0x0  }
0x154: {  	[sflag:s5] =	ssyncadd.s32 $0xFFFFF000  }
0x155: {  	_ =	swait.ge [sflag:s11], $0x1000  }
0x156: {  	s29 =	sld [smem:$0x7DD]  }
0x157: {  	[sflag:s11] =	ssyncset.done $0x0  }
0x158: {  	s31 =	sld [smem:$0x7DE];
	[sflag:s11] =	ssyncadd.s32 $0xFFFFF000  }
0x159: {  	[tilespmem:s13], [sflag:$0x1] =	stream.indirect.gather [hbm4b:s3+s12], $0x80, s29, s12, $0xb8;
	[tilespmem:$0x3C00] =	vst v63  }
0x15a: {  	_ = 	snop  }
0x15b: {  	[hbm4b:s31+s2] =	stream.linear.scatter [tilespmem:s10], [sflag:$0x3], $0x1000, $0x38;
	[tilespmem:$0x3C00] =	vst v63  }
0x15c: {  	_ =	swait.ge [sflag:s5], $0x1000  }
0x15d: {  	[sflag:s5] =	ssyncset.done $0x0  }
0x15e: {  	[sflag:s5] =	ssyncadd.s32 $0xFFFFF000  }
0x15f: {  	_ =	swait.ge [sflag:s16], $0x1000  }
0x160: {  	s29 =	sld [smem:$0x7DF]  }
0x161: {  	[sflag:s16] =	ssyncset.done $0x0  }
0x162: {  	s31 =	sld [smem:$0x7E0];
	[sflag:s16] =	ssyncadd.s32 $0xFFFFF000  }
0x163: {  	[tilespmem:s10], [sflag:$0x2] =	stream.indirect.gather [hbm4b:s3+s12], $0x80, s29, s12, $0xb8;
	[tilespmem:$0x3C00] =	vst v63  }
0x164: {  	_ = 	snop  }
0x165: {  	[hbm4b:s31+s2] =	stream.linear.scatter [tilespmem:s13], [sflag:$0x3], $0x1000, $0x38;
	[tilespmem:$0x3C00] =	vst v63  }
0x166: {  	_ =	swait.ge [sflag:s5], $0x1000  }
0x167: {  	[sflag:s5] =	ssyncset.done $0x0  }
0x168: {  	[sflag:s5] =	ssyncadd.s32 $0xFFFFF000  }
0x169: {  	_ =	swait.ge [sflag:s11], $0x1000  }
0x16a: {  	s29 =	sld [smem:$0x7E1]  }
0x16b: {  	[sflag:s11] =	ssyncset.done $0x0  }
0x16c: {  	s31 =	sld [smem:$0x7E2];
	[sflag:s11] =	ssyncadd.s32 $0xFFFFF000  }
0x16d: {  	[tilespmem:s13], [sflag:$0x1] =	stream.indirect.gather [hbm4b:s3+s12], $0x80, s29, s12, $0xb8;
	[tilespmem:$0x3C00] =	vst v63  }
0x16e: {  	_ = 	snop  }
0x16f: {  	[hbm4b:s31+s2] =	stream.linear.scatter [tilespmem:s10], [sflag:$0x3], $0x1000, $0x38;
	[tilespmem:$0x3C00] =	vst v63  }
0x170: {  	_ =	swait.ge [sflag:s5], $0x1000  }
0x171: {  	[sflag:s5] =	ssyncset.done $0x0  }
0x172: {  	[sflag:s5] =	ssyncadd.s32 $0xFFFFF000  }
0x173: {  	_ =	swait.ge [sflag:s16], $0x1000  }
0x174: {  	s29 =	sld [smem:$0x7E3]  }
0x175: {  	[sflag:s16] =	ssyncset.done $0x0  }
0x176: {  	s31 =	sld [smem:$0x7E4];
	[sflag:s16] =	ssyncadd.s32 $0xFFFFF000  }
0x177: {  	[tilespmem:s10], [sflag:$0x2] =	stream.indirect.gather [hbm4b:s3+s12], $0x80, s29, s12, $0xb8;
	[tilespmem:$0x3C00] =	vst v63  }
0x178: {  	_ = 	snop  }
0x179: {  	[hbm4b:s31+s2] =	stream.linear.scatter [tilespmem:s13], [sflag:$0x3], $0x1000, $0x38;
	[tilespmem:$0x3C00] =	vst v63  }
0x17a: {  	_ =	swait.ge [sflag:s5], $0x1000  }
0x17b: {  	[sflag:s5] =	ssyncset.done $0x0  }
0x17c: {  	[sflag:s5] =	ssyncadd.s32 $0xFFFFF000  }
0x17d: {  	_ =	swait.ge [sflag:s11], $0x1000  }
0x17e: {  	s29 =	sld [smem:$0x7E5]  }
0x17f: {  	[sflag:s11] =	ssyncset.done $0x0  }
0x180: {  	s31 =	sld [smem:$0x7E6];
	[sflag:s11] =	ssyncadd.s32 $0xFFFFF000  }
0x181: {  	[tilespmem:s13], [sflag:$0x1] =	stream.indirect.gather [hbm4b:s3+s12], $0x80, s29, s12, $0xb8;
	[tilespmem:$0x3C00] =	vst v63  }
0x182: {  	_ = 	snop  }
0x183: {  	[hbm4b:s31+s2] =	stream.linear.scatter [tilespmem:s10], [sflag:$0x3], $0x1000, $0x38;
	[tilespmem:$0x3C00] =	vst v63  }
0x184: {  	_ =	swait.ge [sflag:s5], $0x1000  }
0x185: {  	[sflag:s5] =	ssyncset.done $0x0  }
0x186: {  	[sflag:s5] =	ssyncadd.s32 $0xFFFFF000  }
0x187: {  	_ =	swait.ge [sflag:s16], $0x1000  }
0x188: {  	s29 =	sld [smem:$0x7E7]  }
0x189: {  	[sflag:s16] =	ssyncset.done $0x0  }
0x18a: {  	s31 =	sld [smem:$0x7E8];
	[sflag:s16] =	ssyncadd.s32 $0xFFFFF000  }
0x18b: {  	[tilespmem:s10], [sflag:$0x2] =	stream.indirect.gather [hbm4b:s3+s12], $0x80, s29, s12, $0xb8;
	[tilespmem:$0x3C00] =	vst v63  }
0x18c: {  	_ = 	snop  }
0x18d: {  	[hbm4b:s31+s2] =	stream.linear.scatter [tilespmem:s13], [sflag:$0x3], $0x1000, $0x38;
	[tilespmem:$0x3C00] =	vst v63  }
0x18e: {  	_ =	swait.ge [sflag:s5], $0x1000  }
0x18f: {  	[sflag:s5] =	ssyncset.done $0x0  }
0x190: {  	[sflag:s5] =	ssyncadd.s32 $0xFFFFF000  }
0x191: {  	_ =	swait.ge [sflag:s11], $0x1000  }
0x192: {  	s29 =	sld [smem:$0x7E9]  }
0x193: {  	[sflag:s11] =	ssyncset.done $0x0  }
0x194: {  	s31 =	sld [smem:$0x7EA];
	[sflag:s11] =	ssyncadd.s32 $0xFFFFF000  }
0x195: {  	[tilespmem:s13], [sflag:$0x1] =	stream.indirect.gather [hbm4b:s3+s12], $0x80, s29, s12, $0xb8;
	[tilespmem:$0x3C00] =	vst v63  }
0x196: {  	_ = 	snop  }
0x197: {  	[hbm4b:s31+s2] =	stream.linear.scatter [tilespmem:s10], [sflag:$0x3], $0x1000, $0x38;
	[tilespmem:$0x3C00] =	vst v63  }
0x198: {  	_ =	swait.ge [sflag:s5], $0x1000  }
0x199: {  	[sflag:s5] =	ssyncset.done $0x0  }
0x19a: {  	[sflag:s5] =	ssyncadd.s32 $0xFFFFF000  }
0x19b: {  	_ =	swait.ge [sflag:s16], $0x1000  }
0x19c: {  	s29 =	sld [smem:$0x7EB]  }
0x19d: {  	[sflag:s16] =	ssyncset.done $0x0  }
0x19e: {  	s31 =	sld [smem:$0x7EC];
	[sflag:s16] =	ssyncadd.s32 $0xFFFFF000  }
0x19f: {  	[tilespmem:s10], [sflag:$0x2] =	stream.indirect.gather [hbm4b:s3+s12], $0x80, s29, s12, $0xb8;
	[tilespmem:$0x3C00] =	vst v63  }
0x1a0: {  	_ = 	snop  }
0x1a1: {  	[hbm4b:s31+s2] =	stream.linear.scatter [tilespmem:s13], [sflag:$0x3], $0x1000, $0x38;
	[tilespmem:$0x3C00] =	vst v63  }
0x1a2: {  	_ =	swait.ge [sflag:s5], $0x1000  }
0x1a3: {  	[sflag:s5] =	ssyncset.done $0x0  }
0x1a4: {  	[sflag:s5] =	ssyncadd.s32 $0xFFFFF000  }
0x1a5: {  	_ =	swait.ge [sflag:s11], $0x1000  }
0x1a6: {  	s29 =	sld [smem:$0x7ED]  }
0x1a7: {  	[sflag:s11] =	ssyncset.done $0x0  }
0x1a8: {  	s31 =	sld [smem:$0x7EE];
	[sflag:s11] =	ssyncadd.s32 $0xFFFFF000  }
0x1a9: {  	[tilespmem:s13], [sflag:$0x1] =	stream.indirect.gather [hbm4b:s3+s12], $0x80, s29, s12, $0xb8;
	[tilespmem:$0x3C00] =	vst v63  }
0x1aa: {  	_ = 	snop  }
0x1ab: {  	[hbm4b:s31+s2] =	stream.linear.scatter [tilespmem:s10], [sflag:$0x3], $0x1000, $0x38;
	[tilespmem:$0x3C00] =	vst v63  }
0x1ac: {  	_ =	swait.ge [sflag:s5], $0x1000  }
0x1ad: {  	[sflag:s5] =	ssyncset.done $0x0  }
0x1ae: {  	[sflag:s5] =	ssyncadd.s32 $0xFFFFF000  }
0x1af: {  	_ =	swait.ge [sflag:s16], $0x1000  }
0x1b0: {  	s29 =	sld [smem:$0x7EF]  }
0x1b1: {  	[sflag:s16] =	ssyncset.done $0x0  }
0x1b2: {  	s31 =	sld [smem:$0x7F0];
	[sflag:s16] =	ssyncadd.s32 $0xFFFFF000  }
0x1b3: {  	[tilespmem:s10], [sflag:$0x2] =	stream.indirect.gather [hbm4b:s3+s12], $0x80, s29, s12, $0xb8;
	[tilespmem:$0x3C00] =	vst v63  }
0x1b4: {  	_ = 	snop  }
0x1b5: {  	[hbm4b:s31+s2] =	stream.linear.scatter [tilespmem:s13], [sflag:$0x3], $0x1000, $0x38;
	[tilespmem:$0x3C00] =	vst v63  }
0x1b6: {  	_ =	swait.ge [sflag:s5], $0x1000  }
0x1b7: {  	[sflag:s5] =	ssyncset.done $0x0  }
0x1b8: {  	[sflag:s5] =	ssyncadd.s32 $0xFFFFF000  }
0x1b9: {  	_ =	swait.ge [sflag:s11], $0x1000  }
0x1ba: {  	s29 =	sld [smem:$0x7F1]  }
0x1bb: {  	[sflag:s11] =	ssyncset.done $0x0  }
0x1bc: {  	s31 =	sld [smem:$0x7F2];
	[sflag:s11] =	ssyncadd.s32 $0xFFFFF000  }
0x1bd: {  	[tilespmem:s13], [sflag:$0x1] =	stream.indirect.gather [hbm4b:s3+s12], $0x80, s29, s12, $0xb8;
	[tilespmem:$0x3C00] =	vst v63  }
0x1be: {  	_ = 	snop  }
0x1bf: {  	[hbm4b:s31+s2] =	stream.linear.scatter [tilespmem:s10], [sflag:$0x3], $0x1000, $0x38;
	[tilespmem:$0x3C00] =	vst v63  }
0x1c0: {  	_ =	swait.ge [sflag:s5], $0x1000  }
0x1c1: {  	[sflag:s5] =	ssyncset.done $0x0  }
0x1c2: {  	[sflag:s5] =	ssyncadd.s32 $0xFFFFF000  }
0x1c3: {  	_ =	swait.ge [sflag:s16], $0x1000  }
0x1c4: {  	s29 =	sld [smem:$0x7F3]  }
0x1c5: {  	[sflag:s16] =	ssyncset.done $0x0  }
0x1c6: {  	s31 =	sld [smem:$0x7F4];
	[sflag:s16] =	ssyncadd.s32 $0xFFFFF000  }
0x1c7: {  	[tilespmem:s10], [sflag:$0x2] =	stream.indirect.gather [hbm4b:s3+s12], $0x80, s29, s12, $0xb8;
	[tilespmem:$0x3C00] =	vst v63  }
0x1c8: {  	_ = 	snop  }
0x1c9: {  	[hbm4b:s31+s2] =	stream.linear.scatter [tilespmem:s13], [sflag:$0x3], $0x1000, $0x38;
	[tilespmem:$0x3C00] =	vst v63  }
0x1ca: {  	_ =	swait.ge [sflag:s5], $0x1000  }
0x1cb: {  	[sflag:s5] =	ssyncset.done $0x0  }
0x1cc: {  	[sflag:s5] =	ssyncadd.s32 $0xFFFFF000  }
0x1cd: {  	_ =	swait.ge [sflag:s11], $0x1000  }
0x1ce: {  	s29 =	sld [smem:$0x7F5]  }
0x1cf: {  	[sflag:s11] =	ssyncset.done $0x0  }
0x1d0: {  	s31 =	sld [smem:$0x7F6];
	[sflag:s11] =	ssyncadd.s32 $0xFFFFF000  }
0x1d1: {  	[tilespmem:s13], [sflag:$0x1] =	stream.indirect.gather [hbm4b:s3+s12], $0x80, s29, s12, $0xb8;
	[tilespmem:$0x3C00] =	vst v63  }
0x1d2: {  	_ = 	snop  }
0x1d3: {  	[hbm4b:s31+s2] =	stream.linear.scatter [tilespmem:s10], [sflag:$0x3], $0x1000, $0x38;
	[tilespmem:$0x3C00] =	vst v63  }
0x1d4: {  	_ =	swait.ge [sflag:s5], $0x1000  }
0x1d5: {  	[sflag:s5] =	ssyncset.done $0x0  }
0x1d6: {  	[sflag:s5] =	ssyncadd.s32 $0xFFFFF000  }
0x1d7: {  	_ =	swait.ge [sflag:s16], $0x1000  }
0x1d8: {  	s29 =	sld [smem:$0x7F7]  }
0x1d9: {  	[sflag:s16] =	ssyncset.done $0x0  }
0x1da: {  	s31 =	sld [smem:$0x7F8];
	[sflag:s16] =	ssyncadd.s32 $0xFFFFF000  }
0x1db: {  	[tilespmem:s10], [sflag:$0x2] =	stream.indirect.gather [hbm4b:s3+s12], $0x80, s29, s12, $0xb8;
	[tilespmem:$0x3C00] =	vst v63  }
0x1dc: {  	_ = 	snop  }
0x1dd: {  	[hbm4b:s31+s2] =	stream.linear.scatter [tilespmem:s13], [sflag:$0x3], $0x1000, $0x38;
	[tilespmem:$0x3C00] =	vst v63  }
0x1de: {  	_ =	swait.ge [sflag:s5], $0x1000  }
0x1df: {  	[sflag:s5] =	ssyncset.done $0x0  }
0x1e0: {  	[sflag:s5] =	ssyncadd.s32 $0xFFFFF000  }
0x1e1: {  	_ =	swait.ge [sflag:s11], $0x1000  }
0x1e2: {  	s29 =	sld [smem:$0x7F9]  }
0x1e3: {  	[sflag:s11] =	ssyncset.done $0x0  }
0x1e4: {  	s31 =	sld [smem:$0x7FA];
	[sflag:s11] =	ssyncadd.s32 $0xFFFFF000  }
0x1e5: {  	[tilespmem:s13], [sflag:$0x1] =	stream.indirect.gather [hbm4b:s3+s12], $0x80, s29, s12, $0xb8;
	[tilespmem:$0x3C00] =	vst v63  }
0x1e6: {  	_ = 	snop  }
0x1e7: {  	[hbm4b:s31+s2] =	stream.linear.scatter [tilespmem:s10], [sflag:$0x3], $0x1000, $0x38;
	[tilespmem:$0x3C00] =	vst v63  }
0x1e8: {  	_ =	swait.ge [sflag:s5], $0x1000  }
0x1e9: {  	[sflag:s5] =	ssyncset.done $0x0  }
0x1ea: {  	[sflag:s5] =	ssyncadd.s32 $0xFFFFF000  }
0x1eb: {  	_ =	swait.ge [sflag:s16], $0x1000  }
0x1ec: {  	s1 =	sld [smem:$0x7FB]  }
0x1ed: {  	[sflag:s16] =	ssyncset.done $0x0  }
0x1ee: {  	s29 =	sld [smem:$0x7FC];
	[sflag:s16] =	ssyncadd.s32 $0xFFFFF000  }
0x1ef: {  	[tilespmem:s10], [sflag:$0x2] =	stream.indirect.gather [hbm4b:s3+s12], $0x80, s1, s12, $0xb8;
	[tilespmem:$0x3C00] =	vst v63  }
0x1f0: {  	_ = 	snop  }
0x1f1: {  	[hbm4b:s29+s2] =	stream.linear.scatter [tilespmem:s13], [sflag:$0x3], $0x1000, $0x38;
	[tilespmem:$0x3C00] =	vst v63  }
0x1f2: {  	_ =	swait.ge [sflag:s5], $0x1000  }
0x1f3: {  	[sflag:s5] =	ssyncset.done $0x0  }
0x1f4: {  	[sflag:s5] =	ssyncadd.s32 $0xFFFFF000  }
0x1f5: {  	_ =	swait.ge [sflag:s11], $0x1000  }
0x1f6: {  	s31 =	sld [smem:$0x7FD]  }
0x1f7: {  	[sflag:s11] =	ssyncset.done $0x0  }
0x1f8: {  	[sflag:s11] =	ssyncadd.s32 $0xFFFFF000  }
0x1f9: {  	[tilespmem:s13], [sflag:$0x1] =	stream.indirect.gather [hbm4b:s3+s12], $0x80, s31, s12, $0xb8;
	[tilespmem:$0x3C00] =	vst v63  }
0x1fa: {  	_ = 	snop  }
0x1fb: {  	[hbm4b:s25+s2] =	stream.linear.scatter [tilespmem:s10], [sflag:$0x3], $0x1000, $0x38;
	[tilespmem:$0x3C00] =	vst v63  }
0x1fc: {  	_ =	swait.ge [sflag:s5], $0x1000  }
0x1fd: {  	[sflag:s5] =	ssyncset.done $0x0  }
0x1fe: {  	[sflag:s5] =	ssyncadd.s32 $0xFFFFF000  }
0x1ff: {  	_ =	swait.ge [sflag:s16], $0x1000  }
0x200: {  	[sflag:s16] =	ssyncset.done $0x0  }
0x201: {  	[sflag:s16] =	ssyncadd.s32 $0xFFFFF000  }
0x202: {  	[tilespmem:s10], [sflag:$0x2] =	stream.indirect.gather [hbm4b:s3+s12], $0x80, s23, s12, $0xb8;
	[tilespmem:$0x3C00] =	vst v63  }
0x203: {  	_ = 	snop  }
0x204: {  	[hbm4b:s24+s2] =	stream.linear.scatter [tilespmem:s13], [sflag:$0x3], $0x1000, $0x38;
	[tilespmem:$0x3C00] =	vst v63  }
0x205: {  	_ =	swait.ge [sflag:s5], $0x1000  }
0x206: {  	[sflag:s5] =	ssyncset.done $0x0  }
0x207: {  	[sflag:s5] =	ssyncadd.s32 $0xFFFFF000  }
0x208: {  	_ =	swait.ge [sflag:s11], $0x1000  }
0x209: {  	[sflag:s11] =	ssyncset.done $0x0  }
0x20a: {  	[sflag:s11] =	ssyncadd.s32 $0xFFFFF000  }
0x20b: {  	[tilespmem:s13], [sflag:$0x1] =	stream.indirect.gather [hbm4b:s3+s12], $0x80, s21, s12, $0xb8;
	[tilespmem:$0x3C00] =	vst v63  }
0x20c: {  	_ = 	snop  }
0x20d: {  	[hbm4b:s22+s2] =	stream.linear.scatter [tilespmem:s10], [sflag:$0x3], $0x1000, $0x38;
	[tilespmem:$0x3C00] =	vst v63  }
0x20e: {  	_ =	swait.ge [sflag:s5], $0x1000  }
0x20f: {  	[sflag:s5] =	ssyncset.done $0x0  }
0x210: {  	[sflag:s5] =	ssyncadd.s32 $0xFFFFF000  }
0x211: {  	_ =	swait.ge [sflag:s16], $0x1000  }
0x212: {  	[sflag:s16] =	ssyncset.done $0x0  }
0x213: {  	[sflag:s16] =	ssyncadd.s32 $0xFFFFF000  }
0x214: {  	[tilespmem:s10], [sflag:$0x2] =	stream.indirect.gather [hbm4b:s3+s12], $0x80, s19, s12, $0xb8;
	[tilespmem:$0x3C00] =	vst v63  }
0x215: {  	_ = 	snop  }
0x216: {  	[hbm4b:s20+s2] =	stream.linear.scatter [tilespmem:s13], [sflag:$0x3], $0x1000, $0x38;
	[tilespmem:$0x3C00] =	vst v63  }
0x217: {  	_ =	swait.ge [sflag:s5], $0x1000  }
0x218: {  	[sflag:s5] =	ssyncset.done $0x0  }
0x219: {  	[sflag:s5] =	ssyncadd.s32 $0xFFFFF000  }
0x21a: {  	_ =	swait.ge [sflag:s11], $0x1000  }
0x21b: {  	[sflag:s11] =	ssyncset.done $0x0  }
0x21c: {  	[sflag:s11] =	ssyncadd.s32 $0xFFFFF000  }
0x21d: {  	[tilespmem:s13], [sflag:$0x1] =	stream.indirect.gather [hbm4b:s3+s12], $0x80, s17, s12, $0xb8;
	[tilespmem:$0x3C00] =	vst v63  }
0x21e: {  	_ = 	snop  }
0x21f: {  	[hbm4b:s18+s2] =	stream.linear.scatter [tilespmem:s10], [sflag:$0x3], $0x1000, $0x38;
	[tilespmem:$0x3C00] =	vst v63  }
0x220: {  	_ =	swait.ge [sflag:s5], $0x1000  }
0x221: {  	[sflag:s5] =	ssyncset.done $0x0  }
0x222: {  	[sflag:s5] =	ssyncadd.s32 $0xFFFFF000  }
0x223: {  	_ =	swait.ge [sflag:s16], $0x1000  }
0x224: {  	[sflag:s16] =	ssyncset.done $0x0  }
0x225: {  	[sflag:s16] =	ssyncadd.s32 $0xFFFFF000  }
0x226: {  	[tilespmem:s10], [sflag:$0x2] =	stream.indirect.gather [hbm4b:s3+s12], $0x80, s14, s12, $0xb8;
	[tilespmem:$0x3C00] =	vst v63  }
0x227: {  	_ = 	snop  }
0x228: {  	[hbm4b:s15+s2] =	stream.linear.scatter [tilespmem:s13], [sflag:$0x3], $0x1000, $0x38;
	[tilespmem:$0x3C00] =	vst v63  }
0x229: {  	_ =	swait.ge [sflag:s5], $0x1000  }
0x22a: {  	[sflag:s5] =	ssyncset.done $0x0  }
0x22b: {  	[sflag:s5] =	ssyncadd.s32 $0xFFFFF000  }
0x22c: {  	_ =	swait.ge [sflag:s11], $0x1000  }
0x22d: {  	[sflag:s11] =	ssyncset.done $0x0  }
0x22e: {  	[sflag:s11] =	ssyncadd.s32 $0xFFFFF000  }
0x22f: {  	[tilespmem:s13], [sflag:$0x1] =	stream.indirect.gather [hbm4b:s3+s12], $0x80, s8, s12, $0xb8;
	[tilespmem:$0x3C00] =	vst v63  }
0x230: {  	_ = 	snop  }
0x231: {  	[hbm4b:s9+s2] =	stream.linear.scatter [tilespmem:s10], [sflag:$0x3], $0x1000, $0x38;
	[tilespmem:$0x3C00] =	vst v63  }
0x232: {  	_ =	swait.ge [sflag:s5], $0x1000  }
0x233: {  	[sflag:s5] =	ssyncset.done $0x0  }
0x234: {  	[sflag:s5] =	ssyncadd.s32 $0xFFFFF000  }
0x235: {  	_ =	swait.ge [sflag:s16], $0x1000  }
0x236: {  	[sflag:s16] =	ssyncset.done $0x0  }
0x237: {  	[sflag:s16] =	ssyncadd.s32 $0xFFFFF000  }
0x238: {  	[tilespmem:s10], [sflag:$0x2] =	stream.indirect.gather [hbm4b:s3+s12], $0x80, s6, s12, $0xb8;
	[tilespmem:$0x3C00] =	vst v63  }
0x239: {  	_ = 	snop  }
0x23a: {  	[hbm4b:s7+s2] =	stream.linear.scatter [tilespmem:s13], [sflag:$0x3], $0x1000, $0x38;
	[tilespmem:$0x3C00] =	vst v63  }
0x23b: {  	_ =	swait.ge [sflag:s5], $0x1000  }
0x23c: {  	[sflag:s5] =	ssyncset.done $0x0  }
0x23d: {  	[sflag:s5] =	ssyncadd.s32 $0xFFFFF000  }
0x23e: {  	p1 =	sne.s32 s30, $0x1;
	_ =	swait.ge [sflag:s11], $0x1000  }
.Ltmp1:
0x23f: {  	[sflag:s11] =	ssyncset.done $0x0;
	(pc) =	sbr.rel @!p1 .LBB2_7-.Ltmp1, $4  }
0x240: {  	[sflag:s11] =	ssyncadd.s32 $0xFFFFF000  }
0x241: {  	[hbm4b:s4+s2] =	stream.linear.scatter [tilespmem:s10], [sflag:$0x3], $0x1000, $0x38;
	[tilespmem:$0x3C00] =	vst v63  }
0x242: {  	p0 =	por $0x1, $0x1;
	_ =	swait.ge [sflag:s5], $0x1000  }
0x243: {  	s0 =	sadd.s32 $0xFFFFFFFF, s30;
	s1 =	rddreg [dreg:$0x4];
	[sflag:s5] =	ssyncset.done $0x0  }
0x244: {  	s31 =	simm.s32 $0x400;
	s30 =	simm.s32 $0x2000  }
.LBB2_4:
0x245: {  	[sflag:s5] =	ssyncadd.s32 $0xFFFFF000  }
0x246: {  	[tilespmem:s2], [sflag:$0x3] =	stream.strided.gather [hbm4b:s1+s31], $0x1800, s30, s31, $0x38;
	[tilespmem:$0x3C00] =	vst v63  }
0x247: {  	s29 =	rddreg [dreg:$0x5];
	s1 =	simm.s32 $0x1800  }
0x248: {  	[tilespmem:s1], [sflag:$0x3] =	stream.linear.gather [hbm4b:s29+s2], $0x100, $0x38;
	[tilespmem:$0x3C00] =	vst v63  }
0x249: {  	_ =	swait.ge [sflag:s5], $0x1900  }
0x24a: {  	[sflag:s5] =	ssyncset.done $0x0  }
0x24b: {  	[sflag:s5] =	ssyncadd.s32 $0xFFFFE700  }
0x24c: {  	[tilespmem:s13], [sflag:$0x1] =	stream.indirect.gather [hbm4b:s3+s12], $0x80, s28, s12, $0xb8;
	[tilespmem:$0x3C00] =	vst v63  }
0x24d: {  	_ =	swait.ge [sflag:s16], $0x1000  }
0x24e: {  	[sflag:s16] =	ssyncset.done $0x0  }
0x24f: {  	s29 =	rddreg [dreg:$0x6];
	[sflag:s16] =	ssyncadd.s32 $0xFFFFF000  }
0x250: {  	[tilespmem:s10], [sflag:$0x2] =	stream.indirect.gather [hbm4b:s3+s12], $0x80, s29, s12, $0xb8;
	[tilespmem:$0x3C00] =	vst v63  }
0x251: {  	_ = 	snop  }
0x252: {  	[hbm4b:s26+s2] =	stream.linear.scatter [tilespmem:s13], [sflag:$0x3], $0x1000, $0x38;
	[tilespmem:$0x3C00] =	vst v63  }
0x253: {  	_ =	swait.ge [sflag:s5], $0x1000  }
0x254: {  	[sflag:s5] =	ssyncset.done $0x0  }
0x255: {  	[sflag:s5] =	ssyncadd.s32 $0xFFFFF000  }
0x256: {  	_ =	swait.ge [sflag:s11], $0x1000  }
0x257: {  	[sflag:s11] =	ssyncset.done $0x0  }
0x258: {  	s1 =	rddreg [dreg:$0x7];
	[sflag:s11] =	ssyncadd.s32 $0xFFFFF000  }
0x259: {  	[tilespmem:s13], [sflag:$0x1] =	stream.indirect.gather [hbm4b:s3+s12], $0x80, s1, s12, $0xb8;
	[tilespmem:$0x3C00] =	vst v63  }
0x25a: {  	s29 =	rddreg [dreg:$0x8]  }
0x25b: {  	[hbm4b:s29+s2] =	stream.linear.scatter [tilespmem:s10], [sflag:$0x3], $0x1000, $0x38;
	[tilespmem:$0x3C00] =	vst v63  }
0x25c: {  	_ =	swait.ge [sflag:s5], $0x1000  }
0x25d: {  	[sflag:s5] =	ssyncset.done $0x0  }
0x25e: {  	[sflag:s5] =	ssyncadd.s32 $0xFFFFF000  }
0x25f: {  	_ =	swait.ge [sflag:s16], $0x1000  }
0x260: {  	[sflag:s16] =	ssyncset.done $0x0  }
0x261: {  	s1 =	rddreg [dreg:$0x9];
	[sflag:s16] =	ssyncadd.s32 $0xFFFFF000  }
0x262: {  	[tilespmem:s10], [sflag:$0x2] =	stream.indirect.gather [hbm4b:s3+s12], $0x80, s1, s12, $0xb8;
	[tilespmem:$0x3C00] =	vst v63  }
0x263: {  	s29 =	rddreg [dreg:$0xa]  }
0x264: {  	[hbm4b:s29+s2] =	stream.linear.scatter [tilespmem:s13], [sflag:$0x3], $0x1000, $0x38;
	[tilespmem:$0x3C00] =	vst v63  }
0x265: {  	_ =	swait.ge [sflag:s5], $0x1000  }
0x266: {  	[sflag:s5] =	ssyncset.done $0x0  }
0x267: {  	[sflag:s5] =	ssyncadd.s32 $0xFFFFF000  }
0x268: {  	_ =	swait.ge [sflag:s11], $0x1000  }
0x269: {  	[sflag:s11] =	ssyncset.done $0x0  }
0x26a: {  	s1 =	rddreg [dreg:$0xb];
	[sflag:s11] =	ssyncadd.s32 $0xFFFFF000  }
0x26b: {  	[tilespmem:s13], [sflag:$0x1] =	stream.indirect.gather [hbm4b:s3+s12], $0x80, s1, s12, $0xb8;
	[tilespmem:$0x3C00] =	vst v63  }
0x26c: {  	s29 =	rddreg [dreg:$0xc]  }
0x26d: {  	[hbm4b:s29+s2] =	stream.linear.scatter [tilespmem:s10], [sflag:$0x3], $0x1000, $0x38;
	[tilespmem:$0x3C00] =	vst v63  }
0x26e: {  	_ =	swait.ge [sflag:s5], $0x1000  }
0x26f: {  	[sflag:s5] =	ssyncset.done $0x0  }
0x270: {  	[sflag:s5] =	ssyncadd.s32 $0xFFFFF000  }
0x271: {  	_ =	swait.ge [sflag:s16], $0x1000  }
0x272: {  	[sflag:s16] =	ssyncset.done $0x0  }
0x273: {  	s1 =	rddreg [dreg:$0xd];
	[sflag:s16] =	ssyncadd.s32 $0xFFFFF000  }
0x274: {  	[tilespmem:s10], [sflag:$0x2] =	stream.indirect.gather [hbm4b:s3+s12], $0x80, s1, s12, $0xb8;
	[tilespmem:$0x3C00] =	vst v63  }
0x275: {  	s29 =	rddreg [dreg:$0xe]  }
0x276: {  	[hbm4b:s29+s2] =	stream.linear.scatter [tilespmem:s13], [sflag:$0x3], $0x1000, $0x38;
	[tilespmem:$0x3C00] =	vst v63  }
0x277: {  	_ =	swait.ge [sflag:s5], $0x1000  }
0x278: {  	[sflag:s5] =	ssyncset.done $0x0  }
0x279: {  	[sflag:s5] =	ssyncadd.s32 $0xFFFFF000  }
0x27a: {  	_ =	swait.ge [sflag:s11], $0x1000  }
0x27b: {  	[sflag:s11] =	ssyncset.done $0x0  }
0x27c: {  	s1 =	rddreg [dreg:$0xf];
	[sflag:s11] =	ssyncadd.s32 $0xFFFFF000  }
0x27d: {  	[tilespmem:s13], [sflag:$0x1] =	stream.indirect.gather [hbm4b:s3+s12], $0x80, s1, s12, $0xb8;
	[tilespmem:$0x3C00] =	vst v63  }
0x27e: {  	s29 =	rddreg [dreg:$0x10]  }
0x27f: {  	[hbm4b:s29+s2] =	stream.linear.scatter [tilespmem:s10], [sflag:$0x3], $0x1000, $0x38;
	[tilespmem:$0x3C00] =	vst v63  }
0x280: {  	_ =	swait.ge [sflag:s5], $0x1000  }
0x281: {  	[sflag:s5] =	ssyncset.done $0x0  }
0x282: {  	[sflag:s5] =	ssyncadd.s32 $0xFFFFF000  }
0x283: {  	_ =	swait.ge [sflag:s16], $0x1000  }
0x284: {  	[sflag:s16] =	ssyncset.done $0x0  }
0x285: {  	s1 =	rddreg [dreg:$0x11];
	[sflag:s16] =	ssyncadd.s32 $0xFFFFF000  }
0x286: {  	[tilespmem:s10], [sflag:$0x2] =	stream.indirect.gather [hbm4b:s3+s12], $0x80, s1, s12, $0xb8;
	[tilespmem:$0x3C00] =	vst v63  }
0x287: {  	s29 =	rddreg [dreg:$0x12]  }
0x288: {  	[hbm4b:s29+s2] =	stream.linear.scatter [tilespmem:s13], [sflag:$0x3], $0x1000, $0x38;
	[tilespmem:$0x3C00] =	vst v63  }
0x289: {  	_ =	swait.ge [sflag:s5], $0x1000  }
0x28a: {  	[sflag:s5] =	ssyncset.done $0x0  }
0x28b: {  	[sflag:s5] =	ssyncadd.s32 $0xFFFFF000  }
0x28c: {  	_ =	swait.ge [sflag:s11], $0x1000  }
0x28d: {  	[sflag:s11] =	ssyncset.done $0x0  }
0x28e: {  	s1 =	rddreg [dreg:$0x13];
	[sflag:s11] =	ssyncadd.s32 $0xFFFFF000  }
0x28f: {  	[tilespmem:s13], [sflag:$0x1] =	stream.indirect.gather [hbm4b:s3+s12], $0x80, s1, s12, $0xb8;
	[tilespmem:$0x3C00] =	vst v63  }
0x290: {  	s29 =	rddreg [dreg:$0x14]  }
0x291: {  	[hbm4b:s29+s2] =	stream.linear.scatter [tilespmem:s10], [sflag:$0x3], $0x1000, $0x38;
	[tilespmem:$0x3C00] =	vst v63  }
0x292: {  	_ =	swait.ge [sflag:s5], $0x1000  }
0x293: {  	[sflag:s5] =	ssyncset.done $0x0  }
0x294: {  	[sflag:s5] =	ssyncadd.s32 $0xFFFFF000  }
0x295: {  	_ =	swait.ge [sflag:s16], $0x1000  }
0x296: {  	[sflag:s16] =	ssyncset.done $0x0  }
0x297: {  	s1 =	rddreg [dreg:$0x15];
	[sflag:s16] =	ssyncadd.s32 $0xFFFFF000  }
0x298: {  	[tilespmem:s10], [sflag:$0x2] =	stream.indirect.gather [hbm4b:s3+s12], $0x80, s1, s12, $0xb8;
	[tilespmem:$0x3C00] =	vst v63  }
0x299: {  	s29 =	rddreg [dreg:$0x16]  }
0x29a: {  	[hbm4b:s29+s2] =	stream.linear.scatter [tilespmem:s13], [sflag:$0x3], $0x1000, $0x38;
	[tilespmem:$0x3C00] =	vst v63  }
0x29b: {  	_ =	swait.ge [sflag:s5], $0x1000  }
0x29c: {  	[sflag:s5] =	ssyncset.done $0x0  }
0x29d: {  	[sflag:s5] =	ssyncadd.s32 $0xFFFFF000  }
0x29e: {  	_ =	swait.ge [sflag:s11], $0x1000  }
0x29f: {  	[sflag:s11] =	ssyncset.done $0x0  }
0x2a0: {  	s1 =	rddreg [dreg:$0x17];
	[sflag:s11] =	ssyncadd.s32 $0xFFFFF000  }
0x2a1: {  	[tilespmem:s13], [sflag:$0x1] =	stream.indirect.gather [hbm4b:s3+s12], $0x80, s1, s12, $0xb8;
	[tilespmem:$0x3C00] =	vst v63  }
0x2a2: {  	s29 =	rddreg [dreg:$0x18]  }
0x2a3: {  	[hbm4b:s29+s2] =	stream.linear.scatter [tilespmem:s10], [sflag:$0x3], $0x1000, $0x38;
	[tilespmem:$0x3C00] =	vst v63  }
0x2a4: {  	_ =	swait.ge [sflag:s5], $0x1000  }
0x2a5: {  	[sflag:s5] =	ssyncset.done $0x0  }
0x2a6: {  	[sflag:s5] =	ssyncadd.s32 $0xFFFFF000  }
0x2a7: {  	_ =	swait.ge [sflag:s16], $0x1000  }
0x2a8: {  	[sflag:s16] =	ssyncset.done $0x0  }
0x2a9: {  	s1 =	rddreg [dreg:$0x19];
	[sflag:s16] =	ssyncadd.s32 $0xFFFFF000  }
0x2aa: {  	[tilespmem:s10], [sflag:$0x2] =	stream.indirect.gather [hbm4b:s3+s12], $0x80, s1, s12, $0xb8;
	[tilespmem:$0x3C00] =	vst v63  }
0x2ab: {  	s29 =	rddreg [dreg:$0x1a]  }
0x2ac: {  	[hbm4b:s29+s2] =	stream.linear.scatter [tilespmem:s13], [sflag:$0x3], $0x1000, $0x38;
	[tilespmem:$0x3C00] =	vst v63  }
0x2ad: {  	_ =	swait.ge [sflag:s5], $0x1000  }
0x2ae: {  	[sflag:s5] =	ssyncset.done $0x0  }
0x2af: {  	[sflag:s5] =	ssyncadd.s32 $0xFFFFF000  }
0x2b0: {  	_ =	swait.ge [sflag:s11], $0x1000  }
0x2b1: {  	[sflag:s11] =	ssyncset.done $0x0  }
0x2b2: {  	s1 =	rddreg [dreg:$0x1b];
	[sflag:s11] =	ssyncadd.s32 $0xFFFFF000  }
0x2b3: {  	[tilespmem:s13], [sflag:$0x1] =	stream.indirect.gather [hbm4b:s3+s12], $0x80, s1, s12, $0xb8;
	[tilespmem:$0x3C00] =	vst v63  }
0x2b4: {  	s29 =	rddreg [dreg:$0x1c]  }
0x2b5: {  	[hbm4b:s29+s2] =	stream.linear.scatter [tilespmem:s10], [sflag:$0x3], $0x1000, $0x38;
	[tilespmem:$0x3C00] =	vst v63  }
0x2b6: {  	_ =	swait.ge [sflag:s5], $0x1000  }
0x2b7: {  	[sflag:s5] =	ssyncset.done $0x0  }
0x2b8: {  	[sflag:s5] =	ssyncadd.s32 $0xFFFFF000  }
0x2b9: {  	_ =	swait.ge [sflag:s16], $0x1000  }
0x2ba: {  	[sflag:s16] =	ssyncset.done $0x0  }
0x2bb: {  	s1 =	rddreg [dreg:$0x1d];
	[sflag:s16] =	ssyncadd.s32 $0xFFFFF000  }
0x2bc: {  	[tilespmem:s10], [sflag:$0x2] =	stream.indirect.gather [hbm4b:s3+s12], $0x80, s1, s12, $0xb8;
	[tilespmem:$0x3C00] =	vst v63  }
0x2bd: {  	s29 =	rddreg [dreg:$0x1e]  }
0x2be: {  	[hbm4b:s29+s2] =	stream.linear.scatter [tilespmem:s13], [sflag:$0x3], $0x1000, $0x38;
	[tilespmem:$0x3C00] =	vst v63  }
0x2bf: {  	_ =	swait.ge [sflag:s5], $0x1000  }
0x2c0: {  	[sflag:s5] =	ssyncset.done $0x0  }
0x2c1: {  	[sflag:s5] =	ssyncadd.s32 $0xFFFFF000  }
0x2c2: {  	_ =	swait.ge [sflag:s11], $0x1000  }
0x2c3: {  	s1 =	rddreg [dreg:$0x1f];
	[sflag:s11] =	ssyncset.done $0x0  }
0x2c4: {  	s29 =	sld [smem:$0x7C6];
	[sflag:s11] =	ssyncadd.s32 $0xFFFFF000  }
0x2c5: {  	[tilespmem:s13], [sflag:$0x1] =	stream.indirect.gather [hbm4b:s3+s12], $0x80, s1, s12, $0xb8;
	[tilespmem:$0x3C00] =	vst v63  }
0x2c6: {  	_ = 	snop  }
0x2c7: {  	[hbm4b:s29+s2] =	stream.linear.scatter [tilespmem:s10], [sflag:$0x3], $0x1000, $0x38;
	[tilespmem:$0x3C00] =	vst v63  }
0x2c8: {  	_ =	swait.ge [sflag:s5], $0x1000  }
0x2c9: {  	[sflag:s5] =	ssyncset.done $0x0  }
0x2ca: {  	[sflag:s5] =	ssyncadd.s32 $0xFFFFF000  }
0x2cb: {  	_ =	swait.ge [sflag:s16], $0x1000  }
0x2cc: {  	s1 =	sld [smem:$0x7C7]  }
0x2cd: {  	[sflag:s16] =	ssyncset.done $0x0  }
0x2ce: {  	s29 =	sld [smem:$0x7C8];
	[sflag:s16] =	ssyncadd.s32 $0xFFFFF000  }
0x2cf: {  	[tilespmem:s10], [sflag:$0x2] =	stream.indirect.gather [hbm4b:s3+s12], $0x80, s1, s12, $0xb8;
	[tilespmem:$0x3C00] =	vst v63  }
0x2d0: {  	_ = 	snop  }
0x2d1: {  	[hbm4b:s29+s2] =	stream.linear.scatter [tilespmem:s13], [sflag:$0x3], $0x1000, $0x38;
	[tilespmem:$0x3C00] =	vst v63  }
0x2d2: {  	_ =	swait.ge [sflag:s5], $0x1000  }
0x2d3: {  	[sflag:s5] =	ssyncset.done $0x0  }
0x2d4: {  	[sflag:s5] =	ssyncadd.s32 $0xFFFFF000  }
0x2d5: {  	_ =	swait.ge [sflag:s11], $0x1000  }
0x2d6: {  	s1 =	sld [smem:$0x7C9]  }
0x2d7: {  	[sflag:s11] =	ssyncset.done $0x0  }
0x2d8: {  	s29 =	sld [smem:$0x7CA];
	[sflag:s11] =	ssyncadd.s32 $0xFFFFF000  }
0x2d9: {  	[tilespmem:s13], [sflag:$0x1] =	stream.indirect.gather [hbm4b:s3+s12], $0x80, s1, s12, $0xb8;
	[tilespmem:$0x3C00] =	vst v63  }
0x2da: {  	_ = 	snop  }
0x2db: {  	[hbm4b:s29+s2] =	stream.linear.scatter [tilespmem:s10], [sflag:$0x3], $0x1000, $0x38;
	[tilespmem:$0x3C00] =	vst v63  }
0x2dc: {  	_ =	swait.ge [sflag:s5], $0x1000  }
0x2dd: {  	[sflag:s5] =	ssyncset.done $0x0  }
0x2de: {  	[sflag:s5] =	ssyncadd.s32 $0xFFFFF000  }
0x2df: {  	_ =	swait.ge [sflag:s16], $0x1000  }
0x2e0: {  	s1 =	sld [smem:$0x7CB]  }
0x2e1: {  	[sflag:s16] =	ssyncset.done $0x0  }
0x2e2: {  	s29 =	sld [smem:$0x7CC];
	[sflag:s16] =	ssyncadd.s32 $0xFFFFF000  }
0x2e3: {  	[tilespmem:s10], [sflag:$0x2] =	stream.indirect.gather [hbm4b:s3+s12], $0x80, s1, s12, $0xb8;
	[tilespmem:$0x3C00] =	vst v63  }
0x2e4: {  	_ = 	snop  }
0x2e5: {  	[hbm4b:s29+s2] =	stream.linear.scatter [tilespmem:s13], [sflag:$0x3], $0x1000, $0x38;
	[tilespmem:$0x3C00] =	vst v63  }
0x2e6: {  	_ =	swait.ge [sflag:s5], $0x1000  }
0x2e7: {  	[sflag:s5] =	ssyncset.done $0x0  }
0x2e8: {  	[sflag:s5] =	ssyncadd.s32 $0xFFFFF000  }
0x2e9: {  	_ =	swait.ge [sflag:s11], $0x1000  }
0x2ea: {  	s1 =	sld [smem:$0x7CD]  }
0x2eb: {  	[sflag:s11] =	ssyncset.done $0x0  }
0x2ec: {  	s29 =	sld [smem:$0x7CE];
	[sflag:s11] =	ssyncadd.s32 $0xFFFFF000  }
0x2ed: {  	[tilespmem:s13], [sflag:$0x1] =	stream.indirect.gather [hbm4b:s3+s12], $0x80, s1, s12, $0xb8;
	[tilespmem:$0x3C00] =	vst v63  }
0x2ee: {  	_ = 	snop  }
0x2ef: {  	[hbm4b:s29+s2] =	stream.linear.scatter [tilespmem:s10], [sflag:$0x3], $0x1000, $0x38;
	[tilespmem:$0x3C00] =	vst v63  }
0x2f0: {  	_ =	swait.ge [sflag:s5], $0x1000  }
0x2f1: {  	[sflag:s5] =	ssyncset.done $0x0  }
0x2f2: {  	[sflag:s5] =	ssyncadd.s32 $0xFFFFF000  }
0x2f3: {  	_ =	swait.ge [sflag:s16], $0x1000  }
0x2f4: {  	s1 =	sld [smem:$0x7CF]  }
0x2f5: {  	[sflag:s16] =	ssyncset.done $0x0  }
0x2f6: {  	s29 =	sld [smem:$0x7D0];
	[sflag:s16] =	ssyncadd.s32 $0xFFFFF000  }
0x2f7: {  	[tilespmem:s10], [sflag:$0x2] =	stream.indirect.gather [hbm4b:s3+s12], $0x80, s1, s12, $0xb8;
	[tilespmem:$0x3C00] =	vst v63  }
0x2f8: {  	_ = 	snop  }
0x2f9: {  	[hbm4b:s29+s2] =	stream.linear.scatter [tilespmem:s13], [sflag:$0x3], $0x1000, $0x38;
	[tilespmem:$0x3C00] =	vst v63  }
0x2fa: {  	_ =	swait.ge [sflag:s5], $0x1000  }
0x2fb: {  	[sflag:s5] =	ssyncset.done $0x0  }
0x2fc: {  	[sflag:s5] =	ssyncadd.s32 $0xFFFFF000  }
0x2fd: {  	_ =	swait.ge [sflag:s11], $0x1000  }
0x2fe: {  	s1 =	sld [smem:$0x7D1]  }
0x2ff: {  	[sflag:s11] =	ssyncset.done $0x0  }
0x300: {  	s29 =	sld [smem:$0x7D2];
	[sflag:s11] =	ssyncadd.s32 $0xFFFFF000  }
0x301: {  	[tilespmem:s13], [sflag:$0x1] =	stream.indirect.gather [hbm4b:s3+s12], $0x80, s1, s12, $0xb8;
	[tilespmem:$0x3C00] =	vst v63  }
0x302: {  	_ = 	snop  }
0x303: {  	[hbm4b:s29+s2] =	stream.linear.scatter [tilespmem:s10], [sflag:$0x3], $0x1000, $0x38;
	[tilespmem:$0x3C00] =	vst v63  }
0x304: {  	_ =	swait.ge [sflag:s5], $0x1000  }
0x305: {  	[sflag:s5] =	ssyncset.done $0x0  }
0x306: {  	[sflag:s5] =	ssyncadd.s32 $0xFFFFF000  }
0x307: {  	_ =	swait.ge [sflag:s16], $0x1000  }
0x308: {  	s1 =	sld [smem:$0x7D3]  }
0x309: {  	[sflag:s16] =	ssyncset.done $0x0  }
0x30a: {  	s29 =	sld [smem:$0x7D4];
	[sflag:s16] =	ssyncadd.s32 $0xFFFFF000  }
0x30b: {  	[tilespmem:s10], [sflag:$0x2] =	stream.indirect.gather [hbm4b:s3+s12], $0x80, s1, s12, $0xb8;
	[tilespmem:$0x3C00] =	vst v63  }
0x30c: {  	_ = 	snop  }
0x30d: {  	[hbm4b:s29+s2] =	stream.linear.scatter [tilespmem:s13], [sflag:$0x3], $0x1000, $0x38;
	[tilespmem:$0x3C00] =	vst v63  }
0x30e: {  	_ =	swait.ge [sflag:s5], $0x1000  }
0x30f: {  	[sflag:s5] =	ssyncset.done $0x0  }
0x310: {  	[sflag:s5] =	ssyncadd.s32 $0xFFFFF000  }
0x311: {  	_ =	swait.ge [sflag:s11], $0x1000  }
0x312: {  	s1 =	sld [smem:$0x7D5]  }
0x313: {  	[sflag:s11] =	ssyncset.done $0x0  }
0x314: {  	s29 =	sld [smem:$0x7D6];
	[sflag:s11] =	ssyncadd.s32 $0xFFFFF000  }
0x315: {  	[tilespmem:s13], [sflag:$0x1] =	stream.indirect.gather [hbm4b:s3+s12], $0x80, s1, s12, $0xb8;
	[tilespmem:$0x3C00] =	vst v63  }
0x316: {  	_ = 	snop  }
0x317: {  	[hbm4b:s29+s2] =	stream.linear.scatter [tilespmem:s10], [sflag:$0x3], $0x1000, $0x38;
	[tilespmem:$0x3C00] =	vst v63  }
0x318: {  	_ =	swait.ge [sflag:s5], $0x1000  }
0x319: {  	[sflag:s5] =	ssyncset.done $0x0  }
0x31a: {  	[sflag:s5] =	ssyncadd.s32 $0xFFFFF000  }
0x31b: {  	_ =	swait.ge [sflag:s16], $0x1000  }
0x31c: {  	s1 =	sld [smem:$0x7D7]  }
0x31d: {  	[sflag:s16] =	ssyncset.done $0x0  }
0x31e: {  	s29 =	sld [smem:$0x7D8];
	[sflag:s16] =	ssyncadd.s32 $0xFFFFF000  }
0x31f: {  	[tilespmem:s10], [sflag:$0x2] =	stream.indirect.gather [hbm4b:s3+s12], $0x80, s1, s12, $0xb8;
	[tilespmem:$0x3C00] =	vst v63  }
0x320: {  	_ = 	snop  }
0x321: {  	[hbm4b:s29+s2] =	stream.linear.scatter [tilespmem:s13], [sflag:$0x3], $0x1000, $0x38;
	[tilespmem:$0x3C00] =	vst v63  }
0x322: {  	_ =	swait.ge [sflag:s5], $0x1000  }
0x323: {  	[sflag:s5] =	ssyncset.done $0x0  }
0x324: {  	[sflag:s5] =	ssyncadd.s32 $0xFFFFF000  }
0x325: {  	_ =	swait.ge [sflag:s11], $0x1000  }
0x326: {  	s1 =	sld [smem:$0x7D9]  }
0x327: {  	[sflag:s11] =	ssyncset.done $0x0  }
0x328: {  	s29 =	sld [smem:$0x7DA];
	[sflag:s11] =	ssyncadd.s32 $0xFFFFF000  }
0x329: {  	[tilespmem:s13], [sflag:$0x1] =	stream.indirect.gather [hbm4b:s3+s12], $0x80, s1, s12, $0xb8;
	[tilespmem:$0x3C00] =	vst v63  }
0x32a: {  	_ = 	snop  }
0x32b: {  	[hbm4b:s29+s2] =	stream.linear.scatter [tilespmem:s10], [sflag:$0x3], $0x1000, $0x38;
	[tilespmem:$0x3C00] =	vst v63  }
0x32c: {  	_ =	swait.ge [sflag:s5], $0x1000  }
0x32d: {  	[sflag:s5] =	ssyncset.done $0x0  }
0x32e: {  	[sflag:s5] =	ssyncadd.s32 $0xFFFFF000  }
0x32f: {  	_ =	swait.ge [sflag:s16], $0x1000  }
0x330: {  	s1 =	sld [smem:$0x7DB]  }
0x331: {  	[sflag:s16] =	ssyncset.done $0x0  }
0x332: {  	s29 =	sld [smem:$0x7DC];
	[sflag:s16] =	ssyncadd.s32 $0xFFFFF000  }
0x333: {  	[tilespmem:s10], [sflag:$0x2] =	stream.indirect.gather [hbm4b:s3+s12], $0x80, s1, s12, $0xb8;
	[tilespmem:$0x3C00] =	vst v63  }
0x334: {  	_ = 	snop  }
0x335: {  	[hbm4b:s29+s2] =	stream.linear.scatter [tilespmem:s13], [sflag:$0x3], $0x1000, $0x38;
	[tilespmem:$0x3C00] =	vst v63  }
0x336: {  	_ =	swait.ge [sflag:s5], $0x1000  }
0x337: {  	[sflag:s5] =	ssyncset.done $0x0  }
0x338: {  	[sflag:s5] =	ssyncadd.s32 $0xFFFFF000  }
0x339: {  	_ =	swait.ge [sflag:s11], $0x1000  }
0x33a: {  	s1 =	sld [smem:$0x7DD]  }
0x33b: {  	[sflag:s11] =	ssyncset.done $0x0  }
0x33c: {  	s29 =	sld [smem:$0x7DE];
	[sflag:s11] =	ssyncadd.s32 $0xFFFFF000  }
0x33d: {  	[tilespmem:s13], [sflag:$0x1] =	stream.indirect.gather [hbm4b:s3+s12], $0x80, s1, s12, $0xb8;
	[tilespmem:$0x3C00] =	vst v63  }
0x33e: {  	_ = 	snop  }
0x33f: {  	[hbm4b:s29+s2] =	stream.linear.scatter [tilespmem:s10], [sflag:$0x3], $0x1000, $0x38;
	[tilespmem:$0x3C00] =	vst v63  }
0x340: {  	_ =	swait.ge [sflag:s5], $0x1000  }
0x341: {  	[sflag:s5] =	ssyncset.done $0x0  }
0x342: {  	[sflag:s5] =	ssyncadd.s32 $0xFFFFF000  }
0x343: {  	_ =	swait.ge [sflag:s16], $0x1000  }
0x344: {  	s1 =	sld [smem:$0x7DF]  }
0x345: {  	[sflag:s16] =	ssyncset.done $0x0  }
0x346: {  	s29 =	sld [smem:$0x7E0];
	[sflag:s16] =	ssyncadd.s32 $0xFFFFF000  }
0x347: {  	[tilespmem:s10], [sflag:$0x2] =	stream.indirect.gather [hbm4b:s3+s12], $0x80, s1, s12, $0xb8;
	[tilespmem:$0x3C00] =	vst v63  }
0x348: {  	_ = 	snop  }
0x349: {  	[hbm4b:s29+s2] =	stream.linear.scatter [tilespmem:s13], [sflag:$0x3], $0x1000, $0x38;
	[tilespmem:$0x3C00] =	vst v63  }
0x34a: {  	_ =	swait.ge [sflag:s5], $0x1000  }
0x34b: {  	[sflag:s5] =	ssyncset.done $0x0  }
0x34c: {  	[sflag:s5] =	ssyncadd.s32 $0xFFFFF000  }
0x34d: {  	_ =	swait.ge [sflag:s11], $0x1000  }
0x34e: {  	s1 =	sld [smem:$0x7E1]  }
0x34f: {  	[sflag:s11] =	ssyncset.done $0x0  }
0x350: {  	s29 =	sld [smem:$0x7E2];
	[sflag:s11] =	ssyncadd.s32 $0xFFFFF000  }
0x351: {  	[tilespmem:s13], [sflag:$0x1] =	stream.indirect.gather [hbm4b:s3+s12], $0x80, s1, s12, $0xb8;
	[tilespmem:$0x3C00] =	vst v63  }
0x352: {  	_ = 	snop  }
0x353: {  	[hbm4b:s29+s2] =	stream.linear.scatter [tilespmem:s10], [sflag:$0x3], $0x1000, $0x38;
	[tilespmem:$0x3C00] =	vst v63  }
0x354: {  	_ =	swait.ge [sflag:s5], $0x1000  }
0x355: {  	[sflag:s5] =	ssyncset.done $0x0  }
0x356: {  	[sflag:s5] =	ssyncadd.s32 $0xFFFFF000  }
0x357: {  	_ =	swait.ge [sflag:s16], $0x1000  }
0x358: {  	s1 =	sld [smem:$0x7E3]  }
0x359: {  	[sflag:s16] =	ssyncset.done $0x0  }
0x35a: {  	s29 =	sld [smem:$0x7E4];
	[sflag:s16] =	ssyncadd.s32 $0xFFFFF000  }
0x35b: {  	[tilespmem:s10], [sflag:$0x2] =	stream.indirect.gather [hbm4b:s3+s12], $0x80, s1, s12, $0xb8;
	[tilespmem:$0x3C00] =	vst v63  }
0x35c: {  	_ = 	snop  }
0x35d: {  	[hbm4b:s29+s2] =	stream.linear.scatter [tilespmem:s13], [sflag:$0x3], $0x1000, $0x38;
	[tilespmem:$0x3C00] =	vst v63  }
0x35e: {  	_ =	swait.ge [sflag:s5], $0x1000  }
0x35f: {  	[sflag:s5] =	ssyncset.done $0x0  }
0x360: {  	[sflag:s5] =	ssyncadd.s32 $0xFFFFF000  }
0x361: {  	_ =	swait.ge [sflag:s11], $0x1000  }
0x362: {  	s1 =	sld [smem:$0x7E5]  }
0x363: {  	[sflag:s11] =	ssyncset.done $0x0  }
0x364: {  	s29 =	sld [smem:$0x7E6];
	[sflag:s11] =	ssyncadd.s32 $0xFFFFF000  }
0x365: {  	[tilespmem:s13], [sflag:$0x1] =	stream.indirect.gather [hbm4b:s3+s12], $0x80, s1, s12, $0xb8;
	[tilespmem:$0x3C00] =	vst v63  }
0x366: {  	_ = 	snop  }
0x367: {  	[hbm4b:s29+s2] =	stream.linear.scatter [tilespmem:s10], [sflag:$0x3], $0x1000, $0x38;
	[tilespmem:$0x3C00] =	vst v63  }
0x368: {  	_ =	swait.ge [sflag:s5], $0x1000  }
0x369: {  	[sflag:s5] =	ssyncset.done $0x0  }
0x36a: {  	[sflag:s5] =	ssyncadd.s32 $0xFFFFF000  }
0x36b: {  	_ =	swait.ge [sflag:s16], $0x1000  }
0x36c: {  	s1 =	sld [smem:$0x7E7]  }
0x36d: {  	[sflag:s16] =	ssyncset.done $0x0  }
0x36e: {  	s29 =	sld [smem:$0x7E8];
	[sflag:s16] =	ssyncadd.s32 $0xFFFFF000  }
0x36f: {  	[tilespmem:s10], [sflag:$0x2] =	stream.indirect.gather [hbm4b:s3+s12], $0x80, s1, s12, $0xb8;
	[tilespmem:$0x3C00] =	vst v63  }
0x370: {  	_ = 	snop  }
0x371: {  	[hbm4b:s29+s2] =	stream.linear.scatter [tilespmem:s13], [sflag:$0x3], $0x1000, $0x38;
	[tilespmem:$0x3C00] =	vst v63  }
0x372: {  	_ =	swait.ge [sflag:s5], $0x1000  }
0x373: {  	[sflag:s5] =	ssyncset.done $0x0  }
0x374: {  	[sflag:s5] =	ssyncadd.s32 $0xFFFFF000  }
0x375: {  	_ =	swait.ge [sflag:s11], $0x1000  }
0x376: {  	s1 =	sld [smem:$0x7E9]  }
0x377: {  	[sflag:s11] =	ssyncset.done $0x0  }
0x378: {  	s29 =	sld [smem:$0x7EA];
	[sflag:s11] =	ssyncadd.s32 $0xFFFFF000  }
0x379: {  	[tilespmem:s13], [sflag:$0x1] =	stream.indirect.gather [hbm4b:s3+s12], $0x80, s1, s12, $0xb8;
	[tilespmem:$0x3C00] =	vst v63  }
0x37a: {  	_ = 	snop  }
0x37b: {  	[hbm4b:s29+s2] =	stream.linear.scatter [tilespmem:s10], [sflag:$0x3], $0x1000, $0x38;
	[tilespmem:$0x3C00] =	vst v63  }
0x37c: {  	_ =	swait.ge [sflag:s5], $0x1000  }
0x37d: {  	[sflag:s5] =	ssyncset.done $0x0  }
0x37e: {  	[sflag:s5] =	ssyncadd.s32 $0xFFFFF000  }
0x37f: {  	_ =	swait.ge [sflag:s16], $0x1000  }
0x380: {  	s1 =	sld [smem:$0x7EB]  }
0x381: {  	[sflag:s16] =	ssyncset.done $0x0  }
0x382: {  	s29 =	sld [smem:$0x7EC];
	[sflag:s16] =	ssyncadd.s32 $0xFFFFF000  }
0x383: {  	[tilespmem:s10], [sflag:$0x2] =	stream.indirect.gather [hbm4b:s3+s12], $0x80, s1, s12, $0xb8;
	[tilespmem:$0x3C00] =	vst v63  }
0x384: {  	_ = 	snop  }
0x385: {  	[hbm4b:s29+s2] =	stream.linear.scatter [tilespmem:s13], [sflag:$0x3], $0x1000, $0x38;
	[tilespmem:$0x3C00] =	vst v63  }
0x386: {  	_ =	swait.ge [sflag:s5], $0x1000  }
0x387: {  	[sflag:s5] =	ssyncset.done $0x0  }
0x388: {  	[sflag:s5] =	ssyncadd.s32 $0xFFFFF000  }
0x389: {  	_ =	swait.ge [sflag:s11], $0x1000  }
0x38a: {  	s1 =	sld [smem:$0x7ED]  }
0x38b: {  	[sflag:s11] =	ssyncset.done $0x0  }
0x38c: {  	s29 =	sld [smem:$0x7EE];
	[sflag:s11] =	ssyncadd.s32 $0xFFFFF000  }
0x38d: {  	[tilespmem:s13], [sflag:$0x1] =	stream.indirect.gather [hbm4b:s3+s12], $0x80, s1, s12, $0xb8;
	[tilespmem:$0x3C00] =	vst v63  }
0x38e: {  	_ = 	snop  }
0x38f: {  	[hbm4b:s29+s2] =	stream.linear.scatter [tilespmem:s10], [sflag:$0x3], $0x1000, $0x38;
	[tilespmem:$0x3C00] =	vst v63  }
0x390: {  	_ =	swait.ge [sflag:s5], $0x1000  }
0x391: {  	[sflag:s5] =	ssyncset.done $0x0  }
0x392: {  	[sflag:s5] =	ssyncadd.s32 $0xFFFFF000  }
0x393: {  	_ =	swait.ge [sflag:s16], $0x1000  }
0x394: {  	s1 =	sld [smem:$0x7EF]  }
0x395: {  	[sflag:s16] =	ssyncset.done $0x0  }
0x396: {  	s29 =	sld [smem:$0x7F0];
	[sflag:s16] =	ssyncadd.s32 $0xFFFFF000  }
0x397: {  	[tilespmem:s10], [sflag:$0x2] =	stream.indirect.gather [hbm4b:s3+s12], $0x80, s1, s12, $0xb8;
	[tilespmem:$0x3C00] =	vst v63  }
0x398: {  	_ = 	snop  }
0x399: {  	[hbm4b:s29+s2] =	stream.linear.scatter [tilespmem:s13], [sflag:$0x3], $0x1000, $0x38;
	[tilespmem:$0x3C00] =	vst v63  }
0x39a: {  	_ =	swait.ge [sflag:s5], $0x1000  }
0x39b: {  	[sflag:s5] =	ssyncset.done $0x0  }
0x39c: {  	[sflag:s5] =	ssyncadd.s32 $0xFFFFF000  }
0x39d: {  	_ =	swait.ge [sflag:s11], $0x1000  }
0x39e: {  	s1 =	sld [smem:$0x7F1]  }
0x39f: {  	[sflag:s11] =	ssyncset.done $0x0  }
0x3a0: {  	s29 =	sld [smem:$0x7F2];
	[sflag:s11] =	ssyncadd.s32 $0xFFFFF000  }
0x3a1: {  	[tilespmem:s13], [sflag:$0x1] =	stream.indirect.gather [hbm4b:s3+s12], $0x80, s1, s12, $0xb8;
	[tilespmem:$0x3C00] =	vst v63  }
0x3a2: {  	_ = 	snop  }
0x3a3: {  	[hbm4b:s29+s2] =	stream.linear.scatter [tilespmem:s10], [sflag:$0x3], $0x1000, $0x38;
	[tilespmem:$0x3C00] =	vst v63  }
0x3a4: {  	_ =	swait.ge [sflag:s5], $0x1000  }
0x3a5: {  	[sflag:s5] =	ssyncset.done $0x0  }
0x3a6: {  	[sflag:s5] =	ssyncadd.s32 $0xFFFFF000  }
0x3a7: {  	_ =	swait.ge [sflag:s16], $0x1000  }
0x3a8: {  	s1 =	sld [smem:$0x7F3]  }
0x3a9: {  	[sflag:s16] =	ssyncset.done $0x0  }
0x3aa: {  	s29 =	sld [smem:$0x7F4];
	[sflag:s16] =	ssyncadd.s32 $0xFFFFF000  }
0x3ab: {  	[tilespmem:s10], [sflag:$0x2] =	stream.indirect.gather [hbm4b:s3+s12], $0x80, s1, s12, $0xb8;
	[tilespmem:$0x3C00] =	vst v63  }
0x3ac: {  	_ = 	snop  }
0x3ad: {  	[hbm4b:s29+s2] =	stream.linear.scatter [tilespmem:s13], [sflag:$0x3], $0x1000, $0x38;
	[tilespmem:$0x3C00] =	vst v63  }
0x3ae: {  	_ =	swait.ge [sflag:s5], $0x1000  }
0x3af: {  	[sflag:s5] =	ssyncset.done $0x0  }
0x3b0: {  	[sflag:s5] =	ssyncadd.s32 $0xFFFFF000  }
0x3b1: {  	_ =	swait.ge [sflag:s11], $0x1000  }
0x3b2: {  	s1 =	sld [smem:$0x7F5]  }
0x3b3: {  	[sflag:s11] =	ssyncset.done $0x0  }
0x3b4: {  	s29 =	sld [smem:$0x7F6];
	[sflag:s11] =	ssyncadd.s32 $0xFFFFF000  }
0x3b5: {  	[tilespmem:s13], [sflag:$0x1] =	stream.indirect.gather [hbm4b:s3+s12], $0x80, s1, s12, $0xb8;
	[tilespmem:$0x3C00] =	vst v63  }
0x3b6: {  	_ = 	snop  }
0x3b7: {  	[hbm4b:s29+s2] =	stream.linear.scatter [tilespmem:s10], [sflag:$0x3], $0x1000, $0x38;
	[tilespmem:$0x3C00] =	vst v63  }
0x3b8: {  	_ =	swait.ge [sflag:s5], $0x1000  }
0x3b9: {  	[sflag:s5] =	ssyncset.done $0x0  }
0x3ba: {  	[sflag:s5] =	ssyncadd.s32 $0xFFFFF000  }
0x3bb: {  	_ =	swait.ge [sflag:s16], $0x1000  }
0x3bc: {  	s1 =	sld [smem:$0x7F7]  }
0x3bd: {  	[sflag:s16] =	ssyncset.done $0x0  }
0x3be: {  	s29 =	sld [smem:$0x7F8];
	[sflag:s16] =	ssyncadd.s32 $0xFFFFF000  }
0x3bf: {  	[tilespmem:s10], [sflag:$0x2] =	stream.indirect.gather [hbm4b:s3+s12], $0x80, s1, s12, $0xb8;
	[tilespmem:$0x3C00] =	vst v63  }
0x3c0: {  	_ = 	snop  }
0x3c1: {  	[hbm4b:s29+s2] =	stream.linear.scatter [tilespmem:s13], [sflag:$0x3], $0x1000, $0x38;
	[tilespmem:$0x3C00] =	vst v63  }
0x3c2: {  	_ =	swait.ge [sflag:s5], $0x1000  }
0x3c3: {  	[sflag:s5] =	ssyncset.done $0x0  }
0x3c4: {  	[sflag:s5] =	ssyncadd.s32 $0xFFFFF000  }
0x3c5: {  	_ =	swait.ge [sflag:s11], $0x1000  }
0x3c6: {  	s1 =	sld [smem:$0x7F9]  }
0x3c7: {  	[sflag:s11] =	ssyncset.done $0x0  }
0x3c8: {  	s29 =	sld [smem:$0x7FA];
	[sflag:s11] =	ssyncadd.s32 $0xFFFFF000  }
0x3c9: {  	[tilespmem:s13], [sflag:$0x1] =	stream.indirect.gather [hbm4b:s3+s12], $0x80, s1, s12, $0xb8;
	[tilespmem:$0x3C00] =	vst v63  }
0x3ca: {  	_ = 	snop  }
0x3cb: {  	[hbm4b:s29+s2] =	stream.linear.scatter [tilespmem:s10], [sflag:$0x3], $0x1000, $0x38;
	[tilespmem:$0x3C00] =	vst v63  }
0x3cc: {  	_ =	swait.ge [sflag:s5], $0x1000  }
0x3cd: {  	[sflag:s5] =	ssyncset.done $0x0  }
0x3ce: {  	[sflag:s5] =	ssyncadd.s32 $0xFFFFF000  }
0x3cf: {  	_ =	swait.ge [sflag:s16], $0x1000  }
0x3d0: {  	s1 =	sld [smem:$0x7FB]  }
0x3d1: {  	[sflag:s16] =	ssyncset.done $0x0  }
0x3d2: {  	s29 =	sld [smem:$0x7FC];
	[sflag:s16] =	ssyncadd.s32 $0xFFFFF000  }
0x3d3: {  	[tilespmem:s10], [sflag:$0x2] =	stream.indirect.gather [hbm4b:s3+s12], $0x80, s1, s12, $0xb8;
	[tilespmem:$0x3C00] =	vst v63  }
0x3d4: {  	_ = 	snop  }
0x3d5: {  	[hbm4b:s29+s2] =	stream.linear.scatter [tilespmem:s13], [sflag:$0x3], $0x1000, $0x38;
	[tilespmem:$0x3C00] =	vst v63  }
0x3d6: {  	_ =	swait.ge [sflag:s5], $0x1000  }
0x3d7: {  	[sflag:s5] =	ssyncset.done $0x0  }
0x3d8: {  	[sflag:s5] =	ssyncadd.s32 $0xFFFFF000  }
0x3d9: {  	_ =	swait.ge [sflag:s11], $0x1000  }
0x3da: {  	s29 =	sld [smem:$0x7FD]  }
0x3db: {  	[sflag:s11] =	ssyncset.done $0x0  }
0x3dc: {  	[sflag:s11] =	ssyncadd.s32 $0xFFFFF000  }
0x3dd: {  	[tilespmem:s13], [sflag:$0x1] =	stream.indirect.gather [hbm4b:s3+s12], $0x80, s29, s12, $0xb8;
	[tilespmem:$0x3C00] =	vst v63  }
0x3de: {  	_ = 	snop  }
0x3df: {  	[hbm4b:s25+s2] =	stream.linear.scatter [tilespmem:s10], [sflag:$0x3], $0x1000, $0x38;
	[tilespmem:$0x3C00] =	vst v63  }
0x3e0: {  	_ =	swait.ge [sflag:s5], $0x1000  }
0x3e1: {  	[sflag:s5] =	ssyncset.done $0x0  }
0x3e2: {  	[sflag:s5] =	ssyncadd.s32 $0xFFFFF000  }
0x3e3: {  	_ =	swait.ge [sflag:s16], $0x1000  }
0x3e4: {  	[sflag:s16] =	ssyncset.done $0x0  }
0x3e5: {  	[sflag:s16] =	ssyncadd.s32 $0xFFFFF000  }
0x3e6: {  	[tilespmem:s10], [sflag:$0x2] =	stream.indirect.gather [hbm4b:s3+s12], $0x80, s23, s12, $0xb8;
	[tilespmem:$0x3C00] =	vst v63  }
0x3e7: {  	_ = 	snop  }
0x3e8: {  	[hbm4b:s24+s2] =	stream.linear.scatter [tilespmem:s13], [sflag:$0x3], $0x1000, $0x38;
	[tilespmem:$0x3C00] =	vst v63  }
0x3e9: {  	_ =	swait.ge [sflag:s5], $0x1000  }
0x3ea: {  	[sflag:s5] =	ssyncset.done $0x0  }
0x3eb: {  	[sflag:s5] =	ssyncadd.s32 $0xFFFFF000  }
0x3ec: {  	_ =	swait.ge [sflag:s11], $0x1000  }
0x3ed: {  	[sflag:s11] =	ssyncset.done $0x0  }
0x3ee: {  	[sflag:s11] =	ssyncadd.s32 $0xFFFFF000  }
0x3ef: {  	[tilespmem:s13], [sflag:$0x1] =	stream.indirect.gather [hbm4b:s3+s12], $0x80, s21, s12, $0xb8;
	[tilespmem:$0x3C00] =	vst v63  }
0x3f0: {  	_ = 	snop  }
0x3f1: {  	[hbm4b:s22+s2] =	stream.linear.scatter [tilespmem:s10], [sflag:$0x3], $0x1000, $0x38;
	[tilespmem:$0x3C00] =	vst v63  }
0x3f2: {  	_ =	swait.ge [sflag:s5], $0x1000  }
0x3f3: {  	[sflag:s5] =	ssyncset.done $0x0  }
0x3f4: {  	[sflag:s5] =	ssyncadd.s32 $0xFFFFF000  }
0x3f5: {  	_ =	swait.ge [sflag:s16], $0x1000  }
0x3f6: {  	[sflag:s16] =	ssyncset.done $0x0  }
0x3f7: {  	[sflag:s16] =	ssyncadd.s32 $0xFFFFF000  }
0x3f8: {  	[tilespmem:s10], [sflag:$0x2] =	stream.indirect.gather [hbm4b:s3+s12], $0x80, s19, s12, $0xb8;
	[tilespmem:$0x3C00] =	vst v63  }
0x3f9: {  	_ = 	snop  }
0x3fa: {  	[hbm4b:s20+s2] =	stream.linear.scatter [tilespmem:s13], [sflag:$0x3], $0x1000, $0x38;
	[tilespmem:$0x3C00] =	vst v63  }
0x3fb: {  	_ =	swait.ge [sflag:s5], $0x1000  }
0x3fc: {  	[sflag:s5] =	ssyncset.done $0x0  }
0x3fd: {  	[sflag:s5] =	ssyncadd.s32 $0xFFFFF000  }
0x3fe: {  	_ =	swait.ge [sflag:s11], $0x1000  }
0x3ff: {  	[sflag:s11] =	ssyncset.done $0x0  }
0x400: {  	[sflag:s11] =	ssyncadd.s32 $0xFFFFF000  }
0x401: {  	[tilespmem:s13], [sflag:$0x1] =	stream.indirect.gather [hbm4b:s3+s12], $0x80, s17, s12, $0xb8;
	[tilespmem:$0x3C00] =	vst v63  }
0x402: {  	_ = 	snop  }
0x403: {  	[hbm4b:s18+s2] =	stream.linear.scatter [tilespmem:s10], [sflag:$0x3], $0x1000, $0x38;
	[tilespmem:$0x3C00] =	vst v63  }
0x404: {  	_ =	swait.ge [sflag:s5], $0x1000  }
0x405: {  	[sflag:s5] =	ssyncset.done $0x0  }
0x406: {  	[sflag:s5] =	ssyncadd.s32 $0xFFFFF000  }
0x407: {  	_ =	swait.ge [sflag:s16], $0x1000  }
0x408: {  	[sflag:s16] =	ssyncset.done $0x0  }
0x409: {  	[sflag:s16] =	ssyncadd.s32 $0xFFFFF000  }
0x40a: {  	[tilespmem:s10], [sflag:$0x2] =	stream.indirect.gather [hbm4b:s3+s12], $0x80, s14, s12, $0xb8;
	[tilespmem:$0x3C00] =	vst v63  }
0x40b: {  	_ = 	snop  }
0x40c: {  	[hbm4b:s15+s2] =	stream.linear.scatter [tilespmem:s13], [sflag:$0x3], $0x1000, $0x38;
	[tilespmem:$0x3C00] =	vst v63  }
0x40d: {  	_ =	swait.ge [sflag:s5], $0x1000  }
0x40e: {  	[sflag:s5] =	ssyncset.done $0x0  }
0x40f: {  	[sflag:s5] =	ssyncadd.s32 $0xFFFFF000  }
0x410: {  	_ =	swait.ge [sflag:s11], $0x1000  }
0x411: {  	[sflag:s11] =	ssyncset.done $0x0  }
0x412: {  	[sflag:s11] =	ssyncadd.s32 $0xFFFFF000  }
0x413: {  	[tilespmem:s13], [sflag:$0x1] =	stream.indirect.gather [hbm4b:s3+s12], $0x80, s8, s12, $0xb8;
	[tilespmem:$0x3C00] =	vst v63  }
0x414: {  	_ = 	snop  }
0x415: {  	[hbm4b:s9+s2] =	stream.linear.scatter [tilespmem:s10], [sflag:$0x3], $0x1000, $0x38;
	[tilespmem:$0x3C00] =	vst v63  }
0x416: {  	_ =	swait.ge [sflag:s5], $0x1000  }
0x417: {  	[sflag:s5] =	ssyncset.done $0x0  }
0x418: {  	[sflag:s5] =	ssyncadd.s32 $0xFFFFF000  }
0x419: {  	_ =	swait.ge [sflag:s16], $0x1000  }
0x41a: {  	[sflag:s16] =	ssyncset.done $0x0  }
0x41b: {  	[sflag:s16] =	ssyncadd.s32 $0xFFFFF000  }
0x41c: {  	[tilespmem:s10], [sflag:$0x2] =	stream.indirect.gather [hbm4b:s3+s12], $0x80, s6, s12, $0xb8;
	[tilespmem:$0x3C00] =	vst v63  }
0x41d: {  	_ = 	snop  }
0x41e: {  	[hbm4b:s7+s2] =	stream.linear.scatter [tilespmem:s13], [sflag:$0x3], $0x1000, $0x38;
	[tilespmem:$0x3C00] =	vst v63  }
0x41f: {  	_ =	swait.ge [sflag:s5], $0x1000  }
0x420: {  	[sflag:s5] =	ssyncset.done $0x0  }
0x421: {  	[sflag:s5] =	ssyncadd.s32 $0xFFFFF000  }
0x422: {  	p1 =	sne.s32 s0, $0x1;
	_ =	swait.ge [sflag:s11], $0x1000  }
.Ltmp2:
0x423: {  	[sflag:s11] =	ssyncset.done $0x0;
	(pc) =	sbr.rel @p1 .LBB2_4-.Ltmp2, $4  }
0x424: {  	[sflag:s11] =	ssyncadd.s32 $0xFFFFF000  }
0x425: {  	[hbm4b:s4+s2] =	stream.linear.scatter [tilespmem:s10], [sflag:$0x3], $0x1000, $0x38;
	[tilespmem:$0x3C00] =	vst v63  }
0x426: {  	_ =	swait.ge [sflag:s5], $0x1000  }
0x427: {  	s0 =	sadd.s32 $0xFFFFFFFF, s0;
	s1 =	rddreg [dreg:$0x4];
	[sflag:s5] =	ssyncset.done $0x0  }
0x428: {  	s31 =	simm.s32 $0x2000;
	s30 =	simm.s32 $0x400;
	s29 =	rddreg [dreg:$0x3]  }
.LBB2_6:
0x429: {  	[sflag:s5] =	ssyncadd.s32 @p0 $0xFFFFF000  }
0x42a: {  	[tilespmem:s2], [sflag:$0x3] =	stream.strided.gather [hbm4b:s1+s30], $0x1800, s31, s30, $0x38;
	[tilespmem:$0x3C00] =	vst v63  }
0x42b: {  	s0 =	rddreg [dreg:$0x5];
	s31 =	simm.s32 $0x1800  }
0x42c: {  	[tilespmem:s31], [sflag:$0x3] =	stream.linear.gather [hbm4b:s0+s2], $0x100, $0x38;
	[tilespmem:$0x3C00] =	vst v63  }
0x42d: {  	_ =	swait.ge [sflag:s5], $0x1900  }
0x42e: {  	[sflag:s5] =	ssyncset.done $0x0  }
0x42f: {  	[sflag:s5] =	ssyncadd.s32 $0xFFFFE700  }
0x430: {  	[tilespmem:s13], [sflag:$0x1] =	stream.indirect.gather [hbm4b:s3+s12], $0x80, s28, s12, $0xb8;
	[tilespmem:$0x3C00] =	vst v63  }
0x431: {  	_ =	swait.ge [sflag:s16], $0x1000  }
0x432: {  	[sflag:s16] =	ssyncset.done $0x0  }
0x433: {  	s28 =	rddreg [dreg:$0x6];
	[sflag:s16] =	ssyncadd.s32 $0xFFFFF000  }
0x434: {  	[tilespmem:s10], [sflag:$0x2] =	stream.indirect.gather [hbm4b:s3+s12], $0x80, s28, s12, $0xb8;
	[tilespmem:$0x3C00] =	vst v63  }
0x435: {  	_ = 	snop  }
0x436: {  	[hbm4b:s26+s2] =	stream.linear.scatter [tilespmem:s13], [sflag:$0x3], $0x1000, $0x38;
	[tilespmem:$0x3C00] =	vst v63  }
0x437: {  	_ =	swait.ge [sflag:s5], $0x1000  }
0x438: {  	[sflag:s5] =	ssyncset.done $0x0  }
0x439: {  	[sflag:s5] =	ssyncadd.s32 $0xFFFFF000  }
0x43a: {  	_ =	swait.ge [sflag:s11], $0x1000  }
0x43b: {  	[sflag:s11] =	ssyncset.done $0x0  }
0x43c: {  	s30 =	rddreg [dreg:$0x7];
	[sflag:s11] =	ssyncadd.s32 $0xFFFFF000  }
0x43d: {  	[tilespmem:s13], [sflag:$0x1] =	stream.indirect.gather [hbm4b:s3+s12], $0x80, s30, s12, $0xb8;
	[tilespmem:$0x3C00] =	vst v63  }
0x43e: {  	s31 =	rddreg [dreg:$0x8]  }
0x43f: {  	[hbm4b:s31+s2] =	stream.linear.scatter [tilespmem:s10], [sflag:$0x3], $0x1000, $0x38;
	[tilespmem:$0x3C00] =	vst v63  }
0x440: {  	_ =	swait.ge [sflag:s5], $0x1000  }
0x441: {  	[sflag:s5] =	ssyncset.done $0x0  }
0x442: {  	[sflag:s5] =	ssyncadd.s32 $0xFFFFF000  }
0x443: {  	_ =	swait.ge [sflag:s16], $0x1000  }
0x444: {  	[sflag:s16] =	ssyncset.done $0x0  }
0x445: {  	s26 =	rddreg [dreg:$0x9];
	[sflag:s16] =	ssyncadd.s32 $0xFFFFF000  }
0x446: {  	[tilespmem:s10], [sflag:$0x2] =	stream.indirect.gather [hbm4b:s3+s12], $0x80, s26, s12, $0xb8;
	[tilespmem:$0x3C00] =	vst v63  }
0x447: {  	s28 =	rddreg [dreg:$0xa]  }
0x448: {  	[hbm4b:s28+s2] =	stream.linear.scatter [tilespmem:s13], [sflag:$0x3], $0x1000, $0x38;
	[tilespmem:$0x3C00] =	vst v63  }
0x449: {  	_ =	swait.ge [sflag:s5], $0x1000  }
0x44a: {  	[sflag:s5] =	ssyncset.done $0x0  }
0x44b: {  	[sflag:s5] =	ssyncadd.s32 $0xFFFFF000  }
0x44c: {  	_ =	swait.ge [sflag:s11], $0x1000  }
0x44d: {  	[sflag:s11] =	ssyncset.done $0x0  }
0x44e: {  	s30 =	rddreg [dreg:$0xb];
	[sflag:s11] =	ssyncadd.s32 $0xFFFFF000  }
0x44f: {  	[tilespmem:s13], [sflag:$0x1] =	stream.indirect.gather [hbm4b:s3+s12], $0x80, s30, s12, $0xb8;
	[tilespmem:$0x3C00] =	vst v63  }
0x450: {  	s31 =	rddreg [dreg:$0xc]  }
0x451: {  	[hbm4b:s31+s2] =	stream.linear.scatter [tilespmem:s10], [sflag:$0x3], $0x1000, $0x38;
	[tilespmem:$0x3C00] =	vst v63  }
0x452: {  	_ =	swait.ge [sflag:s5], $0x1000  }
0x453: {  	[sflag:s5] =	ssyncset.done $0x0  }
0x454: {  	[sflag:s5] =	ssyncadd.s32 $0xFFFFF000  }
0x455: {  	_ =	swait.ge [sflag:s16], $0x1000  }
0x456: {  	[sflag:s16] =	ssyncset.done $0x0  }
0x457: {  	s26 =	rddreg [dreg:$0xd];
	[sflag:s16] =	ssyncadd.s32 $0xFFFFF000  }
0x458: {  	[tilespmem:s10], [sflag:$0x2] =	stream.indirect.gather [hbm4b:s3+s12], $0x80, s26, s12, $0xb8;
	[tilespmem:$0x3C00] =	vst v63  }
0x459: {  	s28 =	rddreg [dreg:$0xe]  }
0x45a: {  	[hbm4b:s28+s2] =	stream.linear.scatter [tilespmem:s13], [sflag:$0x3], $0x1000, $0x38;
	[tilespmem:$0x3C00] =	vst v63  }
0x45b: {  	_ =	swait.ge [sflag:s5], $0x1000  }
0x45c: {  	[sflag:s5] =	ssyncset.done $0x0  }
0x45d: {  	[sflag:s5] =	ssyncadd.s32 $0xFFFFF000  }
0x45e: {  	_ =	swait.ge [sflag:s11], $0x1000  }
0x45f: {  	[sflag:s11] =	ssyncset.done $0x0  }
0x460: {  	s30 =	rddreg [dreg:$0xf];
	[sflag:s11] =	ssyncadd.s32 $0xFFFFF000  }
0x461: {  	[tilespmem:s13], [sflag:$0x1] =	stream.indirect.gather [hbm4b:s3+s12], $0x80, s30, s12, $0xb8;
	[tilespmem:$0x3C00] =	vst v63  }
0x462: {  	s31 =	rddreg [dreg:$0x10]  }
0x463: {  	[hbm4b:s31+s2] =	stream.linear.scatter [tilespmem:s10], [sflag:$0x3], $0x1000, $0x38;
	[tilespmem:$0x3C00] =	vst v63  }
0x464: {  	_ =	swait.ge [sflag:s5], $0x1000  }
0x465: {  	[sflag:s5] =	ssyncset.done $0x0  }
0x466: {  	[sflag:s5] =	ssyncadd.s32 $0xFFFFF000  }
0x467: {  	_ =	swait.ge [sflag:s16], $0x1000  }
0x468: {  	[sflag:s16] =	ssyncset.done $0x0  }
0x469: {  	s26 =	rddreg [dreg:$0x11];
	[sflag:s16] =	ssyncadd.s32 $0xFFFFF000  }
0x46a: {  	[tilespmem:s10], [sflag:$0x2] =	stream.indirect.gather [hbm4b:s3+s12], $0x80, s26, s12, $0xb8;
	[tilespmem:$0x3C00] =	vst v63  }
0x46b: {  	s28 =	rddreg [dreg:$0x12]  }
0x46c: {  	[hbm4b:s28+s2] =	stream.linear.scatter [tilespmem:s13], [sflag:$0x3], $0x1000, $0x38;
	[tilespmem:$0x3C00] =	vst v63  }
0x46d: {  	_ =	swait.ge [sflag:s5], $0x1000  }
0x46e: {  	[sflag:s5] =	ssyncset.done $0x0  }
0x46f: {  	[sflag:s5] =	ssyncadd.s32 $0xFFFFF000  }
0x470: {  	_ =	swait.ge [sflag:s11], $0x1000  }
0x471: {  	[sflag:s11] =	ssyncset.done $0x0  }
0x472: {  	s30 =	rddreg [dreg:$0x13];
	[sflag:s11] =	ssyncadd.s32 $0xFFFFF000  }
0x473: {  	[tilespmem:s13], [sflag:$0x1] =	stream.indirect.gather [hbm4b:s3+s12], $0x80, s30, s12, $0xb8;
	[tilespmem:$0x3C00] =	vst v63  }
0x474: {  	s31 =	rddreg [dreg:$0x14]  }
0x475: {  	[hbm4b:s31+s2] =	stream.linear.scatter [tilespmem:s10], [sflag:$0x3], $0x1000, $0x38;
	[tilespmem:$0x3C00] =	vst v63  }
0x476: {  	_ =	swait.ge [sflag:s5], $0x1000  }
0x477: {  	[sflag:s5] =	ssyncset.done $0x0  }
0x478: {  	[sflag:s5] =	ssyncadd.s32 $0xFFFFF000  }
0x479: {  	_ =	swait.ge [sflag:s16], $0x1000  }
0x47a: {  	[sflag:s16] =	ssyncset.done $0x0  }
0x47b: {  	s26 =	rddreg [dreg:$0x15];
	[sflag:s16] =	ssyncadd.s32 $0xFFFFF000  }
0x47c: {  	[tilespmem:s10], [sflag:$0x2] =	stream.indirect.gather [hbm4b:s3+s12], $0x80, s26, s12, $0xb8;
	[tilespmem:$0x3C00] =	vst v63  }
0x47d: {  	s28 =	rddreg [dreg:$0x16]  }
0x47e: {  	[hbm4b:s28+s2] =	stream.linear.scatter [tilespmem:s13], [sflag:$0x3], $0x1000, $0x38;
	[tilespmem:$0x3C00] =	vst v63  }
0x47f: {  	_ =	swait.ge [sflag:s5], $0x1000  }
0x480: {  	[sflag:s5] =	ssyncset.done $0x0  }
0x481: {  	[sflag:s5] =	ssyncadd.s32 $0xFFFFF000  }
0x482: {  	_ =	swait.ge [sflag:s11], $0x1000  }
0x483: {  	[sflag:s11] =	ssyncset.done $0x0  }
0x484: {  	s30 =	rddreg [dreg:$0x17];
	[sflag:s11] =	ssyncadd.s32 $0xFFFFF000  }
0x485: {  	[tilespmem:s13], [sflag:$0x1] =	stream.indirect.gather [hbm4b:s3+s12], $0x80, s30, s12, $0xb8;
	[tilespmem:$0x3C00] =	vst v63  }
0x486: {  	s31 =	rddreg [dreg:$0x18]  }
0x487: {  	[hbm4b:s31+s2] =	stream.linear.scatter [tilespmem:s10], [sflag:$0x3], $0x1000, $0x38;
	[tilespmem:$0x3C00] =	vst v63  }
0x488: {  	_ =	swait.ge [sflag:s5], $0x1000  }
0x489: {  	[sflag:s5] =	ssyncset.done $0x0  }
0x48a: {  	[sflag:s5] =	ssyncadd.s32 $0xFFFFF000  }
0x48b: {  	_ =	swait.ge [sflag:s16], $0x1000  }
0x48c: {  	[sflag:s16] =	ssyncset.done $0x0  }
0x48d: {  	s26 =	rddreg [dreg:$0x19];
	[sflag:s16] =	ssyncadd.s32 $0xFFFFF000  }
0x48e: {  	[tilespmem:s10], [sflag:$0x2] =	stream.indirect.gather [hbm4b:s3+s12], $0x80, s26, s12, $0xb8;
	[tilespmem:$0x3C00] =	vst v63  }
0x48f: {  	s28 =	rddreg [dreg:$0x1a]  }
0x490: {  	[hbm4b:s28+s2] =	stream.linear.scatter [tilespmem:s13], [sflag:$0x3], $0x1000, $0x38;
	[tilespmem:$0x3C00] =	vst v63  }
0x491: {  	_ =	swait.ge [sflag:s5], $0x1000  }
0x492: {  	[sflag:s5] =	ssyncset.done $0x0  }
0x493: {  	[sflag:s5] =	ssyncadd.s32 $0xFFFFF000  }
0x494: {  	_ =	swait.ge [sflag:s11], $0x1000  }
0x495: {  	[sflag:s11] =	ssyncset.done $0x0  }
0x496: {  	s30 =	rddreg [dreg:$0x1b];
	[sflag:s11] =	ssyncadd.s32 $0xFFFFF000  }
0x497: {  	[tilespmem:s13], [sflag:$0x1] =	stream.indirect.gather [hbm4b:s3+s12], $0x80, s30, s12, $0xb8;
	[tilespmem:$0x3C00] =	vst v63  }
0x498: {  	s31 =	rddreg [dreg:$0x1c]  }
0x499: {  	[hbm4b:s31+s2] =	stream.linear.scatter [tilespmem:s10], [sflag:$0x3], $0x1000, $0x38;
	[tilespmem:$0x3C00] =	vst v63  }
0x49a: {  	_ =	swait.ge [sflag:s5], $0x1000  }
0x49b: {  	[sflag:s5] =	ssyncset.done $0x0  }
0x49c: {  	[sflag:s5] =	ssyncadd.s32 $0xFFFFF000  }
0x49d: {  	_ =	swait.ge [sflag:s16], $0x1000  }
0x49e: {  	[sflag:s16] =	ssyncset.done $0x0  }
0x49f: {  	s26 =	rddreg [dreg:$0x1d];
	[sflag:s16] =	ssyncadd.s32 $0xFFFFF000  }
0x4a0: {  	[tilespmem:s10], [sflag:$0x2] =	stream.indirect.gather [hbm4b:s3+s12], $0x80, s26, s12, $0xb8;
	[tilespmem:$0x3C00] =	vst v63  }
0x4a1: {  	s28 =	rddreg [dreg:$0x1e]  }
0x4a2: {  	[hbm4b:s28+s2] =	stream.linear.scatter [tilespmem:s13], [sflag:$0x3], $0x1000, $0x38;
	[tilespmem:$0x3C00] =	vst v63  }
0x4a3: {  	_ =	swait.ge [sflag:s5], $0x1000  }
0x4a4: {  	[sflag:s5] =	ssyncset.done $0x0  }
0x4a5: {  	[sflag:s5] =	ssyncadd.s32 $0xFFFFF000  }
0x4a6: {  	_ =	swait.ge [sflag:s11], $0x1000  }
0x4a7: {  	s30 =	rddreg [dreg:$0x1f];
	[sflag:s11] =	ssyncset.done $0x0  }
0x4a8: {  	s31 =	sld [smem:$0x7C6];
	[sflag:s11] =	ssyncadd.s32 $0xFFFFF000  }
0x4a9: {  	[tilespmem:s13], [sflag:$0x1] =	stream.indirect.gather [hbm4b:s3+s12], $0x80, s30, s12, $0xb8;
	[tilespmem:$0x3C00] =	vst v63  }
0x4aa: {  	_ = 	snop  }
0x4ab: {  	[hbm4b:s31+s2] =	stream.linear.scatter [tilespmem:s10], [sflag:$0x3], $0x1000, $0x38;
	[tilespmem:$0x3C00] =	vst v63  }
0x4ac: {  	_ =	swait.ge [sflag:s5], $0x1000  }
0x4ad: {  	[sflag:s5] =	ssyncset.done $0x0  }
0x4ae: {  	[sflag:s5] =	ssyncadd.s32 $0xFFFFF000  }
0x4af: {  	_ =	swait.ge [sflag:s16], $0x1000  }
0x4b0: {  	s26 =	sld [smem:$0x7C7]  }
0x4b1: {  	[sflag:s16] =	ssyncset.done $0x0  }
0x4b2: {  	s28 =	sld [smem:$0x7C8];
	[sflag:s16] =	ssyncadd.s32 $0xFFFFF000  }
0x4b3: {  	[tilespmem:s10], [sflag:$0x2] =	stream.indirect.gather [hbm4b:s3+s12], $0x80, s26, s12, $0xb8;
	[tilespmem:$0x3C00] =	vst v63  }
0x4b4: {  	_ = 	snop  }
0x4b5: {  	[hbm4b:s28+s2] =	stream.linear.scatter [tilespmem:s13], [sflag:$0x3], $0x1000, $0x38;
	[tilespmem:$0x3C00] =	vst v63  }
0x4b6: {  	_ =	swait.ge [sflag:s5], $0x1000  }
0x4b7: {  	[sflag:s5] =	ssyncset.done $0x0  }
0x4b8: {  	[sflag:s5] =	ssyncadd.s32 $0xFFFFF000  }
0x4b9: {  	_ =	swait.ge [sflag:s11], $0x1000  }
0x4ba: {  	s30 =	sld [smem:$0x7C9]  }
0x4bb: {  	[sflag:s11] =	ssyncset.done $0x0  }
0x4bc: {  	s31 =	sld [smem:$0x7CA];
	[sflag:s11] =	ssyncadd.s32 $0xFFFFF000  }
0x4bd: {  	[tilespmem:s13], [sflag:$0x1] =	stream.indirect.gather [hbm4b:s3+s12], $0x80, s30, s12, $0xb8;
	[tilespmem:$0x3C00] =	vst v63  }
0x4be: {  	_ = 	snop  }
0x4bf: {  	[hbm4b:s31+s2] =	stream.linear.scatter [tilespmem:s10], [sflag:$0x3], $0x1000, $0x38;
	[tilespmem:$0x3C00] =	vst v63  }
0x4c0: {  	_ =	swait.ge [sflag:s5], $0x1000  }
0x4c1: {  	[sflag:s5] =	ssyncset.done $0x0  }
0x4c2: {  	[sflag:s5] =	ssyncadd.s32 $0xFFFFF000  }
0x4c3: {  	_ =	swait.ge [sflag:s16], $0x1000  }
0x4c4: {  	s26 =	sld [smem:$0x7CB]  }
0x4c5: {  	[sflag:s16] =	ssyncset.done $0x0  }
0x4c6: {  	s28 =	sld [smem:$0x7CC];
	[sflag:s16] =	ssyncadd.s32 $0xFFFFF000  }
0x4c7: {  	[tilespmem:s10], [sflag:$0x2] =	stream.indirect.gather [hbm4b:s3+s12], $0x80, s26, s12, $0xb8;
	[tilespmem:$0x3C00] =	vst v63  }
0x4c8: {  	_ = 	snop  }
0x4c9: {  	[hbm4b:s28+s2] =	stream.linear.scatter [tilespmem:s13], [sflag:$0x3], $0x1000, $0x38;
	[tilespmem:$0x3C00] =	vst v63  }
0x4ca: {  	_ =	swait.ge [sflag:s5], $0x1000  }
0x4cb: {  	[sflag:s5] =	ssyncset.done $0x0  }
0x4cc: {  	[sflag:s5] =	ssyncadd.s32 $0xFFFFF000  }
0x4cd: {  	_ =	swait.ge [sflag:s11], $0x1000  }
0x4ce: {  	s30 =	sld [smem:$0x7CD]  }
0x4cf: {  	[sflag:s11] =	ssyncset.done $0x0  }
0x4d0: {  	s31 =	sld [smem:$0x7CE];
	[sflag:s11] =	ssyncadd.s32 $0xFFFFF000  }
0x4d1: {  	[tilespmem:s13], [sflag:$0x1] =	stream.indirect.gather [hbm4b:s3+s12], $0x80, s30, s12, $0xb8;
	[tilespmem:$0x3C00] =	vst v63  }
0x4d2: {  	_ = 	snop  }
0x4d3: {  	[hbm4b:s31+s2] =	stream.linear.scatter [tilespmem:s10], [sflag:$0x3], $0x1000, $0x38;
	[tilespmem:$0x3C00] =	vst v63  }
0x4d4: {  	_ =	swait.ge [sflag:s5], $0x1000  }
0x4d5: {  	[sflag:s5] =	ssyncset.done $0x0  }
0x4d6: {  	[sflag:s5] =	ssyncadd.s32 $0xFFFFF000  }
0x4d7: {  	_ =	swait.ge [sflag:s16], $0x1000  }
0x4d8: {  	s26 =	sld [smem:$0x7CF]  }
0x4d9: {  	[sflag:s16] =	ssyncset.done $0x0  }
0x4da: {  	s28 =	sld [smem:$0x7D0];
	[sflag:s16] =	ssyncadd.s32 $0xFFFFF000  }
0x4db: {  	[tilespmem:s10], [sflag:$0x2] =	stream.indirect.gather [hbm4b:s3+s12], $0x80, s26, s12, $0xb8;
	[tilespmem:$0x3C00] =	vst v63  }
0x4dc: {  	_ = 	snop  }
0x4dd: {  	[hbm4b:s28+s2] =	stream.linear.scatter [tilespmem:s13], [sflag:$0x3], $0x1000, $0x38;
	[tilespmem:$0x3C00] =	vst v63  }
0x4de: {  	_ =	swait.ge [sflag:s5], $0x1000  }
0x4df: {  	[sflag:s5] =	ssyncset.done $0x0  }
0x4e0: {  	[sflag:s5] =	ssyncadd.s32 $0xFFFFF000  }
0x4e1: {  	_ =	swait.ge [sflag:s11], $0x1000  }
0x4e2: {  	s30 =	sld [smem:$0x7D1]  }
0x4e3: {  	[sflag:s11] =	ssyncset.done $0x0  }
0x4e4: {  	s31 =	sld [smem:$0x7D2];
	[sflag:s11] =	ssyncadd.s32 $0xFFFFF000  }
0x4e5: {  	[tilespmem:s13], [sflag:$0x1] =	stream.indirect.gather [hbm4b:s3+s12], $0x80, s30, s12, $0xb8;
	[tilespmem:$0x3C00] =	vst v63  }
0x4e6: {  	_ = 	snop  }
0x4e7: {  	[hbm4b:s31+s2] =	stream.linear.scatter [tilespmem:s10], [sflag:$0x3], $0x1000, $0x38;
	[tilespmem:$0x3C00] =	vst v63  }
0x4e8: {  	_ =	swait.ge [sflag:s5], $0x1000  }
0x4e9: {  	[sflag:s5] =	ssyncset.done $0x0  }
0x4ea: {  	[sflag:s5] =	ssyncadd.s32 $0xFFFFF000  }
0x4eb: {  	_ =	swait.ge [sflag:s16], $0x1000  }
0x4ec: {  	s26 =	sld [smem:$0x7D3]  }
0x4ed: {  	[sflag:s16] =	ssyncset.done $0x0  }
0x4ee: {  	s28 =	sld [smem:$0x7D4];
	[sflag:s16] =	ssyncadd.s32 $0xFFFFF000  }
0x4ef: {  	[tilespmem:s10], [sflag:$0x2] =	stream.indirect.gather [hbm4b:s3+s12], $0x80, s26, s12, $0xb8;
	[tilespmem:$0x3C00] =	vst v63  }
0x4f0: {  	_ = 	snop  }
0x4f1: {  	[hbm4b:s28+s2] =	stream.linear.scatter [tilespmem:s13], [sflag:$0x3], $0x1000, $0x38;
	[tilespmem:$0x3C00] =	vst v63  }
0x4f2: {  	_ =	swait.ge [sflag:s5], $0x1000  }
0x4f3: {  	[sflag:s5] =	ssyncset.done $0x0  }
0x4f4: {  	[sflag:s5] =	ssyncadd.s32 $0xFFFFF000  }
0x4f5: {  	_ =	swait.ge [sflag:s11], $0x1000  }
0x4f6: {  	s30 =	sld [smem:$0x7D5]  }
0x4f7: {  	[sflag:s11] =	ssyncset.done $0x0  }
0x4f8: {  	s31 =	sld [smem:$0x7D6];
	[sflag:s11] =	ssyncadd.s32 $0xFFFFF000  }
0x4f9: {  	[tilespmem:s13], [sflag:$0x1] =	stream.indirect.gather [hbm4b:s3+s12], $0x80, s30, s12, $0xb8;
	[tilespmem:$0x3C00] =	vst v63  }
0x4fa: {  	_ = 	snop  }
0x4fb: {  	[hbm4b:s31+s2] =	stream.linear.scatter [tilespmem:s10], [sflag:$0x3], $0x1000, $0x38;
	[tilespmem:$0x3C00] =	vst v63  }
0x4fc: {  	_ =	swait.ge [sflag:s5], $0x1000  }
0x4fd: {  	[sflag:s5] =	ssyncset.done $0x0  }
0x4fe: {  	[sflag:s5] =	ssyncadd.s32 $0xFFFFF000  }
0x4ff: {  	_ =	swait.ge [sflag:s16], $0x1000  }
0x500: {  	s26 =	sld [smem:$0x7D7]  }
0x501: {  	[sflag:s16] =	ssyncset.done $0x0  }
0x502: {  	s28 =	sld [smem:$0x7D8];
	[sflag:s16] =	ssyncadd.s32 $0xFFFFF000  }
0x503: {  	[tilespmem:s10], [sflag:$0x2] =	stream.indirect.gather [hbm4b:s3+s12], $0x80, s26, s12, $0xb8;
	[tilespmem:$0x3C00] =	vst v63  }
0x504: {  	_ = 	snop  }
0x505: {  	[hbm4b:s28+s2] =	stream.linear.scatter [tilespmem:s13], [sflag:$0x3], $0x1000, $0x38;
	[tilespmem:$0x3C00] =	vst v63  }
0x506: {  	_ =	swait.ge [sflag:s5], $0x1000  }
0x507: {  	[sflag:s5] =	ssyncset.done $0x0  }
0x508: {  	[sflag:s5] =	ssyncadd.s32 $0xFFFFF000  }
0x509: {  	_ =	swait.ge [sflag:s11], $0x1000  }
0x50a: {  	s30 =	sld [smem:$0x7D9]  }
0x50b: {  	[sflag:s11] =	ssyncset.done $0x0  }
0x50c: {  	s31 =	sld [smem:$0x7DA];
	[sflag:s11] =	ssyncadd.s32 $0xFFFFF000  }
0x50d: {  	[tilespmem:s13], [sflag:$0x1] =	stream.indirect.gather [hbm4b:s3+s12], $0x80, s30, s12, $0xb8;
	[tilespmem:$0x3C00] =	vst v63  }
0x50e: {  	_ = 	snop  }
0x50f: {  	[hbm4b:s31+s2] =	stream.linear.scatter [tilespmem:s10], [sflag:$0x3], $0x1000, $0x38;
	[tilespmem:$0x3C00] =	vst v63  }
0x510: {  	_ =	swait.ge [sflag:s5], $0x1000  }
0x511: {  	[sflag:s5] =	ssyncset.done $0x0  }
0x512: {  	[sflag:s5] =	ssyncadd.s32 $0xFFFFF000  }
0x513: {  	_ =	swait.ge [sflag:s16], $0x1000  }
0x514: {  	s26 =	sld [smem:$0x7DB]  }
0x515: {  	[sflag:s16] =	ssyncset.done $0x0  }
0x516: {  	s28 =	sld [smem:$0x7DC];
	[sflag:s16] =	ssyncadd.s32 $0xFFFFF000  }
0x517: {  	[tilespmem:s10], [sflag:$0x2] =	stream.indirect.gather [hbm4b:s3+s12], $0x80, s26, s12, $0xb8;
	[tilespmem:$0x3C00] =	vst v63  }
0x518: {  	_ = 	snop  }
0x519: {  	[hbm4b:s28+s2] =	stream.linear.scatter [tilespmem:s13], [sflag:$0x3], $0x1000, $0x38;
	[tilespmem:$0x3C00] =	vst v63  }
0x51a: {  	_ =	swait.ge [sflag:s5], $0x1000  }
0x51b: {  	[sflag:s5] =	ssyncset.done $0x0  }
0x51c: {  	[sflag:s5] =	ssyncadd.s32 $0xFFFFF000  }
0x51d: {  	_ =	swait.ge [sflag:s11], $0x1000  }
0x51e: {  	s30 =	sld [smem:$0x7DD]  }
0x51f: {  	[sflag:s11] =	ssyncset.done $0x0  }
0x520: {  	s31 =	sld [smem:$0x7DE];
	[sflag:s11] =	ssyncadd.s32 $0xFFFFF000  }
0x521: {  	[tilespmem:s13], [sflag:$0x1] =	stream.indirect.gather [hbm4b:s3+s12], $0x80, s30, s12, $0xb8;
	[tilespmem:$0x3C00] =	vst v63  }
0x522: {  	_ = 	snop  }
0x523: {  	[hbm4b:s31+s2] =	stream.linear.scatter [tilespmem:s10], [sflag:$0x3], $0x1000, $0x38;
	[tilespmem:$0x3C00] =	vst v63  }
0x524: {  	_ =	swait.ge [sflag:s5], $0x1000  }
0x525: {  	[sflag:s5] =	ssyncset.done $0x0  }
0x526: {  	[sflag:s5] =	ssyncadd.s32 $0xFFFFF000  }
0x527: {  	_ =	swait.ge [sflag:s16], $0x1000  }
0x528: {  	s26 =	sld [smem:$0x7DF]  }
0x529: {  	[sflag:s16] =	ssyncset.done $0x0  }
0x52a: {  	s28 =	sld [smem:$0x7E0];
	[sflag:s16] =	ssyncadd.s32 $0xFFFFF000  }
0x52b: {  	[tilespmem:s10], [sflag:$0x2] =	stream.indirect.gather [hbm4b:s3+s12], $0x80, s26, s12, $0xb8;
	[tilespmem:$0x3C00] =	vst v63  }
0x52c: {  	_ = 	snop  }
0x52d: {  	[hbm4b:s28+s2] =	stream.linear.scatter [tilespmem:s13], [sflag:$0x3], $0x1000, $0x38;
	[tilespmem:$0x3C00] =	vst v63  }
0x52e: {  	_ =	swait.ge [sflag:s5], $0x1000  }
0x52f: {  	[sflag:s5] =	ssyncset.done $0x0  }
0x530: {  	[sflag:s5] =	ssyncadd.s32 $0xFFFFF000  }
0x531: {  	_ =	swait.ge [sflag:s11], $0x1000  }
0x532: {  	s30 =	sld [smem:$0x7E1]  }
0x533: {  	[sflag:s11] =	ssyncset.done $0x0  }
0x534: {  	s31 =	sld [smem:$0x7E2];
	[sflag:s11] =	ssyncadd.s32 $0xFFFFF000  }
0x535: {  	[tilespmem:s13], [sflag:$0x1] =	stream.indirect.gather [hbm4b:s3+s12], $0x80, s30, s12, $0xb8;
	[tilespmem:$0x3C00] =	vst v63  }
0x536: {  	_ = 	snop  }
0x537: {  	[hbm4b:s31+s2] =	stream.linear.scatter [tilespmem:s10], [sflag:$0x3], $0x1000, $0x38;
	[tilespmem:$0x3C00] =	vst v63  }
0x538: {  	_ =	swait.ge [sflag:s5], $0x1000  }
0x539: {  	[sflag:s5] =	ssyncset.done $0x0  }
0x53a: {  	[sflag:s5] =	ssyncadd.s32 $0xFFFFF000  }
0x53b: {  	_ =	swait.ge [sflag:s16], $0x1000  }
0x53c: {  	s26 =	sld [smem:$0x7E3]  }
0x53d: {  	[sflag:s16] =	ssyncset.done $0x0  }
0x53e: {  	s28 =	sld [smem:$0x7E4];
	[sflag:s16] =	ssyncadd.s32 $0xFFFFF000  }
0x53f: {  	[tilespmem:s10], [sflag:$0x2] =	stream.indirect.gather [hbm4b:s3+s12], $0x80, s26, s12, $0xb8;
	[tilespmem:$0x3C00] =	vst v63  }
0x540: {  	_ = 	snop  }
0x541: {  	[hbm4b:s28+s2] =	stream.linear.scatter [tilespmem:s13], [sflag:$0x3], $0x1000, $0x38;
	[tilespmem:$0x3C00] =	vst v63  }
0x542: {  	_ =	swait.ge [sflag:s5], $0x1000  }
0x543: {  	[sflag:s5] =	ssyncset.done $0x0  }
0x544: {  	[sflag:s5] =	ssyncadd.s32 $0xFFFFF000  }
0x545: {  	_ =	swait.ge [sflag:s11], $0x1000  }
0x546: {  	s30 =	sld [smem:$0x7E5]  }
0x547: {  	[sflag:s11] =	ssyncset.done $0x0  }
0x548: {  	s31 =	sld [smem:$0x7E6];
	[sflag:s11] =	ssyncadd.s32 $0xFFFFF000  }
0x549: {  	[tilespmem:s13], [sflag:$0x1] =	stream.indirect.gather [hbm4b:s3+s12], $0x80, s30, s12, $0xb8;
	[tilespmem:$0x3C00] =	vst v63  }
0x54a: {  	_ = 	snop  }
0x54b: {  	[hbm4b:s31+s2] =	stream.linear.scatter [tilespmem:s10], [sflag:$0x3], $0x1000, $0x38;
	[tilespmem:$0x3C00] =	vst v63  }
0x54c: {  	_ =	swait.ge [sflag:s5], $0x1000  }
0x54d: {  	[sflag:s5] =	ssyncset.done $0x0  }
0x54e: {  	[sflag:s5] =	ssyncadd.s32 $0xFFFFF000  }
0x54f: {  	_ =	swait.ge [sflag:s16], $0x1000  }
0x550: {  	s26 =	sld [smem:$0x7E7]  }
0x551: {  	[sflag:s16] =	ssyncset.done $0x0  }
0x552: {  	s28 =	sld [smem:$0x7E8];
	[sflag:s16] =	ssyncadd.s32 $0xFFFFF000  }
0x553: {  	[tilespmem:s10], [sflag:$0x2] =	stream.indirect.gather [hbm4b:s3+s12], $0x80, s26, s12, $0xb8;
	[tilespmem:$0x3C00] =	vst v63  }
0x554: {  	_ = 	snop  }
0x555: {  	[hbm4b:s28+s2] =	stream.linear.scatter [tilespmem:s13], [sflag:$0x3], $0x1000, $0x38;
	[tilespmem:$0x3C00] =	vst v63  }
0x556: {  	_ =	swait.ge [sflag:s5], $0x1000  }
0x557: {  	[sflag:s5] =	ssyncset.done $0x0  }
0x558: {  	[sflag:s5] =	ssyncadd.s32 $0xFFFFF000  }
0x559: {  	_ =	swait.ge [sflag:s11], $0x1000  }
0x55a: {  	s30 =	sld [smem:$0x7E9]  }
0x55b: {  	[sflag:s11] =	ssyncset.done $0x0  }
0x55c: {  	s31 =	sld [smem:$0x7EA];
	[sflag:s11] =	ssyncadd.s32 $0xFFFFF000  }
0x55d: {  	[tilespmem:s13], [sflag:$0x1] =	stream.indirect.gather [hbm4b:s3+s12], $0x80, s30, s12, $0xb8;
	[tilespmem:$0x3C00] =	vst v63  }
0x55e: {  	_ = 	snop  }
0x55f: {  	[hbm4b:s31+s2] =	stream.linear.scatter [tilespmem:s10], [sflag:$0x3], $0x1000, $0x38;
	[tilespmem:$0x3C00] =	vst v63  }
0x560: {  	_ =	swait.ge [sflag:s5], $0x1000  }
0x561: {  	[sflag:s5] =	ssyncset.done $0x0  }
0x562: {  	[sflag:s5] =	ssyncadd.s32 $0xFFFFF000  }
0x563: {  	_ =	swait.ge [sflag:s16], $0x1000  }
0x564: {  	s26 =	sld [smem:$0x7EB]  }
0x565: {  	[sflag:s16] =	ssyncset.done $0x0  }
0x566: {  	s28 =	sld [smem:$0x7EC];
	[sflag:s16] =	ssyncadd.s32 $0xFFFFF000  }
0x567: {  	[tilespmem:s10], [sflag:$0x2] =	stream.indirect.gather [hbm4b:s3+s12], $0x80, s26, s12, $0xb8;
	[tilespmem:$0x3C00] =	vst v63  }
0x568: {  	_ = 	snop  }
0x569: {  	[hbm4b:s28+s2] =	stream.linear.scatter [tilespmem:s13], [sflag:$0x3], $0x1000, $0x38;
	[tilespmem:$0x3C00] =	vst v63  }
0x56a: {  	_ =	swait.ge [sflag:s5], $0x1000  }
0x56b: {  	[sflag:s5] =	ssyncset.done $0x0  }
0x56c: {  	[sflag:s5] =	ssyncadd.s32 $0xFFFFF000  }
0x56d: {  	_ =	swait.ge [sflag:s11], $0x1000  }
0x56e: {  	s30 =	sld [smem:$0x7ED]  }
0x56f: {  	[sflag:s11] =	ssyncset.done $0x0  }
0x570: {  	s31 =	sld [smem:$0x7EE];
	[sflag:s11] =	ssyncadd.s32 $0xFFFFF000  }
0x571: {  	[tilespmem:s13], [sflag:$0x1] =	stream.indirect.gather [hbm4b:s3+s12], $0x80, s30, s12, $0xb8;
	[tilespmem:$0x3C00] =	vst v63  }
0x572: {  	_ = 	snop  }
0x573: {  	[hbm4b:s31+s2] =	stream.linear.scatter [tilespmem:s10], [sflag:$0x3], $0x1000, $0x38;
	[tilespmem:$0x3C00] =	vst v63  }
0x574: {  	_ =	swait.ge [sflag:s5], $0x1000  }
0x575: {  	[sflag:s5] =	ssyncset.done $0x0  }
0x576: {  	[sflag:s5] =	ssyncadd.s32 $0xFFFFF000  }
0x577: {  	_ =	swait.ge [sflag:s16], $0x1000  }
0x578: {  	s26 =	sld [smem:$0x7EF]  }
0x579: {  	[sflag:s16] =	ssyncset.done $0x0  }
0x57a: {  	s28 =	sld [smem:$0x7F0];
	[sflag:s16] =	ssyncadd.s32 $0xFFFFF000  }
0x57b: {  	[tilespmem:s10], [sflag:$0x2] =	stream.indirect.gather [hbm4b:s3+s12], $0x80, s26, s12, $0xb8;
	[tilespmem:$0x3C00] =	vst v63  }
0x57c: {  	_ = 	snop  }
0x57d: {  	[hbm4b:s28+s2] =	stream.linear.scatter [tilespmem:s13], [sflag:$0x3], $0x1000, $0x38;
	[tilespmem:$0x3C00] =	vst v63  }
0x57e: {  	_ =	swait.ge [sflag:s5], $0x1000  }
0x57f: {  	[sflag:s5] =	ssyncset.done $0x0  }
0x580: {  	[sflag:s5] =	ssyncadd.s32 $0xFFFFF000  }
0x581: {  	_ =	swait.ge [sflag:s11], $0x1000  }
0x582: {  	s30 =	sld [smem:$0x7F1]  }
0x583: {  	[sflag:s11] =	ssyncset.done $0x0  }
0x584: {  	s31 =	sld [smem:$0x7F2];
	[sflag:s11] =	ssyncadd.s32 $0xFFFFF000  }
0x585: {  	[tilespmem:s13], [sflag:$0x1] =	stream.indirect.gather [hbm4b:s3+s12], $0x80, s30, s12, $0xb8;
	[tilespmem:$0x3C00] =	vst v63  }
0x586: {  	_ = 	snop  }
0x587: {  	[hbm4b:s31+s2] =	stream.linear.scatter [tilespmem:s10], [sflag:$0x3], $0x1000, $0x38;
	[tilespmem:$0x3C00] =	vst v63  }
0x588: {  	_ =	swait.ge [sflag:s5], $0x1000  }
0x589: {  	[sflag:s5] =	ssyncset.done $0x0  }
0x58a: {  	[sflag:s5] =	ssyncadd.s32 $0xFFFFF000  }
0x58b: {  	_ =	swait.ge [sflag:s16], $0x1000  }
0x58c: {  	s26 =	sld [smem:$0x7F3]  }
0x58d: {  	[sflag:s16] =	ssyncset.done $0x0  }
0x58e: {  	s28 =	sld [smem:$0x7F4];
	[sflag:s16] =	ssyncadd.s32 $0xFFFFF000  }
0x58f: {  	[tilespmem:s10], [sflag:$0x2] =	stream.indirect.gather [hbm4b:s3+s12], $0x80, s26, s12, $0xb8;
	[tilespmem:$0x3C00] =	vst v63  }
0x590: {  	_ = 	snop  }
0x591: {  	[hbm4b:s28+s2] =	stream.linear.scatter [tilespmem:s13], [sflag:$0x3], $0x1000, $0x38;
	[tilespmem:$0x3C00] =	vst v63  }
0x592: {  	_ =	swait.ge [sflag:s5], $0x1000  }
0x593: {  	[sflag:s5] =	ssyncset.done $0x0  }
0x594: {  	[sflag:s5] =	ssyncadd.s32 $0xFFFFF000  }
0x595: {  	_ =	swait.ge [sflag:s11], $0x1000  }
0x596: {  	s30 =	sld [smem:$0x7F5]  }
0x597: {  	[sflag:s11] =	ssyncset.done $0x0  }
0x598: {  	s31 =	sld [smem:$0x7F6];
	[sflag:s11] =	ssyncadd.s32 $0xFFFFF000  }
0x599: {  	[tilespmem:s13], [sflag:$0x1] =	stream.indirect.gather [hbm4b:s3+s12], $0x80, s30, s12, $0xb8;
	[tilespmem:$0x3C00] =	vst v63  }
0x59a: {  	_ = 	snop  }
0x59b: {  	[hbm4b:s31+s2] =	stream.linear.scatter [tilespmem:s10], [sflag:$0x3], $0x1000, $0x38;
	[tilespmem:$0x3C00] =	vst v63  }
0x59c: {  	_ =	swait.ge [sflag:s5], $0x1000  }
0x59d: {  	[sflag:s5] =	ssyncset.done $0x0  }
0x59e: {  	[sflag:s5] =	ssyncadd.s32 $0xFFFFF000  }
0x59f: {  	_ =	swait.ge [sflag:s16], $0x1000  }
0x5a0: {  	s26 =	sld [smem:$0x7F7]  }
0x5a1: {  	[sflag:s16] =	ssyncset.done $0x0  }
0x5a2: {  	s28 =	sld [smem:$0x7F8];
	[sflag:s16] =	ssyncadd.s32 $0xFFFFF000  }
0x5a3: {  	[tilespmem:s10], [sflag:$0x2] =	stream.indirect.gather [hbm4b:s3+s12], $0x80, s26, s12, $0xb8;
	[tilespmem:$0x3C00] =	vst v63  }
0x5a4: {  	_ = 	snop  }
0x5a5: {  	[hbm4b:s28+s2] =	stream.linear.scatter [tilespmem:s13], [sflag:$0x3], $0x1000, $0x38;
	[tilespmem:$0x3C00] =	vst v63  }
0x5a6: {  	_ =	swait.ge [sflag:s5], $0x1000  }
0x5a7: {  	[sflag:s5] =	ssyncset.done $0x0  }
0x5a8: {  	[sflag:s5] =	ssyncadd.s32 $0xFFFFF000  }
0x5a9: {  	_ =	swait.ge [sflag:s11], $0x1000  }
0x5aa: {  	s30 =	sld [smem:$0x7F9]  }
0x5ab: {  	[sflag:s11] =	ssyncset.done $0x0  }
0x5ac: {  	s31 =	sld [smem:$0x7FA];
	[sflag:s11] =	ssyncadd.s32 $0xFFFFF000  }
0x5ad: {  	[tilespmem:s13], [sflag:$0x1] =	stream.indirect.gather [hbm4b:s3+s12], $0x80, s30, s12, $0xb8;
	[tilespmem:$0x3C00] =	vst v63  }
0x5ae: {  	_ = 	snop  }
0x5af: {  	[hbm4b:s31+s2] =	stream.linear.scatter [tilespmem:s10], [sflag:$0x3], $0x1000, $0x38;
	[tilespmem:$0x3C00] =	vst v63  }
0x5b0: {  	_ =	swait.ge [sflag:s5], $0x1000  }
0x5b1: {  	[sflag:s5] =	ssyncset.done $0x0  }
0x5b2: {  	[sflag:s5] =	ssyncadd.s32 $0xFFFFF000  }
0x5b3: {  	_ =	swait.ge [sflag:s16], $0x1000  }
0x5b4: {  	s26 =	sld [smem:$0x7FB]  }
0x5b5: {  	[sflag:s16] =	ssyncset.done $0x0  }
0x5b6: {  	s28 =	sld [smem:$0x7FC];
	[sflag:s16] =	ssyncadd.s32 $0xFFFFF000  }
0x5b7: {  	[tilespmem:s10], [sflag:$0x2] =	stream.indirect.gather [hbm4b:s3+s12], $0x80, s26, s12, $0xb8;
	[tilespmem:$0x3C00] =	vst v63  }
0x5b8: {  	_ = 	snop  }
0x5b9: {  	[hbm4b:s28+s2] =	stream.linear.scatter [tilespmem:s13], [sflag:$0x3], $0x1000, $0x38;
	[tilespmem:$0x3C00] =	vst v63  }
0x5ba: {  	_ =	swait.ge [sflag:s5], $0x1000  }
0x5bb: {  	[sflag:s5] =	ssyncset.done $0x0  }
0x5bc: {  	[sflag:s5] =	ssyncadd.s32 $0xFFFFF000  }
0x5bd: {  	_ =	swait.ge [sflag:s11], $0x1000  }
0x5be: {  	s30 =	sld [smem:$0x7FD]  }
0x5bf: {  	[sflag:s11] =	ssyncset.done $0x0  }
0x5c0: {  	[sflag:s11] =	ssyncadd.s32 $0xFFFFF000  }
0x5c1: {  	[tilespmem:s13], [sflag:$0x1] =	stream.indirect.gather [hbm4b:s3+s12], $0x80, s30, s12, $0xb8;
	[tilespmem:$0x3C00] =	vst v63  }
0x5c2: {  	_ = 	snop  }
0x5c3: {  	[hbm4b:s25+s2] =	stream.linear.scatter [tilespmem:s10], [sflag:$0x3], $0x1000, $0x38;
	[tilespmem:$0x3C00] =	vst v63  }
0x5c4: {  	_ =	swait.ge [sflag:s5], $0x1000  }
0x5c5: {  	[sflag:s5] =	ssyncset.done $0x0  }
0x5c6: {  	[sflag:s5] =	ssyncadd.s32 $0xFFFFF000  }
0x5c7: {  	_ =	swait.ge [sflag:s16], $0x1000  }
0x5c8: {  	[sflag:s16] =	ssyncset.done $0x0  }
0x5c9: {  	[sflag:s16] =	ssyncadd.s32 $0xFFFFF000  }
0x5ca: {  	[tilespmem:s10], [sflag:$0x2] =	stream.indirect.gather [hbm4b:s3+s12], $0x80, s23, s12, $0xb8;
	[tilespmem:$0x3C00] =	vst v63  }
0x5cb: {  	_ = 	snop  }
0x5cc: {  	[hbm4b:s24+s2] =	stream.linear.scatter [tilespmem:s13], [sflag:$0x3], $0x1000, $0x38;
	[tilespmem:$0x3C00] =	vst v63  }
0x5cd: {  	_ =	swait.ge [sflag:s5], $0x1000  }
0x5ce: {  	[sflag:s5] =	ssyncset.done $0x0  }
0x5cf: {  	[sflag:s5] =	ssyncadd.s32 $0xFFFFF000  }
0x5d0: {  	_ =	swait.ge [sflag:s11], $0x1000  }
0x5d1: {  	[sflag:s11] =	ssyncset.done $0x0  }
0x5d2: {  	[sflag:s11] =	ssyncadd.s32 $0xFFFFF000  }
0x5d3: {  	[tilespmem:s13], [sflag:$0x1] =	stream.indirect.gather [hbm4b:s3+s12], $0x80, s21, s12, $0xb8;
	[tilespmem:$0x3C00] =	vst v63  }
0x5d4: {  	_ = 	snop  }
0x5d5: {  	[hbm4b:s22+s2] =	stream.linear.scatter [tilespmem:s10], [sflag:$0x3], $0x1000, $0x38;
	[tilespmem:$0x3C00] =	vst v63  }
0x5d6: {  	_ =	swait.ge [sflag:s5], $0x1000  }
0x5d7: {  	[sflag:s5] =	ssyncset.done $0x0  }
0x5d8: {  	[sflag:s5] =	ssyncadd.s32 $0xFFFFF000  }
0x5d9: {  	_ =	swait.ge [sflag:s16], $0x1000  }
0x5da: {  	[sflag:s16] =	ssyncset.done $0x0  }
0x5db: {  	[sflag:s16] =	ssyncadd.s32 $0xFFFFF000  }
0x5dc: {  	[tilespmem:s10], [sflag:$0x2] =	stream.indirect.gather [hbm4b:s3+s12], $0x80, s19, s12, $0xb8;
	[tilespmem:$0x3C00] =	vst v63  }
0x5dd: {  	_ = 	snop  }
0x5de: {  	[hbm4b:s20+s2] =	stream.linear.scatter [tilespmem:s13], [sflag:$0x3], $0x1000, $0x38;
	[tilespmem:$0x3C00] =	vst v63  }
0x5df: {  	_ =	swait.ge [sflag:s5], $0x1000  }
0x5e0: {  	[sflag:s5] =	ssyncset.done $0x0  }
0x5e1: {  	[sflag:s5] =	ssyncadd.s32 $0xFFFFF000  }
0x5e2: {  	_ =	swait.ge [sflag:s11], $0x1000  }
0x5e3: {  	[sflag:s11] =	ssyncset.done $0x0  }
0x5e4: {  	[sflag:s11] =	ssyncadd.s32 $0xFFFFF000  }
0x5e5: {  	[tilespmem:s13], [sflag:$0x1] =	stream.indirect.gather [hbm4b:s3+s12], $0x80, s17, s12, $0xb8;
	[tilespmem:$0x3C00] =	vst v63  }
0x5e6: {  	_ = 	snop  }
0x5e7: {  	[hbm4b:s18+s2] =	stream.linear.scatter [tilespmem:s10], [sflag:$0x3], $0x1000, $0x38;
	[tilespmem:$0x3C00] =	vst v63  }
0x5e8: {  	_ =	swait.ge [sflag:s5], $0x1000  }
0x5e9: {  	[sflag:s5] =	ssyncset.done $0x0  }
0x5ea: {  	[sflag:s5] =	ssyncadd.s32 $0xFFFFF000  }
0x5eb: {  	_ =	swait.ge [sflag:s16], $0x1000  }
0x5ec: {  	[sflag:s16] =	ssyncset.done $0x0  }
0x5ed: {  	[sflag:s16] =	ssyncadd.s32 $0xFFFFF000  }
0x5ee: {  	[tilespmem:s10], [sflag:$0x2] =	stream.indirect.gather [hbm4b:s3+s12], $0x80, s14, s12, $0xb8;
	[tilespmem:$0x3C00] =	vst v63  }
0x5ef: {  	_ = 	snop  }
0x5f0: {  	[hbm4b:s15+s2] =	stream.linear.scatter [tilespmem:s13], [sflag:$0x3], $0x1000, $0x38;
	[tilespmem:$0x3C00] =	vst v63  }
0x5f1: {  	_ =	swait.ge [sflag:s5], $0x1000  }
0x5f2: {  	[sflag:s5] =	ssyncset.done $0x0  }
0x5f3: {  	[sflag:s5] =	ssyncadd.s32 $0xFFFFF000  }
0x5f4: {  	_ =	swait.ge [sflag:s11], $0x1000  }
0x5f5: {  	[sflag:s11] =	ssyncset.done $0x0  }
0x5f6: {  	[sflag:s11] =	ssyncadd.s32 $0xFFFFF000  }
0x5f7: {  	[tilespmem:s13], [sflag:$0x1] =	stream.indirect.gather [hbm4b:s3+s12], $0x80, s8, s12, $0xb8;
	[tilespmem:$0x3C00] =	vst v63  }
0x5f8: {  	_ = 	snop  }
0x5f9: {  	[hbm4b:s9+s2] =	stream.linear.scatter [tilespmem:s10], [sflag:$0x3], $0x1000, $0x38;
	[tilespmem:$0x3C00] =	vst v63  }
0x5fa: {  	_ =	swait.ge [sflag:s5], $0x1000  }
0x5fb: {  	[sflag:s5] =	ssyncset.done $0x0  }
0x5fc: {  	[sflag:s5] =	ssyncadd.s32 $0xFFFFF000  }
0x5fd: {  	_ =	swait.ge [sflag:s16], $0x1000  }
0x5fe: {  	[sflag:s16] =	ssyncset.done $0x0  }
0x5ff: {  	[sflag:s16] =	ssyncadd.s32 $0xFFFFF000  }
0x600: {  	[tilespmem:s10], [sflag:$0x2] =	stream.indirect.gather [hbm4b:s3+s12], $0x80, s6, s12, $0xb8;
	[tilespmem:$0x3C00] =	vst v63  }
0x601: {  	_ = 	snop  }
0x602: {  	[hbm4b:s7+s2] =	stream.linear.scatter [tilespmem:s13], [sflag:$0x3], $0x1000, $0x38;
	[tilespmem:$0x3C00] =	vst v63  }
0x603: {  	_ =	swait.ge [sflag:s5], $0x1000  }
0x604: {  	[sflag:s5] =	ssyncset.done $0x0  }
0x605: {  	[sflag:s5] =	ssyncadd.s32 $0xFFFFF000  }
0x606: {  	_ =	swait.ge [sflag:s11], $0x1000  }
0x607: {  	[sflag:s11] =	ssyncset.done $0x0  }
0x608: {  	[sflag:s11] =	ssyncadd.s32 $0xFFFFF000  }
0x609: {  	[hbm4b:s4+s2] =	stream.linear.scatter [tilespmem:s10], [sflag:$0x3], $0x1000, $0x38;
	[tilespmem:$0x3C00] =	vst v63  }
0x60a: {  	_ =	swait.ge [sflag:s5], $0x1000  }
0x60b: {  	[sflag:s5] =	ssyncset.done $0x0  }
0x60c: {  	[sflag:s5] =	ssyncadd.s32 $0xFFFFF000  }
0x60d: {  	_ =	sfence.sel $0x180000  }
0x60e: {  	s31 =	stileid.u32;
	[bflag:$0x0] =	sbarrier.arrive $0xFFFF  }
0x60f: {  	p0 =	sne.s32 s31, $0x0;
	_ =	strace $0x90000047  }
0x610: {  	s0 =	sadd.s32 @!p0 $0x100000, s29;
	[bflag:$0x2] =	sbarrier.arrive $0xFFFF  }
0x611: {  	[sflag:s0] =	ssyncadd.tile.s32 @!p0 $0x1;
	_ =	shalt  }
.LBB2_1:
.Ltmp3:
0x612: {  	(pc) =	sbr.rel .LBB2_6-.Ltmp3, $2  }
0x613: {  	_ =	sdelay $0x2  }
0x614: {  	s31 =	simm.s32 $0x2000;
	s30 =	simm.s32 $0x400  }
.LBB2_7:
.Ltmp4:
0x615: {  	(pc) =	sbr.rel .LBB2_6-.Ltmp4, $2  }
0x616: {  	_ =	sdelay $0x2  }
0x617: {  	s31 =	simm.s32 $0x2000;
	s30 =	simm.s32 $0x400;
	s29 =	rddreg [dreg:$0x3]  }
.Lfunc_end2:
_tile_overlayer_lowered:
.L_overlay_start_2:
0x618: {  	(tag) =	ssettag $0x2  }
0x619: {  	s0 =	rddreg [dreg:$0x0];
	s2 =	stileid.u32  }
0x61a: {  	s1 =	rddreg [dreg:$0x1];
	p0 =	sne.s32 s2, $0x0  }
0x61b: {  	s3 =	rddreg [dreg:$0x2];
	[bflag:$0x3] =	sbarrier.arrive $0xFFFF;
	s2 =	simm.s32 @!p0 $0x1C03  }
0x61c: {  	[timem:s3], [sflag:s2] =	dma.local @!p0 [hbm:s0], s1  }
0x61d: {  	s0 =	simm.s32 @!p0 $0x3  }
0x61e: {  	_ =	swait.ge @!p0 [sflag:s0], s1  }
0x61f: {  	s1 =	ssub.s32 @!p0 $0x0, s1;
	[sflag:s0] =	ssyncset.done @!p0 $0x0  }
0x620: {  	[sflag:s0] =	ssyncadd.s32 @!p0 s1  }
0x621: {  	[bflag:$0x3] =	sbarrier.arrive $0xFFFF  }
0x622: {  	_ =	shalt  }

</sc_bundles>
